<compile_context>
chip_gen: v7x
topology: tpu7x:2x2x1
jax: 0.10.2.dev20260603
libtpu: 0.0.44.dev20260713+nightly
codegen_flags: <defaults>
</compile_context>

<pallas_src>
import functools

import jax
import jax.numpy as jnp
from jax import lax
from jax.experimental import pallas as pl
from jax.experimental.pallas import tpu as pltpu
from jax.experimental.pallas import tpu_sc as plsc

N = 10000
D = 128
H = D // 2
G = 64
C = 10
E = 320000
K = 128
NB = 5
CPT = 160
NCHUNK = 16 * CPT
E_PAD = NCHUNK * K
N_A = 10240
RPT = N_A // 16
BN = 400
GRID = N // BN


def _deg_body(dst_hbm, deg_hbm, idx_v, deg_v, sum_v, slab_sh):
    c = lax.axis_index("c")
    s = lax.axis_index("s")
    wid = c * 16 + s

    def zero(i, carry):
        deg_v[pl.ds(i * 16, 16)] = jnp.zeros((16,), jnp.float32)
        return carry

    lax.fori_loop(0, N_A // 16, zero, 0)

    base = pl.multiple_of(wid * (NCHUNK // 32), 8)
    pltpu.sync_copy(dst_hbm.at[pl.ds(base, NCHUNK // 32)], idx_v)

    def row(r, carry2):
        def sub(q, carry3):
            idx = idx_v[r, pl.ds(q * 16, 16)]
            plsc.addupdate_scatter(deg_v, [idx],
                                   jnp.ones((16,), jnp.float32))
            return carry3

        return lax.fori_loop(0, K // 16, sub, carry2)

    lax.fori_loop(0, NCHUNK // 32, row, 0)

    pltpu.sync_copy(deg_v, slab_sh.at[s])
    plsc.subcore_barrier()

    row0 = pl.multiple_of(s * RPT, 8)
    pltpu.sync_copy(slab_sh.at[:, pl.ds(row0, RPT)], sum_v)

    def reduce(q, carry):
        tot = sum_v[0, pl.ds(q * 16, 16)]
        for t in range(1, 16):
            tot = tot + sum_v[t, pl.ds(q * 16, 16)]
        deg_v[pl.ds(q * 16, 16)] = tot
        return carry

    lax.fori_loop(0, RPT // 16, reduce, 0)
    pltpu.sync_copy(deg_v.at[pl.ds(0, RPT)],
                    deg_hbm.at[c, pl.ds(row0, RPT)])



def _scatter_body(g_hbm, src_hbm, dst_hbm, out_hbm, *refs):
    src_v, dst_v = refs[0], refs[1]
    rows = refs[2:2 + NB]
    acc_sh = refs[2 + NB]
    gsems = refs[3 + NB:3 + 2 * NB]
    ssems = refs[3 + 2 * NB:3 + 3 * NB]
    c = lax.axis_index("c")
    s = lax.axis_index("s")
    base = pl.multiple_of(s * CPT, 8)
    rows0_v = rows[0]

    def zero(i, carry):
        r = i // 4
        q = i - r * 4
        rows0_v[r, pl.ds(q * 16, 16)] = jnp.zeros((16,), jnp.float32)
        return carry

    lax.fori_loop(0, K * (H // 16), zero, 0)

    row0 = pl.multiple_of(s * RPT, 8)
    for kk in range(RPT // K):
        pltpu.async_copy(rows0_v, acc_sh.at[pl.ds(row0 + kk * K, K)],
                         ssems[0])
    pltpu.async_copy(src_hbm.at[pl.ds(base, CPT)], src_v, gsems[0])
    pltpu.async_copy(dst_hbm.at[pl.ds(base, CPT)], dst_v, gsems[1])
    for kk in range(RPT // K):
        pltpu.make_async_copy(rows0_v, acc_sh.at[pl.ds(row0 + kk * K, K)],
                              ssems[0]).wait()
    pltpu.make_async_copy(src_hbm.at[pl.ds(base, CPT)], src_v,
                          gsems[0]).wait()
    pltpu.make_async_copy(dst_hbm.at[pl.ds(base, CPT)], dst_v,
                          gsems[1]).wait()

    plsc.subcore_barrier()

    g_half = g_hbm.at[c]
    nstep = CPT

    def src_at(j):
        return src_v.at[j]

    def dst_at(j):
        return dst_v.at[j]

    for r in range(NB - 1):
        pltpu.async_copy(g_half.at[src_at(r)], rows[r], gsems[r])

    def ring(jj, carry):
        for r in range(NB):
            j = jj * NB + r
            rp = (r + NB - 1) % NB

            @pl.when(j > 0)
            def _():
                pltpu.make_async_copy(rows[rp], acc_sh.at[dst_at(j - 1)],
                                      ssems[rp]).wait()

            @pl.when(j + NB - 1 < nstep)
            def _():
                pltpu.async_copy(g_half.at[src_at(j + NB - 1)], rows[rp],
                                 gsems[rp])

            pltpu.make_async_copy(g_half.at[src_at(j)],
                                  rows[r], gsems[r]).wait()
            pltpu.async_copy(rows[r], acc_sh.at[dst_at(j)], ssems[r],
                             add=True)
        return carry

    lax.fori_loop(0, nstep // NB, ring, 0)
    pltpu.make_async_copy(rows[(nstep - 1) % NB],
                          acc_sh.at[dst_at(nstep - 1)],
                          ssems[(nstep - 1) % NB]).wait()

    plsc.subcore_barrier()
    pltpu.sync_copy(acc_sh.at[pl.ds(row0, RPT)],
                    out_hbm.at[c, pl.ds(row0, RPT)])


@functools.cache
def _sc_kernels():
    mesh = plsc.VectorSubcoreMesh(core_axis_name="c", subcore_axis_name="s")
    deg = pl.kernel(
        _deg_body,
        out_type=jax.ShapeDtypeStruct((2, N_A), jnp.float32),
        mesh=mesh,
        compiler_params=pltpu.CompilerParams(needs_layout_passes=False),
        scratch_types=[
            pltpu.VMEM((NCHUNK // 32, K), jnp.int32),
            pltpu.VMEM((N_A,), jnp.float32),
            pltpu.VMEM((16, RPT), jnp.float32),
            pltpu.VMEM_SHARED((16, N_A), jnp.float32),
        ],
    )
    scatter = pl.kernel(
        _scatter_body,
        out_type=jax.ShapeDtypeStruct((2, N_A, H), jnp.float32),
        mesh=mesh,
        compiler_params=pltpu.CompilerParams(use_tc_tiling_on_sc=False),
        scratch_types=[
            pltpu.VMEM((CPT, K), jnp.int32),
            pltpu.VMEM((CPT, K), jnp.int32),
        ] + [pltpu.VMEM((K, H), jnp.float32)] * NB + [
            pltpu.VMEM_SHARED((N_A, H), jnp.float32),
        ] + [pltpu.SemaphoreType.DMA] * (2 * NB),
    )
    return deg, scatter



def _k1_body(deg_ref, x_ref, w_ref, dinv_ref, g_ref):
    dinv = lax.rsqrt(1.0 + deg_ref[0] + deg_ref[1])
    dinv_ref[...] = dinv
    res = jnp.dot(x_ref[...], w_ref[...],
                  preferred_element_type=jnp.float32) * dinv
    g_ref[0] = res[:, :H]
    g_ref[1] = res[:, H:]


def _klayer_body(a_ref, g_ref, dinv_ref, w_ref, gout_ref):
    dinv = dinv_ref[...]
    pre = jnp.concatenate([a_ref[0] + g_ref[0], a_ref[1] + g_ref[1]], axis=1)
    xl = jnp.maximum(dinv * pre, 0.0)
    res = jnp.dot(xl, w_ref[...], preferred_element_type=jnp.float32) * dinv
    gout_ref[0] = res[:, :H]
    gout_ref[1] = res[:, H:]


def _k5_body(a_ref, g_ref, dinv_ref, fcw_ref, fcb_ref, batch_ref,
             logp_ref, xr_ref):
    dinv = dinv_ref[...]
    pre = jnp.concatenate([a_ref[0] + g_ref[0], a_ref[1] + g_ref[1]], axis=1)
    x4 = jnp.maximum(dinv * pre, 0.0)
    logits = jnp.dot(x4, fcw_ref[...],
                     preferred_element_type=jnp.float32) + fcb_ref[...]
    m = jnp.max(logits, axis=1, keepdims=True)
    lse = jnp.log(jnp.sum(jnp.exp(logits - m), axis=1, keepdims=True)) + m
    logp_ref[...] = (logits - lse)[:, :C]

    oh = (batch_ref[0] == lax.broadcasted_iota(jnp.int32, (G, 1), 0)
          ).astype(jnp.float32)
    contrib = jnp.dot(oh, x4, preferred_element_type=jnp.float32)

    @pl.when(pl.program_id(0) == 0)
    def _():
        xr_ref[...] = contrib

    @pl.when(pl.program_id(0) > 0)
    def _():
        xr_ref[...] = xr_ref[...] + contrib


_half_spec = pl.BlockSpec((2, BN, H), lambda i: (0, i, 0))
_dinv_spec = pl.BlockSpec((BN, 1), lambda i: (i, 0))
_w_spec = pl.BlockSpec((D, D), lambda i: (0, 0))
_g_shape = jax.ShapeDtypeStruct((2, N, H), jnp.float32)


@functools.cache
def _tc_calls(interpret=False):
    k1 = pl.pallas_call(
        _k1_body,
        interpret=interpret,
        grid=(GRID,),
        in_specs=[
            pl.BlockSpec((2, BN, 1), lambda i: (0, i, 0)),
            pl.BlockSpec((BN, D), lambda i: (i, 0)),
            _w_spec,
        ],
        out_specs=[
            _dinv_spec,
            _half_spec,
        ],
        out_shape=[
            jax.ShapeDtypeStruct((N, 1), jnp.float32),
            _g_shape,
        ],
    )

    klayer = pl.pallas_call(
        _klayer_body,
        interpret=interpret,
        grid=(GRID,),
        in_specs=[
            _half_spec,
            _half_spec,
            _dinv_spec,
            _w_spec,
        ],
        out_specs=_half_spec,
        out_shape=_g_shape,
    )

    k5 = pl.pallas_call(
        _k5_body,
        interpret=interpret,
        grid=(GRID,),
        in_specs=[
            _half_spec,
            _half_spec,
            _dinv_spec,
            _w_spec,
            pl.BlockSpec((1, D), lambda i: (0, 0)),
            pl.BlockSpec((1, 1, BN), lambda i: (i, 0, 0)),
        ],
        out_specs=[
            pl.BlockSpec((BN, C), lambda i: (i, 0)),
            pl.BlockSpec((G, D), lambda i: (0, 0)),
        ],
        out_shape=[
            jax.ShapeDtypeStruct((N, C), jnp.float32),
            jax.ShapeDtypeStruct((G, D), jnp.float32),
        ],
    )
    return k1, klayer, k5


def kernel(x, edge_index, batch, W0, W1, W2, W3, fc_w, fc_b):
    pad = E_PAD - E
    src2 = jnp.concatenate(
        [edge_index[0], jnp.zeros((pad,), jnp.int32)]).reshape(NCHUNK, K)
    dst2 = jnp.concatenate(
        [edge_index[1], jnp.full((pad,), N, jnp.int32)]).reshape(NCHUNK, K)
    _deg_kernel, _scatter_kernel = _sc_kernels()
    _k1_call, _klayer_call, _k5_call = _tc_calls()

    deg = _deg_kernel(dst2)
    deg3 = deg.reshape(2, N_A, 1)
    dinv, g = _k1_call(deg3, x, W0)

    for W in (W1, W2, W3):
        A = _scatter_kernel(g, src2, dst2)
        g = _klayer_call(A, g, dinv, W)
    A = _scatter_kernel(g, src2, dst2)

    fcw_pad = jnp.zeros((D, D), jnp.float32).at[:, :C].set(fc_w)
    fcb_pad = jnp.full((1, D), -1e30, jnp.float32).at[0, :C].set(fc_b)
    batch_row = batch.reshape(GRID, 1, BN)

    logp, xr = _k5_call(A, g, dinv, fcw_pad, fcb_pad, batch_row)
    return logp, xr

# --- scband reference (transcript-rebuilt; emitter-appended) ---
"""Pipeline reference for scband-gcn-70325794504771 (READ-ONLY COPY).

The authoritative reference and input builder live on the scoring server;
editing this copy changes nothing except your own understanding.
"""

import jax, jax.numpy as jnp
import numpy as np

N = 10000
E = 320000
D = 128
C = 10
L = 4
G = 64


def setup_inputs(seed: int = 0) -> dict:
    key = jax.random.key(seed)
    ks = jax.random.split(key, 4 + L + 2)
    x = jax.random.normal(ks[0], (N, D), dtype=jnp.float32)
    edge_index = jax.random.randint(ks[1], (2, E), 0, N, dtype=jnp.int32)
    batch = jnp.sort(jax.random.randint(ks[2], (N,), 0, G, dtype=jnp.int32))
    inp = {"x": x, "edge_index": edge_index, "batch": batch}
    for i in range(L):
        inp[f"W{i}"] = jax.random.normal(ks[3 + i], (D, D), dtype=jnp.float32) * (1.0 / np.sqrt(D))
    inp["fc_w"] = jax.random.normal(ks[3 + L], (D, C), dtype=jnp.float32) * (1.0 / np.sqrt(D))
    inp["fc_b"] = jnp.zeros((C,), dtype=jnp.float32)
    return inp


def gcn_conv(x, src, dst, W):
    n = x.shape[0]
    # add self loops
    loop = jnp.arange(n, dtype=src.dtype)
    s = jnp.concatenate([src, loop])
    d = jnp.concatenate([dst, loop])
    # symmetric normalization D^{-1/2} A_hat D^{-1/2}
    deg = jax.ops.segment_sum(jnp.ones_like(s, dtype=x.dtype), d, num_segments=n)
    dinv = jax.lax.rsqrt(jnp.maximum(deg, 1.0))
    norm = dinv[s] * dinv[d]
    h = x @ W  # linear transform (bias=False)
    msg = h[s] * norm[:, None]  # gather + scale
    out = jax.ops.segment_sum(msg, d, num_segments=n)  # scatter-add aggregate
    return jax.nn.relu(out)  # activation=F.relu


def reference(x, edge_index, batch, W0, W1, W2, W3, fc_w, fc_b):
    src, dst = edge_index[0], edge_index[1]
    for W in (W0, W1, W2, W3):
        x = gcn_conv(x, src, dst, W)
    xr = jax.ops.segment_sum(x, batch, num_segments=G)  # global_add_pool
    logits = x @ fc_w + fc_b
    return jax.nn.log_softmax(logits, axis=1), xr

if __name__ == "__main__":
    import jax
    _d = setup_inputs()
    print(jax.jit(kernel)(*tuple(_d.values())))

</pallas_src>

<mosaic_0001>
#map = affine_map<(d0, d1) -> (0, 0)>
module attributes {stable_mosaic.version = 14 : i64} {
  func.func @_deg_body(%arg0: i32, %arg1: i32, %arg2: memref<2560x128xi32, #tpu.memory_space<hbm>>, %arg3: memref<2x10240xf32, #tpu.memory_space<hbm>>, %arg4: memref<80x128xi32, #tpu.memory_space<vmem>>, %arg5: memref<10240xf32, #tpu.memory_space<vmem>>, %arg6: memref<16x640xf32, #tpu.memory_space<vmem>>, %arg7: memref<16x10240xf32, #tpu.memory_space<vmem_shared>>) attributes {dimension_semantics = [#tpu.dimension_semantics<core_parallel>, #tpu.dimension_semantics<subcore_parallel>], iteration_bounds = array<i64: 2, 16>, scalar_prefetch = 0 : i64, scratch_operands = 4 : i64, tpu.core_type = #tpu.core_type<sc_vector_subcore>, window_params = [{transform_indices = #map}, {transform_indices = #map}]} {
    %mul3A = arith.constant 16 : i32
    %mul3A_0 = arith.muli %arg0, %mul3A : i32
    %add3A = arith.addi %mul3A_0, %arg1 : i32
    %scan3A = arith.constant 0 : i32
    %scan3A_1 = arith.constant 0 : i32
    %scan3A_2 = arith.constant 640 : i32
    %scan3A_3 = arith.addi %scan3A_1, %scan3A_2 : i32
    %scan3A_4 = arith.constant 1 : i32
    scf.for %scan3A_23 = %scan3A_1 to %scan3A_3 step %scan3A_4  : i32 {
      %broadcast_in_dim3A = arith.constant 0.000000e+00 : f32
      %broadcast_in_dim3A_24 = vector.broadcast %broadcast_in_dim3A : f32 to vector<16xf32>
      %mul3A_25 = arith.constant 16 : i32
      %mul3A_26 = arith.muli %scan3A_23, %mul3A_25 : i32
      %swap3A = arith.index_cast %mul3A_26 : i32 to index
      %swap3A_27 = tpu.vector_load %arg5[%swap3A] {strides = array<i32>} : memref<10240xf32, #tpu.memory_space<vmem>>, vector<16xf32>,
      tpu.vector_store %arg5[%swap3A], %broadcast_in_dim3A_24 {strides = array<i32>} : memref<10240xf32, #tpu.memory_space<vmem>>, vector<16xf32>,
    }
    %scan3A_5 = arith.constant 640 : i32
    %mul3A_6 = arith.constant 80 : i32
    %mul3A_7 = arith.muli %add3A, %mul3A_6 : i32
    %multiple_of3A = tpu.assume_multiple %mul3A_7, 8 : i32
    "tpu.region"() ({
      %run_scoped3A = tpu.sem_alloc : memref<!tpu.dma_semaphore, #tpu.memory_space<semaphore_mem>>
      %dma_start3A = arith.constant 0 : i32
      %dma_start3A_23 = tpu.memref_slice %arg2[%multiple_of3A, %dma_start3A] : memref<2560x128xi32, #tpu.memory_space<hbm>> -> memref<80x128xi32, #tpu.memory_space<hbm>>
      %dma_start3A_24 = arith.constant 0 : i32
      %dma_start3A_25 = tpu.memref_slice %arg2[%multiple_of3A, %dma_start3A_24] : memref<2560x128xi32, #tpu.memory_space<hbm>> -> memref<80x128xi32, #tpu.memory_space<hbm>>
      tpu.enqueue_dma source(%dma_start3A_25 : memref<80x128xi32, #tpu.memory_space<hbm>>) target(%arg4 : memref<80x128xi32, #tpu.memory_space<vmem>>) target_semaphore(%run_scoped3A : memref<!tpu.dma_semaphore, #tpu.memory_space<semaphore_mem>>)
      %dma_wait3A = arith.constant 0 : i32
      %dma_wait3A_26 = tpu.memref_slice %arg2[%multiple_of3A, %dma_wait3A] : memref<2560x128xi32, #tpu.memory_space<hbm>> -> memref<80x128xi32, #tpu.memory_space<hbm>>
      %dma_wait3A_27 = arith.constant 0 : i32
      %dma_wait3A_28 = tpu.memref_slice %arg2[%multiple_of3A, %dma_wait3A_27] : memref<2560x128xi32, #tpu.memory_space<hbm>> -> memref<80x128xi32, #tpu.memory_space<hbm>>
      tpu.wait_dma2 semaphore(%run_scoped3A : memref<!tpu.dma_semaphore, #tpu.memory_space<semaphore_mem>>) src(%dma_wait3A_28 : memref<80x128xi32, #tpu.memory_space<hbm>>) dst(%arg4 : memref<80x128xi32, #tpu.memory_space<vmem>>)
      tpu.yield
    }) : () -> ()
    %scan3A_8 = arith.constant 0 : i32
    %scan3A_9 = arith.constant 0 : i32
    %scan3A_10 = arith.constant 80 : i32
    %scan3A_11 = arith.addi %scan3A_9, %scan3A_10 : i32
    %scan3A_12 = arith.constant 1 : i32
    scf.for %scan3A_23 = %scan3A_9 to %scan3A_11 step %scan3A_12  : i32 {
      %scan3A_24 = arith.constant 0 : i32
      %scan3A_25 = arith.constant 8 : i32
      %scan3A_26 = arith.addi %scan3A_24, %scan3A_25 : i32
      %scan3A_27 = arith.constant 1 : i32
      scf.for %scan3A_29 = %scan3A_24 to %scan3A_26 step %scan3A_27  : i32 {
        %mul3A_30 = arith.constant 16 : i32
        %mul3A_31 = arith.muli %scan3A_29, %mul3A_30 : i32
        %get3A = arith.index_cast %scan3A_23 : i32 to index
        %get3A_32 = arith.index_cast %mul3A_31 : i32 to index
        %get3A_33 = tpu.vector_load %arg4[%get3A, %get3A_32] {strides = array<i32>} : memref<80x128xi32, #tpu.memory_space<vmem>>, vector<16xi32>,
        %broadcast_in_dim3A = arith.constant 1.000000e+00 : f32
        %broadcast_in_dim3A_34 = vector.broadcast %broadcast_in_dim3A : f32 to vector<16xf32>
        tpu.vector_store_idx %arg5[%get3A_33], %broadcast_in_dim3A_34 {add = true} : memref<10240xf32, #tpu.memory_space<vmem>>[vector<16xi32>], vector<16xf32>,
      }
      %scan3A_28 = arith.constant 8 : i32
    }
    %scan3A_13 = arith.constant 80 : i32
    "tpu.region"() ({
      %run_scoped3A = tpu.sem_alloc : memref<!tpu.dma_semaphore, #tpu.memory_space<semaphore_mem>>
      %dma_start3A = arith.constant 0 : i32
      %dma_start3A_23 = tpu.memref_slice %arg7[%arg1, %dma_start3A] : memref<16x10240xf32, #tpu.memory_space<vmem_shared>> -> memref<1x10240xf32, #tpu.memory_space<vmem_shared>>
      %dma_start3A_24 = tpu.memref_squeeze %dma_start3A_23 : memref<1x10240xf32, #tpu.memory_space<vmem_shared>> -> memref<10240xf32, #tpu.memory_space<vmem_shared>>
      %dma_start3A_25 = arith.constant 0 : i32
      %dma_start3A_26 = tpu.memref_slice %arg7[%arg1, %dma_start3A_25] : memref<16x10240xf32, #tpu.memory_space<vmem_shared>> -> memref<1x10240xf32, #tpu.memory_space<vmem_shared>>
      %dma_start3A_27 = tpu.memref_squeeze %dma_start3A_26 : memref<1x10240xf32, #tpu.memory_space<vmem_shared>> -> memref<10240xf32, #tpu.memory_space<vmem_shared>>
      tpu.enqueue_dma source(%arg5 : memref<10240xf32, #tpu.memory_space<vmem>>) target(%dma_start3A_27 : memref<10240xf32, #tpu.memory_space<vmem_shared>>) target_semaphore(%run_scoped3A : memref<!tpu.dma_semaphore, #tpu.memory_space<semaphore_mem>>)
      %dma_wait3A = arith.constant 0 : i32
      %dma_wait3A_28 = tpu.memref_slice %arg7[%arg1, %dma_wait3A] : memref<16x10240xf32, #tpu.memory_space<vmem_shared>> -> memref<1x10240xf32, #tpu.memory_space<vmem_shared>>
      %dma_wait3A_29 = tpu.memref_squeeze %dma_wait3A_28 : memref<1x10240xf32, #tpu.memory_space<vmem_shared>> -> memref<10240xf32, #tpu.memory_space<vmem_shared>>
      %dma_wait3A_30 = arith.constant 0 : i32
      %dma_wait3A_31 = tpu.memref_slice %arg7[%arg1, %dma_wait3A_30] : memref<16x10240xf32, #tpu.memory_space<vmem_shared>> -> memref<1x10240xf32, #tpu.memory_space<vmem_shared>>
      %dma_wait3A_32 = tpu.memref_squeeze %dma_wait3A_31 : memref<1x10240xf32, #tpu.memory_space<vmem_shared>> -> memref<10240xf32, #tpu.memory_space<vmem_shared>>
      tpu.wait_dma2 semaphore(%run_scoped3A : memref<!tpu.dma_semaphore, #tpu.memory_space<semaphore_mem>>) src(%arg5 : memref<10240xf32, #tpu.memory_space<vmem>>) dst(%dma_wait3A_32 : memref<10240xf32, #tpu.memory_space<vmem_shared>>)
      tpu.yield
    }) : () -> ()
    %barrier3A = arith.constant 0 : index
    tpu.barrier barrier_id(%barrier3A)
    %mul3A_14 = arith.constant 640 : i32
    %mul3A_15 = arith.muli %arg1, %mul3A_14 : i32
    %multiple_of3A_16 = tpu.assume_multiple %mul3A_15, 8 : i32
    "tpu.region"() ({
      %run_scoped3A = tpu.sem_alloc : memref<!tpu.dma_semaphore, #tpu.memory_space<semaphore_mem>>
      %dma_start3A = arith.constant 0 : i32
      %dma_start3A_23 = tpu.memref_slice %arg7[%dma_start3A, %multiple_of3A_16] : memref<16x10240xf32, #tpu.memory_space<vmem_shared>> -> memref<16x640xf32, #tpu.memory_space<vmem_shared>>
      %dma_start3A_24 = arith.constant 0 : i32
      %dma_start3A_25 = tpu.memref_slice %arg7[%dma_start3A_24, %multiple_of3A_16] : memref<16x10240xf32, #tpu.memory_space<vmem_shared>> -> memref<16x640xf32, #tpu.memory_space<vmem_shared>>
      tpu.enqueue_dma source(%dma_start3A_25 : memref<16x640xf32, #tpu.memory_space<vmem_shared>>) target(%arg6 : memref<16x640xf32, #tpu.memory_space<vmem>>) target_semaphore(%run_scoped3A : memref<!tpu.dma_semaphore, #tpu.memory_space<semaphore_mem>>)
      %dma_wait3A = arith.constant 0 : i32
      %dma_wait3A_26 = tpu.memref_slice %arg7[%dma_wait3A, %multiple_of3A_16] : memref<16x10240xf32, #tpu.memory_space<vmem_shared>> -> memref<16x640xf32, #tpu.memory_space<vmem_shared>>
      %dma_wait3A_27 = arith.constant 0 : i32
      %dma_wait3A_28 = tpu.memref_slice %arg7[%dma_wait3A_27, %multiple_of3A_16] : memref<16x10240xf32, #tpu.memory_space<vmem_shared>> -> memref<16x640xf32, #tpu.memory_space<vmem_shared>>
      tpu.wait_dma2 semaphore(%run_scoped3A : memref<!tpu.dma_semaphore, #tpu.memory_space<semaphore_mem>>) src(%dma_wait3A_28 : memref<16x640xf32, #tpu.memory_space<vmem_shared>>) dst(%arg6 : memref<16x640xf32, #tpu.memory_space<vmem>>)
      tpu.yield
    }) : () -> ()
    %scan3A_17 = arith.constant 0 : i32
    %scan3A_18 = arith.constant 0 : i32
    %scan3A_19 = arith.constant 40 : i32
    %scan3A_20 = arith.addi %scan3A_18, %scan3A_19 : i32
    %scan3A_21 = arith.constant 1 : i32
    scf.for %scan3A_23 = %scan3A_18 to %scan3A_20 step %scan3A_21  : i32 {
      %mul3A_24 = arith.constant 16 : i32
      %mul3A_25 = arith.muli %scan3A_23, %mul3A_24 : i32
      %get3A = arith.constant 0 : i32
      %get3A_26 = arith.index_cast %get3A : i32 to index
      %get3A_27 = arith.index_cast %mul3A_25 : i32 to index
      %get3A_28 = tpu.vector_load %arg6[%get3A_26, %get3A_27] {strides = array<i32>} : memref<16x640xf32, #tpu.memory_space<vmem>>, vector<16xf32>,
      %mul3A_29 = arith.constant 16 : i32
      %mul3A_30 = arith.muli %scan3A_23, %mul3A_29 : i32
      %get3A_31 = arith.constant 1 : i32
      %get3A_32 = arith.index_cast %get3A_31 : i32 to index
      %get3A_33 = arith.index_cast %mul3A_30 : i32 to index
      %get3A_34 = tpu.vector_load %arg6[%get3A_32, %get3A_33] {strides = array<i32>} : memref<16x640xf32, #tpu.memory_space<vmem>>, vector<16xf32>,
      %add3A_35 = arith.addf %get3A_28, %get3A_34 : vector<16xf32>
      %mul3A_36 = arith.constant 16 : i32
      %mul3A_37 = arith.muli %scan3A_23, %mul3A_36 : i32
      %get3A_38 = arith.constant 2 : i32
      %get3A_39 = arith.index_cast %get3A_38 : i32 to index
      %get3A_40 = arith.index_cast %mul3A_37 : i32 to index
      %get3A_41 = tpu.vector_load %arg6[%get3A_39, %get3A_40] {strides = array<i32>} : memref<16x640xf32, #tpu.memory_space<vmem>>, vector<16xf32>,
      %add3A_42 = arith.addf %add3A_35, %get3A_41 : vector<16xf32>
      %mul3A_43 = arith.constant 16 : i32
      %mul3A_44 = arith.muli %scan3A_23, %mul3A_43 : i32
      %get3A_45 = arith.constant 3 : i32
      %get3A_46 = arith.index_cast %get3A_45 : i32 to index
      %get3A_47 = arith.index_cast %mul3A_44 : i32 to index
      %get3A_48 = tpu.vector_load %arg6[%get3A_46, %get3A_47] {strides = array<i32>} : memref<16x640xf32, #tpu.memory_space<vmem>>, vector<16xf32>,
      %add3A_49 = arith.addf %add3A_42, %get3A_48 : vector<16xf32>
      %mul3A_50 = arith.constant 16 : i32
      %mul3A_51 = arith.muli %scan3A_23, %mul3A_50 : i32
      %get3A_52 = arith.constant 4 : i32
      %get3A_53 = arith.index_cast %get3A_52 : i32 to index
      %get3A_54 = arith.index_cast %mul3A_51 : i32 to index
      %get3A_55 = tpu.vector_load %arg6[%get3A_53, %get3A_54] {strides = array<i32>} : memref<16x640xf32, #tpu.memory_space<vmem>>, vector<16xf32>,
      %add3A_56 = arith.addf %add3A_49, %get3A_55 : vector<16xf32>
      %mul3A_57 = arith.constant 16 : i32
      %mul3A_58 = arith.muli %scan3A_23, %mul3A_57 : i32
      %get3A_59 = arith.constant 5 : i32
      %get3A_60 = arith.index_cast %get3A_59 : i32 to index
      %get3A_61 = arith.index_cast %mul3A_58 : i32 to index
      %get3A_62 = tpu.vector_load %arg6[%get3A_60, %get3A_61] {strides = array<i32>} : memref<16x640xf32, #tpu.memory_space<vmem>>, vector<16xf32>,
      %add3A_63 = arith.addf %add3A_56, %get3A_62 : vector<16xf32>
      %mul3A_64 = arith.constant 16 : i32
      %mul3A_65 = arith.muli %scan3A_23, %mul3A_64 : i32
      %get3A_66 = arith.constant 6 : i32
      %get3A_67 = arith.index_cast %get3A_66 : i32 to index
      %get3A_68 = arith.index_cast %mul3A_65 : i32 to index
      %get3A_69 = tpu.vector_load %arg6[%get3A_67, %get3A_68] {strides = array<i32>} : memref<16x640xf32, #tpu.memory_space<vmem>>, vector<16xf32>,
      %add3A_70 = arith.addf %add3A_63, %get3A_69 : vector<16xf32>
      %mul3A_71 = arith.constant 16 : i32
      %mul3A_72 = arith.muli %scan3A_23, %mul3A_71 : i32
      %get3A_73 = arith.constant 7 : i32
      %get3A_74 = arith.index_cast %get3A_73 : i32 to index
      %get3A_75 = arith.index_cast %mul3A_72 : i32 to index
      %get3A_76 = tpu.vector_load %arg6[%get3A_74, %get3A_75] {strides = array<i32>} : memref<16x640xf32, #tpu.memory_space<vmem>>, vector<16xf32>,
      %add3A_77 = arith.addf %add3A_70, %get3A_76 : vector<16xf32>
      %mul3A_78 = arith.constant 16 : i32
      %mul3A_79 = arith.muli %scan3A_23, %mul3A_78 : i32
      %get3A_80 = arith.constant 8 : i32
      %get3A_81 = arith.index_cast %get3A_80 : i32 to index
      %get3A_82 = arith.index_cast %mul3A_79 : i32 to index
      %get3A_83 = tpu.vector_load %arg6[%get3A_81, %get3A_82] {strides = array<i32>} : memref<16x640xf32, #tpu.memory_space<vmem>>, vector<16xf32>,
      %add3A_84 = arith.addf %add3A_77, %get3A_83 : vector<16xf32>
      %mul3A_85 = arith.constant 16 : i32
      %mul3A_86 = arith.muli %scan3A_23, %mul3A_85 : i32
      %get3A_87 = arith.constant 9 : i32
      %get3A_88 = arith.index_cast %get3A_87 : i32 to index
      %get3A_89 = arith.index_cast %mul3A_86 : i32 to index
      %get3A_90 = tpu.vector_load %arg6[%get3A_88, %get3A_89] {strides = array<i32>} : memref<16x640xf32, #tpu.memory_space<vmem>>, vector<16xf32>,
      %add3A_91 = arith.addf %add3A_84, %get3A_90 : vector<16xf32>
      %mul3A_92 = arith.constant 16 : i32
      %mul3A_93 = arith.muli %scan3A_23, %mul3A_92 : i32
      %get3A_94 = arith.constant 10 : i32
      %get3A_95 = arith.index_cast %get3A_94 : i32 to index
      %get3A_96 = arith.index_cast %mul3A_93 : i32 to index
      %get3A_97 = tpu.vector_load %arg6[%get3A_95, %get3A_96] {strides = array<i32>} : memref<16x640xf32, #tpu.memory_space<vmem>>, vector<16xf32>,
      %add3A_98 = arith.addf %add3A_91, %get3A_97 : vector<16xf32>
      %mul3A_99 = arith.constant 16 : i32
      %mul3A_100 = arith.muli %scan3A_23, %mul3A_99 : i32
      %get3A_101 = arith.constant 11 : i32
      %get3A_102 = arith.index_cast %get3A_101 : i32 to index
      %get3A_103 = arith.index_cast %mul3A_100 : i32 to index
      %get3A_104 = tpu.vector_load %arg6[%get3A_102, %get3A_103] {strides = array<i32>} : memref<16x640xf32, #tpu.memory_space<vmem>>, vector<16xf32>,
      %add3A_105 = arith.addf %add3A_98, %get3A_104 : vector<16xf32>
      %mul3A_106 = arith.constant 16 : i32
      %mul3A_107 = arith.muli %scan3A_23, %mul3A_106 : i32
      %get3A_108 = arith.constant 12 : i32
      %get3A_109 = arith.index_cast %get3A_108 : i32 to index
      %get3A_110 = arith.index_cast %mul3A_107 : i32 to index
      %get3A_111 = tpu.vector_load %arg6[%get3A_109, %get3A_110] {strides = array<i32>} : memref<16x640xf32, #tpu.memory_space<vmem>>, vector<16xf32>,
      %add3A_112 = arith.addf %add3A_105, %get3A_111 : vector<16xf32>
      %mul3A_113 = arith.constant 16 : i32
      %mul3A_114 = arith.muli %scan3A_23, %mul3A_113 : i32
      %get3A_115 = arith.constant 13 : i32
      %get3A_116 = arith.index_cast %get3A_115 : i32 to index
      %get3A_117 = arith.index_cast %mul3A_114 : i32 to index
      %get3A_118 = tpu.vector_load %arg6[%get3A_116, %get3A_117] {strides = array<i32>} : memref<16x640xf32, #tpu.memory_space<vmem>>, vector<16xf32>,
      %add3A_119 = arith.addf %add3A_112, %get3A_118 : vector<16xf32>
      %mul3A_120 = arith.constant 16 : i32
      %mul3A_121 = arith.muli %scan3A_23, %mul3A_120 : i32
      %get3A_122 = arith.constant 14 : i32
      %get3A_123 = arith.index_cast %get3A_122 : i32 to index
      %get3A_124 = arith.index_cast %mul3A_121 : i32 to index
      %get3A_125 = tpu.vector_load %arg6[%get3A_123, %get3A_124] {strides = array<i32>} : memref<16x640xf32, #tpu.memory_space<vmem>>, vector<16xf32>,
      %add3A_126 = arith.addf %add3A_119, %get3A_125 : vector<16xf32>
      %mul3A_127 = arith.constant 16 : i32
      %mul3A_128 = arith.muli %scan3A_23, %mul3A_127 : i32
      %get3A_129 = arith.constant 15 : i32
      %get3A_130 = arith.index_cast %get3A_129 : i32 to index
      %get3A_131 = arith.index_cast %mul3A_128 : i32 to index
      %get3A_132 = tpu.vector_load %arg6[%get3A_130, %get3A_131] {strides = array<i32>} : memref<16x640xf32, #tpu.memory_space<vmem>>, vector<16xf32>,
      %add3A_133 = arith.addf %add3A_126, %get3A_132 : vector<16xf32>
      %mul3A_134 = arith.constant 16 : i32
      %mul3A_135 = arith.muli %scan3A_23, %mul3A_134 : i32
      %swap3A = arith.index_cast %mul3A_135 : i32 to index
      %swap3A_136 = tpu.vector_load %arg5[%swap3A] {strides = array<i32>} : memref<10240xf32, #tpu.memory_space<vmem>>, vector<16xf32>,
      tpu.vector_store %arg5[%swap3A], %add3A_133 {strides = array<i32>} : memref<10240xf32, #tpu.memory_space<vmem>>, vector<16xf32>,
    }
    %scan3A_22 = arith.constant 40 : i32
    "tpu.region"() ({
      %run_scoped3A = tpu.sem_alloc : memref<!tpu.dma_semaphore, #tpu.memory_space<semaphore_mem>>
      %dma_start3A = arith.constant 0 : i32
      %dma_start3A_23 = tpu.memref_slice %arg5[%dma_start3A] : memref<10240xf32, #tpu.memory_space<vmem>> -> memref<640xf32, #tpu.memory_space<vmem>>
      %dma_start3A_24 = tpu.memref_slice %arg3[%arg0, %multiple_of3A_16] : memref<2x10240xf32, #tpu.memory_space<hbm>> -> memref<1x640xf32, #tpu.memory_space<hbm>>
      %dma_start3A_25 = tpu.memref_squeeze %dma_start3A_24 : memref<1x640xf32, #tpu.memory_space<hbm>> -> memref<640xf32, #tpu.memory_space<hbm>>
      %dma_start3A_26 = tpu.memref_slice %arg3[%arg0, %multiple_of3A_16] : memref<2x10240xf32, #tpu.memory_space<hbm>> -> memref<1x640xf32, #tpu.memory_space<hbm>>
      %dma_start3A_27 = tpu.memref_squeeze %dma_start3A_26 : memref<1x640xf32, #tpu.memory_space<hbm>> -> memref<640xf32, #tpu.memory_space<hbm>>
      %dma_start3A_28 = arith.constant 0 : i32
      %dma_start3A_29 = tpu.memref_slice %arg5[%dma_start3A_28] : memref<10240xf32, #tpu.memory_space<vmem>> -> memref<640xf32, #tpu.memory_space<vmem>>
      tpu.enqueue_dma source(%dma_start3A_29 : memref<640xf32, #tpu.memory_space<vmem>>) target(%dma_start3A_27 : memref<640xf32, #tpu.memory_space<hbm>>) target_semaphore(%run_scoped3A : memref<!tpu.dma_semaphore, #tpu.memory_space<semaphore_mem>>)
      %dma_wait3A = arith.constant 0 : i32
      %dma_wait3A_30 = tpu.memref_slice %arg5[%dma_wait3A] : memref<10240xf32, #tpu.memory_space<vmem>> -> memref<640xf32, #tpu.memory_space<vmem>>
      %dma_wait3A_31 = tpu.memref_slice %arg3[%arg0, %multiple_of3A_16] : memref<2x10240xf32, #tpu.memory_space<hbm>> -> memref<1x640xf32, #tpu.memory_space<hbm>>
      %dma_wait3A_32 = tpu.memref_squeeze %dma_wait3A_31 : memref<1x640xf32, #tpu.memory_space<hbm>> -> memref<640xf32, #tpu.memory_space<hbm>>
      %dma_wait3A_33 = tpu.memref_slice %arg3[%arg0, %multiple_of3A_16] : memref<2x10240xf32, #tpu.memory_space<hbm>> -> memref<1x640xf32, #tpu.memory_space<hbm>>
      %dma_wait3A_34 = tpu.memref_squeeze %dma_wait3A_33 : memref<1x640xf32, #tpu.memory_space<hbm>> -> memref<640xf32, #tpu.memory_space<hbm>>
      %dma_wait3A_35 = arith.constant 0 : i32
      %dma_wait3A_36 = tpu.memref_slice %arg5[%dma_wait3A_35] : memref<10240xf32, #tpu.memory_space<vmem>> -> memref<640xf32, #tpu.memory_space<vmem>>
      tpu.wait_dma2 semaphore(%run_scoped3A : memref<!tpu.dma_semaphore, #tpu.memory_space<semaphore_mem>>) src(%dma_wait3A_36 : memref<640xf32, #tpu.memory_space<vmem>>) dst(%dma_wait3A_34 : memref<640xf32, #tpu.memory_space<hbm>>)
      tpu.yield
    }) : () -> ()
    return
  }
}

#map = affine_map<(d0, d1) -> (0, 0, 0)>
#map1 = affine_map<(d0, d1) -> (0, 0)>
module attributes {stable_mosaic.version = 14 : i64} {
  func.func @_scatter_body(%arg0: i32, %arg1: i32, %arg2: memref<2x10000x64xf32, #tpu.memory_space<hbm>>, %arg3: memref<2560x128xi32, #tpu.memory_space<hbm>>, %arg4: memref<2560x128xi32, #tpu.memory_space<hbm>>, %arg5: memref<2x10240x64xf32, #tpu.memory_space<hbm>>, %arg6: memref<160x128xi32, #tpu.memory_space<vmem>>, %arg7: memref<160x128xi32, #tpu.memory_space<vmem>>, %arg8: memref<128x64xf32, #tpu.memory_space<vmem>>, %arg9: memref<128x64xf32, #tpu.memory_space<vmem>>, %arg10: memref<128x64xf32, #tpu.memory_space<vmem>>, %arg11: memref<128x64xf32, #tpu.memory_space<vmem>>, %arg12: memref<128x64xf32, #tpu.memory_space<vmem>>, %arg13: memref<10240x64xf32, #tpu.memory_space<vmem_shared>>, %arg14: memref<!tpu.dma_semaphore, #tpu.memory_space<semaphore_mem>>, %arg15: memref<!tpu.dma_semaphore, #tpu.memory_space<semaphore_mem>>, %arg16: memref<!tpu.dma_semaphore, #tpu.memory_space<semaphore_mem>>, %arg17: memref<!tpu.dma_semaphore, #tpu.memory_space<semaphore_mem>>, %arg18: memref<!tpu.dma_semaphore, #tpu.memory_space<semaphore_mem>>, %arg19: memref<!tpu.dma_semaphore, #tpu.memory_space<semaphore_mem>>, %arg20: memref<!tpu.dma_semaphore, #tpu.memory_space<semaphore_mem>>, %arg21: memref<!tpu.dma_semaphore, #tpu.memory_space<semaphore_mem>>, %arg22: memref<!tpu.dma_semaphore, #tpu.memory_space<semaphore_mem>>, %arg23: memref<!tpu.dma_semaphore, #tpu.memory_space<semaphore_mem>>) attributes {dimension_semantics = [#tpu.dimension_semantics<core_parallel>, #tpu.dimension_semantics<subcore_parallel>], iteration_bounds = array<i64: 2, 16>, scalar_prefetch = 0 : i64, scratch_operands = 18 : i64, tpu.core_type = #tpu.core_type<sc_vector_subcore>, window_params = [{transform_indices = #map}, {transform_indices = #map1}, {transform_indices = #map1}, {transform_indices = #map}]} {
    %mul3A = arith.constant 160 : i32
    %mul3A_0 = arith.muli %arg1, %mul3A : i32
    %multiple_of3A = tpu.assume_multiple %mul3A_0, 8 : i32
    %scan3A = arith.constant 0 : i32
    %scan3A_1 = arith.constant 0 : i32
    %scan3A_2 = arith.constant 512 : i32
    %scan3A_3 = arith.addi %scan3A_1, %scan3A_2 : i32
    %scan3A_4 = arith.constant 1 : i32
    scf.for %scan3A_140 = %scan3A_1 to %scan3A_3 step %scan3A_4  : i32 {
      %jit3A = arith.constant 4 : i32
      %div3A = arith.divsi %scan3A_140, %jit3A : i32
      %sign3A = arith.constant 0 : i32
      %sign3A_141 = arith.cmpi sgt, %scan3A_140, %sign3A : i32
      %sign3A_142 = arith.extui %sign3A_141 : i1 to i32
      %sign3A_143 = arith.constant 0 : i32
      %sign3A_144 = arith.cmpi slt, %scan3A_140, %sign3A_143 : i32
      %sign3A_145 = arith.extui %sign3A_144 : i1 to i32
      %sign3A_146 = arith.subi %sign3A_142, %sign3A_145 : i32
      %sign3A_147 = arith.constant 0 : i32
      %sign3A_148 = arith.cmpi sgt, %jit3A, %sign3A_147 : i32
      %sign3A_149 = arith.extui %sign3A_148 : i1 to i32
      %sign3A_150 = arith.constant 0 : i32
      %sign3A_151 = arith.cmpi slt, %jit3A, %sign3A_150 : i32
      %sign3A_152 = arith.extui %sign3A_151 : i1 to i32
      %sign3A_153 = arith.subi %sign3A_149, %sign3A_152 : i32
      %ne3A = arith.cmpi ne, %sign3A_146, %sign3A_153 : i32
      %rem3A = arith.remsi %scan3A_140, %jit3A : i32
      %ne3A_154 = arith.constant 0 : i32
      %ne3A_155 = arith.cmpi ne, %rem3A, %ne3A_154 : i32
      %and3A = arith.andi %ne3A, %ne3A_155 : i1
      %sub3A = arith.constant 1 : i32
      %sub3A_156 = arith.subi %div3A, %sub3A : i32
      %select_n3A = arith.select %and3A, %sub3A_156, %div3A : i32
      %mul3A_157 = arith.constant 4 : i32
      %mul3A_158 = arith.muli %select_n3A, %mul3A_157 : i32
      %sub3A_159 = arith.subi %scan3A_140, %mul3A_158 : i32
      %broadcast_in_dim3A = arith.constant 0.000000e+00 : f32
      %broadcast_in_dim3A_160 = vector.broadcast %broadcast_in_dim3A : f32 to vector<16xf32>
      %mul3A_161 = arith.constant 16 : i32
      %mul3A_162 = arith.muli %sub3A_159, %mul3A_161 : i32
      %swap3A = arith.index_cast %select_n3A : i32 to index
      %swap3A_163 = arith.index_cast %mul3A_162 : i32 to index
      %swap3A_164 = tpu.vector_load %arg8[%swap3A, %swap3A_163] {strides = array<i32>} : memref<128x64xf32, #tpu.memory_space<vmem>>, vector<1x16xf32>,
      %swap3A_165 = vector.shape_cast %swap3A_164 : vector<1x16xf32> to vector<16xf32>
      %swap3A_166 = vector.shape_cast %broadcast_in_dim3A_160 : vector<16xf32> to vector<1x16xf32>
      tpu.vector_store %arg8[%swap3A, %swap3A_163], %swap3A_166 {strides = array<i32>} : memref<128x64xf32, #tpu.memory_space<vmem>>, vector<1x16xf32>,
    }
    %scan3A_5 = arith.constant 512 : i32
    %mul3A_6 = arith.constant 640 : i32
    %mul3A_7 = arith.muli %arg1, %mul3A_6 : i32
    %multiple_of3A_8 = tpu.assume_multiple %mul3A_7, 8 : i32
    %add3A = arith.constant 0 : i32
    %add3A_9 = arith.addi %multiple_of3A_8, %add3A : i32
    %dma_start3A = arith.constant 0 : i32
    %dma_start3A_10 = tpu.memref_slice %arg13[%add3A_9, %dma_start3A] : memref<10240x64xf32, #tpu.memory_space<vmem_shared>> -> memref<128x64xf32, #tpu.memory_space<vmem_shared>>
    %dma_start3A_11 = arith.constant 0 : i32
    %dma_start3A_12 = tpu.memref_slice %arg13[%add3A_9, %dma_start3A_11] : memref<10240x64xf32, #tpu.memory_space<vmem_shared>> -> memref<128x64xf32, #tpu.memory_space<vmem_shared>>
    tpu.enqueue_dma source(%arg8 : memref<128x64xf32, #tpu.memory_space<vmem>>) target(%dma_start3A_12 : memref<128x64xf32, #tpu.memory_space<vmem_shared>>) target_semaphore(%arg19 : memref<!tpu.dma_semaphore, #tpu.memory_space<semaphore_mem>>)
    %add3A_13 = arith.constant 128 : i32
    %add3A_14 = arith.addi %multiple_of3A_8, %add3A_13 : i32
    %dma_start3A_15 = arith.constant 0 : i32
    %dma_start3A_16 = tpu.memref_slice %arg13[%add3A_14, %dma_start3A_15] : memref<10240x64xf32, #tpu.memory_space<vmem_shared>> -> memref<128x64xf32, #tpu.memory_space<vmem_shared>>
    %dma_start3A_17 = arith.constant 0 : i32
    %dma_start3A_18 = tpu.memref_slice %arg13[%add3A_14, %dma_start3A_17] : memref<10240x64xf32, #tpu.memory_space<vmem_shared>> -> memref<128x64xf32, #tpu.memory_space<vmem_shared>>
    tpu.enqueue_dma source(%arg8 : memref<128x64xf32, #tpu.memory_space<vmem>>) target(%dma_start3A_18 : memref<128x64xf32, #tpu.memory_space<vmem_shared>>) target_semaphore(%arg19 : memref<!tpu.dma_semaphore, #tpu.memory_space<semaphore_mem>>)
    %add3A_19 = arith.constant 256 : i32
    %add3A_20 = arith.addi %multiple_of3A_8, %add3A_19 : i32
    %dma_start3A_21 = arith.constant 0 : i32
    %dma_start3A_22 = tpu.memref_slice %arg13[%add3A_20, %dma_start3A_21] : memref<10240x64xf32, #tpu.memory_space<vmem_shared>> -> memref<128x64xf32, #tpu.memory_space<vmem_shared>>
    %dma_start3A_23 = arith.constant 0 : i32
    %dma_start3A_24 = tpu.memref_slice %arg13[%add3A_20, %dma_start3A_23] : memref<10240x64xf32, #tpu.memory_space<vmem_shared>> -> memref<128x64xf32, #tpu.memory_space<vmem_shared>>
    tpu.enqueue_dma source(%arg8 : memref<128x64xf32, #tpu.memory_space<vmem>>) target(%dma_start3A_24 : memref<128x64xf32, #tpu.memory_space<vmem_shared>>) target_semaphore(%arg19 : memref<!tpu.dma_semaphore, #tpu.memory_space<semaphore_mem>>)
    %add3A_25 = arith.constant 384 : i32
    %add3A_26 = arith.addi %multiple_of3A_8, %add3A_25 : i32
    %dma_start3A_27 = arith.constant 0 : i32
    %dma_start3A_28 = tpu.memref_slice %arg13[%add3A_26, %dma_start3A_27] : memref<10240x64xf32, #tpu.memory_space<vmem_shared>> -> memref<128x64xf32, #tpu.memory_space<vmem_shared>>
    %dma_start3A_29 = arith.constant 0 : i32
    %dma_start3A_30 = tpu.memref_slice %arg13[%add3A_26, %dma_start3A_29] : memref<10240x64xf32, #tpu.memory_space<vmem_shared>> -> memref<128x64xf32, #tpu.memory_space<vmem_shared>>
    tpu.enqueue_dma source(%arg8 : memref<128x64xf32, #tpu.memory_space<vmem>>) target(%dma_start3A_30 : memref<128x64xf32, #tpu.memory_space<vmem_shared>>) target_semaphore(%arg19 : memref<!tpu.dma_semaphore, #tpu.memory_space<semaphore_mem>>)
    %add3A_31 = arith.constant 512 : i32
    %add3A_32 = arith.addi %multiple_of3A_8, %add3A_31 : i32
    %dma_start3A_33 = arith.constant 0 : i32
    %dma_start3A_34 = tpu.memref_slice %arg13[%add3A_32, %dma_start3A_33] : memref<10240x64xf32, #tpu.memory_space<vmem_shared>> -> memref<128x64xf32, #tpu.memory_space<vmem_shared>>
    %dma_start3A_35 = arith.constant 0 : i32
    %dma_start3A_36 = tpu.memref_slice %arg13[%add3A_32, %dma_start3A_35] : memref<10240x64xf32, #tpu.memory_space<vmem_shared>> -> memref<128x64xf32, #tpu.memory_space<vmem_shared>>
    tpu.enqueue_dma source(%arg8 : memref<128x64xf32, #tpu.memory_space<vmem>>) target(%dma_start3A_36 : memref<128x64xf32, #tpu.memory_space<vmem_shared>>) target_semaphore(%arg19 : memref<!tpu.dma_semaphore, #tpu.memory_space<semaphore_mem>>)
    %dma_start3A_37 = arith.constant 0 : i32
    %dma_start3A_38 = tpu.memref_slice %arg3[%multiple_of3A, %dma_start3A_37] : memref<2560x128xi32, #tpu.memory_space<hbm>> -> memref<160x128xi32, #tpu.memory_space<hbm>>
    %dma_start3A_39 = arith.constant 0 : i32
    %dma_start3A_40 = tpu.memref_slice %arg3[%multiple_of3A, %dma_start3A_39] : memref<2560x128xi32, #tpu.memory_space<hbm>> -> memref<160x128xi32, #tpu.memory_space<hbm>>
    tpu.enqueue_dma source(%dma_start3A_40 : memref<160x128xi32, #tpu.memory_space<hbm>>) target(%arg6 : memref<160x128xi32, #tpu.memory_space<vmem>>) target_semaphore(%arg14 : memref<!tpu.dma_semaphore, #tpu.memory_space<semaphore_mem>>)
    %dma_start3A_41 = arith.constant 0 : i32
    %dma_start3A_42 = tpu.memref_slice %arg4[%multiple_of3A, %dma_start3A_41] : memref<2560x128xi32, #tpu.memory_space<hbm>> -> memref<160x128xi32, #tpu.memory_space<hbm>>
    %dma_start3A_43 = arith.constant 0 : i32
    %dma_start3A_44 = tpu.memref_slice %arg4[%multiple_of3A, %dma_start3A_43] : memref<2560x128xi32, #tpu.memory_space<hbm>> -> memref<160x128xi32, #tpu.memory_space<hbm>>
    tpu.enqueue_dma source(%dma_start3A_44 : memref<160x128xi32, #tpu.memory_space<hbm>>) target(%arg7 : memref<160x128xi32, #tpu.memory_space<vmem>>) target_semaphore(%arg15 : memref<!tpu.dma_semaphore, #tpu.memory_space<semaphore_mem>>)
    %add3A_45 = arith.constant 0 : i32
    %add3A_46 = arith.addi %multiple_of3A_8, %add3A_45 : i32
    %dma_wait3A = arith.constant 0 : i32
    %dma_wait3A_47 = tpu.memref_slice %arg13[%add3A_46, %dma_wait3A] : memref<10240x64xf32, #tpu.memory_space<vmem_shared>> -> memref<128x64xf32, #tpu.memory_space<vmem_shared>>
    %dma_wait3A_48 = arith.constant 0 : i32
    %dma_wait3A_49 = tpu.memref_slice %arg13[%add3A_46, %dma_wait3A_48] : memref<10240x64xf32, #tpu.memory_space<vmem_shared>> -> memref<128x64xf32, #tpu.memory_space<vmem_shared>>
    tpu.wait_dma2 semaphore(%arg19 : memref<!tpu.dma_semaphore, #tpu.memory_space<semaphore_mem>>) src(%arg8 : memref<128x64xf32, #tpu.memory_space<vmem>>) dst(%dma_wait3A_49 : memref<128x64xf32, #tpu.memory_space<vmem_shared>>)
    %add3A_50 = arith.constant 128 : i32
    %add3A_51 = arith.addi %multiple_of3A_8, %add3A_50 : i32
    %dma_wait3A_52 = arith.constant 0 : i32
    %dma_wait3A_53 = tpu.memref_slice %arg13[%add3A_51, %dma_wait3A_52] : memref<10240x64xf32, #tpu.memory_space<vmem_shared>> -> memref<128x64xf32, #tpu.memory_space<vmem_shared>>
    %dma_wait3A_54 = arith.constant 0 : i32
    %dma_wait3A_55 = tpu.memref_slice %arg13[%add3A_51, %dma_wait3A_54] : memref<10240x64xf32, #tpu.memory_space<vmem_shared>> -> memref<128x64xf32, #tpu.memory_space<vmem_shared>>
    tpu.wait_dma2 semaphore(%arg19 : memref<!tpu.dma_semaphore, #tpu.memory_space<semaphore_mem>>) src(%arg8 : memref<128x64xf32, #tpu.memory_space<vmem>>) dst(%dma_wait3A_55 : memref<128x64xf32, #tpu.memory_space<vmem_shared>>)
    %add3A_56 = arith.constant 256 : i32
    %add3A_57 = arith.addi %multiple_of3A_8, %add3A_56 : i32
    %dma_wait3A_58 = arith.constant 0 : i32
    %dma_wait3A_59 = tpu.memref_slice %arg13[%add3A_57, %dma_wait3A_58] : memref<10240x64xf32, #tpu.memory_space<vmem_shared>> -> memref<128x64xf32, #tpu.memory_space<vmem_shared>>
    %dma_wait3A_60 = arith.constant 0 : i32
    %dma_wait3A_61 = tpu.memref_slice %arg13[%add3A_57, %dma_wait3A_60] : memref<10240x64xf32, #tpu.memory_space<vmem_shared>> -> memref<128x64xf32, #tpu.memory_space<vmem_shared>>
    tpu.wait_dma2 semaphore(%arg19 : memref<!tpu.dma_semaphore, #tpu.memory_space<semaphore_mem>>) src(%arg8 : memref<128x64xf32, #tpu.memory_space<vmem>>) dst(%dma_wait3A_61 : memref<128x64xf32, #tpu.memory_space<vmem_shared>>)
    %add3A_62 = arith.constant 384 : i32
    %add3A_63 = arith.addi %multiple_of3A_8, %add3A_62 : i32
    %dma_wait3A_64 = arith.constant 0 : i32
    %dma_wait3A_65 = tpu.memref_slice %arg13[%add3A_63, %dma_wait3A_64] : memref<10240x64xf32, #tpu.memory_space<vmem_shared>> -> memref<128x64xf32, #tpu.memory_space<vmem_shared>>
    %dma_wait3A_66 = arith.constant 0 : i32
    %dma_wait3A_67 = tpu.memref_slice %arg13[%add3A_63, %dma_wait3A_66] : memref<10240x64xf32, #tpu.memory_space<vmem_shared>> -> memref<128x64xf32, #tpu.memory_space<vmem_shared>>
    tpu.wait_dma2 semaphore(%arg19 : memref<!tpu.dma_semaphore, #tpu.memory_space<semaphore_mem>>) src(%arg8 : memref<128x64xf32, #tpu.memory_space<vmem>>) dst(%dma_wait3A_67 : memref<128x64xf32, #tpu.memory_space<vmem_shared>>)
    %add3A_68 = arith.constant 512 : i32
    %add3A_69 = arith.addi %multiple_of3A_8, %add3A_68 : i32
    %dma_wait3A_70 = arith.constant 0 : i32
    %dma_wait3A_71 = tpu.memref_slice %arg13[%add3A_69, %dma_wait3A_70] : memref<10240x64xf32, #tpu.memory_space<vmem_shared>> -> memref<128x64xf32, #tpu.memory_space<vmem_shared>>
    %dma_wait3A_72 = arith.constant 0 : i32
    %dma_wait3A_73 = tpu.memref_slice %arg13[%add3A_69, %dma_wait3A_72] : memref<10240x64xf32, #tpu.memory_space<vmem_shared>> -> memref<128x64xf32, #tpu.memory_space<vmem_shared>>
    tpu.wait_dma2 semaphore(%arg19 : memref<!tpu.dma_semaphore, #tpu.memory_space<semaphore_mem>>) src(%arg8 : memref<128x64xf32, #tpu.memory_space<vmem>>) dst(%dma_wait3A_73 : memref<128x64xf32, #tpu.memory_space<vmem_shared>>)
    %dma_wait3A_74 = arith.constant 0 : i32
    %dma_wait3A_75 = tpu.memref_slice %arg3[%multiple_of3A, %dma_wait3A_74] : memref<2560x128xi32, #tpu.memory_space<hbm>> -> memref<160x128xi32, #tpu.memory_space<hbm>>
    %dma_wait3A_76 = arith.constant 0 : i32
    %dma_wait3A_77 = tpu.memref_slice %arg3[%multiple_of3A, %dma_wait3A_76] : memref<2560x128xi32, #tpu.memory_space<hbm>> -> memref<160x128xi32, #tpu.memory_space<hbm>>
    tpu.wait_dma2 semaphore(%arg14 : memref<!tpu.dma_semaphore, #tpu.memory_space<semaphore_mem>>) src(%dma_wait3A_77 : memref<160x128xi32, #tpu.memory_space<hbm>>) dst(%arg6 : memref<160x128xi32, #tpu.memory_space<vmem>>)
    %dma_wait3A_78 = arith.constant 0 : i32
    %dma_wait3A_79 = tpu.memref_slice %arg4[%multiple_of3A, %dma_wait3A_78] : memref<2560x128xi32, #tpu.memory_space<hbm>> -> memref<160x128xi32, #tpu.memory_space<hbm>>
    %dma_wait3A_80 = arith.constant 0 : i32
    %dma_wait3A_81 = tpu.memref_slice %arg4[%multiple_of3A, %dma_wait3A_80] : memref<2560x128xi32, #tpu.memory_space<hbm>> -> memref<160x128xi32, #tpu.memory_space<hbm>>
    tpu.wait_dma2 semaphore(%arg15 : memref<!tpu.dma_semaphore, #tpu.memory_space<semaphore_mem>>) src(%dma_wait3A_81 : memref<160x128xi32, #tpu.memory_space<hbm>>) dst(%arg7 : memref<160x128xi32, #tpu.memory_space<vmem>>)
    %barrier3A = arith.constant 0 : index
    tpu.barrier barrier_id(%barrier3A)
    %dma_start3A_82 = arith.constant 0 : i32
    %dma_start3A_83 = arith.constant 0 : i32
    %dma_start3A_84 = tpu.memref_slice %arg6[%dma_start3A_82, %dma_start3A_83] : memref<160x128xi32, #tpu.memory_space<vmem>> -> memref<1x128xi32, #tpu.memory_space<vmem>>
    %dma_start3A_85 = tpu.memref_squeeze %dma_start3A_84 : memref<1x128xi32, #tpu.memory_space<vmem>> -> memref<128xi32, #tpu.memory_space<vmem>>
    %dma_start3A_86 = arith.constant 0 : i32
    %dma_start3A_87 = arith.constant 0 : i32
    %dma_start3A_88 = tpu.memref_slice %arg2[%arg0, %dma_start3A_86, %dma_start3A_87] : memref<2x10000x64xf32, #tpu.memory_space<hbm>> -> memref<1x10000x64xf32, #tpu.memory_space<hbm>>
    %dma_start3A_89 = tpu.memref_squeeze %dma_start3A_88 : memref<1x10000x64xf32, #tpu.memory_space<hbm>> -> memref<10000x64xf32, #tpu.memory_space<hbm>>
    %dma_start3A_90 = arith.constant 0 : i32
    %dma_start3A_91 = arith.constant 0 : i32
    %dma_start3A_92 = tpu.memref_slice %dma_start3A_89[%dma_start3A_90, %dma_start3A_91] : memref<10000x64xf32, #tpu.memory_space<hbm>> -> memref<10000x64xf32, #tpu.memory_space<hbm>>
    tpu.enqueue_indirect_dma source(%dma_start3A_92 : memref<10000x64xf32, #tpu.memory_space<hbm>>) target(%arg8 : memref<128x64xf32, #tpu.memory_space<vmem>>) offsets(%dma_start3A_85 : memref<128xi32, #tpu.memory_space<vmem>>) semaphore(%arg14 : memref<!tpu.dma_semaphore, #tpu.memory_space<semaphore_mem>>)
    %dma_start3A_93 = arith.constant 1 : i32
    %dma_start3A_94 = arith.constant 0 : i32
    %dma_start3A_95 = tpu.memref_slice %arg6[%dma_start3A_93, %dma_start3A_94] : memref<160x128xi32, #tpu.memory_space<vmem>> -> memref<1x128xi32, #tpu.memory_space<vmem>>
    %dma_start3A_96 = tpu.memref_squeeze %dma_start3A_95 : memref<1x128xi32, #tpu.memory_space<vmem>> -> memref<128xi32, #tpu.memory_space<vmem>>
    %dma_start3A_97 = arith.constant 0 : i32
    %dma_start3A_98 = arith.constant 0 : i32
    %dma_start3A_99 = tpu.memref_slice %arg2[%arg0, %dma_start3A_97, %dma_start3A_98] : memref<2x10000x64xf32, #tpu.memory_space<hbm>> -> memref<1x10000x64xf32, #tpu.memory_space<hbm>>
    %dma_start3A_100 = tpu.memref_squeeze %dma_start3A_99 : memref<1x10000x64xf32, #tpu.memory_space<hbm>> -> memref<10000x64xf32, #tpu.memory_space<hbm>>
    %dma_start3A_101 = arith.constant 0 : i32
    %dma_start3A_102 = arith.constant 0 : i32
    %dma_start3A_103 = tpu.memref_slice %dma_start3A_100[%dma_start3A_101, %dma_start3A_102] : memref<10000x64xf32, #tpu.memory_space<hbm>> -> memref<10000x64xf32, #tpu.memory_space<hbm>>
    tpu.enqueue_indirect_dma source(%dma_start3A_103 : memref<10000x64xf32, #tpu.memory_space<hbm>>) target(%arg9 : memref<128x64xf32, #tpu.memory_space<vmem>>) offsets(%dma_start3A_96 : memref<128xi32, #tpu.memory_space<vmem>>) semaphore(%arg15 : memref<!tpu.dma_semaphore, #tpu.memory_space<semaphore_mem>>)
    %dma_start3A_104 = arith.constant 2 : i32
    %dma_start3A_105 = arith.constant 0 : i32
    %dma_start3A_106 = tpu.memref_slice %arg6[%dma_start3A_104, %dma_start3A_105] : memref<160x128xi32, #tpu.memory_space<vmem>> -> memref<1x128xi32, #tpu.memory_space<vmem>>
    %dma_start3A_107 = tpu.memref_squeeze %dma_start3A_106 : memref<1x128xi32, #tpu.memory_space<vmem>> -> memref<128xi32, #tpu.memory_space<vmem>>
    %dma_start3A_108 = arith.constant 0 : i32
    %dma_start3A_109 = arith.constant 0 : i32
    %dma_start3A_110 = tpu.memref_slice %arg2[%arg0, %dma_start3A_108, %dma_start3A_109] : memref<2x10000x64xf32, #tpu.memory_space<hbm>> -> memref<1x10000x64xf32, #tpu.memory_space<hbm>>
    %dma_start3A_111 = tpu.memref_squeeze %dma_start3A_110 : memref<1x10000x64xf32, #tpu.memory_space<hbm>> -> memref<10000x64xf32, #tpu.memory_space<hbm>>
    %dma_start3A_112 = arith.constant 0 : i32
    %dma_start3A_113 = arith.constant 0 : i32
    %dma_start3A_114 = tpu.memref_slice %dma_start3A_111[%dma_start3A_112, %dma_start3A_113] : memref<10000x64xf32, #tpu.memory_space<hbm>> -> memref<10000x64xf32, #tpu.memory_space<hbm>>
    tpu.enqueue_indirect_dma source(%dma_start3A_114 : memref<10000x64xf32, #tpu.memory_space<hbm>>) target(%arg10 : memref<128x64xf32, #tpu.memory_space<vmem>>) offsets(%dma_start3A_107 : memref<128xi32, #tpu.memory_space<vmem>>) semaphore(%arg16 : memref<!tpu.dma_semaphore, #tpu.memory_space<semaphore_mem>>)
    %dma_start3A_115 = arith.constant 3 : i32
    %dma_start3A_116 = arith.constant 0 : i32
    %dma_start3A_117 = tpu.memref_slice %arg6[%dma_start3A_115, %dma_start3A_116] : memref<160x128xi32, #tpu.memory_space<vmem>> -> memref<1x128xi32, #tpu.memory_space<vmem>>
    %dma_start3A_118 = tpu.memref_squeeze %dma_start3A_117 : memref<1x128xi32, #tpu.memory_space<vmem>> -> memref<128xi32, #tpu.memory_space<vmem>>
    %dma_start3A_119 = arith.constant 0 : i32
    %dma_start3A_120 = arith.constant 0 : i32
    %dma_start3A_121 = tpu.memref_slice %arg2[%arg0, %dma_start3A_119, %dma_start3A_120] : memref<2x10000x64xf32, #tpu.memory_space<hbm>> -> memref<1x10000x64xf32, #tpu.memory_space<hbm>>
    %dma_start3A_122 = tpu.memref_squeeze %dma_start3A_121 : memref<1x10000x64xf32, #tpu.memory_space<hbm>> -> memref<10000x64xf32, #tpu.memory_space<hbm>>
    %dma_start3A_123 = arith.constant 0 : i32
    %dma_start3A_124 = arith.constant 0 : i32
    %dma_start3A_125 = tpu.memref_slice %dma_start3A_122[%dma_start3A_123, %dma_start3A_124] : memref<10000x64xf32, #tpu.memory_space<hbm>> -> memref<10000x64xf32, #tpu.memory_space<hbm>>
    tpu.enqueue_indirect_dma source(%dma_start3A_125 : memref<10000x64xf32, #tpu.memory_space<hbm>>) target(%arg11 : memref<128x64xf32, #tpu.memory_space<vmem>>) offsets(%dma_start3A_118 : memref<128xi32, #tpu.memory_space<vmem>>) semaphore(%arg17 : memref<!tpu.dma_semaphore, #tpu.memory_space<semaphore_mem>>)
    %scan3A_126 = arith.constant 0 : i32
    %scan3A_127 = arith.constant 0 : i32
    %scan3A_128 = arith.constant 32 : i32
    %scan3A_129 = arith.addi %scan3A_127, %scan3A_128 : i32
    %scan3A_130 = arith.constant 1 : i32
    scf.for %scan3A_140 = %scan3A_127 to %scan3A_129 step %scan3A_130  : i32 {
      %mul3A_141 = arith.constant 5 : i32
      %mul3A_142 = arith.muli %scan3A_140, %mul3A_141 : i32
      %add3A_143 = arith.constant 0 : i32
      %add3A_144 = arith.addi %mul3A_142, %add3A_143 : i32
      %gt3A = arith.constant 0 : i32
      %gt3A_145 = arith.cmpi sgt, %add3A_144, %gt3A : i32
      %convert_element_type3A = arith.extui %gt3A_145 : i1 to i32
      %cond3A = arith.constant 0 : i32
      %cond3A_146 = arith.cmpi ne, %convert_element_type3A, %cond3A : i32
      scf.if %cond3A_146 {
        %sub3A_306 = arith.constant 1 : i32
        %sub3A_307 = arith.subi %add3A_144, %sub3A_306 : i32
        %dma_wait3A_308 = arith.constant 0 : i32
        %dma_wait3A_309 = tpu.memref_slice %arg7[%sub3A_307, %dma_wait3A_308] : memref<160x128xi32, #tpu.memory_space<vmem>> -> memref<1x128xi32, #tpu.memory_space<vmem>>
        %dma_wait3A_310 = tpu.memref_squeeze %dma_wait3A_309 : memref<1x128xi32, #tpu.memory_space<vmem>> -> memref<128xi32, #tpu.memory_space<vmem>>
        %dma_wait3A_311 = arith.constant 0 : i32
        %dma_wait3A_312 = arith.constant 0 : i32
        %dma_wait3A_313 = tpu.memref_slice %arg13[%dma_wait3A_311, %dma_wait3A_312] : memref<10240x64xf32, #tpu.memory_space<vmem_shared>> -> memref<10240x64xf32, #tpu.memory_space<vmem_shared>>
        tpu.wait_indirect_dma semaphore(%arg23 : memref<!tpu.dma_semaphore, #tpu.memory_space<semaphore_mem>>) src(%arg12 : memref<128x64xf32, #tpu.memory_space<vmem>>) dst(%dma_wait3A_313 : memref<10240x64xf32, #tpu.memory_space<vmem_shared>>)
      } else {
      }
      %add3A_147 = arith.constant 5 : i32
      %add3A_148 = arith.addi %add3A_144, %add3A_147 : i32
      %sub3A = arith.constant 1 : i32
      %sub3A_149 = arith.subi %add3A_148, %sub3A : i32
      %lt3A = arith.constant 160 : i32
      %lt3A_150 = arith.cmpi slt, %sub3A_149, %lt3A : i32
      %convert_element_type3A_151 = arith.extui %lt3A_150 : i1 to i32
      %cond3A_152 = arith.constant 0 : i32
      %cond3A_153 = arith.cmpi ne, %convert_element_type3A_151, %cond3A_152 : i32
      scf.if %cond3A_153 {
        %add3A_306 = arith.constant 5 : i32
        %add3A_307 = arith.addi %add3A_144, %add3A_306 : i32
        %sub3A_308 = arith.constant 1 : i32
        %sub3A_309 = arith.subi %add3A_307, %sub3A_308 : i32
        %dma_start3A_310 = arith.constant 0 : i32
        %dma_start3A_311 = tpu.memref_slice %arg6[%sub3A_309, %dma_start3A_310] : memref<160x128xi32, #tpu.memory_space<vmem>> -> memref<1x128xi32, #tpu.memory_space<vmem>>
        %dma_start3A_312 = tpu.memref_squeeze %dma_start3A_311 : memref<1x128xi32, #tpu.memory_space<vmem>> -> memref<128xi32, #tpu.memory_space<vmem>>
        %dma_start3A_313 = arith.constant 0 : i32
        %dma_start3A_314 = arith.constant 0 : i32
        %dma_start3A_315 = tpu.memref_slice %arg2[%arg0, %dma_start3A_313, %dma_start3A_314] : memref<2x10000x64xf32, #tpu.memory_space<hbm>> -> memref<1x10000x64xf32, #tpu.memory_space<hbm>>
        %dma_start3A_316 = tpu.memref_squeeze %dma_start3A_315 : memref<1x10000x64xf32, #tpu.memory_space<hbm>> -> memref<10000x64xf32, #tpu.memory_space<hbm>>
        %dma_start3A_317 = arith.constant 0 : i32
        %dma_start3A_318 = arith.constant 0 : i32
        %dma_start3A_319 = tpu.memref_slice %dma_start3A_316[%dma_start3A_317, %dma_start3A_318] : memref<10000x64xf32, #tpu.memory_space<hbm>> -> memref<10000x64xf32, #tpu.memory_space<hbm>>
        tpu.enqueue_indirect_dma source(%dma_start3A_319 : memref<10000x64xf32, #tpu.memory_space<hbm>>) target(%arg12 : memref<128x64xf32, #tpu.memory_space<vmem>>) offsets(%dma_start3A_312 : memref<128xi32, #tpu.memory_space<vmem>>) semaphore(%arg18 : memref<!tpu.dma_semaphore, #tpu.memory_space<semaphore_mem>>)
      } else {
      }
      %dma_wait3A_154 = arith.constant 0 : i32
      %dma_wait3A_155 = tpu.memref_slice %arg6[%add3A_144, %dma_wait3A_154] : memref<160x128xi32, #tpu.memory_space<vmem>> -> memref<1x128xi32, #tpu.memory_space<vmem>>
      %dma_wait3A_156 = tpu.memref_squeeze %dma_wait3A_155 : memref<1x128xi32, #tpu.memory_space<vmem>> -> memref<128xi32, #tpu.memory_space<vmem>>
      %dma_wait3A_157 = arith.constant 0 : i32
      %dma_wait3A_158 = arith.constant 0 : i32
      %dma_wait3A_159 = tpu.memref_slice %arg2[%arg0, %dma_wait3A_157, %dma_wait3A_158] : memref<2x10000x64xf32, #tpu.memory_space<hbm>> -> memref<1x10000x64xf32, #tpu.memory_space<hbm>>
      %dma_wait3A_160 = tpu.memref_squeeze %dma_wait3A_159 : memref<1x10000x64xf32, #tpu.memory_space<hbm>> -> memref<10000x64xf32, #tpu.memory_space<hbm>>
      %dma_wait3A_161 = arith.constant 0 : i32
      %dma_wait3A_162 = arith.constant 0 : i32
      %dma_wait3A_163 = tpu.memref_slice %dma_wait3A_160[%dma_wait3A_161, %dma_wait3A_162] : memref<10000x64xf32, #tpu.memory_space<hbm>> -> memref<10000x64xf32, #tpu.memory_space<hbm>>
      tpu.wait_indirect_dma semaphore(%arg14 : memref<!tpu.dma_semaphore, #tpu.memory_space<semaphore_mem>>) src(%dma_wait3A_163 : memref<10000x64xf32, #tpu.memory_space<hbm>>) dst(%arg8 : memref<128x64xf32, #tpu.memory_space<vmem>>)
      %dma_start3A_164 = arith.constant 0 : i32
      %dma_start3A_165 = tpu.memref_slice %arg7[%add3A_144, %dma_start3A_164] : memref<160x128xi32, #tpu.memory_space<vmem>> -> memref<1x128xi32, #tpu.memory_space<vmem>>
      %dma_start3A_166 = tpu.memref_squeeze %dma_start3A_165 : memref<1x128xi32, #tpu.memory_space<vmem>> -> memref<128xi32, #tpu.memory_space<vmem>>
      %dma_start3A_167 = arith.constant 0 : i32
      %dma_start3A_168 = arith.constant 0 : i32
      %dma_start3A_169 = tpu.memref_slice %arg13[%dma_start3A_167, %dma_start3A_168] : memref<10240x64xf32, #tpu.memory_space<vmem_shared>> -> memref<10240x64xf32, #tpu.memory_space<vmem_shared>>
      tpu.enqueue_indirect_dma source(%arg8 : memref<128x64xf32, #tpu.memory_space<vmem>>) target(%dma_start3A_169 : memref<10240x64xf32, #tpu.memory_space<vmem_shared>>) offsets(%dma_start3A_166 : memref<128xi32, #tpu.memory_space<vmem>>) semaphore(%arg19 : memref<!tpu.dma_semaphore, #tpu.memory_space<semaphore_mem>>) {add = true}
      %mul3A_170 = arith.constant 5 : i32
      %mul3A_171 = arith.muli %scan3A_140, %mul3A_170 : i32
      %add3A_172 = arith.constant 1 : i32
      %add3A_173 = arith.addi %mul3A_171, %add3A_172 : i32
      %gt3A_174 = arith.constant 0 : i32
      %gt3A_175 = arith.cmpi sgt, %add3A_173, %gt3A_174 : i32
      %convert_element_type3A_176 = arith.extui %gt3A_175 : i1 to i32
      %cond3A_177 = arith.constant 0 : i32
      %cond3A_178 = arith.cmpi ne, %convert_element_type3A_176, %cond3A_177 : i32
      scf.if %cond3A_178 {
        %sub3A_306 = arith.constant 1 : i32
        %sub3A_307 = arith.subi %add3A_173, %sub3A_306 : i32
        %dma_wait3A_308 = arith.constant 0 : i32
        %dma_wait3A_309 = tpu.memref_slice %arg7[%sub3A_307, %dma_wait3A_308] : memref<160x128xi32, #tpu.memory_space<vmem>> -> memref<1x128xi32, #tpu.memory_space<vmem>>
        %dma_wait3A_310 = tpu.memref_squeeze %dma_wait3A_309 : memref<1x128xi32, #tpu.memory_space<vmem>> -> memref<128xi32, #tpu.memory_space<vmem>>
        %dma_wait3A_311 = arith.constant 0 : i32
        %dma_wait3A_312 = arith.constant 0 : i32
        %dma_wait3A_313 = tpu.memref_slice %arg13[%dma_wait3A_311, %dma_wait3A_312] : memref<10240x64xf32, #tpu.memory_space<vmem_shared>> -> memref<10240x64xf32, #tpu.memory_space<vmem_shared>>
        tpu.wait_indirect_dma semaphore(%arg19 : memref<!tpu.dma_semaphore, #tpu.memory_space<semaphore_mem>>) src(%arg8 : memref<128x64xf32, #tpu.memory_space<vmem>>) dst(%dma_wait3A_313 : memref<10240x64xf32, #tpu.memory_space<vmem_shared>>)
      } else {
      }
      %add3A_179 = arith.constant 5 : i32
      %add3A_180 = arith.addi %add3A_173, %add3A_179 : i32
      %sub3A_181 = arith.constant 1 : i32
      %sub3A_182 = arith.subi %add3A_180, %sub3A_181 : i32
      %lt3A_183 = arith.constant 160 : i32
      %lt3A_184 = arith.cmpi slt, %sub3A_182, %lt3A_183 : i32
      %convert_element_type3A_185 = arith.extui %lt3A_184 : i1 to i32
      %cond3A_186 = arith.constant 0 : i32
      %cond3A_187 = arith.cmpi ne, %convert_element_type3A_185, %cond3A_186 : i32
      scf.if %cond3A_187 {
        %add3A_306 = arith.constant 5 : i32
        %add3A_307 = arith.addi %add3A_173, %add3A_306 : i32
        %sub3A_308 = arith.constant 1 : i32
        %sub3A_309 = arith.subi %add3A_307, %sub3A_308 : i32
        %dma_start3A_310 = arith.constant 0 : i32
        %dma_start3A_311 = tpu.memref_slice %arg6[%sub3A_309, %dma_start3A_310] : memref<160x128xi32, #tpu.memory_space<vmem>> -> memref<1x128xi32, #tpu.memory_space<vmem>>
        %dma_start3A_312 = tpu.memref_squeeze %dma_start3A_311 : memref<1x128xi32, #tpu.memory_space<vmem>> -> memref<128xi32, #tpu.memory_space<vmem>>
        %dma_start3A_313 = arith.constant 0 : i32
        %dma_start3A_314 = arith.constant 0 : i32
        %dma_start3A_315 = tpu.memref_slice %arg2[%arg0, %dma_start3A_313, %dma_start3A_314] : memref<2x10000x64xf32, #tpu.memory_space<hbm>> -> memref<1x10000x64xf32, #tpu.memory_space<hbm>>
        %dma_start3A_316 = tpu.memref_squeeze %dma_start3A_315 : memref<1x10000x64xf32, #tpu.memory_space<hbm>> -> memref<10000x64xf32, #tpu.memory_space<hbm>>
        %dma_start3A_317 = arith.constant 0 : i32
        %dma_start3A_318 = arith.constant 0 : i32
        %dma_start3A_319 = tpu.memref_slice %dma_start3A_316[%dma_start3A_317, %dma_start3A_318] : memref<10000x64xf32, #tpu.memory_space<hbm>> -> memref<10000x64xf32, #tpu.memory_space<hbm>>
        tpu.enqueue_indirect_dma source(%dma_start3A_319 : memref<10000x64xf32, #tpu.memory_space<hbm>>) target(%arg8 : memref<128x64xf32, #tpu.memory_space<vmem>>) offsets(%dma_start3A_312 : memref<128xi32, #tpu.memory_space<vmem>>) semaphore(%arg14 : memref<!tpu.dma_semaphore, #tpu.memory_space<semaphore_mem>>)
      } else {
      }
      %dma_wait3A_188 = arith.constant 0 : i32
      %dma_wait3A_189 = tpu.memref_slice %arg6[%add3A_173, %dma_wait3A_188] : memref<160x128xi32, #tpu.memory_space<vmem>> -> memref<1x128xi32, #tpu.memory_space<vmem>>
      %dma_wait3A_190 = tpu.memref_squeeze %dma_wait3A_189 : memref<1x128xi32, #tpu.memory_space<vmem>> -> memref<128xi32, #tpu.memory_space<vmem>>
      %dma_wait3A_191 = arith.constant 0 : i32
      %dma_wait3A_192 = arith.constant 0 : i32
      %dma_wait3A_193 = tpu.memref_slice %arg2[%arg0, %dma_wait3A_191, %dma_wait3A_192] : memref<2x10000x64xf32, #tpu.memory_space<hbm>> -> memref<1x10000x64xf32, #tpu.memory_space<hbm>>
      %dma_wait3A_194 = tpu.memref_squeeze %dma_wait3A_193 : memref<1x10000x64xf32, #tpu.memory_space<hbm>> -> memref<10000x64xf32, #tpu.memory_space<hbm>>
      %dma_wait3A_195 = arith.constant 0 : i32
      %dma_wait3A_196 = arith.constant 0 : i32
      %dma_wait3A_197 = tpu.memref_slice %dma_wait3A_194[%dma_wait3A_195, %dma_wait3A_196] : memref<10000x64xf32, #tpu.memory_space<hbm>> -> memref<10000x64xf32, #tpu.memory_space<hbm>>
      tpu.wait_indirect_dma semaphore(%arg15 : memref<!tpu.dma_semaphore, #tpu.memory_space<semaphore_mem>>) src(%dma_wait3A_197 : memref<10000x64xf32, #tpu.memory_space<hbm>>) dst(%arg9 : memref<128x64xf32, #tpu.memory_space<vmem>>)
      %dma_start3A_198 = arith.constant 0 : i32
      %dma_start3A_199 = tpu.memref_slice %arg7[%add3A_173, %dma_start3A_198] : memref<160x128xi32, #tpu.memory_space<vmem>> -> memref<1x128xi32, #tpu.memory_space<vmem>>
      %dma_start3A_200 = tpu.memref_squeeze %dma_start3A_199 : memref<1x128xi32, #tpu.memory_space<vmem>> -> memref<128xi32, #tpu.memory_space<vmem>>
      %dma_start3A_201 = arith.constant 0 : i32
      %dma_start3A_202 = arith.constant 0 : i32
      %dma_start3A_203 = tpu.memref_slice %arg13[%dma_start3A_201, %dma_start3A_202] : memref<10240x64xf32, #tpu.memory_space<vmem_shared>> -> memref<10240x64xf32, #tpu.memory_space<vmem_shared>>
      tpu.enqueue_indirect_dma source(%arg9 : memref<128x64xf32, #tpu.memory_space<vmem>>) target(%dma_start3A_203 : memref<10240x64xf32, #tpu.memory_space<vmem_shared>>) offsets(%dma_start3A_200 : memref<128xi32, #tpu.memory_space<vmem>>) semaphore(%arg20 : memref<!tpu.dma_semaphore, #tpu.memory_space<semaphore_mem>>) {add = true}
      %mul3A_204 = arith.constant 5 : i32
      %mul3A_205 = arith.muli %scan3A_140, %mul3A_204 : i32
      %add3A_206 = arith.constant 2 : i32
      %add3A_207 = arith.addi %mul3A_205, %add3A_206 : i32
      %gt3A_208 = arith.constant 0 : i32
      %gt3A_209 = arith.cmpi sgt, %add3A_207, %gt3A_208 : i32
      %convert_element_type3A_210 = arith.extui %gt3A_209 : i1 to i32
      %cond3A_211 = arith.constant 0 : i32
      %cond3A_212 = arith.cmpi ne, %convert_element_type3A_210, %cond3A_211 : i32
      scf.if %cond3A_212 {
        %sub3A_306 = arith.constant 1 : i32
        %sub3A_307 = arith.subi %add3A_207, %sub3A_306 : i32
        %dma_wait3A_308 = arith.constant 0 : i32
        %dma_wait3A_309 = tpu.memref_slice %arg7[%sub3A_307, %dma_wait3A_308] : memref<160x128xi32, #tpu.memory_space<vmem>> -> memref<1x128xi32, #tpu.memory_space<vmem>>
        %dma_wait3A_310 = tpu.memref_squeeze %dma_wait3A_309 : memref<1x128xi32, #tpu.memory_space<vmem>> -> memref<128xi32, #tpu.memory_space<vmem>>
        %dma_wait3A_311 = arith.constant 0 : i32
        %dma_wait3A_312 = arith.constant 0 : i32
        %dma_wait3A_313 = tpu.memref_slice %arg13[%dma_wait3A_311, %dma_wait3A_312] : memref<10240x64xf32, #tpu.memory_space<vmem_shared>> -> memref<10240x64xf32, #tpu.memory_space<vmem_shared>>
        tpu.wait_indirect_dma semaphore(%arg20 : memref<!tpu.dma_semaphore, #tpu.memory_space<semaphore_mem>>) src(%arg9 : memref<128x64xf32, #tpu.memory_space<vmem>>) dst(%dma_wait3A_313 : memref<10240x64xf32, #tpu.memory_space<vmem_shared>>)
      } else {
      }
      %add3A_213 = arith.constant 5 : i32
      %add3A_214 = arith.addi %add3A_207, %add3A_213 : i32
      %sub3A_215 = arith.constant 1 : i32
      %sub3A_216 = arith.subi %add3A_214, %sub3A_215 : i32
      %lt3A_217 = arith.constant 160 : i32
      %lt3A_218 = arith.cmpi slt, %sub3A_216, %lt3A_217 : i32
      %convert_element_type3A_219 = arith.extui %lt3A_218 : i1 to i32
      %cond3A_220 = arith.constant 0 : i32
      %cond3A_221 = arith.cmpi ne, %convert_element_type3A_219, %cond3A_220 : i32
      scf.if %cond3A_221 {
        %add3A_306 = arith.constant 5 : i32
        %add3A_307 = arith.addi %add3A_207, %add3A_306 : i32
        %sub3A_308 = arith.constant 1 : i32
        %sub3A_309 = arith.subi %add3A_307, %sub3A_308 : i32
        %dma_start3A_310 = arith.constant 0 : i32
        %dma_start3A_311 = tpu.memref_slice %arg6[%sub3A_309, %dma_start3A_310] : memref<160x128xi32, #tpu.memory_space<vmem>> -> memref<1x128xi32, #tpu.memory_space<vmem>>
        %dma_start3A_312 = tpu.memref_squeeze %dma_start3A_311 : memref<1x128xi32, #tpu.memory_space<vmem>> -> memref<128xi32, #tpu.memory_space<vmem>>
        %dma_start3A_313 = arith.constant 0 : i32
        %dma_start3A_314 = arith.constant 0 : i32
        %dma_start3A_315 = tpu.memref_slice %arg2[%arg0, %dma_start3A_313, %dma_start3A_314] : memref<2x10000x64xf32, #tpu.memory_space<hbm>> -> memref<1x10000x64xf32, #tpu.memory_space<hbm>>
        %dma_start3A_316 = tpu.memref_squeeze %dma_start3A_315 : memref<1x10000x64xf32, #tpu.memory_space<hbm>> -> memref<10000x64xf32, #tpu.memory_space<hbm>>
        %dma_start3A_317 = arith.constant 0 : i32
        %dma_start3A_318 = arith.constant 0 : i32
        %dma_start3A_319 = tpu.memref_slice %dma_start3A_316[%dma_start3A_317, %dma_start3A_318] : memref<10000x64xf32, #tpu.memory_space<hbm>> -> memref<10000x64xf32, #tpu.memory_space<hbm>>
        tpu.enqueue_indirect_dma source(%dma_start3A_319 : memref<10000x64xf32, #tpu.memory_space<hbm>>) target(%arg9 : memref<128x64xf32, #tpu.memory_space<vmem>>) offsets(%dma_start3A_312 : memref<128xi32, #tpu.memory_space<vmem>>) semaphore(%arg15 : memref<!tpu.dma_semaphore, #tpu.memory_space<semaphore_mem>>)
      } else {
      }
      %dma_wait3A_222 = arith.constant 0 : i32
      %dma_wait3A_223 = tpu.memref_slice %arg6[%add3A_207, %dma_wait3A_222] : memref<160x128xi32, #tpu.memory_space<vmem>> -> memref<1x128xi32, #tpu.memory_space<vmem>>
      %dma_wait3A_224 = tpu.memref_squeeze %dma_wait3A_223 : memref<1x128xi32, #tpu.memory_space<vmem>> -> memref<128xi32, #tpu.memory_space<vmem>>
      %dma_wait3A_225 = arith.constant 0 : i32
      %dma_wait3A_226 = arith.constant 0 : i32
      %dma_wait3A_227 = tpu.memref_slice %arg2[%arg0, %dma_wait3A_225, %dma_wait3A_226] : memref<2x10000x64xf32, #tpu.memory_space<hbm>> -> memref<1x10000x64xf32, #tpu.memory_space<hbm>>
      %dma_wait3A_228 = tpu.memref_squeeze %dma_wait3A_227 : memref<1x10000x64xf32, #tpu.memory_space<hbm>> -> memref<10000x64xf32, #tpu.memory_space<hbm>>
      %dma_wait3A_229 = arith.constant 0 : i32
      %dma_wait3A_230 = arith.constant 0 : i32
      %dma_wait3A_231 = tpu.memref_slice %dma_wait3A_228[%dma_wait3A_229, %dma_wait3A_230] : memref<10000x64xf32, #tpu.memory_space<hbm>> -> memref<10000x64xf32, #tpu.memory_space<hbm>>
      tpu.wait_indirect_dma semaphore(%arg16 : memref<!tpu.dma_semaphore, #tpu.memory_space<semaphore_mem>>) src(%dma_wait3A_231 : memref<10000x64xf32, #tpu.memory_space<hbm>>) dst(%arg10 : memref<128x64xf32, #tpu.memory_space<vmem>>)
      %dma_start3A_232 = arith.constant 0 : i32
      %dma_start3A_233 = tpu.memref_slice %arg7[%add3A_207, %dma_start3A_232] : memref<160x128xi32, #tpu.memory_space<vmem>> -> memref<1x128xi32, #tpu.memory_space<vmem>>
      %dma_start3A_234 = tpu.memref_squeeze %dma_start3A_233 : memref<1x128xi32, #tpu.memory_space<vmem>> -> memref<128xi32, #tpu.memory_space<vmem>>
      %dma_start3A_235 = arith.constant 0 : i32
      %dma_start3A_236 = arith.constant 0 : i32
      %dma_start3A_237 = tpu.memref_slice %arg13[%dma_start3A_235, %dma_start3A_236] : memref<10240x64xf32, #tpu.memory_space<vmem_shared>> -> memref<10240x64xf32, #tpu.memory_space<vmem_shared>>
      tpu.enqueue_indirect_dma source(%arg10 : memref<128x64xf32, #tpu.memory_space<vmem>>) target(%dma_start3A_237 : memref<10240x64xf32, #tpu.memory_space<vmem_shared>>) offsets(%dma_start3A_234 : memref<128xi32, #tpu.memory_space<vmem>>) semaphore(%arg21 : memref<!tpu.dma_semaphore, #tpu.memory_space<semaphore_mem>>) {add = true}
      %mul3A_238 = arith.constant 5 : i32
      %mul3A_239 = arith.muli %scan3A_140, %mul3A_238 : i32
      %add3A_240 = arith.constant 3 : i32
      %add3A_241 = arith.addi %mul3A_239, %add3A_240 : i32
      %gt3A_242 = arith.constant 0 : i32
      %gt3A_243 = arith.cmpi sgt, %add3A_241, %gt3A_242 : i32
      %convert_element_type3A_244 = arith.extui %gt3A_243 : i1 to i32
      %cond3A_245 = arith.constant 0 : i32
      %cond3A_246 = arith.cmpi ne, %convert_element_type3A_244, %cond3A_245 : i32
      scf.if %cond3A_246 {
        %sub3A_306 = arith.constant 1 : i32
        %sub3A_307 = arith.subi %add3A_241, %sub3A_306 : i32
        %dma_wait3A_308 = arith.constant 0 : i32
        %dma_wait3A_309 = tpu.memref_slice %arg7[%sub3A_307, %dma_wait3A_308] : memref<160x128xi32, #tpu.memory_space<vmem>> -> memref<1x128xi32, #tpu.memory_space<vmem>>
        %dma_wait3A_310 = tpu.memref_squeeze %dma_wait3A_309 : memref<1x128xi32, #tpu.memory_space<vmem>> -> memref<128xi32, #tpu.memory_space<vmem>>
        %dma_wait3A_311 = arith.constant 0 : i32
        %dma_wait3A_312 = arith.constant 0 : i32
        %dma_wait3A_313 = tpu.memref_slice %arg13[%dma_wait3A_311, %dma_wait3A_312] : memref<10240x64xf32, #tpu.memory_space<vmem_shared>> -> memref<10240x64xf32, #tpu.memory_space<vmem_shared>>
        tpu.wait_indirect_dma semaphore(%arg21 : memref<!tpu.dma_semaphore, #tpu.memory_space<semaphore_mem>>) src(%arg10 : memref<128x64xf32, #tpu.memory_space<vmem>>) dst(%dma_wait3A_313 : memref<10240x64xf32, #tpu.memory_space<vmem_shared>>)
      } else {
      }
      %add3A_247 = arith.constant 5 : i32
      %add3A_248 = arith.addi %add3A_241, %add3A_247 : i32
      %sub3A_249 = arith.constant 1 : i32
      %sub3A_250 = arith.subi %add3A_248, %sub3A_249 : i32
      %lt3A_251 = arith.constant 160 : i32
      %lt3A_252 = arith.cmpi slt, %sub3A_250, %lt3A_251 : i32
      %convert_element_type3A_253 = arith.extui %lt3A_252 : i1 to i32
      %cond3A_254 = arith.constant 0 : i32
      %cond3A_255 = arith.cmpi ne, %convert_element_type3A_253, %cond3A_254 : i32
      scf.if %cond3A_255 {
        %add3A_306 = arith.constant 5 : i32
        %add3A_307 = arith.addi %add3A_241, %add3A_306 : i32
        %sub3A_308 = arith.constant 1 : i32
        %sub3A_309 = arith.subi %add3A_307, %sub3A_308 : i32
        %dma_start3A_310 = arith.constant 0 : i32
        %dma_start3A_311 = tpu.memref_slice %arg6[%sub3A_309, %dma_start3A_310] : memref<160x128xi32, #tpu.memory_space<vmem>> -> memref<1x128xi32, #tpu.memory_space<vmem>>
        %dma_start3A_312 = tpu.memref_squeeze %dma_start3A_311 : memref<1x128xi32, #tpu.memory_space<vmem>> -> memref<128xi32, #tpu.memory_space<vmem>>
        %dma_start3A_313 = arith.constant 0 : i32
        %dma_start3A_314 = arith.constant 0 : i32
        %dma_start3A_315 = tpu.memref_slice %arg2[%arg0, %dma_start3A_313, %dma_start3A_314] : memref<2x10000x64xf32, #tpu.memory_space<hbm>> -> memref<1x10000x64xf32, #tpu.memory_space<hbm>>
        %dma_start3A_316 = tpu.memref_squeeze %dma_start3A_315 : memref<1x10000x64xf32, #tpu.memory_space<hbm>> -> memref<10000x64xf32, #tpu.memory_space<hbm>>
        %dma_start3A_317 = arith.constant 0 : i32
        %dma_start3A_318 = arith.constant 0 : i32
        %dma_start3A_319 = tpu.memref_slice %dma_start3A_316[%dma_start3A_317, %dma_start3A_318] : memref<10000x64xf32, #tpu.memory_space<hbm>> -> memref<10000x64xf32, #tpu.memory_space<hbm>>
        tpu.enqueue_indirect_dma source(%dma_start3A_319 : memref<10000x64xf32, #tpu.memory_space<hbm>>) target(%arg10 : memref<128x64xf32, #tpu.memory_space<vmem>>) offsets(%dma_start3A_312 : memref<128xi32, #tpu.memory_space<vmem>>) semaphore(%arg16 : memref<!tpu.dma_semaphore, #tpu.memory_space<semaphore_mem>>)
      } else {
      }
      %dma_wait3A_256 = arith.constant 0 : i32
      %dma_wait3A_257 = tpu.memref_slice %arg6[%add3A_241, %dma_wait3A_256] : memref<160x128xi32, #tpu.memory_space<vmem>> -> memref<1x128xi32, #tpu.memory_space<vmem>>
      %dma_wait3A_258 = tpu.memref_squeeze %dma_wait3A_257 : memref<1x128xi32, #tpu.memory_space<vmem>> -> memref<128xi32, #tpu.memory_space<vmem>>
      %dma_wait3A_259 = arith.constant 0 : i32
      %dma_wait3A_260 = arith.constant 0 : i32
      %dma_wait3A_261 = tpu.memref_slice %arg2[%arg0, %dma_wait3A_259, %dma_wait3A_260] : memref<2x10000x64xf32, #tpu.memory_space<hbm>> -> memref<1x10000x64xf32, #tpu.memory_space<hbm>>
      %dma_wait3A_262 = tpu.memref_squeeze %dma_wait3A_261 : memref<1x10000x64xf32, #tpu.memory_space<hbm>> -> memref<10000x64xf32, #tpu.memory_space<hbm>>
      %dma_wait3A_263 = arith.constant 0 : i32
      %dma_wait3A_264 = arith.constant 0 : i32
      %dma_wait3A_265 = tpu.memref_slice %dma_wait3A_262[%dma_wait3A_263, %dma_wait3A_264] : memref<10000x64xf32, #tpu.memory_space<hbm>> -> memref<10000x64xf32, #tpu.memory_space<hbm>>
      tpu.wait_indirect_dma semaphore(%arg17 : memref<!tpu.dma_semaphore, #tpu.memory_space<semaphore_mem>>) src(%dma_wait3A_265 : memref<10000x64xf32, #tpu.memory_space<hbm>>) dst(%arg11 : memref<128x64xf32, #tpu.memory_space<vmem>>)
      %dma_start3A_266 = arith.constant 0 : i32
      %dma_start3A_267 = tpu.memref_slice %arg7[%add3A_241, %dma_start3A_266] : memref<160x128xi32, #tpu.memory_space<vmem>> -> memref<1x128xi32, #tpu.memory_space<vmem>>
      %dma_start3A_268 = tpu.memref_squeeze %dma_start3A_267 : memref<1x128xi32, #tpu.memory_space<vmem>> -> memref<128xi32, #tpu.memory_space<vmem>>
      %dma_start3A_269 = arith.constant 0 : i32
      %dma_start3A_270 = arith.constant 0 : i32
      %dma_start3A_271 = tpu.memref_slice %arg13[%dma_start3A_269, %dma_start3A_270] : memref<10240x64xf32, #tpu.memory_space<vmem_shared>> -> memref<10240x64xf32, #tpu.memory_space<vmem_shared>>
      tpu.enqueue_indirect_dma source(%arg11 : memref<128x64xf32, #tpu.memory_space<vmem>>) target(%dma_start3A_271 : memref<10240x64xf32, #tpu.memory_space<vmem_shared>>) offsets(%dma_start3A_268 : memref<128xi32, #tpu.memory_space<vmem>>) semaphore(%arg22 : memref<!tpu.dma_semaphore, #tpu.memory_space<semaphore_mem>>) {add = true}
      %mul3A_272 = arith.constant 5 : i32
      %mul3A_273 = arith.muli %scan3A_140, %mul3A_272 : i32
      %add3A_274 = arith.constant 4 : i32
      %add3A_275 = arith.addi %mul3A_273, %add3A_274 : i32
      %gt3A_276 = arith.constant 0 : i32
      %gt3A_277 = arith.cmpi sgt, %add3A_275, %gt3A_276 : i32
      %convert_element_type3A_278 = arith.extui %gt3A_277 : i1 to i32
      %cond3A_279 = arith.constant 0 : i32
      %cond3A_280 = arith.cmpi ne, %convert_element_type3A_278, %cond3A_279 : i32
      scf.if %cond3A_280 {
        %sub3A_306 = arith.constant 1 : i32
        %sub3A_307 = arith.subi %add3A_275, %sub3A_306 : i32
        %dma_wait3A_308 = arith.constant 0 : i32
        %dma_wait3A_309 = tpu.memref_slice %arg7[%sub3A_307, %dma_wait3A_308] : memref<160x128xi32, #tpu.memory_space<vmem>> -> memref<1x128xi32, #tpu.memory_space<vmem>>
        %dma_wait3A_310 = tpu.memref_squeeze %dma_wait3A_309 : memref<1x128xi32, #tpu.memory_space<vmem>> -> memref<128xi32, #tpu.memory_space<vmem>>
        %dma_wait3A_311 = arith.constant 0 : i32
        %dma_wait3A_312 = arith.constant 0 : i32
        %dma_wait3A_313 = tpu.memref_slice %arg13[%dma_wait3A_311, %dma_wait3A_312] : memref<10240x64xf32, #tpu.memory_space<vmem_shared>> -> memref<10240x64xf32, #tpu.memory_space<vmem_shared>>
        tpu.wait_indirect_dma semaphore(%arg22 : memref<!tpu.dma_semaphore, #tpu.memory_space<semaphore_mem>>) src(%arg11 : memref<128x64xf32, #tpu.memory_space<vmem>>) dst(%dma_wait3A_313 : memref<10240x64xf32, #tpu.memory_space<vmem_shared>>)
      } else {
      }
      %add3A_281 = arith.constant 5 : i32
      %add3A_282 = arith.addi %add3A_275, %add3A_281 : i32
      %sub3A_283 = arith.constant 1 : i32
      %sub3A_284 = arith.subi %add3A_282, %sub3A_283 : i32
      %lt3A_285 = arith.constant 160 : i32
      %lt3A_286 = arith.cmpi slt, %sub3A_284, %lt3A_285 : i32
      %convert_element_type3A_287 = arith.extui %lt3A_286 : i1 to i32
      %cond3A_288 = arith.constant 0 : i32
      %cond3A_289 = arith.cmpi ne, %convert_element_type3A_287, %cond3A_288 : i32
      scf.if %cond3A_289 {
        %add3A_306 = arith.constant 5 : i32
        %add3A_307 = arith.addi %add3A_275, %add3A_306 : i32
        %sub3A_308 = arith.constant 1 : i32
        %sub3A_309 = arith.subi %add3A_307, %sub3A_308 : i32
        %dma_start3A_310 = arith.constant 0 : i32
        %dma_start3A_311 = tpu.memref_slice %arg6[%sub3A_309, %dma_start3A_310] : memref<160x128xi32, #tpu.memory_space<vmem>> -> memref<1x128xi32, #tpu.memory_space<vmem>>
        %dma_start3A_312 = tpu.memref_squeeze %dma_start3A_311 : memref<1x128xi32, #tpu.memory_space<vmem>> -> memref<128xi32, #tpu.memory_space<vmem>>
        %dma_start3A_313 = arith.constant 0 : i32
        %dma_start3A_314 = arith.constant 0 : i32
        %dma_start3A_315 = tpu.memref_slice %arg2[%arg0, %dma_start3A_313, %dma_start3A_314] : memref<2x10000x64xf32, #tpu.memory_space<hbm>> -> memref<1x10000x64xf32, #tpu.memory_space<hbm>>
        %dma_start3A_316 = tpu.memref_squeeze %dma_start3A_315 : memref<1x10000x64xf32, #tpu.memory_space<hbm>> -> memref<10000x64xf32, #tpu.memory_space<hbm>>
        %dma_start3A_317 = arith.constant 0 : i32
        %dma_start3A_318 = arith.constant 0 : i32
        %dma_start3A_319 = tpu.memref_slice %dma_start3A_316[%dma_start3A_317, %dma_start3A_318] : memref<10000x64xf32, #tpu.memory_space<hbm>> -> memref<10000x64xf32, #tpu.memory_space<hbm>>
        tpu.enqueue_indirect_dma source(%dma_start3A_319 : memref<10000x64xf32, #tpu.memory_space<hbm>>) target(%arg11 : memref<128x64xf32, #tpu.memory_space<vmem>>) offsets(%dma_start3A_312 : memref<128xi32, #tpu.memory_space<vmem>>) semaphore(%arg17 : memref<!tpu.dma_semaphore, #tpu.memory_space<semaphore_mem>>)
      } else {
      }
      %dma_wait3A_290 = arith.constant 0 : i32
      %dma_wait3A_291 = tpu.memref_slice %arg6[%add3A_275, %dma_wait3A_290] : memref<160x128xi32, #tpu.memory_space<vmem>> -> memref<1x128xi32, #tpu.memory_space<vmem>>
      %dma_wait3A_292 = tpu.memref_squeeze %dma_wait3A_291 : memref<1x128xi32, #tpu.memory_space<vmem>> -> memref<128xi32, #tpu.memory_space<vmem>>
      %dma_wait3A_293 = arith.constant 0 : i32
      %dma_wait3A_294 = arith.constant 0 : i32
      %dma_wait3A_295 = tpu.memref_slice %arg2[%arg0, %dma_wait3A_293, %dma_wait3A_294] : memref<2x10000x64xf32, #tpu.memory_space<hbm>> -> memref<1x10000x64xf32, #tpu.memory_space<hbm>>
      %dma_wait3A_296 = tpu.memref_squeeze %dma_wait3A_295 : memref<1x10000x64xf32, #tpu.memory_space<hbm>> -> memref<10000x64xf32, #tpu.memory_space<hbm>>
      %dma_wait3A_297 = arith.constant 0 : i32
      %dma_wait3A_298 = arith.constant 0 : i32
      %dma_wait3A_299 = tpu.memref_slice %dma_wait3A_296[%dma_wait3A_297, %dma_wait3A_298] : memref<10000x64xf32, #tpu.memory_space<hbm>> -> memref<10000x64xf32, #tpu.memory_space<hbm>>
      tpu.wait_indirect_dma semaphore(%arg18 : memref<!tpu.dma_semaphore, #tpu.memory_space<semaphore_mem>>) src(%dma_wait3A_299 : memref<10000x64xf32, #tpu.memory_space<hbm>>) dst(%arg12 : memref<128x64xf32, #tpu.memory_space<vmem>>)
      %dma_start3A_300 = arith.constant 0 : i32
      %dma_start3A_301 = tpu.memref_slice %arg7[%add3A_275, %dma_start3A_300] : memref<160x128xi32, #tpu.memory_space<vmem>> -> memref<1x128xi32, #tpu.memory_space<vmem>>
      %dma_start3A_302 = tpu.memref_squeeze %dma_start3A_301 : memref<1x128xi32, #tpu.memory_space<vmem>> -> memref<128xi32, #tpu.memory_space<vmem>>
      %dma_start3A_303 = arith.constant 0 : i32
      %dma_start3A_304 = arith.constant 0 : i32
      %dma_start3A_305 = tpu.memref_slice %arg13[%dma_start3A_303, %dma_start3A_304] : memref<10240x64xf32, #tpu.memory_space<vmem_shared>> -> memref<10240x64xf32, #tpu.memory_space<vmem_shared>>
      tpu.enqueue_indirect_dma source(%arg12 : memref<128x64xf32, #tpu.memory_space<vmem>>) target(%dma_start3A_305 : memref<10240x64xf32, #tpu.memory_space<vmem_shared>>) offsets(%dma_start3A_302 : memref<128xi32, #tpu.memory_space<vmem>>) semaphore(%arg23 : memref<!tpu.dma_semaphore, #tpu.memory_space<semaphore_mem>>) {add = true}
    }
    %scan3A_131 = arith.constant 32 : i32
    %dma_wait3A_132 = arith.constant 159 : i32
    %dma_wait3A_133 = arith.constant 0 : i32
    %dma_wait3A_134 = tpu.memref_slice %arg7[%dma_wait3A_132, %dma_wait3A_133] : memref<160x128xi32, #tpu.memory_space<vmem>> -> memref<1x128xi32, #tpu.memory_space<vmem>>
    %dma_wait3A_135 = tpu.memref_squeeze %dma_wait3A_134 : memref<1x128xi32, #tpu.memory_space<vmem>> -> memref<128xi32, #tpu.memory_space<vmem>>
    %dma_wait3A_136 = arith.constant 0 : i32
    %dma_wait3A_137 = arith.constant 0 : i32
    %dma_wait3A_138 = tpu.memref_slice %arg13[%dma_wait3A_136, %dma_wait3A_137] : memref<10240x64xf32, #tpu.memory_space<vmem_shared>> -> memref<10240x64xf32, #tpu.memory_space<vmem_shared>>
    tpu.wait_indirect_dma semaphore(%arg23 : memref<!tpu.dma_semaphore, #tpu.memory_space<semaphore_mem>>) src(%arg12 : memref<128x64xf32, #tpu.memory_space<vmem>>) dst(%dma_wait3A_138 : memref<10240x64xf32, #tpu.memory_space<vmem_shared>>)
    %barrier3A_139 = arith.constant 0 : index
    tpu.barrier barrier_id(%barrier3A_139)
    "tpu.region"() ({
      %run_scoped3A = tpu.sem_alloc : memref<!tpu.dma_semaphore, #tpu.memory_space<semaphore_mem>>
      %dma_start3A_140 = arith.constant 0 : i32
      %dma_start3A_141 = tpu.memref_slice %arg5[%arg0, %multiple_of3A_8, %dma_start3A_140] : memref<2x10240x64xf32, #tpu.memory_space<hbm>> -> memref<1x640x64xf32, #tpu.memory_space<hbm>>
      %dma_start3A_142 = tpu.memref_squeeze %dma_start3A_141 : memref<1x640x64xf32, #tpu.memory_space<hbm>> -> memref<640x64xf32, #tpu.memory_space<hbm>>
      %dma_start3A_143 = arith.constant 0 : i32
      %dma_start3A_144 = tpu.memref_slice %arg13[%multiple_of3A_8, %dma_start3A_143] : memref<10240x64xf32, #tpu.memory_space<vmem_shared>> -> memref<640x64xf32, #tpu.memory_space<vmem_shared>>
      tpu.enqueue_dma source(%dma_start3A_144 : memref<640x64xf32, #tpu.memory_space<vmem_shared>>) target(%dma_start3A_142 : memref<640x64xf32, #tpu.memory_space<hbm>>) target_semaphore(%run_scoped3A : memref<!tpu.dma_semaphore, #tpu.memory_space<semaphore_mem>>)
      %dma_wait3A_145 = arith.constant 0 : i32
      %dma_wait3A_146 = tpu.memref_slice %arg5[%arg0, %multiple_of3A_8, %dma_wait3A_145] : memref<2x10240x64xf32, #tpu.memory_space<hbm>> -> memref<1x640x64xf32, #tpu.memory_space<hbm>>
      %dma_wait3A_147 = tpu.memref_squeeze %dma_wait3A_146 : memref<1x640x64xf32, #tpu.memory_space<hbm>> -> memref<640x64xf32, #tpu.memory_space<hbm>>
      %dma_wait3A_148 = arith.constant 0 : i32
      %dma_wait3A_149 = tpu.memref_slice %arg13[%multiple_of3A_8, %dma_wait3A_148] : memref<10240x64xf32, #tpu.memory_space<vmem_shared>> -> memref<640x64xf32, #tpu.memory_space<vmem_shared>>
      tpu.wait_dma2 semaphore(%run_scoped3A : memref<!tpu.dma_semaphore, #tpu.memory_space<semaphore_mem>>) src(%dma_wait3A_149 : memref<640x64xf32, #tpu.memory_space<vmem_shared>>) dst(%dma_wait3A_147 : memref<640x64xf32, #tpu.memory_space<hbm>>)
      tpu.yield
    }) : () -> ()
    return
  }
}

#map = affine_map<(d0, d1) -> (0, 0, 0)>
#map1 = affine_map<(d0, d1) -> (0, 0)>
module attributes {stable_mosaic.version = 14 : i64} {
  func.func @_scatter_body(%arg0: i32, %arg1: i32, %arg2: memref<2x10000x64xf32, #tpu.memory_space<hbm>>, %arg3: memref<2560x128xi32, #tpu.memory_space<hbm>>, %arg4: memref<2560x128xi32, #tpu.memory_space<hbm>>, %arg5: memref<2x10240x64xf32, #tpu.memory_space<hbm>>, %arg6: memref<160x128xi32, #tpu.memory_space<vmem>>, %arg7: memref<160x128xi32, #tpu.memory_space<vmem>>, %arg8: memref<128x64xf32, #tpu.memory_space<vmem>>, %arg9: memref<128x64xf32, #tpu.memory_space<vmem>>, %arg10: memref<128x64xf32, #tpu.memory_space<vmem>>, %arg11: memref<128x64xf32, #tpu.memory_space<vmem>>, %arg12: memref<128x64xf32, #tpu.memory_space<vmem>>, %arg13: memref<10240x64xf32, #tpu.memory_space<vmem_shared>>, %arg14: memref<!tpu.dma_semaphore, #tpu.memory_space<semaphore_mem>>, %arg15: memref<!tpu.dma_semaphore, #tpu.memory_space<semaphore_mem>>, %arg16: memref<!tpu.dma_semaphore, #tpu.memory_space<semaphore_mem>>, %arg17: memref<!tpu.dma_semaphore, #tpu.memory_space<semaphore_mem>>, %arg18: memref<!tpu.dma_semaphore, #tpu.memory_space<semaphore_mem>>, %arg19: memref<!tpu.dma_semaphore, #tpu.memory_space<semaphore_mem>>, %arg20: memref<!tpu.dma_semaphore, #tpu.memory_space<semaphore_mem>>, %arg21: memref<!tpu.dma_semaphore, #tpu.memory_space<semaphore_mem>>, %arg22: memref<!tpu.dma_semaphore, #tpu.memory_space<semaphore_mem>>, %arg23: memref<!tpu.dma_semaphore, #tpu.memory_space<semaphore_mem>>) attributes {dimension_semantics = [#tpu.dimension_semantics<core_parallel>, #tpu.dimension_semantics<subcore_parallel>], iteration_bounds = array<i64: 2, 16>, scalar_prefetch = 0 : i64, scratch_operands = 18 : i64, tpu.core_type = #tpu.core_type<sc_vector_subcore>, window_params = [{transform_indices = #map}, {transform_indices = #map1}, {transform_indices = #map1}, {transform_indices = #map}]} {
    %mul3A = arith.constant 160 : i32
    %mul3A_0 = arith.muli %arg1, %mul3A : i32
    %multiple_of3A = tpu.assume_multiple %mul3A_0, 8 : i32
    %scan3A = arith.constant 0 : i32
    %scan3A_1 = arith.constant 0 : i32
    %scan3A_2 = arith.constant 512 : i32
    %scan3A_3 = arith.addi %scan3A_1, %scan3A_2 : i32
    %scan3A_4 = arith.constant 1 : i32
    scf.for %scan3A_140 = %scan3A_1 to %scan3A_3 step %scan3A_4  : i32 {
      %jit3A = arith.constant 4 : i32
      %div3A = arith.divsi %scan3A_140, %jit3A : i32
      %sign3A = arith.constant 0 : i32
      %sign3A_141 = arith.cmpi sgt, %scan3A_140, %sign3A : i32
      %sign3A_142 = arith.extui %sign3A_141 : i1 to i32
      %sign3A_143 = arith.constant 0 : i32
      %sign3A_144 = arith.cmpi slt, %scan3A_140, %sign3A_143 : i32
      %sign3A_145 = arith.extui %sign3A_144 : i1 to i32
      %sign3A_146 = arith.subi %sign3A_142, %sign3A_145 : i32
      %sign3A_147 = arith.constant 0 : i32
      %sign3A_148 = arith.cmpi sgt, %jit3A, %sign3A_147 : i32
      %sign3A_149 = arith.extui %sign3A_148 : i1 to i32
      %sign3A_150 = arith.constant 0 : i32
      %sign3A_151 = arith.cmpi slt, %jit3A, %sign3A_150 : i32
      %sign3A_152 = arith.extui %sign3A_151 : i1 to i32
      %sign3A_153 = arith.subi %sign3A_149, %sign3A_152 : i32
      %ne3A = arith.cmpi ne, %sign3A_146, %sign3A_153 : i32
      %rem3A = arith.remsi %scan3A_140, %jit3A : i32
      %ne3A_154 = arith.constant 0 : i32
      %ne3A_155 = arith.cmpi ne, %rem3A, %ne3A_154 : i32
      %and3A = arith.andi %ne3A, %ne3A_155 : i1
      %sub3A = arith.constant 1 : i32
      %sub3A_156 = arith.subi %div3A, %sub3A : i32
      %select_n3A = arith.select %and3A, %sub3A_156, %div3A : i32
      %mul3A_157 = arith.constant 4 : i32
      %mul3A_158 = arith.muli %select_n3A, %mul3A_157 : i32
      %sub3A_159 = arith.subi %scan3A_140, %mul3A_158 : i32
      %broadcast_in_dim3A = arith.constant 0.000000e+00 : f32
      %broadcast_in_dim3A_160 = vector.broadcast %broadcast_in_dim3A : f32 to vector<16xf32>
      %mul3A_161 = arith.constant 16 : i32
      %mul3A_162 = arith.muli %sub3A_159, %mul3A_161 : i32
      %swap3A = arith.index_cast %select_n3A : i32 to index
      %swap3A_163 = arith.index_cast %mul3A_162 : i32 to index
      %swap3A_164 = tpu.vector_load %arg8[%swap3A, %swap3A_163] {strides = array<i32>} : memref<128x64xf32, #tpu.memory_space<vmem>>, vector<1x16xf32>,
      %swap3A_165 = vector.shape_cast %swap3A_164 : vector<1x16xf32> to vector<16xf32>
      %swap3A_166 = vector.shape_cast %broadcast_in_dim3A_160 : vector<16xf32> to vector<1x16xf32>
      tpu.vector_store %arg8[%swap3A, %swap3A_163], %swap3A_166 {strides = array<i32>} : memref<128x64xf32, #tpu.memory_space<vmem>>, vector<1x16xf32>,
    }
    %scan3A_5 = arith.constant 512 : i32
    %mul3A_6 = arith.constant 640 : i32
    %mul3A_7 = arith.muli %arg1, %mul3A_6 : i32
    %multiple_of3A_8 = tpu.assume_multiple %mul3A_7, 8 : i32
    %add3A = arith.constant 0 : i32
    %add3A_9 = arith.addi %multiple_of3A_8, %add3A : i32
    %dma_start3A = arith.constant 0 : i32
    %dma_start3A_10 = tpu.memref_slice %arg13[%add3A_9, %dma_start3A] : memref<10240x64xf32, #tpu.memory_space<vmem_shared>> -> memref<128x64xf32, #tpu.memory_space<vmem_shared>>
    %dma_start3A_11 = arith.constant 0 : i32
    %dma_start3A_12 = tpu.memref_slice %arg13[%add3A_9, %dma_start3A_11] : memref<10240x64xf32, #tpu.memory_space<vmem_shared>> -> memref<128x64xf32, #tpu.memory_space<vmem_shared>>
    tpu.enqueue_dma source(%arg8 : memref<128x64xf32, #tpu.memory_space<vmem>>) target(%dma_start3A_12 : memref<128x64xf32, #tpu.memory_space<vmem_shared>>) target_semaphore(%arg19 : memref<!tpu.dma_semaphore, #tpu.memory_space<semaphore_mem>>)
    %add3A_13 = arith.constant 128 : i32
    %add3A_14 = arith.addi %multiple_of3A_8, %add3A_13 : i32
    %dma_start3A_15 = arith.constant 0 : i32
    %dma_start3A_16 = tpu.memref_slice %arg13[%add3A_14, %dma_start3A_15] : memref<10240x64xf32, #tpu.memory_space<vmem_shared>> -> memref<128x64xf32, #tpu.memory_space<vmem_shared>>
    %dma_start3A_17 = arith.constant 0 : i32
    %dma_start3A_18 = tpu.memref_slice %arg13[%add3A_14, %dma_start3A_17] : memref<10240x64xf32, #tpu.memory_space<vmem_shared>> -> memref<128x64xf32, #tpu.memory_space<vmem_shared>>
    tpu.enqueue_dma source(%arg8 : memref<128x64xf32, #tpu.memory_space<vmem>>) target(%dma_start3A_18 : memref<128x64xf32, #tpu.memory_space<vmem_shared>>) target_semaphore(%arg19 : memref<!tpu.dma_semaphore, #tpu.memory_space<semaphore_mem>>)
    %add3A_19 = arith.constant 256 : i32
    %add3A_20 = arith.addi %multiple_of3A_8, %add3A_19 : i32
    %dma_start3A_21 = arith.constant 0 : i32
    %dma_start3A_22 = tpu.memref_slice %arg13[%add3A_20, %dma_start3A_21] : memref<10240x64xf32, #tpu.memory_space<vmem_shared>> -> memref<128x64xf32, #tpu.memory_space<vmem_shared>>
    %dma_start3A_23 = arith.constant 0 : i32
    %dma_start3A_24 = tpu.memref_slice %arg13[%add3A_20, %dma_start3A_23] : memref<10240x64xf32, #tpu.memory_space<vmem_shared>> -> memref<128x64xf32, #tpu.memory_space<vmem_shared>>
    tpu.enqueue_dma source(%arg8 : memref<128x64xf32, #tpu.memory_space<vmem>>) target(%dma_start3A_24 : memref<128x64xf32, #tpu.memory_space<vmem_shared>>) target_semaphore(%arg19 : memref<!tpu.dma_semaphore, #tpu.memory_space<semaphore_mem>>)
    %add3A_25 = arith.constant 384 : i32
    %add3A_26 = arith.addi %multiple_of3A_8, %add3A_25 : i32
    %dma_start3A_27 = arith.constant 0 : i32
    %dma_start3A_28 = tpu.memref_slice %arg13[%add3A_26, %dma_start3A_27] : memref<10240x64xf32, #tpu.memory_space<vmem_shared>> -> memref<128x64xf32, #tpu.memory_space<vmem_shared>>
    %dma_start3A_29 = arith.constant 0 : i32
    %dma_start3A_30 = tpu.memref_slice %arg13[%add3A_26, %dma_start3A_29] : memref<10240x64xf32, #tpu.memory_space<vmem_shared>> -> memref<128x64xf32, #tpu.memory_space<vmem_shared>>
    tpu.enqueue_dma source(%arg8 : memref<128x64xf32, #tpu.memory_space<vmem>>) target(%dma_start3A_30 : memref<128x64xf32, #tpu.memory_space<vmem_shared>>) target_semaphore(%arg19 : memref<!tpu.dma_semaphore, #tpu.memory_space<semaphore_mem>>)
    %add3A_31 = arith.constant 512 : i32
    %add3A_32 = arith.addi %multiple_of3A_8, %add3A_31 : i32
    %dma_start3A_33 = arith.constant 0 : i32
    %dma_start3A_34 = tpu.memref_slice %arg13[%add3A_32, %dma_start3A_33] : memref<10240x64xf32, #tpu.memory_space<vmem_shared>> -> memref<128x64xf32, #tpu.memory_space<vmem_shared>>
    %dma_start3A_35 = arith.constant 0 : i32
    %dma_start3A_36 = tpu.memref_slice %arg13[%add3A_32, %dma_start3A_35] : memref<10240x64xf32, #tpu.memory_space<vmem_shared>> -> memref<128x64xf32, #tpu.memory_space<vmem_shared>>
    tpu.enqueue_dma source(%arg8 : memref<128x64xf32, #tpu.memory_space<vmem>>) target(%dma_start3A_36 : memref<128x64xf32, #tpu.memory_space<vmem_shared>>) target_semaphore(%arg19 : memref<!tpu.dma_semaphore, #tpu.memory_space<semaphore_mem>>)
    %dma_start3A_37 = arith.constant 0 : i32
    %dma_start3A_38 = tpu.memref_slice %arg3[%multiple_of3A, %dma_start3A_37] : memref<2560x128xi32, #tpu.memory_space<hbm>> -> memref<160x128xi32, #tpu.memory_space<hbm>>
    %dma_start3A_39 = arith.constant 0 : i32
    %dma_start3A_40 = tpu.memref_slice %arg3[%multiple_of3A, %dma_start3A_39] : memref<2560x128xi32, #tpu.memory_space<hbm>> -> memref<160x128xi32, #tpu.memory_space<hbm>>
    tpu.enqueue_dma source(%dma_start3A_40 : memref<160x128xi32, #tpu.memory_space<hbm>>) target(%arg6 : memref<160x128xi32, #tpu.memory_space<vmem>>) target_semaphore(%arg14 : memref<!tpu.dma_semaphore, #tpu.memory_space<semaphore_mem>>)
    %dma_start3A_41 = arith.constant 0 : i32
    %dma_start3A_42 = tpu.memref_slice %arg4[%multiple_of3A, %dma_start3A_41] : memref<2560x128xi32, #tpu.memory_space<hbm>> -> memref<160x128xi32, #tpu.memory_space<hbm>>
    %dma_start3A_43 = arith.constant 0 : i32
    %dma_start3A_44 = tpu.memref_slice %arg4[%multiple_of3A, %dma_start3A_43] : memref<2560x128xi32, #tpu.memory_space<hbm>> -> memref<160x128xi32, #tpu.memory_space<hbm>>
    tpu.enqueue_dma source(%dma_start3A_44 : memref<160x128xi32, #tpu.memory_space<hbm>>) target(%arg7 : memref<160x128xi32, #tpu.memory_space<vmem>>) target_semaphore(%arg15 : memref<!tpu.dma_semaphore, #tpu.memory_space<semaphore_mem>>)
    %add3A_45 = arith.constant 0 : i32
    %add3A_46 = arith.addi %multiple_of3A_8, %add3A_45 : i32
    %dma_wait3A = arith.constant 0 : i32
    %dma_wait3A_47 = tpu.memref_slice %arg13[%add3A_46, %dma_wait3A] : memref<10240x64xf32, #tpu.memory_space<vmem_shared>> -> memref<128x64xf32, #tpu.memory_space<vmem_shared>>
    %dma_wait3A_48 = arith.constant 0 : i32
    %dma_wait3A_49 = tpu.memref_slice %arg13[%add3A_46, %dma_wait3A_48] : memref<10240x64xf32, #tpu.memory_space<vmem_shared>> -> memref<128x64xf32, #tpu.memory_space<vmem_shared>>
    tpu.wait_dma2 semaphore(%arg19 : memref<!tpu.dma_semaphore, #tpu.memory_space<semaphore_mem>>) src(%arg8 : memref<128x64xf32, #tpu.memory_space<vmem>>) dst(%dma_wait3A_49 : memref<128x64xf32, #tpu.memory_space<vmem_shared>>)
    %add3A_50 = arith.constant 128 : i32
    %add3A_51 = arith.addi %multiple_of3A_8, %add3A_50 : i32
    %dma_wait3A_52 = arith.constant 0 : i32
    %dma_wait3A_53 = tpu.memref_slice %arg13[%add3A_51, %dma_wait3A_52] : memref<10240x64xf32, #tpu.memory_space<vmem_shared>> -> memref<128x64xf32, #tpu.memory_space<vmem_shared>>
    %dma_wait3A_54 = arith.constant 0 : i32
    %dma_wait3A_55 = tpu.memref_slice %arg13[%add3A_51, %dma_wait3A_54] : memref<10240x64xf32, #tpu.memory_space<vmem_shared>> -> memref<128x64xf32, #tpu.memory_space<vmem_shared>>
    tpu.wait_dma2 semaphore(%arg19 : memref<!tpu.dma_semaphore, #tpu.memory_space<semaphore_mem>>) src(%arg8 : memref<128x64xf32, #tpu.memory_space<vmem>>) dst(%dma_wait3A_55 : memref<128x64xf32, #tpu.memory_space<vmem_shared>>)
    %add3A_56 = arith.constant 256 : i32
    %add3A_57 = arith.addi %multiple_of3A_8, %add3A_56 : i32
    %dma_wait3A_58 = arith.constant 0 : i32
    %dma_wait3A_59 = tpu.memref_slice %arg13[%add3A_57, %dma_wait3A_58] : memref<10240x64xf32, #tpu.memory_space<vmem_shared>> -> memref<128x64xf32, #tpu.memory_space<vmem_shared>>
    %dma_wait3A_60 = arith.constant 0 : i32
    %dma_wait3A_61 = tpu.memref_slice %arg13[%add3A_57, %dma_wait3A_60] : memref<10240x64xf32, #tpu.memory_space<vmem_shared>> -> memref<128x64xf32, #tpu.memory_space<vmem_shared>>
    tpu.wait_dma2 semaphore(%arg19 : memref<!tpu.dma_semaphore, #tpu.memory_space<semaphore_mem>>) src(%arg8 : memref<128x64xf32, #tpu.memory_space<vmem>>) dst(%dma_wait3A_61 : memref<128x64xf32, #tpu.memory_space<vmem_shared>>)
    %add3A_62 = arith.constant 384 : i32
    %add3A_63 = arith.addi %multiple_of3A_8, %add3A_62 : i32
    %dma_wait3A_64 = arith.constant 0 : i32
    %dma_wait3A_65 = tpu.memref_slice %arg13[%add3A_63, %dma_wait3A_64] : memref<10240x64xf32, #tpu.memory_space<vmem_shared>> -> memref<128x64xf32, #tpu.memory_space<vmem_shared>>
    %dma_wait3A_66 = arith.constant 0 : i32
    %dma_wait3A_67 = tpu.memref_slice %arg13[%add3A_63, %dma_wait3A_66] : memref<10240x64xf32, #tpu.memory_space<vmem_shared>> -> memref<128x64xf32, #tpu.memory_space<vmem_shared>>
    tpu.wait_dma2 semaphore(%arg19 : memref<!tpu.dma_semaphore, #tpu.memory_space<semaphore_mem>>) src(%arg8 : memref<128x64xf32, #tpu.memory_space<vmem>>) dst(%dma_wait3A_67 : memref<128x64xf32, #tpu.memory_space<vmem_shared>>)
    %add3A_68 = arith.constant 512 : i32
    %add3A_69 = arith.addi %multiple_of3A_8, %add3A_68 : i32
    %dma_wait3A_70 = arith.constant 0 : i32
    %dma_wait3A_71 = tpu.memref_slice %arg13[%add3A_69, %dma_wait3A_70] : memref<10240x64xf32, #tpu.memory_space<vmem_shared>> -> memref<128x64xf32, #tpu.memory_space<vmem_shared>>
    %dma_wait3A_72 = arith.constant 0 : i32
    %dma_wait3A_73 = tpu.memref_slice %arg13[%add3A_69, %dma_wait3A_72] : memref<10240x64xf32, #tpu.memory_space<vmem_shared>> -> memref<128x64xf32, #tpu.memory_space<vmem_shared>>
    tpu.wait_dma2 semaphore(%arg19 : memref<!tpu.dma_semaphore, #tpu.memory_space<semaphore_mem>>) src(%arg8 : memref<128x64xf32, #tpu.memory_space<vmem>>) dst(%dma_wait3A_73 : memref<128x64xf32, #tpu.memory_space<vmem_shared>>)
    %dma_wait3A_74 = arith.constant 0 : i32
    %dma_wait3A_75 = tpu.memref_slice %arg3[%multiple_of3A, %dma_wait3A_74] : memref<2560x128xi32, #tpu.memory_space<hbm>> -> memref<160x128xi32, #tpu.memory_space<hbm>>
    %dma_wait3A_76 = arith.constant 0 : i32
    %dma_wait3A_77 = tpu.memref_slice %arg3[%multiple_of3A, %dma_wait3A_76] : memref<2560x128xi32, #tpu.memory_space<hbm>> -> memref<160x128xi32, #tpu.memory_space<hbm>>
    tpu.wait_dma2 semaphore(%arg14 : memref<!tpu.dma_semaphore, #tpu.memory_space<semaphore_mem>>) src(%dma_wait3A_77 : memref<160x128xi32, #tpu.memory_space<hbm>>) dst(%arg6 : memref<160x128xi32, #tpu.memory_space<vmem>>)
    %dma_wait3A_78 = arith.constant 0 : i32
    %dma_wait3A_79 = tpu.memref_slice %arg4[%multiple_of3A, %dma_wait3A_78] : memref<2560x128xi32, #tpu.memory_space<hbm>> -> memref<160x128xi32, #tpu.memory_space<hbm>>
    %dma_wait3A_80 = arith.constant 0 : i32
    %dma_wait3A_81 = tpu.memref_slice %arg4[%multiple_of3A, %dma_wait3A_80] : memref<2560x128xi32, #tpu.memory_space<hbm>> -> memref<160x128xi32, #tpu.memory_space<hbm>>
    tpu.wait_dma2 semaphore(%arg15 : memref<!tpu.dma_semaphore, #tpu.memory_space<semaphore_mem>>) src(%dma_wait3A_81 : memref<160x128xi32, #tpu.memory_space<hbm>>) dst(%arg7 : memref<160x128xi32, #tpu.memory_space<vmem>>)
    %barrier3A = arith.constant 0 : index
    tpu.barrier barrier_id(%barrier3A)
    %dma_start3A_82 = arith.constant 0 : i32
    %dma_start3A_83 = arith.constant 0 : i32
    %dma_start3A_84 = tpu.memref_slice %arg6[%dma_start3A_82, %dma_start3A_83] : memref<160x128xi32, #tpu.memory_space<vmem>> -> memref<1x128xi32, #tpu.memory_space<vmem>>
    %dma_start3A_85 = tpu.memref_squeeze %dma_start3A_84 : memref<1x128xi32, #tpu.memory_space<vmem>> -> memref<128xi32, #tpu.memory_space<vmem>>
    %dma_start3A_86 = arith.constant 0 : i32
    %dma_start3A_87 = arith.constant 0 : i32
    %dma_start3A_88 = tpu.memref_slice %arg2[%arg0, %dma_start3A_86, %dma_start3A_87] : memref<2x10000x64xf32, #tpu.memory_space<hbm>> -> memref<1x10000x64xf32, #tpu.memory_space<hbm>>
    %dma_start3A_89 = tpu.memref_squeeze %dma_start3A_88 : memref<1x10000x64xf32, #tpu.memory_space<hbm>> -> memref<10000x64xf32, #tpu.memory_space<hbm>>
    %dma_start3A_90 = arith.constant 0 : i32
    %dma_start3A_91 = arith.constant 0 : i32
    %dma_start3A_92 = tpu.memref_slice %dma_start3A_89[%dma_start3A_90, %dma_start3A_91] : memref<10000x64xf32, #tpu.memory_space<hbm>> -> memref<10000x64xf32, #tpu.memory_space<hbm>>
    tpu.enqueue_indirect_dma source(%dma_start3A_92 : memref<10000x64xf32, #tpu.memory_space<hbm>>) target(%arg8 : memref<128x64xf32, #tpu.memory_space<vmem>>) offsets(%dma_start3A_85 : memref<128xi32, #tpu.memory_space<vmem>>) semaphore(%arg14 : memref<!tpu.dma_semaphore, #tpu.memory_space<semaphore_mem>>)
    %dma_start3A_93 = arith.constant 1 : i32
    %dma_start3A_94 = arith.constant 0 : i32
    %dma_start3A_95 = tpu.memref_slice %arg6[%dma_start3A_93, %dma_start3A_94] : memref<160x128xi32, #tpu.memory_space<vmem>> -> memref<1x128xi32, #tpu.memory_space<vmem>>
    %dma_start3A_96 = tpu.memref_squeeze %dma_start3A_95 : memref<1x128xi32, #tpu.memory_space<vmem>> -> memref<128xi32, #tpu.memory_space<vmem>>
    %dma_start3A_97 = arith.constant 0 : i32
    %dma_start3A_98 = arith.constant 0 : i32
    %dma_start3A_99 = tpu.memref_slice %arg2[%arg0, %dma_start3A_97, %dma_start3A_98] : memref<2x10000x64xf32, #tpu.memory_space<hbm>> -> memref<1x10000x64xf32, #tpu.memory_space<hbm>>
    %dma_start3A_100 = tpu.memref_squeeze %dma_start3A_99 : memref<1x10000x64xf32, #tpu.memory_space<hbm>> -> memref<10000x64xf32, #tpu.memory_space<hbm>>
    %dma_start3A_101 = arith.constant 0 : i32
    %dma_start3A_102 = arith.constant 0 : i32
    %dma_start3A_103 = tpu.memref_slice %dma_start3A_100[%dma_start3A_101, %dma_start3A_102] : memref<10000x64xf32, #tpu.memory_space<hbm>> -> memref<10000x64xf32, #tpu.memory_space<hbm>>
    tpu.enqueue_indirect_dma source(%dma_start3A_103 : memref<10000x64xf32, #tpu.memory_space<hbm>>) target(%arg9 : memref<128x64xf32, #tpu.memory_space<vmem>>) offsets(%dma_start3A_96 : memref<128xi32, #tpu.memory_space<vmem>>) semaphore(%arg15 : memref<!tpu.dma_semaphore, #tpu.memory_space<semaphore_mem>>)
    %dma_start3A_104 = arith.constant 2 : i32
    %dma_start3A_105 = arith.constant 0 : i32
    %dma_start3A_106 = tpu.memref_slice %arg6[%dma_start3A_104, %dma_start3A_105] : memref<160x128xi32, #tpu.memory_space<vmem>> -> memref<1x128xi32, #tpu.memory_space<vmem>>
    %dma_start3A_107 = tpu.memref_squeeze %dma_start3A_106 : memref<1x128xi32, #tpu.memory_space<vmem>> -> memref<128xi32, #tpu.memory_space<vmem>>
    %dma_start3A_108 = arith.constant 0 : i32
    %dma_start3A_109 = arith.constant 0 : i32
    %dma_start3A_110 = tpu.memref_slice %arg2[%arg0, %dma_start3A_108, %dma_start3A_109] : memref<2x10000x64xf32, #tpu.memory_space<hbm>> -> memref<1x10000x64xf32, #tpu.memory_space<hbm>>
    %dma_start3A_111 = tpu.memref_squeeze %dma_start3A_110 : memref<1x10000x64xf32, #tpu.memory_space<hbm>> -> memref<10000x64xf32, #tpu.memory_space<hbm>>
    %dma_start3A_112 = arith.constant 0 : i32
    %dma_start3A_113 = arith.constant 0 : i32
    %dma_start3A_114 = tpu.memref_slice %dma_start3A_111[%dma_start3A_112, %dma_start3A_113] : memref<10000x64xf32, #tpu.memory_space<hbm>> -> memref<10000x64xf32, #tpu.memory_space<hbm>>
    tpu.enqueue_indirect_dma source(%dma_start3A_114 : memref<10000x64xf32, #tpu.memory_space<hbm>>) target(%arg10 : memref<128x64xf32, #tpu.memory_space<vmem>>) offsets(%dma_start3A_107 : memref<128xi32, #tpu.memory_space<vmem>>) semaphore(%arg16 : memref<!tpu.dma_semaphore, #tpu.memory_space<semaphore_mem>>)
    %dma_start3A_115 = arith.constant 3 : i32
    %dma_start3A_116 = arith.constant 0 : i32
    %dma_start3A_117 = tpu.memref_slice %arg6[%dma_start3A_115, %dma_start3A_116] : memref<160x128xi32, #tpu.memory_space<vmem>> -> memref<1x128xi32, #tpu.memory_space<vmem>>
    %dma_start3A_118 = tpu.memref_squeeze %dma_start3A_117 : memref<1x128xi32, #tpu.memory_space<vmem>> -> memref<128xi32, #tpu.memory_space<vmem>>
    %dma_start3A_119 = arith.constant 0 : i32
    %dma_start3A_120 = arith.constant 0 : i32
    %dma_start3A_121 = tpu.memref_slice %arg2[%arg0, %dma_start3A_119, %dma_start3A_120] : memref<2x10000x64xf32, #tpu.memory_space<hbm>> -> memref<1x10000x64xf32, #tpu.memory_space<hbm>>
    %dma_start3A_122 = tpu.memref_squeeze %dma_start3A_121 : memref<1x10000x64xf32, #tpu.memory_space<hbm>> -> memref<10000x64xf32, #tpu.memory_space<hbm>>
    %dma_start3A_123 = arith.constant 0 : i32
    %dma_start3A_124 = arith.constant 0 : i32
    %dma_start3A_125 = tpu.memref_slice %dma_start3A_122[%dma_start3A_123, %dma_start3A_124] : memref<10000x64xf32, #tpu.memory_space<hbm>> -> memref<10000x64xf32, #tpu.memory_space<hbm>>
    tpu.enqueue_indirect_dma source(%dma_start3A_125 : memref<10000x64xf32, #tpu.memory_space<hbm>>) target(%arg11 : memref<128x64xf32, #tpu.memory_space<vmem>>) offsets(%dma_start3A_118 : memref<128xi32, #tpu.memory_space<vmem>>) semaphore(%arg17 : memref<!tpu.dma_semaphore, #tpu.memory_space<semaphore_mem>>)
    %scan3A_126 = arith.constant 0 : i32
    %scan3A_127 = arith.constant 0 : i32
    %scan3A_128 = arith.constant 32 : i32
    %scan3A_129 = arith.addi %scan3A_127, %scan3A_128 : i32
    %scan3A_130 = arith.constant 1 : i32
    scf.for %scan3A_140 = %scan3A_127 to %scan3A_129 step %scan3A_130  : i32 {
      %mul3A_141 = arith.constant 5 : i32
      %mul3A_142 = arith.muli %scan3A_140, %mul3A_141 : i32
      %add3A_143 = arith.constant 0 : i32
      %add3A_144 = arith.addi %mul3A_142, %add3A_143 : i32
      %gt3A = arith.constant 0 : i32
      %gt3A_145 = arith.cmpi sgt, %add3A_144, %gt3A : i32
      %convert_element_type3A = arith.extui %gt3A_145 : i1 to i32
      %cond3A = arith.constant 0 : i32
      %cond3A_146 = arith.cmpi ne, %convert_element_type3A, %cond3A : i32
      scf.if %cond3A_146 {
        %sub3A_306 = arith.constant 1 : i32
        %sub3A_307 = arith.subi %add3A_144, %sub3A_306 : i32
        %dma_wait3A_308 = arith.constant 0 : i32
        %dma_wait3A_309 = tpu.memref_slice %arg7[%sub3A_307, %dma_wait3A_308] : memref<160x128xi32, #tpu.memory_space<vmem>> -> memref<1x128xi32, #tpu.memory_space<vmem>>
        %dma_wait3A_310 = tpu.memref_squeeze %dma_wait3A_309 : memref<1x128xi32, #tpu.memory_space<vmem>> -> memref<128xi32, #tpu.memory_space<vmem>>
        %dma_wait3A_311 = arith.constant 0 : i32
        %dma_wait3A_312 = arith.constant 0 : i32
        %dma_wait3A_313 = tpu.memref_slice %arg13[%dma_wait3A_311, %dma_wait3A_312] : memref<10240x64xf32, #tpu.memory_space<vmem_shared>> -> memref<10240x64xf32, #tpu.memory_space<vmem_shared>>
        tpu.wait_indirect_dma semaphore(%arg23 : memref<!tpu.dma_semaphore, #tpu.memory_space<semaphore_mem>>) src(%arg12 : memref<128x64xf32, #tpu.memory_space<vmem>>) dst(%dma_wait3A_313 : memref<10240x64xf32, #tpu.memory_space<vmem_shared>>)
      } else {
      }
      %add3A_147 = arith.constant 5 : i32
      %add3A_148 = arith.addi %add3A_144, %add3A_147 : i32
      %sub3A = arith.constant 1 : i32
      %sub3A_149 = arith.subi %add3A_148, %sub3A : i32
      %lt3A = arith.constant 160 : i32
      %lt3A_150 = arith.cmpi slt, %sub3A_149, %lt3A : i32
      %convert_element_type3A_151 = arith.extui %lt3A_150 : i1 to i32
      %cond3A_152 = arith.constant 0 : i32
      %cond3A_153 = arith.cmpi ne, %convert_element_type3A_151, %cond3A_152 : i32
      scf.if %cond3A_153 {
        %add3A_306 = arith.constant 5 : i32
        %add3A_307 = arith.addi %add3A_144, %add3A_306 : i32
        %sub3A_308 = arith.constant 1 : i32
        %sub3A_309 = arith.subi %add3A_307, %sub3A_308 : i32
        %dma_start3A_310 = arith.constant 0 : i32
        %dma_start3A_311 = tpu.memref_slice %arg6[%sub3A_309, %dma_start3A_310] : memref<160x128xi32, #tpu.memory_space<vmem>> -> memref<1x128xi32, #tpu.memory_space<vmem>>
        %dma_start3A_312 = tpu.memref_squeeze %dma_start3A_311 : memref<1x128xi32, #tpu.memory_space<vmem>> -> memref<128xi32, #tpu.memory_space<vmem>>
        %dma_start3A_313 = arith.constant 0 : i32
        %dma_start3A_314 = arith.constant 0 : i32
        %dma_start3A_315 = tpu.memref_slice %arg2[%arg0, %dma_start3A_313, %dma_start3A_314] : memref<2x10000x64xf32, #tpu.memory_space<hbm>> -> memref<1x10000x64xf32, #tpu.memory_space<hbm>>
        %dma_start3A_316 = tpu.memref_squeeze %dma_start3A_315 : memref<1x10000x64xf32, #tpu.memory_space<hbm>> -> memref<10000x64xf32, #tpu.memory_space<hbm>>
        %dma_start3A_317 = arith.constant 0 : i32
        %dma_start3A_318 = arith.constant 0 : i32
        %dma_start3A_319 = tpu.memref_slice %dma_start3A_316[%dma_start3A_317, %dma_start3A_318] : memref<10000x64xf32, #tpu.memory_space<hbm>> -> memref<10000x64xf32, #tpu.memory_space<hbm>>
        tpu.enqueue_indirect_dma source(%dma_start3A_319 : memref<10000x64xf32, #tpu.memory_space<hbm>>) target(%arg12 : memref<128x64xf32, #tpu.memory_space<vmem>>) offsets(%dma_start3A_312 : memref<128xi32, #tpu.memory_space<vmem>>) semaphore(%arg18 : memref<!tpu.dma_semaphore, #tpu.memory_space<semaphore_mem>>)
      } else {
      }
      %dma_wait3A_154 = arith.constant 0 : i32
      %dma_wait3A_155 = tpu.memref_slice %arg6[%add3A_144, %dma_wait3A_154] : memref<160x128xi32, #tpu.memory_space<vmem>> -> memref<1x128xi32, #tpu.memory_space<vmem>>
      %dma_wait3A_156 = tpu.memref_squeeze %dma_wait3A_155 : memref<1x128xi32, #tpu.memory_space<vmem>> -> memref<128xi32, #tpu.memory_space<vmem>>
      %dma_wait3A_157 = arith.constant 0 : i32
      %dma_wait3A_158 = arith.constant 0 : i32
      %dma_wait3A_159 = tpu.memref_slice %arg2[%arg0, %dma_wait3A_157, %dma_wait3A_158] : memref<2x10000x64xf32, #tpu.memory_space<hbm>> -> memref<1x10000x64xf32, #tpu.memory_space<hbm>>
      %dma_wait3A_160 = tpu.memref_squeeze %dma_wait3A_159 : memref<1x10000x64xf32, #tpu.memory_space<hbm>> -> memref<10000x64xf32, #tpu.memory_space<hbm>>
      %dma_wait3A_161 = arith.constant 0 : i32
      %dma_wait3A_162 = arith.constant 0 : i32
      %dma_wait3A_163 = tpu.memref_slice %dma_wait3A_160[%dma_wait3A_161, %dma_wait3A_162] : memref<10000x64xf32, #tpu.memory_space<hbm>> -> memref<10000x64xf32, #tpu.memory_space<hbm>>
      tpu.wait_indirect_dma semaphore(%arg14 : memref<!tpu.dma_semaphore, #tpu.memory_space<semaphore_mem>>) src(%dma_wait3A_163 : memref<10000x64xf32, #tpu.memory_space<hbm>>) dst(%arg8 : memref<128x64xf32, #tpu.memory_space<vmem>>)
      %dma_start3A_164 = arith.constant 0 : i32
      %dma_start3A_165 = tpu.memref_slice %arg7[%add3A_144, %dma_start3A_164] : memref<160x128xi32, #tpu.memory_space<vmem>> -> memref<1x128xi32, #tpu.memory_space<vmem>>
      %dma_start3A_166 = tpu.memref_squeeze %dma_start3A_165 : memref<1x128xi32, #tpu.memory_space<vmem>> -> memref<128xi32, #tpu.memory_space<vmem>>
      %dma_start3A_167 = arith.constant 0 : i32
      %dma_start3A_168 = arith.constant 0 : i32
      %dma_start3A_169 = tpu.memref_slice %arg13[%dma_start3A_167, %dma_start3A_168] : memref<10240x64xf32, #tpu.memory_space<vmem_shared>> -> memref<10240x64xf32, #tpu.memory_space<vmem_shared>>
      tpu.enqueue_indirect_dma source(%arg8 : memref<128x64xf32, #tpu.memory_space<vmem>>) target(%dma_start3A_169 : memref<10240x64xf32, #tpu.memory_space<vmem_shared>>) offsets(%dma_start3A_166 : memref<128xi32, #tpu.memory_space<vmem>>) semaphore(%arg19 : memref<!tpu.dma_semaphore, #tpu.memory_space<semaphore_mem>>) {add = true}
      %mul3A_170 = arith.constant 5 : i32
      %mul3A_171 = arith.muli %scan3A_140, %mul3A_170 : i32
      %add3A_172 = arith.constant 1 : i32
      %add3A_173 = arith.addi %mul3A_171, %add3A_172 : i32
      %gt3A_174 = arith.constant 0 : i32
      %gt3A_175 = arith.cmpi sgt, %add3A_173, %gt3A_174 : i32
      %convert_element_type3A_176 = arith.extui %gt3A_175 : i1 to i32
      %cond3A_177 = arith.constant 0 : i32
      %cond3A_178 = arith.cmpi ne, %convert_element_type3A_176, %cond3A_177 : i32
      scf.if %cond3A_178 {
        %sub3A_306 = arith.constant 1 : i32
        %sub3A_307 = arith.subi %add3A_173, %sub3A_306 : i32
        %dma_wait3A_308 = arith.constant 0 : i32
        %dma_wait3A_309 = tpu.memref_slice %arg7[%sub3A_307, %dma_wait3A_308] : memref<160x128xi32, #tpu.memory_space<vmem>> -> memref<1x128xi32, #tpu.memory_space<vmem>>
        %dma_wait3A_310 = tpu.memref_squeeze %dma_wait3A_309 : memref<1x128xi32, #tpu.memory_space<vmem>> -> memref<128xi32, #tpu.memory_space<vmem>>
        %dma_wait3A_311 = arith.constant 0 : i32
        %dma_wait3A_312 = arith.constant 0 : i32
        %dma_wait3A_313 = tpu.memref_slice %arg13[%dma_wait3A_311, %dma_wait3A_312] : memref<10240x64xf32, #tpu.memory_space<vmem_shared>> -> memref<10240x64xf32, #tpu.memory_space<vmem_shared>>
        tpu.wait_indirect_dma semaphore(%arg19 : memref<!tpu.dma_semaphore, #tpu.memory_space<semaphore_mem>>) src(%arg8 : memref<128x64xf32, #tpu.memory_space<vmem>>) dst(%dma_wait3A_313 : memref<10240x64xf32, #tpu.memory_space<vmem_shared>>)
      } else {
      }
      %add3A_179 = arith.constant 5 : i32
      %add3A_180 = arith.addi %add3A_173, %add3A_179 : i32
      %sub3A_181 = arith.constant 1 : i32
      %sub3A_182 = arith.subi %add3A_180, %sub3A_181 : i32
      %lt3A_183 = arith.constant 160 : i32
      %lt3A_184 = arith.cmpi slt, %sub3A_182, %lt3A_183 : i32
      %convert_element_type3A_185 = arith.extui %lt3A_184 : i1 to i32
      %cond3A_186 = arith.constant 0 : i32
      %cond3A_187 = arith.cmpi ne, %convert_element_type3A_185, %cond3A_186 : i32
      scf.if %cond3A_187 {
        %add3A_306 = arith.constant 5 : i32
        %add3A_307 = arith.addi %add3A_173, %add3A_306 : i32
        %sub3A_308 = arith.constant 1 : i32
        %sub3A_309 = arith.subi %add3A_307, %sub3A_308 : i32
        %dma_start3A_310 = arith.constant 0 : i32
        %dma_start3A_311 = tpu.memref_slice %arg6[%sub3A_309, %dma_start3A_310] : memref<160x128xi32, #tpu.memory_space<vmem>> -> memref<1x128xi32, #tpu.memory_space<vmem>>
        %dma_start3A_312 = tpu.memref_squeeze %dma_start3A_311 : memref<1x128xi32, #tpu.memory_space<vmem>> -> memref<128xi32, #tpu.memory_space<vmem>>
        %dma_start3A_313 = arith.constant 0 : i32
        %dma_start3A_314 = arith.constant 0 : i32
        %dma_start3A_315 = tpu.memref_slice %arg2[%arg0, %dma_start3A_313, %dma_start3A_314] : memref<2x10000x64xf32, #tpu.memory_space<hbm>> -> memref<1x10000x64xf32, #tpu.memory_space<hbm>>
        %dma_start3A_316 = tpu.memref_squeeze %dma_start3A_315 : memref<1x10000x64xf32, #tpu.memory_space<hbm>> -> memref<10000x64xf32, #tpu.memory_space<hbm>>
        %dma_start3A_317 = arith.constant 0 : i32
        %dma_start3A_318 = arith.constant 0 : i32
        %dma_start3A_319 = tpu.memref_slice %dma_start3A_316[%dma_start3A_317, %dma_start3A_318] : memref<10000x64xf32, #tpu.memory_space<hbm>> -> memref<10000x64xf32, #tpu.memory_space<hbm>>
        tpu.enqueue_indirect_dma source(%dma_start3A_319 : memref<10000x64xf32, #tpu.memory_space<hbm>>) target(%arg8 : memref<128x64xf32, #tpu.memory_space<vmem>>) offsets(%dma_start3A_312 : memref<128xi32, #tpu.memory_space<vmem>>) semaphore(%arg14 : memref<!tpu.dma_semaphore, #tpu.memory_space<semaphore_mem>>)
      } else {
      }
      %dma_wait3A_188 = arith.constant 0 : i32
      %dma_wait3A_189 = tpu.memref_slice %arg6[%add3A_173, %dma_wait3A_188] : memref<160x128xi32, #tpu.memory_space<vmem>> -> memref<1x128xi32, #tpu.memory_space<vmem>>
      %dma_wait3A_190 = tpu.memref_squeeze %dma_wait3A_189 : memref<1x128xi32, #tpu.memory_space<vmem>> -> memref<128xi32, #tpu.memory_space<vmem>>
      %dma_wait3A_191 = arith.constant 0 : i32
      %dma_wait3A_192 = arith.constant 0 : i32
      %dma_wait3A_193 = tpu.memref_slice %arg2[%arg0, %dma_wait3A_191, %dma_wait3A_192] : memref<2x10000x64xf32, #tpu.memory_space<hbm>> -> memref<1x10000x64xf32, #tpu.memory_space<hbm>>
      %dma_wait3A_194 = tpu.memref_squeeze %dma_wait3A_193 : memref<1x10000x64xf32, #tpu.memory_space<hbm>> -> memref<10000x64xf32, #tpu.memory_space<hbm>>
      %dma_wait3A_195 = arith.constant 0 : i32
      %dma_wait3A_196 = arith.constant 0 : i32
      %dma_wait3A_197 = tpu.memref_slice %dma_wait3A_194[%dma_wait3A_195, %dma_wait3A_196] : memref<10000x64xf32, #tpu.memory_space<hbm>> -> memref<10000x64xf32, #tpu.memory_space<hbm>>
      tpu.wait_indirect_dma semaphore(%arg15 : memref<!tpu.dma_semaphore, #tpu.memory_space<semaphore_mem>>) src(%dma_wait3A_197 : memref<10000x64xf32, #tpu.memory_space<hbm>>) dst(%arg9 : memref<128x64xf32, #tpu.memory_space<vmem>>)
      %dma_start3A_198 = arith.constant 0 : i32
      %dma_start3A_199 = tpu.memref_slice %arg7[%add3A_173, %dma_start3A_198] : memref<160x128xi32, #tpu.memory_space<vmem>> -> memref<1x128xi32, #tpu.memory_space<vmem>>
      %dma_start3A_200 = tpu.memref_squeeze %dma_start3A_199 : memref<1x128xi32, #tpu.memory_space<vmem>> -> memref<128xi32, #tpu.memory_space<vmem>>
      %dma_start3A_201 = arith.constant 0 : i32
      %dma_start3A_202 = arith.constant 0 : i32
      %dma_start3A_203 = tpu.memref_slice %arg13[%dma_start3A_201, %dma_start3A_202] : memref<10240x64xf32, #tpu.memory_space<vmem_shared>> -> memref<10240x64xf32, #tpu.memory_space<vmem_shared>>
      tpu.enqueue_indirect_dma source(%arg9 : memref<128x64xf32, #tpu.memory_space<vmem>>) target(%dma_start3A_203 : memref<10240x64xf32, #tpu.memory_space<vmem_shared>>) offsets(%dma_start3A_200 : memref<128xi32, #tpu.memory_space<vmem>>) semaphore(%arg20 : memref<!tpu.dma_semaphore, #tpu.memory_space<semaphore_mem>>) {add = true}
      %mul3A_204 = arith.constant 5 : i32
      %mul3A_205 = arith.muli %scan3A_140, %mul3A_204 : i32
      %add3A_206 = arith.constant 2 : i32
      %add3A_207 = arith.addi %mul3A_205, %add3A_206 : i32
      %gt3A_208 = arith.constant 0 : i32
      %gt3A_209 = arith.cmpi sgt, %add3A_207, %gt3A_208 : i32
      %convert_element_type3A_210 = arith.extui %gt3A_209 : i1 to i32
      %cond3A_211 = arith.constant 0 : i32
      %cond3A_212 = arith.cmpi ne, %convert_element_type3A_210, %cond3A_211 : i32
      scf.if %cond3A_212 {
        %sub3A_306 = arith.constant 1 : i32
        %sub3A_307 = arith.subi %add3A_207, %sub3A_306 : i32
        %dma_wait3A_308 = arith.constant 0 : i32
        %dma_wait3A_309 = tpu.memref_slice %arg7[%sub3A_307, %dma_wait3A_308] : memref<160x128xi32, #tpu.memory_space<vmem>> -> memref<1x128xi32, #tpu.memory_space<vmem>>
        %dma_wait3A_310 = tpu.memref_squeeze %dma_wait3A_309 : memref<1x128xi32, #tpu.memory_space<vmem>> -> memref<128xi32, #tpu.memory_space<vmem>>
        %dma_wait3A_311 = arith.constant 0 : i32
        %dma_wait3A_312 = arith.constant 0 : i32
        %dma_wait3A_313 = tpu.memref_slice %arg13[%dma_wait3A_311, %dma_wait3A_312] : memref<10240x64xf32, #tpu.memory_space<vmem_shared>> -> memref<10240x64xf32, #tpu.memory_space<vmem_shared>>
        tpu.wait_indirect_dma semaphore(%arg20 : memref<!tpu.dma_semaphore, #tpu.memory_space<semaphore_mem>>) src(%arg9 : memref<128x64xf32, #tpu.memory_space<vmem>>) dst(%dma_wait3A_313 : memref<10240x64xf32, #tpu.memory_space<vmem_shared>>)
      } else {
      }
      %add3A_213 = arith.constant 5 : i32
      %add3A_214 = arith.addi %add3A_207, %add3A_213 : i32
      %sub3A_215 = arith.constant 1 : i32
      %sub3A_216 = arith.subi %add3A_214, %sub3A_215 : i32
      %lt3A_217 = arith.constant 160 : i32
      %lt3A_218 = arith.cmpi slt, %sub3A_216, %lt3A_217 : i32
      %convert_element_type3A_219 = arith.extui %lt3A_218 : i1 to i32
      %cond3A_220 = arith.constant 0 : i32
      %cond3A_221 = arith.cmpi ne, %convert_element_type3A_219, %cond3A_220 : i32
      scf.if %cond3A_221 {
        %add3A_306 = arith.constant 5 : i32
        %add3A_307 = arith.addi %add3A_207, %add3A_306 : i32
        %sub3A_308 = arith.constant 1 : i32
        %sub3A_309 = arith.subi %add3A_307, %sub3A_308 : i32
        %dma_start3A_310 = arith.constant 0 : i32
        %dma_start3A_311 = tpu.memref_slice %arg6[%sub3A_309, %dma_start3A_310] : memref<160x128xi32, #tpu.memory_space<vmem>> -> memref<1x128xi32, #tpu.memory_space<vmem>>
        %dma_start3A_312 = tpu.memref_squeeze %dma_start3A_311 : memref<1x128xi32, #tpu.memory_space<vmem>> -> memref<128xi32, #tpu.memory_space<vmem>>
        %dma_start3A_313 = arith.constant 0 : i32
        %dma_start3A_314 = arith.constant 0 : i32
        %dma_start3A_315 = tpu.memref_slice %arg2[%arg0, %dma_start3A_313, %dma_start3A_314] : memref<2x10000x64xf32, #tpu.memory_space<hbm>> -> memref<1x10000x64xf32, #tpu.memory_space<hbm>>
        %dma_start3A_316 = tpu.memref_squeeze %dma_start3A_315 : memref<1x10000x64xf32, #tpu.memory_space<hbm>> -> memref<10000x64xf32, #tpu.memory_space<hbm>>
        %dma_start3A_317 = arith.constant 0 : i32
        %dma_start3A_318 = arith.constant 0 : i32
        %dma_start3A_319 = tpu.memref_slice %dma_start3A_316[%dma_start3A_317, %dma_start3A_318] : memref<10000x64xf32, #tpu.memory_space<hbm>> -> memref<10000x64xf32, #tpu.memory_space<hbm>>
        tpu.enqueue_indirect_dma source(%dma_start3A_319 : memref<10000x64xf32, #tpu.memory_space<hbm>>) target(%arg9 : memref<128x64xf32, #tpu.memory_space<vmem>>) offsets(%dma_start3A_312 : memref<128xi32, #tpu.memory_space<vmem>>) semaphore(%arg15 : memref<!tpu.dma_semaphore, #tpu.memory_space<semaphore_mem>>)
      } else {
      }
      %dma_wait3A_222 = arith.constant 0 : i32
      %dma_wait3A_223 = tpu.memref_slice %arg6[%add3A_207, %dma_wait3A_222] : memref<160x128xi32, #tpu.memory_space<vmem>> -> memref<1x128xi32, #tpu.memory_space<vmem>>
      %dma_wait3A_224 = tpu.memref_squeeze %dma_wait3A_223 : memref<1x128xi32, #tpu.memory_space<vmem>> -> memref<128xi32, #tpu.memory_space<vmem>>
      %dma_wait3A_225 = arith.constant 0 : i32
      %dma_wait3A_226 = arith.constant 0 : i32
      %dma_wait3A_227 = tpu.memref_slice %arg2[%arg0, %dma_wait3A_225, %dma_wait3A_226] : memref<2x10000x64xf32, #tpu.memory_space<hbm>> -> memref<1x10000x64xf32, #tpu.memory_space<hbm>>
      %dma_wait3A_228 = tpu.memref_squeeze %dma_wait3A_227 : memref<1x10000x64xf32, #tpu.memory_space<hbm>> -> memref<10000x64xf32, #tpu.memory_space<hbm>>
      %dma_wait3A_229 = arith.constant 0 : i32
      %dma_wait3A_230 = arith.constant 0 : i32
      %dma_wait3A_231 = tpu.memref_slice %dma_wait3A_228[%dma_wait3A_229, %dma_wait3A_230] : memref<10000x64xf32, #tpu.memory_space<hbm>> -> memref<10000x64xf32, #tpu.memory_space<hbm>>
      tpu.wait_indirect_dma semaphore(%arg16 : memref<!tpu.dma_semaphore, #tpu.memory_space<semaphore_mem>>) src(%dma_wait3A_231 : memref<10000x64xf32, #tpu.memory_space<hbm>>) dst(%arg10 : memref<128x64xf32, #tpu.memory_space<vmem>>)
      %dma_start3A_232 = arith.constant 0 : i32
      %dma_start3A_233 = tpu.memref_slice %arg7[%add3A_207, %dma_start3A_232] : memref<160x128xi32, #tpu.memory_space<vmem>> -> memref<1x128xi32, #tpu.memory_space<vmem>>
      %dma_start3A_234 = tpu.memref_squeeze %dma_start3A_233 : memref<1x128xi32, #tpu.memory_space<vmem>> -> memref<128xi32, #tpu.memory_space<vmem>>
      %dma_start3A_235 = arith.constant 0 : i32
      %dma_start3A_236 = arith.constant 0 : i32
      %dma_start3A_237 = tpu.memref_slice %arg13[%dma_start3A_235, %dma_start3A_236] : memref<10240x64xf32, #tpu.memory_space<vmem_shared>> -> memref<10240x64xf32, #tpu.memory_space<vmem_shared>>
      tpu.enqueue_indirect_dma source(%arg10 : memref<128x64xf32, #tpu.memory_space<vmem>>) target(%dma_start3A_237 : memref<10240x64xf32, #tpu.memory_space<vmem_shared>>) offsets(%dma_start3A_234 : memref<128xi32, #tpu.memory_space<vmem>>) semaphore(%arg21 : memref<!tpu.dma_semaphore, #tpu.memory_space<semaphore_mem>>) {add = true}
      %mul3A_238 = arith.constant 5 : i32
      %mul3A_239 = arith.muli %scan3A_140, %mul3A_238 : i32
      %add3A_240 = arith.constant 3 : i32
      %add3A_241 = arith.addi %mul3A_239, %add3A_240 : i32
      %gt3A_242 = arith.constant 0 : i32
      %gt3A_243 = arith.cmpi sgt, %add3A_241, %gt3A_242 : i32
      %convert_element_type3A_244 = arith.extui %gt3A_243 : i1 to i32
      %cond3A_245 = arith.constant 0 : i32
      %cond3A_246 = arith.cmpi ne, %convert_element_type3A_244, %cond3A_245 : i32
      scf.if %cond3A_246 {
        %sub3A_306 = arith.constant 1 : i32
        %sub3A_307 = arith.subi %add3A_241, %sub3A_306 : i32
        %dma_wait3A_308 = arith.constant 0 : i32
        %dma_wait3A_309 = tpu.memref_slice %arg7[%sub3A_307, %dma_wait3A_308] : memref<160x128xi32, #tpu.memory_space<vmem>> -> memref<1x128xi32, #tpu.memory_space<vmem>>
        %dma_wait3A_310 = tpu.memref_squeeze %dma_wait3A_309 : memref<1x128xi32, #tpu.memory_space<vmem>> -> memref<128xi32, #tpu.memory_space<vmem>>
        %dma_wait3A_311 = arith.constant 0 : i32
        %dma_wait3A_312 = arith.constant 0 : i32
        %dma_wait3A_313 = tpu.memref_slice %arg13[%dma_wait3A_311, %dma_wait3A_312] : memref<10240x64xf32, #tpu.memory_space<vmem_shared>> -> memref<10240x64xf32, #tpu.memory_space<vmem_shared>>
        tpu.wait_indirect_dma semaphore(%arg21 : memref<!tpu.dma_semaphore, #tpu.memory_space<semaphore_mem>>) src(%arg10 : memref<128x64xf32, #tpu.memory_space<vmem>>) dst(%dma_wait3A_313 : memref<10240x64xf32, #tpu.memory_space<vmem_shared>>)
      } else {
      }
      %add3A_247 = arith.constant 5 : i32
      %add3A_248 = arith.addi %add3A_241, %add3A_247 : i32
      %sub3A_249 = arith.constant 1 : i32
      %sub3A_250 = arith.subi %add3A_248, %sub3A_249 : i32
      %lt3A_251 = arith.constant 160 : i32
      %lt3A_252 = arith.cmpi slt, %sub3A_250, %lt3A_251 : i32
      %convert_element_type3A_253 = arith.extui %lt3A_252 : i1 to i32
      %cond3A_254 = arith.constant 0 : i32
      %cond3A_255 = arith.cmpi ne, %convert_element_type3A_253, %cond3A_254 : i32
      scf.if %cond3A_255 {
        %add3A_306 = arith.constant 5 : i32
        %add3A_307 = arith.addi %add3A_241, %add3A_306 : i32
        %sub3A_308 = arith.constant 1 : i32
        %sub3A_309 = arith.subi %add3A_307, %sub3A_308 : i32
        %dma_start3A_310 = arith.constant 0 : i32
        %dma_start3A_311 = tpu.memref_slice %arg6[%sub3A_309, %dma_start3A_310] : memref<160x128xi32, #tpu.memory_space<vmem>> -> memref<1x128xi32, #tpu.memory_space<vmem>>
        %dma_start3A_312 = tpu.memref_squeeze %dma_start3A_311 : memref<1x128xi32, #tpu.memory_space<vmem>> -> memref<128xi32, #tpu.memory_space<vmem>>
        %dma_start3A_313 = arith.constant 0 : i32
        %dma_start3A_314 = arith.constant 0 : i32
        %dma_start3A_315 = tpu.memref_slice %arg2[%arg0, %dma_start3A_313, %dma_start3A_314] : memref<2x10000x64xf32, #tpu.memory_space<hbm>> -> memref<1x10000x64xf32, #tpu.memory_space<hbm>>
        %dma_start3A_316 = tpu.memref_squeeze %dma_start3A_315 : memref<1x10000x64xf32, #tpu.memory_space<hbm>> -> memref<10000x64xf32, #tpu.memory_space<hbm>>
        %dma_start3A_317 = arith.constant 0 : i32
        %dma_start3A_318 = arith.constant 0 : i32
        %dma_start3A_319 = tpu.memref_slice %dma_start3A_316[%dma_start3A_317, %dma_start3A_318] : memref<10000x64xf32, #tpu.memory_space<hbm>> -> memref<10000x64xf32, #tpu.memory_space<hbm>>
        tpu.enqueue_indirect_dma source(%dma_start3A_319 : memref<10000x64xf32, #tpu.memory_space<hbm>>) target(%arg10 : memref<128x64xf32, #tpu.memory_space<vmem>>) offsets(%dma_start3A_312 : memref<128xi32, #tpu.memory_space<vmem>>) semaphore(%arg16 : memref<!tpu.dma_semaphore, #tpu.memory_space<semaphore_mem>>)
      } else {
      }
      %dma_wait3A_256 = arith.constant 0 : i32
      %dma_wait3A_257 = tpu.memref_slice %arg6[%add3A_241, %dma_wait3A_256] : memref<160x128xi32, #tpu.memory_space<vmem>> -> memref<1x128xi32, #tpu.memory_space<vmem>>
      %dma_wait3A_258 = tpu.memref_squeeze %dma_wait3A_257 : memref<1x128xi32, #tpu.memory_space<vmem>> -> memref<128xi32, #tpu.memory_space<vmem>>
      %dma_wait3A_259 = arith.constant 0 : i32
      %dma_wait3A_260 = arith.constant 0 : i32
      %dma_wait3A_261 = tpu.memref_slice %arg2[%arg0, %dma_wait3A_259, %dma_wait3A_260] : memref<2x10000x64xf32, #tpu.memory_space<hbm>> -> memref<1x10000x64xf32, #tpu.memory_space<hbm>>
      %dma_wait3A_262 = tpu.memref_squeeze %dma_wait3A_261 : memref<1x10000x64xf32, #tpu.memory_space<hbm>> -> memref<10000x64xf32, #tpu.memory_space<hbm>>
      %dma_wait3A_263 = arith.constant 0 : i32
      %dma_wait3A_264 = arith.constant 0 : i32
      %dma_wait3A_265 = tpu.memref_slice %dma_wait3A_262[%dma_wait3A_263, %dma_wait3A_264] : memref<10000x64xf32, #tpu.memory_space<hbm>> -> memref<10000x64xf32, #tpu.memory_space<hbm>>
      tpu.wait_indirect_dma semaphore(%arg17 : memref<!tpu.dma_semaphore, #tpu.memory_space<semaphore_mem>>) src(%dma_wait3A_265 : memref<10000x64xf32, #tpu.memory_space<hbm>>) dst(%arg11 : memref<128x64xf32, #tpu.memory_space<vmem>>)
      %dma_start3A_266 = arith.constant 0 : i32
      %dma_start3A_267 = tpu.memref_slice %arg7[%add3A_241, %dma_start3A_266] : memref<160x128xi32, #tpu.memory_space<vmem>> -> memref<1x128xi32, #tpu.memory_space<vmem>>
      %dma_start3A_268 = tpu.memref_squeeze %dma_start3A_267 : memref<1x128xi32, #tpu.memory_space<vmem>> -> memref<128xi32, #tpu.memory_space<vmem>>
      %dma_start3A_269 = arith.constant 0 : i32
      %dma_start3A_270 = arith.constant 0 : i32
      %dma_start3A_271 = tpu.memref_slice %arg13[%dma_start3A_269, %dma_start3A_270] : memref<10240x64xf32, #tpu.memory_space<vmem_shared>> -> memref<10240x64xf32, #tpu.memory_space<vmem_shared>>
      tpu.enqueue_indirect_dma source(%arg11 : memref<128x64xf32, #tpu.memory_space<vmem>>) target(%dma_start3A_271 : memref<10240x64xf32, #tpu.memory_space<vmem_shared>>) offsets(%dma_start3A_268 : memref<128xi32, #tpu.memory_space<vmem>>) semaphore(%arg22 : memref<!tpu.dma_semaphore, #tpu.memory_space<semaphore_mem>>) {add = true}
      %mul3A_272 = arith.constant 5 : i32
      %mul3A_273 = arith.muli %scan3A_140, %mul3A_272 : i32
      %add3A_274 = arith.constant 4 : i32
      %add3A_275 = arith.addi %mul3A_273, %add3A_274 : i32
      %gt3A_276 = arith.constant 0 : i32
      %gt3A_277 = arith.cmpi sgt, %add3A_275, %gt3A_276 : i32
      %convert_element_type3A_278 = arith.extui %gt3A_277 : i1 to i32
      %cond3A_279 = arith.constant 0 : i32
      %cond3A_280 = arith.cmpi ne, %convert_element_type3A_278, %cond3A_279 : i32
      scf.if %cond3A_280 {
        %sub3A_306 = arith.constant 1 : i32
        %sub3A_307 = arith.subi %add3A_275, %sub3A_306 : i32
        %dma_wait3A_308 = arith.constant 0 : i32
        %dma_wait3A_309 = tpu.memref_slice %arg7[%sub3A_307, %dma_wait3A_308] : memref<160x128xi32, #tpu.memory_space<vmem>> -> memref<1x128xi32, #tpu.memory_space<vmem>>
        %dma_wait3A_310 = tpu.memref_squeeze %dma_wait3A_309 : memref<1x128xi32, #tpu.memory_space<vmem>> -> memref<128xi32, #tpu.memory_space<vmem>>
        %dma_wait3A_311 = arith.constant 0 : i32
        %dma_wait3A_312 = arith.constant 0 : i32
        %dma_wait3A_313 = tpu.memref_slice %arg13[%dma_wait3A_311, %dma_wait3A_312] : memref<10240x64xf32, #tpu.memory_space<vmem_shared>> -> memref<10240x64xf32, #tpu.memory_space<vmem_shared>>
        tpu.wait_indirect_dma semaphore(%arg22 : memref<!tpu.dma_semaphore, #tpu.memory_space<semaphore_mem>>) src(%arg11 : memref<128x64xf32, #tpu.memory_space<vmem>>) dst(%dma_wait3A_313 : memref<10240x64xf32, #tpu.memory_space<vmem_shared>>)
      } else {
      }
      %add3A_281 = arith.constant 5 : i32
      %add3A_282 = arith.addi %add3A_275, %add3A_281 : i32
      %sub3A_283 = arith.constant 1 : i32
      %sub3A_284 = arith.subi %add3A_282, %sub3A_283 : i32
      %lt3A_285 = arith.constant 160 : i32
      %lt3A_286 = arith.cmpi slt, %sub3A_284, %lt3A_285 : i32
      %convert_element_type3A_287 = arith.extui %lt3A_286 : i1 to i32
      %cond3A_288 = arith.constant 0 : i32
      %cond3A_289 = arith.cmpi ne, %convert_element_type3A_287, %cond3A_288 : i32
      scf.if %cond3A_289 {
        %add3A_306 = arith.constant 5 : i32
        %add3A_307 = arith.addi %add3A_275, %add3A_306 : i32
        %sub3A_308 = arith.constant 1 : i32
        %sub3A_309 = arith.subi %add3A_307, %sub3A_308 : i32
        %dma_start3A_310 = arith.constant 0 : i32
        %dma_start3A_311 = tpu.memref_slice %arg6[%sub3A_309, %dma_start3A_310] : memref<160x128xi32, #tpu.memory_space<vmem>> -> memref<1x128xi32, #tpu.memory_space<vmem>>
        %dma_start3A_312 = tpu.memref_squeeze %dma_start3A_311 : memref<1x128xi32, #tpu.memory_space<vmem>> -> memref<128xi32, #tpu.memory_space<vmem>>
        %dma_start3A_313 = arith.constant 0 : i32
        %dma_start3A_314 = arith.constant 0 : i32
        %dma_start3A_315 = tpu.memref_slice %arg2[%arg0, %dma_start3A_313, %dma_start3A_314] : memref<2x10000x64xf32, #tpu.memory_space<hbm>> -> memref<1x10000x64xf32, #tpu.memory_space<hbm>>
        %dma_start3A_316 = tpu.memref_squeeze %dma_start3A_315 : memref<1x10000x64xf32, #tpu.memory_space<hbm>> -> memref<10000x64xf32, #tpu.memory_space<hbm>>
        %dma_start3A_317 = arith.constant 0 : i32
        %dma_start3A_318 = arith.constant 0 : i32
        %dma_start3A_319 = tpu.memref_slice %dma_start3A_316[%dma_start3A_317, %dma_start3A_318] : memref<10000x64xf32, #tpu.memory_space<hbm>> -> memref<10000x64xf32, #tpu.memory_space<hbm>>
        tpu.enqueue_indirect_dma source(%dma_start3A_319 : memref<10000x64xf32, #tpu.memory_space<hbm>>) target(%arg11 : memref<128x64xf32, #tpu.memory_space<vmem>>) offsets(%dma_start3A_312 : memref<128xi32, #tpu.memory_space<vmem>>) semaphore(%arg17 : memref<!tpu.dma_semaphore, #tpu.memory_space<semaphore_mem>>)
      } else {
      }
      %dma_wait3A_290 = arith.constant 0 : i32
      %dma_wait3A_291 = tpu.memref_slice %arg6[%add3A_275, %dma_wait3A_290] : memref<160x128xi32, #tpu.memory_space<vmem>> -> memref<1x128xi32, #tpu.memory_space<vmem>>
      %dma_wait3A_292 = tpu.memref_squeeze %dma_wait3A_291 : memref<1x128xi32, #tpu.memory_space<vmem>> -> memref<128xi32, #tpu.memory_space<vmem>>
      %dma_wait3A_293 = arith.constant 0 : i32
      %dma_wait3A_294 = arith.constant 0 : i32
      %dma_wait3A_295 = tpu.memref_slice %arg2[%arg0, %dma_wait3A_293, %dma_wait3A_294] : memref<2x10000x64xf32, #tpu.memory_space<hbm>> -> memref<1x10000x64xf32, #tpu.memory_space<hbm>>
      %dma_wait3A_296 = tpu.memref_squeeze %dma_wait3A_295 : memref<1x10000x64xf32, #tpu.memory_space<hbm>> -> memref<10000x64xf32, #tpu.memory_space<hbm>>
      %dma_wait3A_297 = arith.constant 0 : i32
      %dma_wait3A_298 = arith.constant 0 : i32
      %dma_wait3A_299 = tpu.memref_slice %dma_wait3A_296[%dma_wait3A_297, %dma_wait3A_298] : memref<10000x64xf32, #tpu.memory_space<hbm>> -> memref<10000x64xf32, #tpu.memory_space<hbm>>
      tpu.wait_indirect_dma semaphore(%arg18 : memref<!tpu.dma_semaphore, #tpu.memory_space<semaphore_mem>>) src(%dma_wait3A_299 : memref<10000x64xf32, #tpu.memory_space<hbm>>) dst(%arg12 : memref<128x64xf32, #tpu.memory_space<vmem>>)
      %dma_start3A_300 = arith.constant 0 : i32
      %dma_start3A_301 = tpu.memref_slice %arg7[%add3A_275, %dma_start3A_300] : memref<160x128xi32, #tpu.memory_space<vmem>> -> memref<1x128xi32, #tpu.memory_space<vmem>>
      %dma_start3A_302 = tpu.memref_squeeze %dma_start3A_301 : memref<1x128xi32, #tpu.memory_space<vmem>> -> memref<128xi32, #tpu.memory_space<vmem>>
      %dma_start3A_303 = arith.constant 0 : i32
      %dma_start3A_304 = arith.constant 0 : i32
      %dma_start3A_305 = tpu.memref_slice %arg13[%dma_start3A_303, %dma_start3A_304] : memref<10240x64xf32, #tpu.memory_space<vmem_shared>> -> memref<10240x64xf32, #tpu.memory_space<vmem_shared>>
      tpu.enqueue_indirect_dma source(%arg12 : memref<128x64xf32, #tpu.memory_space<vmem>>) target(%dma_start3A_305 : memref<10240x64xf32, #tpu.memory_space<vmem_shared>>) offsets(%dma_start3A_302 : memref<128xi32, #tpu.memory_space<vmem>>) semaphore(%arg23 : memref<!tpu.dma_semaphore, #tpu.memory_space<semaphore_mem>>) {add = true}
    }
    %scan3A_131 = arith.constant 32 : i32
    %dma_wait3A_132 = arith.constant 159 : i32
    %dma_wait3A_133 = arith.constant 0 : i32
    %dma_wait3A_134 = tpu.memref_slice %arg7[%dma_wait3A_132, %dma_wait3A_133] : memref<160x128xi32, #tpu.memory_space<vmem>> -> memref<1x128xi32, #tpu.memory_space<vmem>>
    %dma_wait3A_135 = tpu.memref_squeeze %dma_wait3A_134 : memref<1x128xi32, #tpu.memory_space<vmem>> -> memref<128xi32, #tpu.memory_space<vmem>>
    %dma_wait3A_136 = arith.constant 0 : i32
    %dma_wait3A_137 = arith.constant 0 : i32
    %dma_wait3A_138 = tpu.memref_slice %arg13[%dma_wait3A_136, %dma_wait3A_137] : memref<10240x64xf32, #tpu.memory_space<vmem_shared>> -> memref<10240x64xf32, #tpu.memory_space<vmem_shared>>
    tpu.wait_indirect_dma semaphore(%arg23 : memref<!tpu.dma_semaphore, #tpu.memory_space<semaphore_mem>>) src(%arg12 : memref<128x64xf32, #tpu.memory_space<vmem>>) dst(%dma_wait3A_138 : memref<10240x64xf32, #tpu.memory_space<vmem_shared>>)
    %barrier3A_139 = arith.constant 0 : index
    tpu.barrier barrier_id(%barrier3A_139)
    "tpu.region"() ({
      %run_scoped3A = tpu.sem_alloc : memref<!tpu.dma_semaphore, #tpu.memory_space<semaphore_mem>>
      %dma_start3A_140 = arith.constant 0 : i32
      %dma_start3A_141 = tpu.memref_slice %arg5[%arg0, %multiple_of3A_8, %dma_start3A_140] : memref<2x10240x64xf32, #tpu.memory_space<hbm>> -> memref<1x640x64xf32, #tpu.memory_space<hbm>>
      %dma_start3A_142 = tpu.memref_squeeze %dma_start3A_141 : memref<1x640x64xf32, #tpu.memory_space<hbm>> -> memref<640x64xf32, #tpu.memory_space<hbm>>
      %dma_start3A_143 = arith.constant 0 : i32
      %dma_start3A_144 = tpu.memref_slice %arg13[%multiple_of3A_8, %dma_start3A_143] : memref<10240x64xf32, #tpu.memory_space<vmem_shared>> -> memref<640x64xf32, #tpu.memory_space<vmem_shared>>
      tpu.enqueue_dma source(%dma_start3A_144 : memref<640x64xf32, #tpu.memory_space<vmem_shared>>) target(%dma_start3A_142 : memref<640x64xf32, #tpu.memory_space<hbm>>) target_semaphore(%run_scoped3A : memref<!tpu.dma_semaphore, #tpu.memory_space<semaphore_mem>>)
      %dma_wait3A_145 = arith.constant 0 : i32
      %dma_wait3A_146 = tpu.memref_slice %arg5[%arg0, %multiple_of3A_8, %dma_wait3A_145] : memref<2x10240x64xf32, #tpu.memory_space<hbm>> -> memref<1x640x64xf32, #tpu.memory_space<hbm>>
      %dma_wait3A_147 = tpu.memref_squeeze %dma_wait3A_146 : memref<1x640x64xf32, #tpu.memory_space<hbm>> -> memref<640x64xf32, #tpu.memory_space<hbm>>
      %dma_wait3A_148 = arith.constant 0 : i32
      %dma_wait3A_149 = tpu.memref_slice %arg13[%multiple_of3A_8, %dma_wait3A_148] : memref<10240x64xf32, #tpu.memory_space<vmem_shared>> -> memref<640x64xf32, #tpu.memory_space<vmem_shared>>
      tpu.wait_dma2 semaphore(%run_scoped3A : memref<!tpu.dma_semaphore, #tpu.memory_space<semaphore_mem>>) src(%dma_wait3A_149 : memref<640x64xf32, #tpu.memory_space<vmem_shared>>) dst(%dma_wait3A_147 : memref<640x64xf32, #tpu.memory_space<hbm>>)
      tpu.yield
    }) : () -> ()
    return
  }
}

#map = affine_map<(d0, d1) -> (0, 0, 0)>
#map1 = affine_map<(d0, d1) -> (0, 0)>
module attributes {stable_mosaic.version = 14 : i64} {
  func.func @_scatter_body(%arg0: i32, %arg1: i32, %arg2: memref<2x10000x64xf32, #tpu.memory_space<hbm>>, %arg3: memref<2560x128xi32, #tpu.memory_space<hbm>>, %arg4: memref<2560x128xi32, #tpu.memory_space<hbm>>, %arg5: memref<2x10240x64xf32, #tpu.memory_space<hbm>>, %arg6: memref<160x128xi32, #tpu.memory_space<vmem>>, %arg7: memref<160x128xi32, #tpu.memory_space<vmem>>, %arg8: memref<128x64xf32, #tpu.memory_space<vmem>>, %arg9: memref<128x64xf32, #tpu.memory_space<vmem>>, %arg10: memref<128x64xf32, #tpu.memory_space<vmem>>, %arg11: memref<128x64xf32, #tpu.memory_space<vmem>>, %arg12: memref<128x64xf32, #tpu.memory_space<vmem>>, %arg13: memref<10240x64xf32, #tpu.memory_space<vmem_shared>>, %arg14: memref<!tpu.dma_semaphore, #tpu.memory_space<semaphore_mem>>, %arg15: memref<!tpu.dma_semaphore, #tpu.memory_space<semaphore_mem>>, %arg16: memref<!tpu.dma_semaphore, #tpu.memory_space<semaphore_mem>>, %arg17: memref<!tpu.dma_semaphore, #tpu.memory_space<semaphore_mem>>, %arg18: memref<!tpu.dma_semaphore, #tpu.memory_space<semaphore_mem>>, %arg19: memref<!tpu.dma_semaphore, #tpu.memory_space<semaphore_mem>>, %arg20: memref<!tpu.dma_semaphore, #tpu.memory_space<semaphore_mem>>, %arg21: memref<!tpu.dma_semaphore, #tpu.memory_space<semaphore_mem>>, %arg22: memref<!tpu.dma_semaphore, #tpu.memory_space<semaphore_mem>>, %arg23: memref<!tpu.dma_semaphore, #tpu.memory_space<semaphore_mem>>) attributes {dimension_semantics = [#tpu.dimension_semantics<core_parallel>, #tpu.dimension_semantics<subcore_parallel>], iteration_bounds = array<i64: 2, 16>, scalar_prefetch = 0 : i64, scratch_operands = 18 : i64, tpu.core_type = #tpu.core_type<sc_vector_subcore>, window_params = [{transform_indices = #map}, {transform_indices = #map1}, {transform_indices = #map1}, {transform_indices = #map}]} {
    %mul3A = arith.constant 160 : i32
    %mul3A_0 = arith.muli %arg1, %mul3A : i32
    %multiple_of3A = tpu.assume_multiple %mul3A_0, 8 : i32
    %scan3A = arith.constant 0 : i32
    %scan3A_1 = arith.constant 0 : i32
    %scan3A_2 = arith.constant 512 : i32
    %scan3A_3 = arith.addi %scan3A_1, %scan3A_2 : i32
    %scan3A_4 = arith.constant 1 : i32
    scf.for %scan3A_140 = %scan3A_1 to %scan3A_3 step %scan3A_4  : i32 {
      %jit3A = arith.constant 4 : i32
      %div3A = arith.divsi %scan3A_140, %jit3A : i32
      %sign3A = arith.constant 0 : i32
      %sign3A_141 = arith.cmpi sgt, %scan3A_140, %sign3A : i32
      %sign3A_142 = arith.extui %sign3A_141 : i1 to i32
      %sign3A_143 = arith.constant 0 : i32
      %sign3A_144 = arith.cmpi slt, %scan3A_140, %sign3A_143 : i32
      %sign3A_145 = arith.extui %sign3A_144 : i1 to i32
      %sign3A_146 = arith.subi %sign3A_142, %sign3A_145 : i32
      %sign3A_147 = arith.constant 0 : i32
      %sign3A_148 = arith.cmpi sgt, %jit3A, %sign3A_147 : i32
      %sign3A_149 = arith.extui %sign3A_148 : i1 to i32
      %sign3A_150 = arith.constant 0 : i32
      %sign3A_151 = arith.cmpi slt, %jit3A, %sign3A_150 : i32
      %sign3A_152 = arith.extui %sign3A_151 : i1 to i32
      %sign3A_153 = arith.subi %sign3A_149, %sign3A_152 : i32
      %ne3A = arith.cmpi ne, %sign3A_146, %sign3A_153 : i32
      %rem3A = arith.remsi %scan3A_140, %jit3A : i32
      %ne3A_154 = arith.constant 0 : i32
      %ne3A_155 = arith.cmpi ne, %rem3A, %ne3A_154 : i32
      %and3A = arith.andi %ne3A, %ne3A_155 : i1
      %sub3A = arith.constant 1 : i32
      %sub3A_156 = arith.subi %div3A, %sub3A : i32
      %select_n3A = arith.select %and3A, %sub3A_156, %div3A : i32
      %mul3A_157 = arith.constant 4 : i32
      %mul3A_158 = arith.muli %select_n3A, %mul3A_157 : i32
      %sub3A_159 = arith.subi %scan3A_140, %mul3A_158 : i32
      %broadcast_in_dim3A = arith.constant 0.000000e+00 : f32
      %broadcast_in_dim3A_160 = vector.broadcast %broadcast_in_dim3A : f32 to vector<16xf32>
      %mul3A_161 = arith.constant 16 : i32
      %mul3A_162 = arith.muli %sub3A_159, %mul3A_161 : i32
      %swap3A = arith.index_cast %select_n3A : i32 to index
      %swap3A_163 = arith.index_cast %mul3A_162 : i32 to index
      %swap3A_164 = tpu.vector_load %arg8[%swap3A, %swap3A_163] {strides = array<i32>} : memref<128x64xf32, #tpu.memory_space<vmem>>, vector<1x16xf32>,
      %swap3A_165 = vector.shape_cast %swap3A_164 : vector<1x16xf32> to vector<16xf32>
      %swap3A_166 = vector.shape_cast %broadcast_in_dim3A_160 : vector<16xf32> to vector<1x16xf32>
      tpu.vector_store %arg8[%swap3A, %swap3A_163], %swap3A_166 {strides = array<i32>} : memref<128x64xf32, #tpu.memory_space<vmem>>, vector<1x16xf32>,
    }
    %scan3A_5 = arith.constant 512 : i32
    %mul3A_6 = arith.constant 640 : i32
    %mul3A_7 = arith.muli %arg1, %mul3A_6 : i32
    %multiple_of3A_8 = tpu.assume_multiple %mul3A_7, 8 : i32
    %add3A = arith.constant 0 : i32
    %add3A_9 = arith.addi %multiple_of3A_8, %add3A : i32
    %dma_start3A = arith.constant 0 : i32
    %dma_start3A_10 = tpu.memref_slice %arg13[%add3A_9, %dma_start3A] : memref<10240x64xf32, #tpu.memory_space<vmem_shared>> -> memref<128x64xf32, #tpu.memory_space<vmem_shared>>
    %dma_start3A_11 = arith.constant 0 : i32
    %dma_start3A_12 = tpu.memref_slice %arg13[%add3A_9, %dma_start3A_11] : memref<10240x64xf32, #tpu.memory_space<vmem_shared>> -> memref<128x64xf32, #tpu.memory_space<vmem_shared>>
    tpu.enqueue_dma source(%arg8 : memref<128x64xf32, #tpu.memory_space<vmem>>) target(%dma_start3A_12 : memref<128x64xf32, #tpu.memory_space<vmem_shared>>) target_semaphore(%arg19 : memref<!tpu.dma_semaphore, #tpu.memory_space<semaphore_mem>>)
    %add3A_13 = arith.constant 128 : i32
    %add3A_14 = arith.addi %multiple_of3A_8, %add3A_13 : i32
    %dma_start3A_15 = arith.constant 0 : i32
    %dma_start3A_16 = tpu.memref_slice %arg13[%add3A_14, %dma_start3A_15] : memref<10240x64xf32, #tpu.memory_space<vmem_shared>> -> memref<128x64xf32, #tpu.memory_space<vmem_shared>>
    %dma_start3A_17 = arith.constant 0 : i32
    %dma_start3A_18 = tpu.memref_slice %arg13[%add3A_14, %dma_start3A_17] : memref<10240x64xf32, #tpu.memory_space<vmem_shared>> -> memref<128x64xf32, #tpu.memory_space<vmem_shared>>
    tpu.enqueue_dma source(%arg8 : memref<128x64xf32, #tpu.memory_space<vmem>>) target(%dma_start3A_18 : memref<128x64xf32, #tpu.memory_space<vmem_shared>>) target_semaphore(%arg19 : memref<!tpu.dma_semaphore, #tpu.memory_space<semaphore_mem>>)
    %add3A_19 = arith.constant 256 : i32
    %add3A_20 = arith.addi %multiple_of3A_8, %add3A_19 : i32
    %dma_start3A_21 = arith.constant 0 : i32
    %dma_start3A_22 = tpu.memref_slice %arg13[%add3A_20, %dma_start3A_21] : memref<10240x64xf32, #tpu.memory_space<vmem_shared>> -> memref<128x64xf32, #tpu.memory_space<vmem_shared>>
    %dma_start3A_23 = arith.constant 0 : i32
    %dma_start3A_24 = tpu.memref_slice %arg13[%add3A_20, %dma_start3A_23] : memref<10240x64xf32, #tpu.memory_space<vmem_shared>> -> memref<128x64xf32, #tpu.memory_space<vmem_shared>>
    tpu.enqueue_dma source(%arg8 : memref<128x64xf32, #tpu.memory_space<vmem>>) target(%dma_start3A_24 : memref<128x64xf32, #tpu.memory_space<vmem_shared>>) target_semaphore(%arg19 : memref<!tpu.dma_semaphore, #tpu.memory_space<semaphore_mem>>)
    %add3A_25 = arith.constant 384 : i32
    %add3A_26 = arith.addi %multiple_of3A_8, %add3A_25 : i32
    %dma_start3A_27 = arith.constant 0 : i32
    %dma_start3A_28 = tpu.memref_slice %arg13[%add3A_26, %dma_start3A_27] : memref<10240x64xf32, #tpu.memory_space<vmem_shared>> -> memref<128x64xf32, #tpu.memory_space<vmem_shared>>
    %dma_start3A_29 = arith.constant 0 : i32
    %dma_start3A_30 = tpu.memref_slice %arg13[%add3A_26, %dma_start3A_29] : memref<10240x64xf32, #tpu.memory_space<vmem_shared>> -> memref<128x64xf32, #tpu.memory_space<vmem_shared>>
    tpu.enqueue_dma source(%arg8 : memref<128x64xf32, #tpu.memory_space<vmem>>) target(%dma_start3A_30 : memref<128x64xf32, #tpu.memory_space<vmem_shared>>) target_semaphore(%arg19 : memref<!tpu.dma_semaphore, #tpu.memory_space<semaphore_mem>>)
    %add3A_31 = arith.constant 512 : i32
    %add3A_32 = arith.addi %multiple_of3A_8, %add3A_31 : i32
    %dma_start3A_33 = arith.constant 0 : i32
    %dma_start3A_34 = tpu.memref_slice %arg13[%add3A_32, %dma_start3A_33] : memref<10240x64xf32, #tpu.memory_space<vmem_shared>> -> memref<128x64xf32, #tpu.memory_space<vmem_shared>>
    %dma_start3A_35 = arith.constant 0 : i32
    %dma_start3A_36 = tpu.memref_slice %arg13[%add3A_32, %dma_start3A_35] : memref<10240x64xf32, #tpu.memory_space<vmem_shared>> -> memref<128x64xf32, #tpu.memory_space<vmem_shared>>
    tpu.enqueue_dma source(%arg8 : memref<128x64xf32, #tpu.memory_space<vmem>>) target(%dma_start3A_36 : memref<128x64xf32, #tpu.memory_space<vmem_shared>>) target_semaphore(%arg19 : memref<!tpu.dma_semaphore, #tpu.memory_space<semaphore_mem>>)
    %dma_start3A_37 = arith.constant 0 : i32
    %dma_start3A_38 = tpu.memref_slice %arg3[%multiple_of3A, %dma_start3A_37] : memref<2560x128xi32, #tpu.memory_space<hbm>> -> memref<160x128xi32, #tpu.memory_space<hbm>>
    %dma_start3A_39 = arith.constant 0 : i32
    %dma_start3A_40 = tpu.memref_slice %arg3[%multiple_of3A, %dma_start3A_39] : memref<2560x128xi32, #tpu.memory_space<hbm>> -> memref<160x128xi32, #tpu.memory_space<hbm>>
    tpu.enqueue_dma source(%dma_start3A_40 : memref<160x128xi32, #tpu.memory_space<hbm>>) target(%arg6 : memref<160x128xi32, #tpu.memory_space<vmem>>) target_semaphore(%arg14 : memref<!tpu.dma_semaphore, #tpu.memory_space<semaphore_mem>>)
    %dma_start3A_41 = arith.constant 0 : i32
    %dma_start3A_42 = tpu.memref_slice %arg4[%multiple_of3A, %dma_start3A_41] : memref<2560x128xi32, #tpu.memory_space<hbm>> -> memref<160x128xi32, #tpu.memory_space<hbm>>
    %dma_start3A_43 = arith.constant 0 : i32
    %dma_start3A_44 = tpu.memref_slice %arg4[%multiple_of3A, %dma_start3A_43] : memref<2560x128xi32, #tpu.memory_space<hbm>> -> memref<160x128xi32, #tpu.memory_space<hbm>>
    tpu.enqueue_dma source(%dma_start3A_44 : memref<160x128xi32, #tpu.memory_space<hbm>>) target(%arg7 : memref<160x128xi32, #tpu.memory_space<vmem>>) target_semaphore(%arg15 : memref<!tpu.dma_semaphore, #tpu.memory_space<semaphore_mem>>)
    %add3A_45 = arith.constant 0 : i32
    %add3A_46 = arith.addi %multiple_of3A_8, %add3A_45 : i32
    %dma_wait3A = arith.constant 0 : i32
    %dma_wait3A_47 = tpu.memref_slice %arg13[%add3A_46, %dma_wait3A] : memref<10240x64xf32, #tpu.memory_space<vmem_shared>> -> memref<128x64xf32, #tpu.memory_space<vmem_shared>>
    %dma_wait3A_48 = arith.constant 0 : i32
    %dma_wait3A_49 = tpu.memref_slice %arg13[%add3A_46, %dma_wait3A_48] : memref<10240x64xf32, #tpu.memory_space<vmem_shared>> -> memref<128x64xf32, #tpu.memory_space<vmem_shared>>
    tpu.wait_dma2 semaphore(%arg19 : memref<!tpu.dma_semaphore, #tpu.memory_space<semaphore_mem>>) src(%arg8 : memref<128x64xf32, #tpu.memory_space<vmem>>) dst(%dma_wait3A_49 : memref<128x64xf32, #tpu.memory_space<vmem_shared>>)
    %add3A_50 = arith.constant 128 : i32
    %add3A_51 = arith.addi %multiple_of3A_8, %add3A_50 : i32
    %dma_wait3A_52 = arith.constant 0 : i32
    %dma_wait3A_53 = tpu.memref_slice %arg13[%add3A_51, %dma_wait3A_52] : memref<10240x64xf32, #tpu.memory_space<vmem_shared>> -> memref<128x64xf32, #tpu.memory_space<vmem_shared>>
    %dma_wait3A_54 = arith.constant 0 : i32
    %dma_wait3A_55 = tpu.memref_slice %arg13[%add3A_51, %dma_wait3A_54] : memref<10240x64xf32, #tpu.memory_space<vmem_shared>> -> memref<128x64xf32, #tpu.memory_space<vmem_shared>>
    tpu.wait_dma2 semaphore(%arg19 : memref<!tpu.dma_semaphore, #tpu.memory_space<semaphore_mem>>) src(%arg8 : memref<128x64xf32, #tpu.memory_space<vmem>>) dst(%dma_wait3A_55 : memref<128x64xf32, #tpu.memory_space<vmem_shared>>)
    %add3A_56 = arith.constant 256 : i32
    %add3A_57 = arith.addi %multiple_of3A_8, %add3A_56 : i32
    %dma_wait3A_58 = arith.constant 0 : i32
    %dma_wait3A_59 = tpu.memref_slice %arg13[%add3A_57, %dma_wait3A_58] : memref<10240x64xf32, #tpu.memory_space<vmem_shared>> -> memref<128x64xf32, #tpu.memory_space<vmem_shared>>
    %dma_wait3A_60 = arith.constant 0 : i32
    %dma_wait3A_61 = tpu.memref_slice %arg13[%add3A_57, %dma_wait3A_60] : memref<10240x64xf32, #tpu.memory_space<vmem_shared>> -> memref<128x64xf32, #tpu.memory_space<vmem_shared>>
    tpu.wait_dma2 semaphore(%arg19 : memref<!tpu.dma_semaphore, #tpu.memory_space<semaphore_mem>>) src(%arg8 : memref<128x64xf32, #tpu.memory_space<vmem>>) dst(%dma_wait3A_61 : memref<128x64xf32, #tpu.memory_space<vmem_shared>>)
    %add3A_62 = arith.constant 384 : i32
    %add3A_63 = arith.addi %multiple_of3A_8, %add3A_62 : i32
    %dma_wait3A_64 = arith.constant 0 : i32
    %dma_wait3A_65 = tpu.memref_slice %arg13[%add3A_63, %dma_wait3A_64] : memref<10240x64xf32, #tpu.memory_space<vmem_shared>> -> memref<128x64xf32, #tpu.memory_space<vmem_shared>>
    %dma_wait3A_66 = arith.constant 0 : i32
    %dma_wait3A_67 = tpu.memref_slice %arg13[%add3A_63, %dma_wait3A_66] : memref<10240x64xf32, #tpu.memory_space<vmem_shared>> -> memref<128x64xf32, #tpu.memory_space<vmem_shared>>
    tpu.wait_dma2 semaphore(%arg19 : memref<!tpu.dma_semaphore, #tpu.memory_space<semaphore_mem>>) src(%arg8 : memref<128x64xf32, #tpu.memory_space<vmem>>) dst(%dma_wait3A_67 : memref<128x64xf32, #tpu.memory_space<vmem_shared>>)
    %add3A_68 = arith.constant 512 : i32
    %add3A_69 = arith.addi %multiple_of3A_8, %add3A_68 : i32
    %dma_wait3A_70 = arith.constant 0 : i32
    %dma_wait3A_71 = tpu.memref_slice %arg13[%add3A_69, %dma_wait3A_70] : memref<10240x64xf32, #tpu.memory_space<vmem_shared>> -> memref<128x64xf32, #tpu.memory_space<vmem_shared>>
    %dma_wait3A_72 = arith.constant 0 : i32
    %dma_wait3A_73 = tpu.memref_slice %arg13[%add3A_69, %dma_wait3A_72] : memref<10240x64xf32, #tpu.memory_space<vmem_shared>> -> memref<128x64xf32, #tpu.memory_space<vmem_shared>>
    tpu.wait_dma2 semaphore(%arg19 : memref<!tpu.dma_semaphore, #tpu.memory_space<semaphore_mem>>) src(%arg8 : memref<128x64xf32, #tpu.memory_space<vmem>>) dst(%dma_wait3A_73 : memref<128x64xf32, #tpu.memory_space<vmem_shared>>)
    %dma_wait3A_74 = arith.constant 0 : i32
    %dma_wait3A_75 = tpu.memref_slice %arg3[%multiple_of3A, %dma_wait3A_74] : memref<2560x128xi32, #tpu.memory_space<hbm>> -> memref<160x128xi32, #tpu.memory_space<hbm>>
    %dma_wait3A_76 = arith.constant 0 : i32
    %dma_wait3A_77 = tpu.memref_slice %arg3[%multiple_of3A, %dma_wait3A_76] : memref<2560x128xi32, #tpu.memory_space<hbm>> -> memref<160x128xi32, #tpu.memory_space<hbm>>
    tpu.wait_dma2 semaphore(%arg14 : memref<!tpu.dma_semaphore, #tpu.memory_space<semaphore_mem>>) src(%dma_wait3A_77 : memref<160x128xi32, #tpu.memory_space<hbm>>) dst(%arg6 : memref<160x128xi32, #tpu.memory_space<vmem>>)
    %dma_wait3A_78 = arith.constant 0 : i32
    %dma_wait3A_79 = tpu.memref_slice %arg4[%multiple_of3A, %dma_wait3A_78] : memref<2560x128xi32, #tpu.memory_space<hbm>> -> memref<160x128xi32, #tpu.memory_space<hbm>>
    %dma_wait3A_80 = arith.constant 0 : i32
    %dma_wait3A_81 = tpu.memref_slice %arg4[%multiple_of3A, %dma_wait3A_80] : memref<2560x128xi32, #tpu.memory_space<hbm>> -> memref<160x128xi32, #tpu.memory_space<hbm>>
    tpu.wait_dma2 semaphore(%arg15 : memref<!tpu.dma_semaphore, #tpu.memory_space<semaphore_mem>>) src(%dma_wait3A_81 : memref<160x128xi32, #tpu.memory_space<hbm>>) dst(%arg7 : memref<160x128xi32, #tpu.memory_space<vmem>>)
    %barrier3A = arith.constant 0 : index
    tpu.barrier barrier_id(%barrier3A)
    %dma_start3A_82 = arith.constant 0 : i32
    %dma_start3A_83 = arith.constant 0 : i32
    %dma_start3A_84 = tpu.memref_slice %arg6[%dma_start3A_82, %dma_start3A_83] : memref<160x128xi32, #tpu.memory_space<vmem>> -> memref<1x128xi32, #tpu.memory_space<vmem>>
    %dma_start3A_85 = tpu.memref_squeeze %dma_start3A_84 : memref<1x128xi32, #tpu.memory_space<vmem>> -> memref<128xi32, #tpu.memory_space<vmem>>
    %dma_start3A_86 = arith.constant 0 : i32
    %dma_start3A_87 = arith.constant 0 : i32
    %dma_start3A_88 = tpu.memref_slice %arg2[%arg0, %dma_start3A_86, %dma_start3A_87] : memref<2x10000x64xf32, #tpu.memory_space<hbm>> -> memref<1x10000x64xf32, #tpu.memory_space<hbm>>
    %dma_start3A_89 = tpu.memref_squeeze %dma_start3A_88 : memref<1x10000x64xf32, #tpu.memory_space<hbm>> -> memref<10000x64xf32, #tpu.memory_space<hbm>>
    %dma_start3A_90 = arith.constant 0 : i32
    %dma_start3A_91 = arith.constant 0 : i32
    %dma_start3A_92 = tpu.memref_slice %dma_start3A_89[%dma_start3A_90, %dma_start3A_91] : memref<10000x64xf32, #tpu.memory_space<hbm>> -> memref<10000x64xf32, #tpu.memory_space<hbm>>
    tpu.enqueue_indirect_dma source(%dma_start3A_92 : memref<10000x64xf32, #tpu.memory_space<hbm>>) target(%arg8 : memref<128x64xf32, #tpu.memory_space<vmem>>) offsets(%dma_start3A_85 : memref<128xi32, #tpu.memory_space<vmem>>) semaphore(%arg14 : memref<!tpu.dma_semaphore, #tpu.memory_space<semaphore_mem>>)
    %dma_start3A_93 = arith.constant 1 : i32
    %dma_start3A_94 = arith.constant 0 : i32
    %dma_start3A_95 = tpu.memref_slice %arg6[%dma_start3A_93, %dma_start3A_94] : memref<160x128xi32, #tpu.memory_space<vmem>> -> memref<1x128xi32, #tpu.memory_space<vmem>>
    %dma_start3A_96 = tpu.memref_squeeze %dma_start3A_95 : memref<1x128xi32, #tpu.memory_space<vmem>> -> memref<128xi32, #tpu.memory_space<vmem>>
    %dma_start3A_97 = arith.constant 0 : i32
    %dma_start3A_98 = arith.constant 0 : i32
    %dma_start3A_99 = tpu.memref_slice %arg2[%arg0, %dma_start3A_97, %dma_start3A_98] : memref<2x10000x64xf32, #tpu.memory_space<hbm>> -> memref<1x10000x64xf32, #tpu.memory_space<hbm>>
    %dma_start3A_100 = tpu.memref_squeeze %dma_start3A_99 : memref<1x10000x64xf32, #tpu.memory_space<hbm>> -> memref<10000x64xf32, #tpu.memory_space<hbm>>
    %dma_start3A_101 = arith.constant 0 : i32
    %dma_start3A_102 = arith.constant 0 : i32
    %dma_start3A_103 = tpu.memref_slice %dma_start3A_100[%dma_start3A_101, %dma_start3A_102] : memref<10000x64xf32, #tpu.memory_space<hbm>> -> memref<10000x64xf32, #tpu.memory_space<hbm>>
    tpu.enqueue_indirect_dma source(%dma_start3A_103 : memref<10000x64xf32, #tpu.memory_space<hbm>>) target(%arg9 : memref<128x64xf32, #tpu.memory_space<vmem>>) offsets(%dma_start3A_96 : memref<128xi32, #tpu.memory_space<vmem>>) semaphore(%arg15 : memref<!tpu.dma_semaphore, #tpu.memory_space<semaphore_mem>>)
    %dma_start3A_104 = arith.constant 2 : i32
    %dma_start3A_105 = arith.constant 0 : i32
    %dma_start3A_106 = tpu.memref_slice %arg6[%dma_start3A_104, %dma_start3A_105] : memref<160x128xi32, #tpu.memory_space<vmem>> -> memref<1x128xi32, #tpu.memory_space<vmem>>
    %dma_start3A_107 = tpu.memref_squeeze %dma_start3A_106 : memref<1x128xi32, #tpu.memory_space<vmem>> -> memref<128xi32, #tpu.memory_space<vmem>>
    %dma_start3A_108 = arith.constant 0 : i32
    %dma_start3A_109 = arith.constant 0 : i32
    %dma_start3A_110 = tpu.memref_slice %arg2[%arg0, %dma_start3A_108, %dma_start3A_109] : memref<2x10000x64xf32, #tpu.memory_space<hbm>> -> memref<1x10000x64xf32, #tpu.memory_space<hbm>>
    %dma_start3A_111 = tpu.memref_squeeze %dma_start3A_110 : memref<1x10000x64xf32, #tpu.memory_space<hbm>> -> memref<10000x64xf32, #tpu.memory_space<hbm>>
    %dma_start3A_112 = arith.constant 0 : i32
    %dma_start3A_113 = arith.constant 0 : i32
    %dma_start3A_114 = tpu.memref_slice %dma_start3A_111[%dma_start3A_112, %dma_start3A_113] : memref<10000x64xf32, #tpu.memory_space<hbm>> -> memref<10000x64xf32, #tpu.memory_space<hbm>>
    tpu.enqueue_indirect_dma source(%dma_start3A_114 : memref<10000x64xf32, #tpu.memory_space<hbm>>) target(%arg10 : memref<128x64xf32, #tpu.memory_space<vmem>>) offsets(%dma_start3A_107 : memref<128xi32, #tpu.memory_space<vmem>>) semaphore(%arg16 : memref<!tpu.dma_semaphore, #tpu.memory_space<semaphore_mem>>)
    %dma_start3A_115 = arith.constant 3 : i32
    %dma_start3A_116 = arith.constant 0 : i32
    %dma_start3A_117 = tpu.memref_slice %arg6[%dma_start3A_115, %dma_start3A_116] : memref<160x128xi32, #tpu.memory_space<vmem>> -> memref<1x128xi32, #tpu.memory_space<vmem>>
    %dma_start3A_118 = tpu.memref_squeeze %dma_start3A_117 : memref<1x128xi32, #tpu.memory_space<vmem>> -> memref<128xi32, #tpu.memory_space<vmem>>
    %dma_start3A_119 = arith.constant 0 : i32
    %dma_start3A_120 = arith.constant 0 : i32
    %dma_start3A_121 = tpu.memref_slice %arg2[%arg0, %dma_start3A_119, %dma_start3A_120] : memref<2x10000x64xf32, #tpu.memory_space<hbm>> -> memref<1x10000x64xf32, #tpu.memory_space<hbm>>
    %dma_start3A_122 = tpu.memref_squeeze %dma_start3A_121 : memref<1x10000x64xf32, #tpu.memory_space<hbm>> -> memref<10000x64xf32, #tpu.memory_space<hbm>>
    %dma_start3A_123 = arith.constant 0 : i32
    %dma_start3A_124 = arith.constant 0 : i32
    %dma_start3A_125 = tpu.memref_slice %dma_start3A_122[%dma_start3A_123, %dma_start3A_124] : memref<10000x64xf32, #tpu.memory_space<hbm>> -> memref<10000x64xf32, #tpu.memory_space<hbm>>
    tpu.enqueue_indirect_dma source(%dma_start3A_125 : memref<10000x64xf32, #tpu.memory_space<hbm>>) target(%arg11 : memref<128x64xf32, #tpu.memory_space<vmem>>) offsets(%dma_start3A_118 : memref<128xi32, #tpu.memory_space<vmem>>) semaphore(%arg17 : memref<!tpu.dma_semaphore, #tpu.memory_space<semaphore_mem>>)
    %scan3A_126 = arith.constant 0 : i32
    %scan3A_127 = arith.constant 0 : i32
    %scan3A_128 = arith.constant 32 : i32
    %scan3A_129 = arith.addi %scan3A_127, %scan3A_128 : i32
    %scan3A_130 = arith.constant 1 : i32
    scf.for %scan3A_140 = %scan3A_127 to %scan3A_129 step %scan3A_130  : i32 {
      %mul3A_141 = arith.constant 5 : i32
      %mul3A_142 = arith.muli %scan3A_140, %mul3A_141 : i32
      %add3A_143 = arith.constant 0 : i32
      %add3A_144 = arith.addi %mul3A_142, %add3A_143 : i32
      %gt3A = arith.constant 0 : i32
      %gt3A_145 = arith.cmpi sgt, %add3A_144, %gt3A : i32
      %convert_element_type3A = arith.extui %gt3A_145 : i1 to i32
      %cond3A = arith.constant 0 : i32
      %cond3A_146 = arith.cmpi ne, %convert_element_type3A, %cond3A : i32
      scf.if %cond3A_146 {
        %sub3A_306 = arith.constant 1 : i32
        %sub3A_307 = arith.subi %add3A_144, %sub3A_306 : i32
        %dma_wait3A_308 = arith.constant 0 : i32
        %dma_wait3A_309 = tpu.memref_slice %arg7[%sub3A_307, %dma_wait3A_308] : memref<160x128xi32, #tpu.memory_space<vmem>> -> memref<1x128xi32, #tpu.memory_space<vmem>>
        %dma_wait3A_310 = tpu.memref_squeeze %dma_wait3A_309 : memref<1x128xi32, #tpu.memory_space<vmem>> -> memref<128xi32, #tpu.memory_space<vmem>>
        %dma_wait3A_311 = arith.constant 0 : i32
        %dma_wait3A_312 = arith.constant 0 : i32
        %dma_wait3A_313 = tpu.memref_slice %arg13[%dma_wait3A_311, %dma_wait3A_312] : memref<10240x64xf32, #tpu.memory_space<vmem_shared>> -> memref<10240x64xf32, #tpu.memory_space<vmem_shared>>
        tpu.wait_indirect_dma semaphore(%arg23 : memref<!tpu.dma_semaphore, #tpu.memory_space<semaphore_mem>>) src(%arg12 : memref<128x64xf32, #tpu.memory_space<vmem>>) dst(%dma_wait3A_313 : memref<10240x64xf32, #tpu.memory_space<vmem_shared>>)
      } else {
      }
      %add3A_147 = arith.constant 5 : i32
      %add3A_148 = arith.addi %add3A_144, %add3A_147 : i32
      %sub3A = arith.constant 1 : i32
      %sub3A_149 = arith.subi %add3A_148, %sub3A : i32
      %lt3A = arith.constant 160 : i32
      %lt3A_150 = arith.cmpi slt, %sub3A_149, %lt3A : i32
      %convert_element_type3A_151 = arith.extui %lt3A_150 : i1 to i32
      %cond3A_152 = arith.constant 0 : i32
      %cond3A_153 = arith.cmpi ne, %convert_element_type3A_151, %cond3A_152 : i32
      scf.if %cond3A_153 {
        %add3A_306 = arith.constant 5 : i32
        %add3A_307 = arith.addi %add3A_144, %add3A_306 : i32
        %sub3A_308 = arith.constant 1 : i32
        %sub3A_309 = arith.subi %add3A_307, %sub3A_308 : i32
        %dma_start3A_310 = arith.constant 0 : i32
        %dma_start3A_311 = tpu.memref_slice %arg6[%sub3A_309, %dma_start3A_310] : memref<160x128xi32, #tpu.memory_space<vmem>> -> memref<1x128xi32, #tpu.memory_space<vmem>>
        %dma_start3A_312 = tpu.memref_squeeze %dma_start3A_311 : memref<1x128xi32, #tpu.memory_space<vmem>> -> memref<128xi32, #tpu.memory_space<vmem>>
        %dma_start3A_313 = arith.constant 0 : i32
        %dma_start3A_314 = arith.constant 0 : i32
        %dma_start3A_315 = tpu.memref_slice %arg2[%arg0, %dma_start3A_313, %dma_start3A_314] : memref<2x10000x64xf32, #tpu.memory_space<hbm>> -> memref<1x10000x64xf32, #tpu.memory_space<hbm>>
        %dma_start3A_316 = tpu.memref_squeeze %dma_start3A_315 : memref<1x10000x64xf32, #tpu.memory_space<hbm>> -> memref<10000x64xf32, #tpu.memory_space<hbm>>
        %dma_start3A_317 = arith.constant 0 : i32
        %dma_start3A_318 = arith.constant 0 : i32
        %dma_start3A_319 = tpu.memref_slice %dma_start3A_316[%dma_start3A_317, %dma_start3A_318] : memref<10000x64xf32, #tpu.memory_space<hbm>> -> memref<10000x64xf32, #tpu.memory_space<hbm>>
        tpu.enqueue_indirect_dma source(%dma_start3A_319 : memref<10000x64xf32, #tpu.memory_space<hbm>>) target(%arg12 : memref<128x64xf32, #tpu.memory_space<vmem>>) offsets(%dma_start3A_312 : memref<128xi32, #tpu.memory_space<vmem>>) semaphore(%arg18 : memref<!tpu.dma_semaphore, #tpu.memory_space<semaphore_mem>>)
      } else {
      }
      %dma_wait3A_154 = arith.constant 0 : i32
      %dma_wait3A_155 = tpu.memref_slice %arg6[%add3A_144, %dma_wait3A_154] : memref<160x128xi32, #tpu.memory_space<vmem>> -> memref<1x128xi32, #tpu.memory_space<vmem>>
      %dma_wait3A_156 = tpu.memref_squeeze %dma_wait3A_155 : memref<1x128xi32, #tpu.memory_space<vmem>> -> memref<128xi32, #tpu.memory_space<vmem>>
      %dma_wait3A_157 = arith.constant 0 : i32
      %dma_wait3A_158 = arith.constant 0 : i32
      %dma_wait3A_159 = tpu.memref_slice %arg2[%arg0, %dma_wait3A_157, %dma_wait3A_158] : memref<2x10000x64xf32, #tpu.memory_space<hbm>> -> memref<1x10000x64xf32, #tpu.memory_space<hbm>>
      %dma_wait3A_160 = tpu.memref_squeeze %dma_wait3A_159 : memref<1x10000x64xf32, #tpu.memory_space<hbm>> -> memref<10000x64xf32, #tpu.memory_space<hbm>>
      %dma_wait3A_161 = arith.constant 0 : i32
      %dma_wait3A_162 = arith.constant 0 : i32
      %dma_wait3A_163 = tpu.memref_slice %dma_wait3A_160[%dma_wait3A_161, %dma_wait3A_162] : memref<10000x64xf32, #tpu.memory_space<hbm>> -> memref<10000x64xf32, #tpu.memory_space<hbm>>
      tpu.wait_indirect_dma semaphore(%arg14 : memref<!tpu.dma_semaphore, #tpu.memory_space<semaphore_mem>>) src(%dma_wait3A_163 : memref<10000x64xf32, #tpu.memory_space<hbm>>) dst(%arg8 : memref<128x64xf32, #tpu.memory_space<vmem>>)
      %dma_start3A_164 = arith.constant 0 : i32
      %dma_start3A_165 = tpu.memref_slice %arg7[%add3A_144, %dma_start3A_164] : memref<160x128xi32, #tpu.memory_space<vmem>> -> memref<1x128xi32, #tpu.memory_space<vmem>>
      %dma_start3A_166 = tpu.memref_squeeze %dma_start3A_165 : memref<1x128xi32, #tpu.memory_space<vmem>> -> memref<128xi32, #tpu.memory_space<vmem>>
      %dma_start3A_167 = arith.constant 0 : i32
      %dma_start3A_168 = arith.constant 0 : i32
      %dma_start3A_169 = tpu.memref_slice %arg13[%dma_start3A_167, %dma_start3A_168] : memref<10240x64xf32, #tpu.memory_space<vmem_shared>> -> memref<10240x64xf32, #tpu.memory_space<vmem_shared>>
      tpu.enqueue_indirect_dma source(%arg8 : memref<128x64xf32, #tpu.memory_space<vmem>>) target(%dma_start3A_169 : memref<10240x64xf32, #tpu.memory_space<vmem_shared>>) offsets(%dma_start3A_166 : memref<128xi32, #tpu.memory_space<vmem>>) semaphore(%arg19 : memref<!tpu.dma_semaphore, #tpu.memory_space<semaphore_mem>>) {add = true}
      %mul3A_170 = arith.constant 5 : i32
      %mul3A_171 = arith.muli %scan3A_140, %mul3A_170 : i32
      %add3A_172 = arith.constant 1 : i32
      %add3A_173 = arith.addi %mul3A_171, %add3A_172 : i32
      %gt3A_174 = arith.constant 0 : i32
      %gt3A_175 = arith.cmpi sgt, %add3A_173, %gt3A_174 : i32
      %convert_element_type3A_176 = arith.extui %gt3A_175 : i1 to i32
      %cond3A_177 = arith.constant 0 : i32
      %cond3A_178 = arith.cmpi ne, %convert_element_type3A_176, %cond3A_177 : i32
      scf.if %cond3A_178 {
        %sub3A_306 = arith.constant 1 : i32
        %sub3A_307 = arith.subi %add3A_173, %sub3A_306 : i32
        %dma_wait3A_308 = arith.constant 0 : i32
        %dma_wait3A_309 = tpu.memref_slice %arg7[%sub3A_307, %dma_wait3A_308] : memref<160x128xi32, #tpu.memory_space<vmem>> -> memref<1x128xi32, #tpu.memory_space<vmem>>
        %dma_wait3A_310 = tpu.memref_squeeze %dma_wait3A_309 : memref<1x128xi32, #tpu.memory_space<vmem>> -> memref<128xi32, #tpu.memory_space<vmem>>
        %dma_wait3A_311 = arith.constant 0 : i32
        %dma_wait3A_312 = arith.constant 0 : i32
        %dma_wait3A_313 = tpu.memref_slice %arg13[%dma_wait3A_311, %dma_wait3A_312] : memref<10240x64xf32, #tpu.memory_space<vmem_shared>> -> memref<10240x64xf32, #tpu.memory_space<vmem_shared>>
        tpu.wait_indirect_dma semaphore(%arg19 : memref<!tpu.dma_semaphore, #tpu.memory_space<semaphore_mem>>) src(%arg8 : memref<128x64xf32, #tpu.memory_space<vmem>>) dst(%dma_wait3A_313 : memref<10240x64xf32, #tpu.memory_space<vmem_shared>>)
      } else {
      }
      %add3A_179 = arith.constant 5 : i32
      %add3A_180 = arith.addi %add3A_173, %add3A_179 : i32
      %sub3A_181 = arith.constant 1 : i32
      %sub3A_182 = arith.subi %add3A_180, %sub3A_181 : i32
      %lt3A_183 = arith.constant 160 : i32
      %lt3A_184 = arith.cmpi slt, %sub3A_182, %lt3A_183 : i32
      %convert_element_type3A_185 = arith.extui %lt3A_184 : i1 to i32
      %cond3A_186 = arith.constant 0 : i32
      %cond3A_187 = arith.cmpi ne, %convert_element_type3A_185, %cond3A_186 : i32
      scf.if %cond3A_187 {
        %add3A_306 = arith.constant 5 : i32
        %add3A_307 = arith.addi %add3A_173, %add3A_306 : i32
        %sub3A_308 = arith.constant 1 : i32
        %sub3A_309 = arith.subi %add3A_307, %sub3A_308 : i32
        %dma_start3A_310 = arith.constant 0 : i32
        %dma_start3A_311 = tpu.memref_slice %arg6[%sub3A_309, %dma_start3A_310] : memref<160x128xi32, #tpu.memory_space<vmem>> -> memref<1x128xi32, #tpu.memory_space<vmem>>
        %dma_start3A_312 = tpu.memref_squeeze %dma_start3A_311 : memref<1x128xi32, #tpu.memory_space<vmem>> -> memref<128xi32, #tpu.memory_space<vmem>>
        %dma_start3A_313 = arith.constant 0 : i32
        %dma_start3A_314 = arith.constant 0 : i32
        %dma_start3A_315 = tpu.memref_slice %arg2[%arg0, %dma_start3A_313, %dma_start3A_314] : memref<2x10000x64xf32, #tpu.memory_space<hbm>> -> memref<1x10000x64xf32, #tpu.memory_space<hbm>>
        %dma_start3A_316 = tpu.memref_squeeze %dma_start3A_315 : memref<1x10000x64xf32, #tpu.memory_space<hbm>> -> memref<10000x64xf32, #tpu.memory_space<hbm>>
        %dma_start3A_317 = arith.constant 0 : i32
        %dma_start3A_318 = arith.constant 0 : i32
        %dma_start3A_319 = tpu.memref_slice %dma_start3A_316[%dma_start3A_317, %dma_start3A_318] : memref<10000x64xf32, #tpu.memory_space<hbm>> -> memref<10000x64xf32, #tpu.memory_space<hbm>>
        tpu.enqueue_indirect_dma source(%dma_start3A_319 : memref<10000x64xf32, #tpu.memory_space<hbm>>) target(%arg8 : memref<128x64xf32, #tpu.memory_space<vmem>>) offsets(%dma_start3A_312 : memref<128xi32, #tpu.memory_space<vmem>>) semaphore(%arg14 : memref<!tpu.dma_semaphore, #tpu.memory_space<semaphore_mem>>)
      } else {
      }
      %dma_wait3A_188 = arith.constant 0 : i32
      %dma_wait3A_189 = tpu.memref_slice %arg6[%add3A_173, %dma_wait3A_188] : memref<160x128xi32, #tpu.memory_space<vmem>> -> memref<1x128xi32, #tpu.memory_space<vmem>>
      %dma_wait3A_190 = tpu.memref_squeeze %dma_wait3A_189 : memref<1x128xi32, #tpu.memory_space<vmem>> -> memref<128xi32, #tpu.memory_space<vmem>>
      %dma_wait3A_191 = arith.constant 0 : i32
      %dma_wait3A_192 = arith.constant 0 : i32
      %dma_wait3A_193 = tpu.memref_slice %arg2[%arg0, %dma_wait3A_191, %dma_wait3A_192] : memref<2x10000x64xf32, #tpu.memory_space<hbm>> -> memref<1x10000x64xf32, #tpu.memory_space<hbm>>
      %dma_wait3A_194 = tpu.memref_squeeze %dma_wait3A_193 : memref<1x10000x64xf32, #tpu.memory_space<hbm>> -> memref<10000x64xf32, #tpu.memory_space<hbm>>
      %dma_wait3A_195 = arith.constant 0 : i32
      %dma_wait3A_196 = arith.constant 0 : i32
      %dma_wait3A_197 = tpu.memref_slice %dma_wait3A_194[%dma_wait3A_195, %dma_wait3A_196] : memref<10000x64xf32, #tpu.memory_space<hbm>> -> memref<10000x64xf32, #tpu.memory_space<hbm>>
      tpu.wait_indirect_dma semaphore(%arg15 : memref<!tpu.dma_semaphore, #tpu.memory_space<semaphore_mem>>) src(%dma_wait3A_197 : memref<10000x64xf32, #tpu.memory_space<hbm>>) dst(%arg9 : memref<128x64xf32, #tpu.memory_space<vmem>>)
      %dma_start3A_198 = arith.constant 0 : i32
      %dma_start3A_199 = tpu.memref_slice %arg7[%add3A_173, %dma_start3A_198] : memref<160x128xi32, #tpu.memory_space<vmem>> -> memref<1x128xi32, #tpu.memory_space<vmem>>
      %dma_start3A_200 = tpu.memref_squeeze %dma_start3A_199 : memref<1x128xi32, #tpu.memory_space<vmem>> -> memref<128xi32, #tpu.memory_space<vmem>>
      %dma_start3A_201 = arith.constant 0 : i32
      %dma_start3A_202 = arith.constant 0 : i32
      %dma_start3A_203 = tpu.memref_slice %arg13[%dma_start3A_201, %dma_start3A_202] : memref<10240x64xf32, #tpu.memory_space<vmem_shared>> -> memref<10240x64xf32, #tpu.memory_space<vmem_shared>>
      tpu.enqueue_indirect_dma source(%arg9 : memref<128x64xf32, #tpu.memory_space<vmem>>) target(%dma_start3A_203 : memref<10240x64xf32, #tpu.memory_space<vmem_shared>>) offsets(%dma_start3A_200 : memref<128xi32, #tpu.memory_space<vmem>>) semaphore(%arg20 : memref<!tpu.dma_semaphore, #tpu.memory_space<semaphore_mem>>) {add = true}
      %mul3A_204 = arith.constant 5 : i32
      %mul3A_205 = arith.muli %scan3A_140, %mul3A_204 : i32
      %add3A_206 = arith.constant 2 : i32
      %add3A_207 = arith.addi %mul3A_205, %add3A_206 : i32
      %gt3A_208 = arith.constant 0 : i32
      %gt3A_209 = arith.cmpi sgt, %add3A_207, %gt3A_208 : i32
      %convert_element_type3A_210 = arith.extui %gt3A_209 : i1 to i32
      %cond3A_211 = arith.constant 0 : i32
      %cond3A_212 = arith.cmpi ne, %convert_element_type3A_210, %cond3A_211 : i32
      scf.if %cond3A_212 {
        %sub3A_306 = arith.constant 1 : i32
        %sub3A_307 = arith.subi %add3A_207, %sub3A_306 : i32
        %dma_wait3A_308 = arith.constant 0 : i32
        %dma_wait3A_309 = tpu.memref_slice %arg7[%sub3A_307, %dma_wait3A_308] : memref<160x128xi32, #tpu.memory_space<vmem>> -> memref<1x128xi32, #tpu.memory_space<vmem>>
        %dma_wait3A_310 = tpu.memref_squeeze %dma_wait3A_309 : memref<1x128xi32, #tpu.memory_space<vmem>> -> memref<128xi32, #tpu.memory_space<vmem>>
        %dma_wait3A_311 = arith.constant 0 : i32
        %dma_wait3A_312 = arith.constant 0 : i32
        %dma_wait3A_313 = tpu.memref_slice %arg13[%dma_wait3A_311, %dma_wait3A_312] : memref<10240x64xf32, #tpu.memory_space<vmem_shared>> -> memref<10240x64xf32, #tpu.memory_space<vmem_shared>>
        tpu.wait_indirect_dma semaphore(%arg20 : memref<!tpu.dma_semaphore, #tpu.memory_space<semaphore_mem>>) src(%arg9 : memref<128x64xf32, #tpu.memory_space<vmem>>) dst(%dma_wait3A_313 : memref<10240x64xf32, #tpu.memory_space<vmem_shared>>)
      } else {
      }
      %add3A_213 = arith.constant 5 : i32
      %add3A_214 = arith.addi %add3A_207, %add3A_213 : i32
      %sub3A_215 = arith.constant 1 : i32
      %sub3A_216 = arith.subi %add3A_214, %sub3A_215 : i32
      %lt3A_217 = arith.constant 160 : i32
      %lt3A_218 = arith.cmpi slt, %sub3A_216, %lt3A_217 : i32
      %convert_element_type3A_219 = arith.extui %lt3A_218 : i1 to i32
      %cond3A_220 = arith.constant 0 : i32
      %cond3A_221 = arith.cmpi ne, %convert_element_type3A_219, %cond3A_220 : i32
      scf.if %cond3A_221 {
        %add3A_306 = arith.constant 5 : i32
        %add3A_307 = arith.addi %add3A_207, %add3A_306 : i32
        %sub3A_308 = arith.constant 1 : i32
        %sub3A_309 = arith.subi %add3A_307, %sub3A_308 : i32
        %dma_start3A_310 = arith.constant 0 : i32
        %dma_start3A_311 = tpu.memref_slice %arg6[%sub3A_309, %dma_start3A_310] : memref<160x128xi32, #tpu.memory_space<vmem>> -> memref<1x128xi32, #tpu.memory_space<vmem>>
        %dma_start3A_312 = tpu.memref_squeeze %dma_start3A_311 : memref<1x128xi32, #tpu.memory_space<vmem>> -> memref<128xi32, #tpu.memory_space<vmem>>
        %dma_start3A_313 = arith.constant 0 : i32
        %dma_start3A_314 = arith.constant 0 : i32
        %dma_start3A_315 = tpu.memref_slice %arg2[%arg0, %dma_start3A_313, %dma_start3A_314] : memref<2x10000x64xf32, #tpu.memory_space<hbm>> -> memref<1x10000x64xf32, #tpu.memory_space<hbm>>
        %dma_start3A_316 = tpu.memref_squeeze %dma_start3A_315 : memref<1x10000x64xf32, #tpu.memory_space<hbm>> -> memref<10000x64xf32, #tpu.memory_space<hbm>>
        %dma_start3A_317 = arith.constant 0 : i32
        %dma_start3A_318 = arith.constant 0 : i32
        %dma_start3A_319 = tpu.memref_slice %dma_start3A_316[%dma_start3A_317, %dma_start3A_318] : memref<10000x64xf32, #tpu.memory_space<hbm>> -> memref<10000x64xf32, #tpu.memory_space<hbm>>
        tpu.enqueue_indirect_dma source(%dma_start3A_319 : memref<10000x64xf32, #tpu.memory_space<hbm>>) target(%arg9 : memref<128x64xf32, #tpu.memory_space<vmem>>) offsets(%dma_start3A_312 : memref<128xi32, #tpu.memory_space<vmem>>) semaphore(%arg15 : memref<!tpu.dma_semaphore, #tpu.memory_space<semaphore_mem>>)
      } else {
      }
      %dma_wait3A_222 = arith.constant 0 : i32
      %dma_wait3A_223 = tpu.memref_slice %arg6[%add3A_207, %dma_wait3A_222] : memref<160x128xi32, #tpu.memory_space<vmem>> -> memref<1x128xi32, #tpu.memory_space<vmem>>
      %dma_wait3A_224 = tpu.memref_squeeze %dma_wait3A_223 : memref<1x128xi32, #tpu.memory_space<vmem>> -> memref<128xi32, #tpu.memory_space<vmem>>
      %dma_wait3A_225 = arith.constant 0 : i32
      %dma_wait3A_226 = arith.constant 0 : i32
      %dma_wait3A_227 = tpu.memref_slice %arg2[%arg0, %dma_wait3A_225, %dma_wait3A_226] : memref<2x10000x64xf32, #tpu.memory_space<hbm>> -> memref<1x10000x64xf32, #tpu.memory_space<hbm>>
      %dma_wait3A_228 = tpu.memref_squeeze %dma_wait3A_227 : memref<1x10000x64xf32, #tpu.memory_space<hbm>> -> memref<10000x64xf32, #tpu.memory_space<hbm>>
      %dma_wait3A_229 = arith.constant 0 : i32
      %dma_wait3A_230 = arith.constant 0 : i32
      %dma_wait3A_231 = tpu.memref_slice %dma_wait3A_228[%dma_wait3A_229, %dma_wait3A_230] : memref<10000x64xf32, #tpu.memory_space<hbm>> -> memref<10000x64xf32, #tpu.memory_space<hbm>>
      tpu.wait_indirect_dma semaphore(%arg16 : memref<!tpu.dma_semaphore, #tpu.memory_space<semaphore_mem>>) src(%dma_wait3A_231 : memref<10000x64xf32, #tpu.memory_space<hbm>>) dst(%arg10 : memref<128x64xf32, #tpu.memory_space<vmem>>)
      %dma_start3A_232 = arith.constant 0 : i32
      %dma_start3A_233 = tpu.memref_slice %arg7[%add3A_207, %dma_start3A_232] : memref<160x128xi32, #tpu.memory_space<vmem>> -> memref<1x128xi32, #tpu.memory_space<vmem>>
      %dma_start3A_234 = tpu.memref_squeeze %dma_start3A_233 : memref<1x128xi32, #tpu.memory_space<vmem>> -> memref<128xi32, #tpu.memory_space<vmem>>
      %dma_start3A_235 = arith.constant 0 : i32
      %dma_start3A_236 = arith.constant 0 : i32
      %dma_start3A_237 = tpu.memref_slice %arg13[%dma_start3A_235, %dma_start3A_236] : memref<10240x64xf32, #tpu.memory_space<vmem_shared>> -> memref<10240x64xf32, #tpu.memory_space<vmem_shared>>
      tpu.enqueue_indirect_dma source(%arg10 : memref<128x64xf32, #tpu.memory_space<vmem>>) target(%dma_start3A_237 : memref<10240x64xf32, #tpu.memory_space<vmem_shared>>) offsets(%dma_start3A_234 : memref<128xi32, #tpu.memory_space<vmem>>) semaphore(%arg21 : memref<!tpu.dma_semaphore, #tpu.memory_space<semaphore_mem>>) {add = true}
      %mul3A_238 = arith.constant 5 : i32
      %mul3A_239 = arith.muli %scan3A_140, %mul3A_238 : i32
      %add3A_240 = arith.constant 3 : i32
      %add3A_241 = arith.addi %mul3A_239, %add3A_240 : i32
      %gt3A_242 = arith.constant 0 : i32
      %gt3A_243 = arith.cmpi sgt, %add3A_241, %gt3A_242 : i32
      %convert_element_type3A_244 = arith.extui %gt3A_243 : i1 to i32
      %cond3A_245 = arith.constant 0 : i32
      %cond3A_246 = arith.cmpi ne, %convert_element_type3A_244, %cond3A_245 : i32
      scf.if %cond3A_246 {
        %sub3A_306 = arith.constant 1 : i32
        %sub3A_307 = arith.subi %add3A_241, %sub3A_306 : i32
        %dma_wait3A_308 = arith.constant 0 : i32
        %dma_wait3A_309 = tpu.memref_slice %arg7[%sub3A_307, %dma_wait3A_308] : memref<160x128xi32, #tpu.memory_space<vmem>> -> memref<1x128xi32, #tpu.memory_space<vmem>>
        %dma_wait3A_310 = tpu.memref_squeeze %dma_wait3A_309 : memref<1x128xi32, #tpu.memory_space<vmem>> -> memref<128xi32, #tpu.memory_space<vmem>>
        %dma_wait3A_311 = arith.constant 0 : i32
        %dma_wait3A_312 = arith.constant 0 : i32
        %dma_wait3A_313 = tpu.memref_slice %arg13[%dma_wait3A_311, %dma_wait3A_312] : memref<10240x64xf32, #tpu.memory_space<vmem_shared>> -> memref<10240x64xf32, #tpu.memory_space<vmem_shared>>
        tpu.wait_indirect_dma semaphore(%arg21 : memref<!tpu.dma_semaphore, #tpu.memory_space<semaphore_mem>>) src(%arg10 : memref<128x64xf32, #tpu.memory_space<vmem>>) dst(%dma_wait3A_313 : memref<10240x64xf32, #tpu.memory_space<vmem_shared>>)
      } else {
      }
      %add3A_247 = arith.constant 5 : i32
      %add3A_248 = arith.addi %add3A_241, %add3A_247 : i32
      %sub3A_249 = arith.constant 1 : i32
      %sub3A_250 = arith.subi %add3A_248, %sub3A_249 : i32
      %lt3A_251 = arith.constant 160 : i32
      %lt3A_252 = arith.cmpi slt, %sub3A_250, %lt3A_251 : i32
      %convert_element_type3A_253 = arith.extui %lt3A_252 : i1 to i32
      %cond3A_254 = arith.constant 0 : i32
      %cond3A_255 = arith.cmpi ne, %convert_element_type3A_253, %cond3A_254 : i32
      scf.if %cond3A_255 {
        %add3A_306 = arith.constant 5 : i32
        %add3A_307 = arith.addi %add3A_241, %add3A_306 : i32
        %sub3A_308 = arith.constant 1 : i32
        %sub3A_309 = arith.subi %add3A_307, %sub3A_308 : i32
        %dma_start3A_310 = arith.constant 0 : i32
        %dma_start3A_311 = tpu.memref_slice %arg6[%sub3A_309, %dma_start3A_310] : memref<160x128xi32, #tpu.memory_space<vmem>> -> memref<1x128xi32, #tpu.memory_space<vmem>>
        %dma_start3A_312 = tpu.memref_squeeze %dma_start3A_311 : memref<1x128xi32, #tpu.memory_space<vmem>> -> memref<128xi32, #tpu.memory_space<vmem>>
        %dma_start3A_313 = arith.constant 0 : i32
        %dma_start3A_314 = arith.constant 0 : i32
        %dma_start3A_315 = tpu.memref_slice %arg2[%arg0, %dma_start3A_313, %dma_start3A_314] : memref<2x10000x64xf32, #tpu.memory_space<hbm>> -> memref<1x10000x64xf32, #tpu.memory_space<hbm>>
        %dma_start3A_316 = tpu.memref_squeeze %dma_start3A_315 : memref<1x10000x64xf32, #tpu.memory_space<hbm>> -> memref<10000x64xf32, #tpu.memory_space<hbm>>
        %dma_start3A_317 = arith.constant 0 : i32
        %dma_start3A_318 = arith.constant 0 : i32
        %dma_start3A_319 = tpu.memref_slice %dma_start3A_316[%dma_start3A_317, %dma_start3A_318] : memref<10000x64xf32, #tpu.memory_space<hbm>> -> memref<10000x64xf32, #tpu.memory_space<hbm>>
        tpu.enqueue_indirect_dma source(%dma_start3A_319 : memref<10000x64xf32, #tpu.memory_space<hbm>>) target(%arg10 : memref<128x64xf32, #tpu.memory_space<vmem>>) offsets(%dma_start3A_312 : memref<128xi32, #tpu.memory_space<vmem>>) semaphore(%arg16 : memref<!tpu.dma_semaphore, #tpu.memory_space<semaphore_mem>>)
      } else {
      }
      %dma_wait3A_256 = arith.constant 0 : i32
      %dma_wait3A_257 = tpu.memref_slice %arg6[%add3A_241, %dma_wait3A_256] : memref<160x128xi32, #tpu.memory_space<vmem>> -> memref<1x128xi32, #tpu.memory_space<vmem>>
      %dma_wait3A_258 = tpu.memref_squeeze %dma_wait3A_257 : memref<1x128xi32, #tpu.memory_space<vmem>> -> memref<128xi32, #tpu.memory_space<vmem>>
      %dma_wait3A_259 = arith.constant 0 : i32
      %dma_wait3A_260 = arith.constant 0 : i32
      %dma_wait3A_261 = tpu.memref_slice %arg2[%arg0, %dma_wait3A_259, %dma_wait3A_260] : memref<2x10000x64xf32, #tpu.memory_space<hbm>> -> memref<1x10000x64xf32, #tpu.memory_space<hbm>>
      %dma_wait3A_262 = tpu.memref_squeeze %dma_wait3A_261 : memref<1x10000x64xf32, #tpu.memory_space<hbm>> -> memref<10000x64xf32, #tpu.memory_space<hbm>>
      %dma_wait3A_263 = arith.constant 0 : i32
      %dma_wait3A_264 = arith.constant 0 : i32
      %dma_wait3A_265 = tpu.memref_slice %dma_wait3A_262[%dma_wait3A_263, %dma_wait3A_264] : memref<10000x64xf32, #tpu.memory_space<hbm>> -> memref<10000x64xf32, #tpu.memory_space<hbm>>
      tpu.wait_indirect_dma semaphore(%arg17 : memref<!tpu.dma_semaphore, #tpu.memory_space<semaphore_mem>>) src(%dma_wait3A_265 : memref<10000x64xf32, #tpu.memory_space<hbm>>) dst(%arg11 : memref<128x64xf32, #tpu.memory_space<vmem>>)
      %dma_start3A_266 = arith.constant 0 : i32
      %dma_start3A_267 = tpu.memref_slice %arg7[%add3A_241, %dma_start3A_266] : memref<160x128xi32, #tpu.memory_space<vmem>> -> memref<1x128xi32, #tpu.memory_space<vmem>>
      %dma_start3A_268 = tpu.memref_squeeze %dma_start3A_267 : memref<1x128xi32, #tpu.memory_space<vmem>> -> memref<128xi32, #tpu.memory_space<vmem>>
      %dma_start3A_269 = arith.constant 0 : i32
      %dma_start3A_270 = arith.constant 0 : i32
      %dma_start3A_271 = tpu.memref_slice %arg13[%dma_start3A_269, %dma_start3A_270] : memref<10240x64xf32, #tpu.memory_space<vmem_shared>> -> memref<10240x64xf32, #tpu.memory_space<vmem_shared>>
      tpu.enqueue_indirect_dma source(%arg11 : memref<128x64xf32, #tpu.memory_space<vmem>>) target(%dma_start3A_271 : memref<10240x64xf32, #tpu.memory_space<vmem_shared>>) offsets(%dma_start3A_268 : memref<128xi32, #tpu.memory_space<vmem>>) semaphore(%arg22 : memref<!tpu.dma_semaphore, #tpu.memory_space<semaphore_mem>>) {add = true}
      %mul3A_272 = arith.constant 5 : i32
      %mul3A_273 = arith.muli %scan3A_140, %mul3A_272 : i32
      %add3A_274 = arith.constant 4 : i32
      %add3A_275 = arith.addi %mul3A_273, %add3A_274 : i32
      %gt3A_276 = arith.constant 0 : i32
      %gt3A_277 = arith.cmpi sgt, %add3A_275, %gt3A_276 : i32
      %convert_element_type3A_278 = arith.extui %gt3A_277 : i1 to i32
      %cond3A_279 = arith.constant 0 : i32
      %cond3A_280 = arith.cmpi ne, %convert_element_type3A_278, %cond3A_279 : i32
      scf.if %cond3A_280 {
        %sub3A_306 = arith.constant 1 : i32
        %sub3A_307 = arith.subi %add3A_275, %sub3A_306 : i32
        %dma_wait3A_308 = arith.constant 0 : i32
        %dma_wait3A_309 = tpu.memref_slice %arg7[%sub3A_307, %dma_wait3A_308] : memref<160x128xi32, #tpu.memory_space<vmem>> -> memref<1x128xi32, #tpu.memory_space<vmem>>
        %dma_wait3A_310 = tpu.memref_squeeze %dma_wait3A_309 : memref<1x128xi32, #tpu.memory_space<vmem>> -> memref<128xi32, #tpu.memory_space<vmem>>
        %dma_wait3A_311 = arith.constant 0 : i32
        %dma_wait3A_312 = arith.constant 0 : i32
        %dma_wait3A_313 = tpu.memref_slice %arg13[%dma_wait3A_311, %dma_wait3A_312] : memref<10240x64xf32, #tpu.memory_space<vmem_shared>> -> memref<10240x64xf32, #tpu.memory_space<vmem_shared>>
        tpu.wait_indirect_dma semaphore(%arg22 : memref<!tpu.dma_semaphore, #tpu.memory_space<semaphore_mem>>) src(%arg11 : memref<128x64xf32, #tpu.memory_space<vmem>>) dst(%dma_wait3A_313 : memref<10240x64xf32, #tpu.memory_space<vmem_shared>>)
      } else {
      }
      %add3A_281 = arith.constant 5 : i32
      %add3A_282 = arith.addi %add3A_275, %add3A_281 : i32
      %sub3A_283 = arith.constant 1 : i32
      %sub3A_284 = arith.subi %add3A_282, %sub3A_283 : i32
      %lt3A_285 = arith.constant 160 : i32
      %lt3A_286 = arith.cmpi slt, %sub3A_284, %lt3A_285 : i32
      %convert_element_type3A_287 = arith.extui %lt3A_286 : i1 to i32
      %cond3A_288 = arith.constant 0 : i32
      %cond3A_289 = arith.cmpi ne, %convert_element_type3A_287, %cond3A_288 : i32
      scf.if %cond3A_289 {
        %add3A_306 = arith.constant 5 : i32
        %add3A_307 = arith.addi %add3A_275, %add3A_306 : i32
        %sub3A_308 = arith.constant 1 : i32
        %sub3A_309 = arith.subi %add3A_307, %sub3A_308 : i32
        %dma_start3A_310 = arith.constant 0 : i32
        %dma_start3A_311 = tpu.memref_slice %arg6[%sub3A_309, %dma_start3A_310] : memref<160x128xi32, #tpu.memory_space<vmem>> -> memref<1x128xi32, #tpu.memory_space<vmem>>
        %dma_start3A_312 = tpu.memref_squeeze %dma_start3A_311 : memref<1x128xi32, #tpu.memory_space<vmem>> -> memref<128xi32, #tpu.memory_space<vmem>>
        %dma_start3A_313 = arith.constant 0 : i32
        %dma_start3A_314 = arith.constant 0 : i32
        %dma_start3A_315 = tpu.memref_slice %arg2[%arg0, %dma_start3A_313, %dma_start3A_314] : memref<2x10000x64xf32, #tpu.memory_space<hbm>> -> memref<1x10000x64xf32, #tpu.memory_space<hbm>>
        %dma_start3A_316 = tpu.memref_squeeze %dma_start3A_315 : memref<1x10000x64xf32, #tpu.memory_space<hbm>> -> memref<10000x64xf32, #tpu.memory_space<hbm>>
        %dma_start3A_317 = arith.constant 0 : i32
        %dma_start3A_318 = arith.constant 0 : i32
        %dma_start3A_319 = tpu.memref_slice %dma_start3A_316[%dma_start3A_317, %dma_start3A_318] : memref<10000x64xf32, #tpu.memory_space<hbm>> -> memref<10000x64xf32, #tpu.memory_space<hbm>>
        tpu.enqueue_indirect_dma source(%dma_start3A_319 : memref<10000x64xf32, #tpu.memory_space<hbm>>) target(%arg11 : memref<128x64xf32, #tpu.memory_space<vmem>>) offsets(%dma_start3A_312 : memref<128xi32, #tpu.memory_space<vmem>>) semaphore(%arg17 : memref<!tpu.dma_semaphore, #tpu.memory_space<semaphore_mem>>)
      } else {
      }
      %dma_wait3A_290 = arith.constant 0 : i32
      %dma_wait3A_291 = tpu.memref_slice %arg6[%add3A_275, %dma_wait3A_290] : memref<160x128xi32, #tpu.memory_space<vmem>> -> memref<1x128xi32, #tpu.memory_space<vmem>>
      %dma_wait3A_292 = tpu.memref_squeeze %dma_wait3A_291 : memref<1x128xi32, #tpu.memory_space<vmem>> -> memref<128xi32, #tpu.memory_space<vmem>>
      %dma_wait3A_293 = arith.constant 0 : i32
      %dma_wait3A_294 = arith.constant 0 : i32
      %dma_wait3A_295 = tpu.memref_slice %arg2[%arg0, %dma_wait3A_293, %dma_wait3A_294] : memref<2x10000x64xf32, #tpu.memory_space<hbm>> -> memref<1x10000x64xf32, #tpu.memory_space<hbm>>
      %dma_wait3A_296 = tpu.memref_squeeze %dma_wait3A_295 : memref<1x10000x64xf32, #tpu.memory_space<hbm>> -> memref<10000x64xf32, #tpu.memory_space<hbm>>
      %dma_wait3A_297 = arith.constant 0 : i32
      %dma_wait3A_298 = arith.constant 0 : i32
      %dma_wait3A_299 = tpu.memref_slice %dma_wait3A_296[%dma_wait3A_297, %dma_wait3A_298] : memref<10000x64xf32, #tpu.memory_space<hbm>> -> memref<10000x64xf32, #tpu.memory_space<hbm>>
      tpu.wait_indirect_dma semaphore(%arg18 : memref<!tpu.dma_semaphore, #tpu.memory_space<semaphore_mem>>) src(%dma_wait3A_299 : memref<10000x64xf32, #tpu.memory_space<hbm>>) dst(%arg12 : memref<128x64xf32, #tpu.memory_space<vmem>>)
      %dma_start3A_300 = arith.constant 0 : i32
      %dma_start3A_301 = tpu.memref_slice %arg7[%add3A_275, %dma_start3A_300] : memref<160x128xi32, #tpu.memory_space<vmem>> -> memref<1x128xi32, #tpu.memory_space<vmem>>
      %dma_start3A_302 = tpu.memref_squeeze %dma_start3A_301 : memref<1x128xi32, #tpu.memory_space<vmem>> -> memref<128xi32, #tpu.memory_space<vmem>>
      %dma_start3A_303 = arith.constant 0 : i32
      %dma_start3A_304 = arith.constant 0 : i32
      %dma_start3A_305 = tpu.memref_slice %arg13[%dma_start3A_303, %dma_start3A_304] : memref<10240x64xf32, #tpu.memory_space<vmem_shared>> -> memref<10240x64xf32, #tpu.memory_space<vmem_shared>>
      tpu.enqueue_indirect_dma source(%arg12 : memref<128x64xf32, #tpu.memory_space<vmem>>) target(%dma_start3A_305 : memref<10240x64xf32, #tpu.memory_space<vmem_shared>>) offsets(%dma_start3A_302 : memref<128xi32, #tpu.memory_space<vmem>>) semaphore(%arg23 : memref<!tpu.dma_semaphore, #tpu.memory_space<semaphore_mem>>) {add = true}
    }
    %scan3A_131 = arith.constant 32 : i32
    %dma_wait3A_132 = arith.constant 159 : i32
    %dma_wait3A_133 = arith.constant 0 : i32
    %dma_wait3A_134 = tpu.memref_slice %arg7[%dma_wait3A_132, %dma_wait3A_133] : memref<160x128xi32, #tpu.memory_space<vmem>> -> memref<1x128xi32, #tpu.memory_space<vmem>>
    %dma_wait3A_135 = tpu.memref_squeeze %dma_wait3A_134 : memref<1x128xi32, #tpu.memory_space<vmem>> -> memref<128xi32, #tpu.memory_space<vmem>>
    %dma_wait3A_136 = arith.constant 0 : i32
    %dma_wait3A_137 = arith.constant 0 : i32
    %dma_wait3A_138 = tpu.memref_slice %arg13[%dma_wait3A_136, %dma_wait3A_137] : memref<10240x64xf32, #tpu.memory_space<vmem_shared>> -> memref<10240x64xf32, #tpu.memory_space<vmem_shared>>
    tpu.wait_indirect_dma semaphore(%arg23 : memref<!tpu.dma_semaphore, #tpu.memory_space<semaphore_mem>>) src(%arg12 : memref<128x64xf32, #tpu.memory_space<vmem>>) dst(%dma_wait3A_138 : memref<10240x64xf32, #tpu.memory_space<vmem_shared>>)
    %barrier3A_139 = arith.constant 0 : index
    tpu.barrier barrier_id(%barrier3A_139)
    "tpu.region"() ({
      %run_scoped3A = tpu.sem_alloc : memref<!tpu.dma_semaphore, #tpu.memory_space<semaphore_mem>>
      %dma_start3A_140 = arith.constant 0 : i32
      %dma_start3A_141 = tpu.memref_slice %arg5[%arg0, %multiple_of3A_8, %dma_start3A_140] : memref<2x10240x64xf32, #tpu.memory_space<hbm>> -> memref<1x640x64xf32, #tpu.memory_space<hbm>>
      %dma_start3A_142 = tpu.memref_squeeze %dma_start3A_141 : memref<1x640x64xf32, #tpu.memory_space<hbm>> -> memref<640x64xf32, #tpu.memory_space<hbm>>
      %dma_start3A_143 = arith.constant 0 : i32
      %dma_start3A_144 = tpu.memref_slice %arg13[%multiple_of3A_8, %dma_start3A_143] : memref<10240x64xf32, #tpu.memory_space<vmem_shared>> -> memref<640x64xf32, #tpu.memory_space<vmem_shared>>
      tpu.enqueue_dma source(%dma_start3A_144 : memref<640x64xf32, #tpu.memory_space<vmem_shared>>) target(%dma_start3A_142 : memref<640x64xf32, #tpu.memory_space<hbm>>) target_semaphore(%run_scoped3A : memref<!tpu.dma_semaphore, #tpu.memory_space<semaphore_mem>>)
      %dma_wait3A_145 = arith.constant 0 : i32
      %dma_wait3A_146 = tpu.memref_slice %arg5[%arg0, %multiple_of3A_8, %dma_wait3A_145] : memref<2x10240x64xf32, #tpu.memory_space<hbm>> -> memref<1x640x64xf32, #tpu.memory_space<hbm>>
      %dma_wait3A_147 = tpu.memref_squeeze %dma_wait3A_146 : memref<1x640x64xf32, #tpu.memory_space<hbm>> -> memref<640x64xf32, #tpu.memory_space<hbm>>
      %dma_wait3A_148 = arith.constant 0 : i32
      %dma_wait3A_149 = tpu.memref_slice %arg13[%multiple_of3A_8, %dma_wait3A_148] : memref<10240x64xf32, #tpu.memory_space<vmem_shared>> -> memref<640x64xf32, #tpu.memory_space<vmem_shared>>
      tpu.wait_dma2 semaphore(%run_scoped3A : memref<!tpu.dma_semaphore, #tpu.memory_space<semaphore_mem>>) src(%dma_wait3A_149 : memref<640x64xf32, #tpu.memory_space<vmem_shared>>) dst(%dma_wait3A_147 : memref<640x64xf32, #tpu.memory_space<hbm>>)
      tpu.yield
    }) : () -> ()
    return
  }
}

#map = affine_map<(d0, d1) -> (0, 0, 0)>
#map1 = affine_map<(d0, d1) -> (0, 0)>
module attributes {stable_mosaic.version = 14 : i64} {
  func.func @_scatter_body(%arg0: i32, %arg1: i32, %arg2: memref<2x10000x64xf32, #tpu.memory_space<hbm>>, %arg3: memref<2560x128xi32, #tpu.memory_space<hbm>>, %arg4: memref<2560x128xi32, #tpu.memory_space<hbm>>, %arg5: memref<2x10240x64xf32, #tpu.memory_space<hbm>>, %arg6: memref<160x128xi32, #tpu.memory_space<vmem>>, %arg7: memref<160x128xi32, #tpu.memory_space<vmem>>, %arg8: memref<128x64xf32, #tpu.memory_space<vmem>>, %arg9: memref<128x64xf32, #tpu.memory_space<vmem>>, %arg10: memref<128x64xf32, #tpu.memory_space<vmem>>, %arg11: memref<128x64xf32, #tpu.memory_space<vmem>>, %arg12: memref<128x64xf32, #tpu.memory_space<vmem>>, %arg13: memref<10240x64xf32, #tpu.memory_space<vmem_shared>>, %arg14: memref<!tpu.dma_semaphore, #tpu.memory_space<semaphore_mem>>, %arg15: memref<!tpu.dma_semaphore, #tpu.memory_space<semaphore_mem>>, %arg16: memref<!tpu.dma_semaphore, #tpu.memory_space<semaphore_mem>>, %arg17: memref<!tpu.dma_semaphore, #tpu.memory_space<semaphore_mem>>, %arg18: memref<!tpu.dma_semaphore, #tpu.memory_space<semaphore_mem>>, %arg19: memref<!tpu.dma_semaphore, #tpu.memory_space<semaphore_mem>>, %arg20: memref<!tpu.dma_semaphore, #tpu.memory_space<semaphore_mem>>, %arg21: memref<!tpu.dma_semaphore, #tpu.memory_space<semaphore_mem>>, %arg22: memref<!tpu.dma_semaphore, #tpu.memory_space<semaphore_mem>>, %arg23: memref<!tpu.dma_semaphore, #tpu.memory_space<semaphore_mem>>) attributes {dimension_semantics = [#tpu.dimension_semantics<core_parallel>, #tpu.dimension_semantics<subcore_parallel>], iteration_bounds = array<i64: 2, 16>, scalar_prefetch = 0 : i64, scratch_operands = 18 : i64, tpu.core_type = #tpu.core_type<sc_vector_subcore>, window_params = [{transform_indices = #map}, {transform_indices = #map1}, {transform_indices = #map1}, {transform_indices = #map}]} {
    %mul3A = arith.constant 160 : i32
    %mul3A_0 = arith.muli %arg1, %mul3A : i32
    %multiple_of3A = tpu.assume_multiple %mul3A_0, 8 : i32
    %scan3A = arith.constant 0 : i32
    %scan3A_1 = arith.constant 0 : i32
    %scan3A_2 = arith.constant 512 : i32
    %scan3A_3 = arith.addi %scan3A_1, %scan3A_2 : i32
    %scan3A_4 = arith.constant 1 : i32
    scf.for %scan3A_140 = %scan3A_1 to %scan3A_3 step %scan3A_4  : i32 {
      %jit3A = arith.constant 4 : i32
      %div3A = arith.divsi %scan3A_140, %jit3A : i32
      %sign3A = arith.constant 0 : i32
      %sign3A_141 = arith.cmpi sgt, %scan3A_140, %sign3A : i32
      %sign3A_142 = arith.extui %sign3A_141 : i1 to i32
      %sign3A_143 = arith.constant 0 : i32
      %sign3A_144 = arith.cmpi slt, %scan3A_140, %sign3A_143 : i32
      %sign3A_145 = arith.extui %sign3A_144 : i1 to i32
      %sign3A_146 = arith.subi %sign3A_142, %sign3A_145 : i32
      %sign3A_147 = arith.constant 0 : i32
      %sign3A_148 = arith.cmpi sgt, %jit3A, %sign3A_147 : i32
      %sign3A_149 = arith.extui %sign3A_148 : i1 to i32
      %sign3A_150 = arith.constant 0 : i32
      %sign3A_151 = arith.cmpi slt, %jit3A, %sign3A_150 : i32
      %sign3A_152 = arith.extui %sign3A_151 : i1 to i32
      %sign3A_153 = arith.subi %sign3A_149, %sign3A_152 : i32
      %ne3A = arith.cmpi ne, %sign3A_146, %sign3A_153 : i32
      %rem3A = arith.remsi %scan3A_140, %jit3A : i32
      %ne3A_154 = arith.constant 0 : i32
      %ne3A_155 = arith.cmpi ne, %rem3A, %ne3A_154 : i32
      %and3A = arith.andi %ne3A, %ne3A_155 : i1
      %sub3A = arith.constant 1 : i32
      %sub3A_156 = arith.subi %div3A, %sub3A : i32
      %select_n3A = arith.select %and3A, %sub3A_156, %div3A : i32
      %mul3A_157 = arith.constant 4 : i32
      %mul3A_158 = arith.muli %select_n3A, %mul3A_157 : i32
      %sub3A_159 = arith.subi %scan3A_140, %mul3A_158 : i32
      %broadcast_in_dim3A = arith.constant 0.000000e+00 : f32
      %broadcast_in_dim3A_160 = vector.broadcast %broadcast_in_dim3A : f32 to vector<16xf32>
      %mul3A_161 = arith.constant 16 : i32
      %mul3A_162 = arith.muli %sub3A_159, %mul3A_161 : i32
      %swap3A = arith.index_cast %select_n3A : i32 to index
      %swap3A_163 = arith.index_cast %mul3A_162 : i32 to index
      %swap3A_164 = tpu.vector_load %arg8[%swap3A, %swap3A_163] {strides = array<i32>} : memref<128x64xf32, #tpu.memory_space<vmem>>, vector<1x16xf32>,
      %swap3A_165 = vector.shape_cast %swap3A_164 : vector<1x16xf32> to vector<16xf32>
      %swap3A_166 = vector.shape_cast %broadcast_in_dim3A_160 : vector<16xf32> to vector<1x16xf32>
      tpu.vector_store %arg8[%swap3A, %swap3A_163], %swap3A_166 {strides = array<i32>} : memref<128x64xf32, #tpu.memory_space<vmem>>, vector<1x16xf32>,
    }
    %scan3A_5 = arith.constant 512 : i32
    %mul3A_6 = arith.constant 640 : i32
    %mul3A_7 = arith.muli %arg1, %mul3A_6 : i32
    %multiple_of3A_8 = tpu.assume_multiple %mul3A_7, 8 : i32
    %add3A = arith.constant 0 : i32
    %add3A_9 = arith.addi %multiple_of3A_8, %add3A : i32
    %dma_start3A = arith.constant 0 : i32
    %dma_start3A_10 = tpu.memref_slice %arg13[%add3A_9, %dma_start3A] : memref<10240x64xf32, #tpu.memory_space<vmem_shared>> -> memref<128x64xf32, #tpu.memory_space<vmem_shared>>
    %dma_start3A_11 = arith.constant 0 : i32
    %dma_start3A_12 = tpu.memref_slice %arg13[%add3A_9, %dma_start3A_11] : memref<10240x64xf32, #tpu.memory_space<vmem_shared>> -> memref<128x64xf32, #tpu.memory_space<vmem_shared>>
    tpu.enqueue_dma source(%arg8 : memref<128x64xf32, #tpu.memory_space<vmem>>) target(%dma_start3A_12 : memref<128x64xf32, #tpu.memory_space<vmem_shared>>) target_semaphore(%arg19 : memref<!tpu.dma_semaphore, #tpu.memory_space<semaphore_mem>>)
    %add3A_13 = arith.constant 128 : i32
    %add3A_14 = arith.addi %multiple_of3A_8, %add3A_13 : i32
    %dma_start3A_15 = arith.constant 0 : i32
    %dma_start3A_16 = tpu.memref_slice %arg13[%add3A_14, %dma_start3A_15] : memref<10240x64xf32, #tpu.memory_space<vmem_shared>> -> memref<128x64xf32, #tpu.memory_space<vmem_shared>>
    %dma_start3A_17 = arith.constant 0 : i32
    %dma_start3A_18 = tpu.memref_slice %arg13[%add3A_14, %dma_start3A_17] : memref<10240x64xf32, #tpu.memory_space<vmem_shared>> -> memref<128x64xf32, #tpu.memory_space<vmem_shared>>
    tpu.enqueue_dma source(%arg8 : memref<128x64xf32, #tpu.memory_space<vmem>>) target(%dma_start3A_18 : memref<128x64xf32, #tpu.memory_space<vmem_shared>>) target_semaphore(%arg19 : memref<!tpu.dma_semaphore, #tpu.memory_space<semaphore_mem>>)
    %add3A_19 = arith.constant 256 : i32
    %add3A_20 = arith.addi %multiple_of3A_8, %add3A_19 : i32
    %dma_start3A_21 = arith.constant 0 : i32
    %dma_start3A_22 = tpu.memref_slice %arg13[%add3A_20, %dma_start3A_21] : memref<10240x64xf32, #tpu.memory_space<vmem_shared>> -> memref<128x64xf32, #tpu.memory_space<vmem_shared>>
    %dma_start3A_23 = arith.constant 0 : i32
    %dma_start3A_24 = tpu.memref_slice %arg13[%add3A_20, %dma_start3A_23] : memref<10240x64xf32, #tpu.memory_space<vmem_shared>> -> memref<128x64xf32, #tpu.memory_space<vmem_shared>>
    tpu.enqueue_dma source(%arg8 : memref<128x64xf32, #tpu.memory_space<vmem>>) target(%dma_start3A_24 : memref<128x64xf32, #tpu.memory_space<vmem_shared>>) target_semaphore(%arg19 : memref<!tpu.dma_semaphore, #tpu.memory_space<semaphore_mem>>)
    %add3A_25 = arith.constant 384 : i32
    %add3A_26 = arith.addi %multiple_of3A_8, %add3A_25 : i32
    %dma_start3A_27 = arith.constant 0 : i32
    %dma_start3A_28 = tpu.memref_slice %arg13[%add3A_26, %dma_start3A_27] : memref<10240x64xf32, #tpu.memory_space<vmem_shared>> -> memref<128x64xf32, #tpu.memory_space<vmem_shared>>
    %dma_start3A_29 = arith.constant 0 : i32
    %dma_start3A_30 = tpu.memref_slice %arg13[%add3A_26, %dma_start3A_29] : memref<10240x64xf32, #tpu.memory_space<vmem_shared>> -> memref<128x64xf32, #tpu.memory_space<vmem_shared>>
    tpu.enqueue_dma source(%arg8 : memref<128x64xf32, #tpu.memory_space<vmem>>) target(%dma_start3A_30 : memref<128x64xf32, #tpu.memory_space<vmem_shared>>) target_semaphore(%arg19 : memref<!tpu.dma_semaphore, #tpu.memory_space<semaphore_mem>>)
    %add3A_31 = arith.constant 512 : i32
    %add3A_32 = arith.addi %multiple_of3A_8, %add3A_31 : i32
    %dma_start3A_33 = arith.constant 0 : i32
    %dma_start3A_34 = tpu.memref_slice %arg13[%add3A_32, %dma_start3A_33] : memref<10240x64xf32, #tpu.memory_space<vmem_shared>> -> memref<128x64xf32, #tpu.memory_space<vmem_shared>>
    %dma_start3A_35 = arith.constant 0 : i32
    %dma_start3A_36 = tpu.memref_slice %arg13[%add3A_32, %dma_start3A_35] : memref<10240x64xf32, #tpu.memory_space<vmem_shared>> -> memref<128x64xf32, #tpu.memory_space<vmem_shared>>
    tpu.enqueue_dma source(%arg8 : memref<128x64xf32, #tpu.memory_space<vmem>>) target(%dma_start3A_36 : memref<128x64xf32, #tpu.memory_space<vmem_shared>>) target_semaphore(%arg19 : memref<!tpu.dma_semaphore, #tpu.memory_space<semaphore_mem>>)
    %dma_start3A_37 = arith.constant 0 : i32
    %dma_start3A_38 = tpu.memref_slice %arg3[%multiple_of3A, %dma_start3A_37] : memref<2560x128xi32, #tpu.memory_space<hbm>> -> memref<160x128xi32, #tpu.memory_space<hbm>>
    %dma_start3A_39 = arith.constant 0 : i32
    %dma_start3A_40 = tpu.memref_slice %arg3[%multiple_of3A, %dma_start3A_39] : memref<2560x128xi32, #tpu.memory_space<hbm>> -> memref<160x128xi32, #tpu.memory_space<hbm>>
    tpu.enqueue_dma source(%dma_start3A_40 : memref<160x128xi32, #tpu.memory_space<hbm>>) target(%arg6 : memref<160x128xi32, #tpu.memory_space<vmem>>) target_semaphore(%arg14 : memref<!tpu.dma_semaphore, #tpu.memory_space<semaphore_mem>>)
    %dma_start3A_41 = arith.constant 0 : i32
    %dma_start3A_42 = tpu.memref_slice %arg4[%multiple_of3A, %dma_start3A_41] : memref<2560x128xi32, #tpu.memory_space<hbm>> -> memref<160x128xi32, #tpu.memory_space<hbm>>
    %dma_start3A_43 = arith.constant 0 : i32
    %dma_start3A_44 = tpu.memref_slice %arg4[%multiple_of3A, %dma_start3A_43] : memref<2560x128xi32, #tpu.memory_space<hbm>> -> memref<160x128xi32, #tpu.memory_space<hbm>>
    tpu.enqueue_dma source(%dma_start3A_44 : memref<160x128xi32, #tpu.memory_space<hbm>>) target(%arg7 : memref<160x128xi32, #tpu.memory_space<vmem>>) target_semaphore(%arg15 : memref<!tpu.dma_semaphore, #tpu.memory_space<semaphore_mem>>)
    %add3A_45 = arith.constant 0 : i32
    %add3A_46 = arith.addi %multiple_of3A_8, %add3A_45 : i32
    %dma_wait3A = arith.constant 0 : i32
    %dma_wait3A_47 = tpu.memref_slice %arg13[%add3A_46, %dma_wait3A] : memref<10240x64xf32, #tpu.memory_space<vmem_shared>> -> memref<128x64xf32, #tpu.memory_space<vmem_shared>>
    %dma_wait3A_48 = arith.constant 0 : i32
    %dma_wait3A_49 = tpu.memref_slice %arg13[%add3A_46, %dma_wait3A_48] : memref<10240x64xf32, #tpu.memory_space<vmem_shared>> -> memref<128x64xf32, #tpu.memory_space<vmem_shared>>
    tpu.wait_dma2 semaphore(%arg19 : memref<!tpu.dma_semaphore, #tpu.memory_space<semaphore_mem>>) src(%arg8 : memref<128x64xf32, #tpu.memory_space<vmem>>) dst(%dma_wait3A_49 : memref<128x64xf32, #tpu.memory_space<vmem_shared>>)
    %add3A_50 = arith.constant 128 : i32
    %add3A_51 = arith.addi %multiple_of3A_8, %add3A_50 : i32
    %dma_wait3A_52 = arith.constant 0 : i32
    %dma_wait3A_53 = tpu.memref_slice %arg13[%add3A_51, %dma_wait3A_52] : memref<10240x64xf32, #tpu.memory_space<vmem_shared>> -> memref<128x64xf32, #tpu.memory_space<vmem_shared>>
    %dma_wait3A_54 = arith.constant 0 : i32
    %dma_wait3A_55 = tpu.memref_slice %arg13[%add3A_51, %dma_wait3A_54] : memref<10240x64xf32, #tpu.memory_space<vmem_shared>> -> memref<128x64xf32, #tpu.memory_space<vmem_shared>>
    tpu.wait_dma2 semaphore(%arg19 : memref<!tpu.dma_semaphore, #tpu.memory_space<semaphore_mem>>) src(%arg8 : memref<128x64xf32, #tpu.memory_space<vmem>>) dst(%dma_wait3A_55 : memref<128x64xf32, #tpu.memory_space<vmem_shared>>)
    %add3A_56 = arith.constant 256 : i32
    %add3A_57 = arith.addi %multiple_of3A_8, %add3A_56 : i32
    %dma_wait3A_58 = arith.constant 0 : i32
    %dma_wait3A_59 = tpu.memref_slice %arg13[%add3A_57, %dma_wait3A_58] : memref<10240x64xf32, #tpu.memory_space<vmem_shared>> -> memref<128x64xf32, #tpu.memory_space<vmem_shared>>
    %dma_wait3A_60 = arith.constant 0 : i32
    %dma_wait3A_61 = tpu.memref_slice %arg13[%add3A_57, %dma_wait3A_60] : memref<10240x64xf32, #tpu.memory_space<vmem_shared>> -> memref<128x64xf32, #tpu.memory_space<vmem_shared>>
    tpu.wait_dma2 semaphore(%arg19 : memref<!tpu.dma_semaphore, #tpu.memory_space<semaphore_mem>>) src(%arg8 : memref<128x64xf32, #tpu.memory_space<vmem>>) dst(%dma_wait3A_61 : memref<128x64xf32, #tpu.memory_space<vmem_shared>>)
    %add3A_62 = arith.constant 384 : i32
    %add3A_63 = arith.addi %multiple_of3A_8, %add3A_62 : i32
    %dma_wait3A_64 = arith.constant 0 : i32
    %dma_wait3A_65 = tpu.memref_slice %arg13[%add3A_63, %dma_wait3A_64] : memref<10240x64xf32, #tpu.memory_space<vmem_shared>> -> memref<128x64xf32, #tpu.memory_space<vmem_shared>>
    %dma_wait3A_66 = arith.constant 0 : i32
    %dma_wait3A_67 = tpu.memref_slice %arg13[%add3A_63, %dma_wait3A_66] : memref<10240x64xf32, #tpu.memory_space<vmem_shared>> -> memref<128x64xf32, #tpu.memory_space<vmem_shared>>
    tpu.wait_dma2 semaphore(%arg19 : memref<!tpu.dma_semaphore, #tpu.memory_space<semaphore_mem>>) src(%arg8 : memref<128x64xf32, #tpu.memory_space<vmem>>) dst(%dma_wait3A_67 : memref<128x64xf32, #tpu.memory_space<vmem_shared>>)
    %add3A_68 = arith.constant 512 : i32
    %add3A_69 = arith.addi %multiple_of3A_8, %add3A_68 : i32
    %dma_wait3A_70 = arith.constant 0 : i32
    %dma_wait3A_71 = tpu.memref_slice %arg13[%add3A_69, %dma_wait3A_70] : memref<10240x64xf32, #tpu.memory_space<vmem_shared>> -> memref<128x64xf32, #tpu.memory_space<vmem_shared>>
    %dma_wait3A_72 = arith.constant 0 : i32
    %dma_wait3A_73 = tpu.memref_slice %arg13[%add3A_69, %dma_wait3A_72] : memref<10240x64xf32, #tpu.memory_space<vmem_shared>> -> memref<128x64xf32, #tpu.memory_space<vmem_shared>>
    tpu.wait_dma2 semaphore(%arg19 : memref<!tpu.dma_semaphore, #tpu.memory_space<semaphore_mem>>) src(%arg8 : memref<128x64xf32, #tpu.memory_space<vmem>>) dst(%dma_wait3A_73 : memref<128x64xf32, #tpu.memory_space<vmem_shared>>)
    %dma_wait3A_74 = arith.constant 0 : i32
    %dma_wait3A_75 = tpu.memref_slice %arg3[%multiple_of3A, %dma_wait3A_74] : memref<2560x128xi32, #tpu.memory_space<hbm>> -> memref<160x128xi32, #tpu.memory_space<hbm>>
    %dma_wait3A_76 = arith.constant 0 : i32
    %dma_wait3A_77 = tpu.memref_slice %arg3[%multiple_of3A, %dma_wait3A_76] : memref<2560x128xi32, #tpu.memory_space<hbm>> -> memref<160x128xi32, #tpu.memory_space<hbm>>
    tpu.wait_dma2 semaphore(%arg14 : memref<!tpu.dma_semaphore, #tpu.memory_space<semaphore_mem>>) src(%dma_wait3A_77 : memref<160x128xi32, #tpu.memory_space<hbm>>) dst(%arg6 : memref<160x128xi32, #tpu.memory_space<vmem>>)
    %dma_wait3A_78 = arith.constant 0 : i32
    %dma_wait3A_79 = tpu.memref_slice %arg4[%multiple_of3A, %dma_wait3A_78] : memref<2560x128xi32, #tpu.memory_space<hbm>> -> memref<160x128xi32, #tpu.memory_space<hbm>>
    %dma_wait3A_80 = arith.constant 0 : i32
    %dma_wait3A_81 = tpu.memref_slice %arg4[%multiple_of3A, %dma_wait3A_80] : memref<2560x128xi32, #tpu.memory_space<hbm>> -> memref<160x128xi32, #tpu.memory_space<hbm>>
    tpu.wait_dma2 semaphore(%arg15 : memref<!tpu.dma_semaphore, #tpu.memory_space<semaphore_mem>>) src(%dma_wait3A_81 : memref<160x128xi32, #tpu.memory_space<hbm>>) dst(%arg7 : memref<160x128xi32, #tpu.memory_space<vmem>>)
    %barrier3A = arith.constant 0 : index
    tpu.barrier barrier_id(%barrier3A)
    %dma_start3A_82 = arith.constant 0 : i32
    %dma_start3A_83 = arith.constant 0 : i32
    %dma_start3A_84 = tpu.memref_slice %arg6[%dma_start3A_82, %dma_start3A_83] : memref<160x128xi32, #tpu.memory_space<vmem>> -> memref<1x128xi32, #tpu.memory_space<vmem>>
    %dma_start3A_85 = tpu.memref_squeeze %dma_start3A_84 : memref<1x128xi32, #tpu.memory_space<vmem>> -> memref<128xi32, #tpu.memory_space<vmem>>
    %dma_start3A_86 = arith.constant 0 : i32
    %dma_start3A_87 = arith.constant 0 : i32
    %dma_start3A_88 = tpu.memref_slice %arg2[%arg0, %dma_start3A_86, %dma_start3A_87] : memref<2x10000x64xf32, #tpu.memory_space<hbm>> -> memref<1x10000x64xf32, #tpu.memory_space<hbm>>
    %dma_start3A_89 = tpu.memref_squeeze %dma_start3A_88 : memref<1x10000x64xf32, #tpu.memory_space<hbm>> -> memref<10000x64xf32, #tpu.memory_space<hbm>>
    %dma_start3A_90 = arith.constant 0 : i32
    %dma_start3A_91 = arith.constant 0 : i32
    %dma_start3A_92 = tpu.memref_slice %dma_start3A_89[%dma_start3A_90, %dma_start3A_91] : memref<10000x64xf32, #tpu.memory_space<hbm>> -> memref<10000x64xf32, #tpu.memory_space<hbm>>
    tpu.enqueue_indirect_dma source(%dma_start3A_92 : memref<10000x64xf32, #tpu.memory_space<hbm>>) target(%arg8 : memref<128x64xf32, #tpu.memory_space<vmem>>) offsets(%dma_start3A_85 : memref<128xi32, #tpu.memory_space<vmem>>) semaphore(%arg14 : memref<!tpu.dma_semaphore, #tpu.memory_space<semaphore_mem>>)
    %dma_start3A_93 = arith.constant 1 : i32
    %dma_start3A_94 = arith.constant 0 : i32
    %dma_start3A_95 = tpu.memref_slice %arg6[%dma_start3A_93, %dma_start3A_94] : memref<160x128xi32, #tpu.memory_space<vmem>> -> memref<1x128xi32, #tpu.memory_space<vmem>>
    %dma_start3A_96 = tpu.memref_squeeze %dma_start3A_95 : memref<1x128xi32, #tpu.memory_space<vmem>> -> memref<128xi32, #tpu.memory_space<vmem>>
    %dma_start3A_97 = arith.constant 0 : i32
    %dma_start3A_98 = arith.constant 0 : i32
    %dma_start3A_99 = tpu.memref_slice %arg2[%arg0, %dma_start3A_97, %dma_start3A_98] : memref<2x10000x64xf32, #tpu.memory_space<hbm>> -> memref<1x10000x64xf32, #tpu.memory_space<hbm>>
    %dma_start3A_100 = tpu.memref_squeeze %dma_start3A_99 : memref<1x10000x64xf32, #tpu.memory_space<hbm>> -> memref<10000x64xf32, #tpu.memory_space<hbm>>
    %dma_start3A_101 = arith.constant 0 : i32
    %dma_start3A_102 = arith.constant 0 : i32
    %dma_start3A_103 = tpu.memref_slice %dma_start3A_100[%dma_start3A_101, %dma_start3A_102] : memref<10000x64xf32, #tpu.memory_space<hbm>> -> memref<10000x64xf32, #tpu.memory_space<hbm>>
    tpu.enqueue_indirect_dma source(%dma_start3A_103 : memref<10000x64xf32, #tpu.memory_space<hbm>>) target(%arg9 : memref<128x64xf32, #tpu.memory_space<vmem>>) offsets(%dma_start3A_96 : memref<128xi32, #tpu.memory_space<vmem>>) semaphore(%arg15 : memref<!tpu.dma_semaphore, #tpu.memory_space<semaphore_mem>>)
    %dma_start3A_104 = arith.constant 2 : i32
    %dma_start3A_105 = arith.constant 0 : i32
    %dma_start3A_106 = tpu.memref_slice %arg6[%dma_start3A_104, %dma_start3A_105] : memref<160x128xi32, #tpu.memory_space<vmem>> -> memref<1x128xi32, #tpu.memory_space<vmem>>
    %dma_start3A_107 = tpu.memref_squeeze %dma_start3A_106 : memref<1x128xi32, #tpu.memory_space<vmem>> -> memref<128xi32, #tpu.memory_space<vmem>>
    %dma_start3A_108 = arith.constant 0 : i32
    %dma_start3A_109 = arith.constant 0 : i32
    %dma_start3A_110 = tpu.memref_slice %arg2[%arg0, %dma_start3A_108, %dma_start3A_109] : memref<2x10000x64xf32, #tpu.memory_space<hbm>> -> memref<1x10000x64xf32, #tpu.memory_space<hbm>>
    %dma_start3A_111 = tpu.memref_squeeze %dma_start3A_110 : memref<1x10000x64xf32, #tpu.memory_space<hbm>> -> memref<10000x64xf32, #tpu.memory_space<hbm>>
    %dma_start3A_112 = arith.constant 0 : i32
    %dma_start3A_113 = arith.constant 0 : i32
    %dma_start3A_114 = tpu.memref_slice %dma_start3A_111[%dma_start3A_112, %dma_start3A_113] : memref<10000x64xf32, #tpu.memory_space<hbm>> -> memref<10000x64xf32, #tpu.memory_space<hbm>>
    tpu.enqueue_indirect_dma source(%dma_start3A_114 : memref<10000x64xf32, #tpu.memory_space<hbm>>) target(%arg10 : memref<128x64xf32, #tpu.memory_space<vmem>>) offsets(%dma_start3A_107 : memref<128xi32, #tpu.memory_space<vmem>>) semaphore(%arg16 : memref<!tpu.dma_semaphore, #tpu.memory_space<semaphore_mem>>)
    %dma_start3A_115 = arith.constant 3 : i32
    %dma_start3A_116 = arith.constant 0 : i32
    %dma_start3A_117 = tpu.memref_slice %arg6[%dma_start3A_115, %dma_start3A_116] : memref<160x128xi32, #tpu.memory_space<vmem>> -> memref<1x128xi32, #tpu.memory_space<vmem>>
    %dma_start3A_118 = tpu.memref_squeeze %dma_start3A_117 : memref<1x128xi32, #tpu.memory_space<vmem>> -> memref<128xi32, #tpu.memory_space<vmem>>
    %dma_start3A_119 = arith.constant 0 : i32
    %dma_start3A_120 = arith.constant 0 : i32
    %dma_start3A_121 = tpu.memref_slice %arg2[%arg0, %dma_start3A_119, %dma_start3A_120] : memref<2x10000x64xf32, #tpu.memory_space<hbm>> -> memref<1x10000x64xf32, #tpu.memory_space<hbm>>
    %dma_start3A_122 = tpu.memref_squeeze %dma_start3A_121 : memref<1x10000x64xf32, #tpu.memory_space<hbm>> -> memref<10000x64xf32, #tpu.memory_space<hbm>>
    %dma_start3A_123 = arith.constant 0 : i32
    %dma_start3A_124 = arith.constant 0 : i32
    %dma_start3A_125 = tpu.memref_slice %dma_start3A_122[%dma_start3A_123, %dma_start3A_124] : memref<10000x64xf32, #tpu.memory_space<hbm>> -> memref<10000x64xf32, #tpu.memory_space<hbm>>
    tpu.enqueue_indirect_dma source(%dma_start3A_125 : memref<10000x64xf32, #tpu.memory_space<hbm>>) target(%arg11 : memref<128x64xf32, #tpu.memory_space<vmem>>) offsets(%dma_start3A_118 : memref<128xi32, #tpu.memory_space<vmem>>) semaphore(%arg17 : memref<!tpu.dma_semaphore, #tpu.memory_space<semaphore_mem>>)
    %scan3A_126 = arith.constant 0 : i32
    %scan3A_127 = arith.constant 0 : i32
    %scan3A_128 = arith.constant 32 : i32
    %scan3A_129 = arith.addi %scan3A_127, %scan3A_128 : i32
    %scan3A_130 = arith.constant 1 : i32
    scf.for %scan3A_140 = %scan3A_127 to %scan3A_129 step %scan3A_130  : i32 {
      %mul3A_141 = arith.constant 5 : i32
      %mul3A_142 = arith.muli %scan3A_140, %mul3A_141 : i32
      %add3A_143 = arith.constant 0 : i32
      %add3A_144 = arith.addi %mul3A_142, %add3A_143 : i32
      %gt3A = arith.constant 0 : i32
      %gt3A_145 = arith.cmpi sgt, %add3A_144, %gt3A : i32
      %convert_element_type3A = arith.extui %gt3A_145 : i1 to i32
      %cond3A = arith.constant 0 : i32
      %cond3A_146 = arith.cmpi ne, %convert_element_type3A, %cond3A : i32
      scf.if %cond3A_146 {
        %sub3A_306 = arith.constant 1 : i32
        %sub3A_307 = arith.subi %add3A_144, %sub3A_306 : i32
        %dma_wait3A_308 = arith.constant 0 : i32
        %dma_wait3A_309 = tpu.memref_slice %arg7[%sub3A_307, %dma_wait3A_308] : memref<160x128xi32, #tpu.memory_space<vmem>> -> memref<1x128xi32, #tpu.memory_space<vmem>>
        %dma_wait3A_310 = tpu.memref_squeeze %dma_wait3A_309 : memref<1x128xi32, #tpu.memory_space<vmem>> -> memref<128xi32, #tpu.memory_space<vmem>>
        %dma_wait3A_311 = arith.constant 0 : i32
        %dma_wait3A_312 = arith.constant 0 : i32
        %dma_wait3A_313 = tpu.memref_slice %arg13[%dma_wait3A_311, %dma_wait3A_312] : memref<10240x64xf32, #tpu.memory_space<vmem_shared>> -> memref<10240x64xf32, #tpu.memory_space<vmem_shared>>
        tpu.wait_indirect_dma semaphore(%arg23 : memref<!tpu.dma_semaphore, #tpu.memory_space<semaphore_mem>>) src(%arg12 : memref<128x64xf32, #tpu.memory_space<vmem>>) dst(%dma_wait3A_313 : memref<10240x64xf32, #tpu.memory_space<vmem_shared>>)
      } else {
      }
      %add3A_147 = arith.constant 5 : i32
      %add3A_148 = arith.addi %add3A_144, %add3A_147 : i32
      %sub3A = arith.constant 1 : i32
      %sub3A_149 = arith.subi %add3A_148, %sub3A : i32
      %lt3A = arith.constant 160 : i32
      %lt3A_150 = arith.cmpi slt, %sub3A_149, %lt3A : i32
      %convert_element_type3A_151 = arith.extui %lt3A_150 : i1 to i32
      %cond3A_152 = arith.constant 0 : i32
      %cond3A_153 = arith.cmpi ne, %convert_element_type3A_151, %cond3A_152 : i32
      scf.if %cond3A_153 {
        %add3A_306 = arith.constant 5 : i32
        %add3A_307 = arith.addi %add3A_144, %add3A_306 : i32
        %sub3A_308 = arith.constant 1 : i32
        %sub3A_309 = arith.subi %add3A_307, %sub3A_308 : i32
        %dma_start3A_310 = arith.constant 0 : i32
        %dma_start3A_311 = tpu.memref_slice %arg6[%sub3A_309, %dma_start3A_310] : memref<160x128xi32, #tpu.memory_space<vmem>> -> memref<1x128xi32, #tpu.memory_space<vmem>>
        %dma_start3A_312 = tpu.memref_squeeze %dma_start3A_311 : memref<1x128xi32, #tpu.memory_space<vmem>> -> memref<128xi32, #tpu.memory_space<vmem>>
        %dma_start3A_313 = arith.constant 0 : i32
        %dma_start3A_314 = arith.constant 0 : i32
        %dma_start3A_315 = tpu.memref_slice %arg2[%arg0, %dma_start3A_313, %dma_start3A_314] : memref<2x10000x64xf32, #tpu.memory_space<hbm>> -> memref<1x10000x64xf32, #tpu.memory_space<hbm>>
        %dma_start3A_316 = tpu.memref_squeeze %dma_start3A_315 : memref<1x10000x64xf32, #tpu.memory_space<hbm>> -> memref<10000x64xf32, #tpu.memory_space<hbm>>
        %dma_start3A_317 = arith.constant 0 : i32
        %dma_start3A_318 = arith.constant 0 : i32
        %dma_start3A_319 = tpu.memref_slice %dma_start3A_316[%dma_start3A_317, %dma_start3A_318] : memref<10000x64xf32, #tpu.memory_space<hbm>> -> memref<10000x64xf32, #tpu.memory_space<hbm>>
        tpu.enqueue_indirect_dma source(%dma_start3A_319 : memref<10000x64xf32, #tpu.memory_space<hbm>>) target(%arg12 : memref<128x64xf32, #tpu.memory_space<vmem>>) offsets(%dma_start3A_312 : memref<128xi32, #tpu.memory_space<vmem>>) semaphore(%arg18 : memref<!tpu.dma_semaphore, #tpu.memory_space<semaphore_mem>>)
      } else {
      }
      %dma_wait3A_154 = arith.constant 0 : i32
      %dma_wait3A_155 = tpu.memref_slice %arg6[%add3A_144, %dma_wait3A_154] : memref<160x128xi32, #tpu.memory_space<vmem>> -> memref<1x128xi32, #tpu.memory_space<vmem>>
      %dma_wait3A_156 = tpu.memref_squeeze %dma_wait3A_155 : memref<1x128xi32, #tpu.memory_space<vmem>> -> memref<128xi32, #tpu.memory_space<vmem>>
      %dma_wait3A_157 = arith.constant 0 : i32
      %dma_wait3A_158 = arith.constant 0 : i32
      %dma_wait3A_159 = tpu.memref_slice %arg2[%arg0, %dma_wait3A_157, %dma_wait3A_158] : memref<2x10000x64xf32, #tpu.memory_space<hbm>> -> memref<1x10000x64xf32, #tpu.memory_space<hbm>>
      %dma_wait3A_160 = tpu.memref_squeeze %dma_wait3A_159 : memref<1x10000x64xf32, #tpu.memory_space<hbm>> -> memref<10000x64xf32, #tpu.memory_space<hbm>>
      %dma_wait3A_161 = arith.constant 0 : i32
      %dma_wait3A_162 = arith.constant 0 : i32
      %dma_wait3A_163 = tpu.memref_slice %dma_wait3A_160[%dma_wait3A_161, %dma_wait3A_162] : memref<10000x64xf32, #tpu.memory_space<hbm>> -> memref<10000x64xf32, #tpu.memory_space<hbm>>
      tpu.wait_indirect_dma semaphore(%arg14 : memref<!tpu.dma_semaphore, #tpu.memory_space<semaphore_mem>>) src(%dma_wait3A_163 : memref<10000x64xf32, #tpu.memory_space<hbm>>) dst(%arg8 : memref<128x64xf32, #tpu.memory_space<vmem>>)
      %dma_start3A_164 = arith.constant 0 : i32
      %dma_start3A_165 = tpu.memref_slice %arg7[%add3A_144, %dma_start3A_164] : memref<160x128xi32, #tpu.memory_space<vmem>> -> memref<1x128xi32, #tpu.memory_space<vmem>>
      %dma_start3A_166 = tpu.memref_squeeze %dma_start3A_165 : memref<1x128xi32, #tpu.memory_space<vmem>> -> memref<128xi32, #tpu.memory_space<vmem>>
      %dma_start3A_167 = arith.constant 0 : i32
      %dma_start3A_168 = arith.constant 0 : i32
      %dma_start3A_169 = tpu.memref_slice %arg13[%dma_start3A_167, %dma_start3A_168] : memref<10240x64xf32, #tpu.memory_space<vmem_shared>> -> memref<10240x64xf32, #tpu.memory_space<vmem_shared>>
      tpu.enqueue_indirect_dma source(%arg8 : memref<128x64xf32, #tpu.memory_space<vmem>>) target(%dma_start3A_169 : memref<10240x64xf32, #tpu.memory_space<vmem_shared>>) offsets(%dma_start3A_166 : memref<128xi32, #tpu.memory_space<vmem>>) semaphore(%arg19 : memref<!tpu.dma_semaphore, #tpu.memory_space<semaphore_mem>>) {add = true}
      %mul3A_170 = arith.constant 5 : i32
      %mul3A_171 = arith.muli %scan3A_140, %mul3A_170 : i32
      %add3A_172 = arith.constant 1 : i32
      %add3A_173 = arith.addi %mul3A_171, %add3A_172 : i32
      %gt3A_174 = arith.constant 0 : i32
      %gt3A_175 = arith.cmpi sgt, %add3A_173, %gt3A_174 : i32
      %convert_element_type3A_176 = arith.extui %gt3A_175 : i1 to i32
      %cond3A_177 = arith.constant 0 : i32
      %cond3A_178 = arith.cmpi ne, %convert_element_type3A_176, %cond3A_177 : i32
      scf.if %cond3A_178 {
        %sub3A_306 = arith.constant 1 : i32
        %sub3A_307 = arith.subi %add3A_173, %sub3A_306 : i32
        %dma_wait3A_308 = arith.constant 0 : i32
        %dma_wait3A_309 = tpu.memref_slice %arg7[%sub3A_307, %dma_wait3A_308] : memref<160x128xi32, #tpu.memory_space<vmem>> -> memref<1x128xi32, #tpu.memory_space<vmem>>
        %dma_wait3A_310 = tpu.memref_squeeze %dma_wait3A_309 : memref<1x128xi32, #tpu.memory_space<vmem>> -> memref<128xi32, #tpu.memory_space<vmem>>
        %dma_wait3A_311 = arith.constant 0 : i32
        %dma_wait3A_312 = arith.constant 0 : i32
        %dma_wait3A_313 = tpu.memref_slice %arg13[%dma_wait3A_311, %dma_wait3A_312] : memref<10240x64xf32, #tpu.memory_space<vmem_shared>> -> memref<10240x64xf32, #tpu.memory_space<vmem_shared>>
        tpu.wait_indirect_dma semaphore(%arg19 : memref<!tpu.dma_semaphore, #tpu.memory_space<semaphore_mem>>) src(%arg8 : memref<128x64xf32, #tpu.memory_space<vmem>>) dst(%dma_wait3A_313 : memref<10240x64xf32, #tpu.memory_space<vmem_shared>>)
      } else {
      }
      %add3A_179 = arith.constant 5 : i32
      %add3A_180 = arith.addi %add3A_173, %add3A_179 : i32
      %sub3A_181 = arith.constant 1 : i32
      %sub3A_182 = arith.subi %add3A_180, %sub3A_181 : i32
      %lt3A_183 = arith.constant 160 : i32
      %lt3A_184 = arith.cmpi slt, %sub3A_182, %lt3A_183 : i32
      %convert_element_type3A_185 = arith.extui %lt3A_184 : i1 to i32
      %cond3A_186 = arith.constant 0 : i32
      %cond3A_187 = arith.cmpi ne, %convert_element_type3A_185, %cond3A_186 : i32
      scf.if %cond3A_187 {
        %add3A_306 = arith.constant 5 : i32
        %add3A_307 = arith.addi %add3A_173, %add3A_306 : i32
        %sub3A_308 = arith.constant 1 : i32
        %sub3A_309 = arith.subi %add3A_307, %sub3A_308 : i32
        %dma_start3A_310 = arith.constant 0 : i32
        %dma_start3A_311 = tpu.memref_slice %arg6[%sub3A_309, %dma_start3A_310] : memref<160x128xi32, #tpu.memory_space<vmem>> -> memref<1x128xi32, #tpu.memory_space<vmem>>
        %dma_start3A_312 = tpu.memref_squeeze %dma_start3A_311 : memref<1x128xi32, #tpu.memory_space<vmem>> -> memref<128xi32, #tpu.memory_space<vmem>>
        %dma_start3A_313 = arith.constant 0 : i32
        %dma_start3A_314 = arith.constant 0 : i32
        %dma_start3A_315 = tpu.memref_slice %arg2[%arg0, %dma_start3A_313, %dma_start3A_314] : memref<2x10000x64xf32, #tpu.memory_space<hbm>> -> memref<1x10000x64xf32, #tpu.memory_space<hbm>>
        %dma_start3A_316 = tpu.memref_squeeze %dma_start3A_315 : memref<1x10000x64xf32, #tpu.memory_space<hbm>> -> memref<10000x64xf32, #tpu.memory_space<hbm>>
        %dma_start3A_317 = arith.constant 0 : i32
        %dma_start3A_318 = arith.constant 0 : i32
        %dma_start3A_319 = tpu.memref_slice %dma_start3A_316[%dma_start3A_317, %dma_start3A_318] : memref<10000x64xf32, #tpu.memory_space<hbm>> -> memref<10000x64xf32, #tpu.memory_space<hbm>>
        tpu.enqueue_indirect_dma source(%dma_start3A_319 : memref<10000x64xf32, #tpu.memory_space<hbm>>) target(%arg8 : memref<128x64xf32, #tpu.memory_space<vmem>>) offsets(%dma_start3A_312 : memref<128xi32, #tpu.memory_space<vmem>>) semaphore(%arg14 : memref<!tpu.dma_semaphore, #tpu.memory_space<semaphore_mem>>)
      } else {
      }
      %dma_wait3A_188 = arith.constant 0 : i32
      %dma_wait3A_189 = tpu.memref_slice %arg6[%add3A_173, %dma_wait3A_188] : memref<160x128xi32, #tpu.memory_space<vmem>> -> memref<1x128xi32, #tpu.memory_space<vmem>>
      %dma_wait3A_190 = tpu.memref_squeeze %dma_wait3A_189 : memref<1x128xi32, #tpu.memory_space<vmem>> -> memref<128xi32, #tpu.memory_space<vmem>>
      %dma_wait3A_191 = arith.constant 0 : i32
      %dma_wait3A_192 = arith.constant 0 : i32
      %dma_wait3A_193 = tpu.memref_slice %arg2[%arg0, %dma_wait3A_191, %dma_wait3A_192] : memref<2x10000x64xf32, #tpu.memory_space<hbm>> -> memref<1x10000x64xf32, #tpu.memory_space<hbm>>
      %dma_wait3A_194 = tpu.memref_squeeze %dma_wait3A_193 : memref<1x10000x64xf32, #tpu.memory_space<hbm>> -> memref<10000x64xf32, #tpu.memory_space<hbm>>
      %dma_wait3A_195 = arith.constant 0 : i32
      %dma_wait3A_196 = arith.constant 0 : i32
      %dma_wait3A_197 = tpu.memref_slice %dma_wait3A_194[%dma_wait3A_195, %dma_wait3A_196] : memref<10000x64xf32, #tpu.memory_space<hbm>> -> memref<10000x64xf32, #tpu.memory_space<hbm>>
      tpu.wait_indirect_dma semaphore(%arg15 : memref<!tpu.dma_semaphore, #tpu.memory_space<semaphore_mem>>) src(%dma_wait3A_197 : memref<10000x64xf32, #tpu.memory_space<hbm>>) dst(%arg9 : memref<128x64xf32, #tpu.memory_space<vmem>>)
      %dma_start3A_198 = arith.constant 0 : i32
      %dma_start3A_199 = tpu.memref_slice %arg7[%add3A_173, %dma_start3A_198] : memref<160x128xi32, #tpu.memory_space<vmem>> -> memref<1x128xi32, #tpu.memory_space<vmem>>
      %dma_start3A_200 = tpu.memref_squeeze %dma_start3A_199 : memref<1x128xi32, #tpu.memory_space<vmem>> -> memref<128xi32, #tpu.memory_space<vmem>>
      %dma_start3A_201 = arith.constant 0 : i32
      %dma_start3A_202 = arith.constant 0 : i32
      %dma_start3A_203 = tpu.memref_slice %arg13[%dma_start3A_201, %dma_start3A_202] : memref<10240x64xf32, #tpu.memory_space<vmem_shared>> -> memref<10240x64xf32, #tpu.memory_space<vmem_shared>>
      tpu.enqueue_indirect_dma source(%arg9 : memref<128x64xf32, #tpu.memory_space<vmem>>) target(%dma_start3A_203 : memref<10240x64xf32, #tpu.memory_space<vmem_shared>>) offsets(%dma_start3A_200 : memref<128xi32, #tpu.memory_space<vmem>>) semaphore(%arg20 : memref<!tpu.dma_semaphore, #tpu.memory_space<semaphore_mem>>) {add = true}
      %mul3A_204 = arith.constant 5 : i32
      %mul3A_205 = arith.muli %scan3A_140, %mul3A_204 : i32
      %add3A_206 = arith.constant 2 : i32
      %add3A_207 = arith.addi %mul3A_205, %add3A_206 : i32
      %gt3A_208 = arith.constant 0 : i32
      %gt3A_209 = arith.cmpi sgt, %add3A_207, %gt3A_208 : i32
      %convert_element_type3A_210 = arith.extui %gt3A_209 : i1 to i32
      %cond3A_211 = arith.constant 0 : i32
      %cond3A_212 = arith.cmpi ne, %convert_element_type3A_210, %cond3A_211 : i32
      scf.if %cond3A_212 {
        %sub3A_306 = arith.constant 1 : i32
        %sub3A_307 = arith.subi %add3A_207, %sub3A_306 : i32
        %dma_wait3A_308 = arith.constant 0 : i32
        %dma_wait3A_309 = tpu.memref_slice %arg7[%sub3A_307, %dma_wait3A_308] : memref<160x128xi32, #tpu.memory_space<vmem>> -> memref<1x128xi32, #tpu.memory_space<vmem>>
        %dma_wait3A_310 = tpu.memref_squeeze %dma_wait3A_309 : memref<1x128xi32, #tpu.memory_space<vmem>> -> memref<128xi32, #tpu.memory_space<vmem>>
        %dma_wait3A_311 = arith.constant 0 : i32
        %dma_wait3A_312 = arith.constant 0 : i32
        %dma_wait3A_313 = tpu.memref_slice %arg13[%dma_wait3A_311, %dma_wait3A_312] : memref<10240x64xf32, #tpu.memory_space<vmem_shared>> -> memref<10240x64xf32, #tpu.memory_space<vmem_shared>>
        tpu.wait_indirect_dma semaphore(%arg20 : memref<!tpu.dma_semaphore, #tpu.memory_space<semaphore_mem>>) src(%arg9 : memref<128x64xf32, #tpu.memory_space<vmem>>) dst(%dma_wait3A_313 : memref<10240x64xf32, #tpu.memory_space<vmem_shared>>)
      } else {
      }
      %add3A_213 = arith.constant 5 : i32
      %add3A_214 = arith.addi %add3A_207, %add3A_213 : i32
      %sub3A_215 = arith.constant 1 : i32
      %sub3A_216 = arith.subi %add3A_214, %sub3A_215 : i32
      %lt3A_217 = arith.constant 160 : i32
      %lt3A_218 = arith.cmpi slt, %sub3A_216, %lt3A_217 : i32
      %convert_element_type3A_219 = arith.extui %lt3A_218 : i1 to i32
      %cond3A_220 = arith.constant 0 : i32
      %cond3A_221 = arith.cmpi ne, %convert_element_type3A_219, %cond3A_220 : i32
      scf.if %cond3A_221 {
        %add3A_306 = arith.constant 5 : i32
        %add3A_307 = arith.addi %add3A_207, %add3A_306 : i32
        %sub3A_308 = arith.constant 1 : i32
        %sub3A_309 = arith.subi %add3A_307, %sub3A_308 : i32
        %dma_start3A_310 = arith.constant 0 : i32
        %dma_start3A_311 = tpu.memref_slice %arg6[%sub3A_309, %dma_start3A_310] : memref<160x128xi32, #tpu.memory_space<vmem>> -> memref<1x128xi32, #tpu.memory_space<vmem>>
        %dma_start3A_312 = tpu.memref_squeeze %dma_start3A_311 : memref<1x128xi32, #tpu.memory_space<vmem>> -> memref<128xi32, #tpu.memory_space<vmem>>
        %dma_start3A_313 = arith.constant 0 : i32
        %dma_start3A_314 = arith.constant 0 : i32
        %dma_start3A_315 = tpu.memref_slice %arg2[%arg0, %dma_start3A_313, %dma_start3A_314] : memref<2x10000x64xf32, #tpu.memory_space<hbm>> -> memref<1x10000x64xf32, #tpu.memory_space<hbm>>
        %dma_start3A_316 = tpu.memref_squeeze %dma_start3A_315 : memref<1x10000x64xf32, #tpu.memory_space<hbm>> -> memref<10000x64xf32, #tpu.memory_space<hbm>>
        %dma_start3A_317 = arith.constant 0 : i32
        %dma_start3A_318 = arith.constant 0 : i32
        %dma_start3A_319 = tpu.memref_slice %dma_start3A_316[%dma_start3A_317, %dma_start3A_318] : memref<10000x64xf32, #tpu.memory_space<hbm>> -> memref<10000x64xf32, #tpu.memory_space<hbm>>
        tpu.enqueue_indirect_dma source(%dma_start3A_319 : memref<10000x64xf32, #tpu.memory_space<hbm>>) target(%arg9 : memref<128x64xf32, #tpu.memory_space<vmem>>) offsets(%dma_start3A_312 : memref<128xi32, #tpu.memory_space<vmem>>) semaphore(%arg15 : memref<!tpu.dma_semaphore, #tpu.memory_space<semaphore_mem>>)
      } else {
      }
      %dma_wait3A_222 = arith.constant 0 : i32
      %dma_wait3A_223 = tpu.memref_slice %arg6[%add3A_207, %dma_wait3A_222] : memref<160x128xi32, #tpu.memory_space<vmem>> -> memref<1x128xi32, #tpu.memory_space<vmem>>
      %dma_wait3A_224 = tpu.memref_squeeze %dma_wait3A_223 : memref<1x128xi32, #tpu.memory_space<vmem>> -> memref<128xi32, #tpu.memory_space<vmem>>
      %dma_wait3A_225 = arith.constant 0 : i32
      %dma_wait3A_226 = arith.constant 0 : i32
      %dma_wait3A_227 = tpu.memref_slice %arg2[%arg0, %dma_wait3A_225, %dma_wait3A_226] : memref<2x10000x64xf32, #tpu.memory_space<hbm>> -> memref<1x10000x64xf32, #tpu.memory_space<hbm>>
      %dma_wait3A_228 = tpu.memref_squeeze %dma_wait3A_227 : memref<1x10000x64xf32, #tpu.memory_space<hbm>> -> memref<10000x64xf32, #tpu.memory_space<hbm>>
      %dma_wait3A_229 = arith.constant 0 : i32
      %dma_wait3A_230 = arith.constant 0 : i32
      %dma_wait3A_231 = tpu.memref_slice %dma_wait3A_228[%dma_wait3A_229, %dma_wait3A_230] : memref<10000x64xf32, #tpu.memory_space<hbm>> -> memref<10000x64xf32, #tpu.memory_space<hbm>>
      tpu.wait_indirect_dma semaphore(%arg16 : memref<!tpu.dma_semaphore, #tpu.memory_space<semaphore_mem>>) src(%dma_wait3A_231 : memref<10000x64xf32, #tpu.memory_space<hbm>>) dst(%arg10 : memref<128x64xf32, #tpu.memory_space<vmem>>)
      %dma_start3A_232 = arith.constant 0 : i32
      %dma_start3A_233 = tpu.memref_slice %arg7[%add3A_207, %dma_start3A_232] : memref<160x128xi32, #tpu.memory_space<vmem>> -> memref<1x128xi32, #tpu.memory_space<vmem>>
      %dma_start3A_234 = tpu.memref_squeeze %dma_start3A_233 : memref<1x128xi32, #tpu.memory_space<vmem>> -> memref<128xi32, #tpu.memory_space<vmem>>
      %dma_start3A_235 = arith.constant 0 : i32
      %dma_start3A_236 = arith.constant 0 : i32
      %dma_start3A_237 = tpu.memref_slice %arg13[%dma_start3A_235, %dma_start3A_236] : memref<10240x64xf32, #tpu.memory_space<vmem_shared>> -> memref<10240x64xf32, #tpu.memory_space<vmem_shared>>
      tpu.enqueue_indirect_dma source(%arg10 : memref<128x64xf32, #tpu.memory_space<vmem>>) target(%dma_start3A_237 : memref<10240x64xf32, #tpu.memory_space<vmem_shared>>) offsets(%dma_start3A_234 : memref<128xi32, #tpu.memory_space<vmem>>) semaphore(%arg21 : memref<!tpu.dma_semaphore, #tpu.memory_space<semaphore_mem>>) {add = true}
      %mul3A_238 = arith.constant 5 : i32
      %mul3A_239 = arith.muli %scan3A_140, %mul3A_238 : i32
      %add3A_240 = arith.constant 3 : i32
      %add3A_241 = arith.addi %mul3A_239, %add3A_240 : i32
      %gt3A_242 = arith.constant 0 : i32
      %gt3A_243 = arith.cmpi sgt, %add3A_241, %gt3A_242 : i32
      %convert_element_type3A_244 = arith.extui %gt3A_243 : i1 to i32
      %cond3A_245 = arith.constant 0 : i32
      %cond3A_246 = arith.cmpi ne, %convert_element_type3A_244, %cond3A_245 : i32
      scf.if %cond3A_246 {
        %sub3A_306 = arith.constant 1 : i32
        %sub3A_307 = arith.subi %add3A_241, %sub3A_306 : i32
        %dma_wait3A_308 = arith.constant 0 : i32
        %dma_wait3A_309 = tpu.memref_slice %arg7[%sub3A_307, %dma_wait3A_308] : memref<160x128xi32, #tpu.memory_space<vmem>> -> memref<1x128xi32, #tpu.memory_space<vmem>>
        %dma_wait3A_310 = tpu.memref_squeeze %dma_wait3A_309 : memref<1x128xi32, #tpu.memory_space<vmem>> -> memref<128xi32, #tpu.memory_space<vmem>>
        %dma_wait3A_311 = arith.constant 0 : i32
        %dma_wait3A_312 = arith.constant 0 : i32
        %dma_wait3A_313 = tpu.memref_slice %arg13[%dma_wait3A_311, %dma_wait3A_312] : memref<10240x64xf32, #tpu.memory_space<vmem_shared>> -> memref<10240x64xf32, #tpu.memory_space<vmem_shared>>
        tpu.wait_indirect_dma semaphore(%arg21 : memref<!tpu.dma_semaphore, #tpu.memory_space<semaphore_mem>>) src(%arg10 : memref<128x64xf32, #tpu.memory_space<vmem>>) dst(%dma_wait3A_313 : memref<10240x64xf32, #tpu.memory_space<vmem_shared>>)
      } else {
      }
      %add3A_247 = arith.constant 5 : i32
      %add3A_248 = arith.addi %add3A_241, %add3A_247 : i32
      %sub3A_249 = arith.constant 1 : i32
      %sub3A_250 = arith.subi %add3A_248, %sub3A_249 : i32
      %lt3A_251 = arith.constant 160 : i32
      %lt3A_252 = arith.cmpi slt, %sub3A_250, %lt3A_251 : i32
      %convert_element_type3A_253 = arith.extui %lt3A_252 : i1 to i32
      %cond3A_254 = arith.constant 0 : i32
      %cond3A_255 = arith.cmpi ne, %convert_element_type3A_253, %cond3A_254 : i32
      scf.if %cond3A_255 {
        %add3A_306 = arith.constant 5 : i32
        %add3A_307 = arith.addi %add3A_241, %add3A_306 : i32
        %sub3A_308 = arith.constant 1 : i32
        %sub3A_309 = arith.subi %add3A_307, %sub3A_308 : i32
        %dma_start3A_310 = arith.constant 0 : i32
        %dma_start3A_311 = tpu.memref_slice %arg6[%sub3A_309, %dma_start3A_310] : memref<160x128xi32, #tpu.memory_space<vmem>> -> memref<1x128xi32, #tpu.memory_space<vmem>>
        %dma_start3A_312 = tpu.memref_squeeze %dma_start3A_311 : memref<1x128xi32, #tpu.memory_space<vmem>> -> memref<128xi32, #tpu.memory_space<vmem>>
        %dma_start3A_313 = arith.constant 0 : i32
        %dma_start3A_314 = arith.constant 0 : i32
        %dma_start3A_315 = tpu.memref_slice %arg2[%arg0, %dma_start3A_313, %dma_start3A_314] : memref<2x10000x64xf32, #tpu.memory_space<hbm>> -> memref<1x10000x64xf32, #tpu.memory_space<hbm>>
        %dma_start3A_316 = tpu.memref_squeeze %dma_start3A_315 : memref<1x10000x64xf32, #tpu.memory_space<hbm>> -> memref<10000x64xf32, #tpu.memory_space<hbm>>
        %dma_start3A_317 = arith.constant 0 : i32
        %dma_start3A_318 = arith.constant 0 : i32
        %dma_start3A_319 = tpu.memref_slice %dma_start3A_316[%dma_start3A_317, %dma_start3A_318] : memref<10000x64xf32, #tpu.memory_space<hbm>> -> memref<10000x64xf32, #tpu.memory_space<hbm>>
        tpu.enqueue_indirect_dma source(%dma_start3A_319 : memref<10000x64xf32, #tpu.memory_space<hbm>>) target(%arg10 : memref<128x64xf32, #tpu.memory_space<vmem>>) offsets(%dma_start3A_312 : memref<128xi32, #tpu.memory_space<vmem>>) semaphore(%arg16 : memref<!tpu.dma_semaphore, #tpu.memory_space<semaphore_mem>>)
      } else {
      }
      %dma_wait3A_256 = arith.constant 0 : i32
      %dma_wait3A_257 = tpu.memref_slice %arg6[%add3A_241, %dma_wait3A_256] : memref<160x128xi32, #tpu.memory_space<vmem>> -> memref<1x128xi32, #tpu.memory_space<vmem>>
      %dma_wait3A_258 = tpu.memref_squeeze %dma_wait3A_257 : memref<1x128xi32, #tpu.memory_space<vmem>> -> memref<128xi32, #tpu.memory_space<vmem>>
      %dma_wait3A_259 = arith.constant 0 : i32
      %dma_wait3A_260 = arith.constant 0 : i32
      %dma_wait3A_261 = tpu.memref_slice %arg2[%arg0, %dma_wait3A_259, %dma_wait3A_260] : memref<2x10000x64xf32, #tpu.memory_space<hbm>> -> memref<1x10000x64xf32, #tpu.memory_space<hbm>>
      %dma_wait3A_262 = tpu.memref_squeeze %dma_wait3A_261 : memref<1x10000x64xf32, #tpu.memory_space<hbm>> -> memref<10000x64xf32, #tpu.memory_space<hbm>>
      %dma_wait3A_263 = arith.constant 0 : i32
      %dma_wait3A_264 = arith.constant 0 : i32
      %dma_wait3A_265 = tpu.memref_slice %dma_wait3A_262[%dma_wait3A_263, %dma_wait3A_264] : memref<10000x64xf32, #tpu.memory_space<hbm>> -> memref<10000x64xf32, #tpu.memory_space<hbm>>
      tpu.wait_indirect_dma semaphore(%arg17 : memref<!tpu.dma_semaphore, #tpu.memory_space<semaphore_mem>>) src(%dma_wait3A_265 : memref<10000x64xf32, #tpu.memory_space<hbm>>) dst(%arg11 : memref<128x64xf32, #tpu.memory_space<vmem>>)
      %dma_start3A_266 = arith.constant 0 : i32
      %dma_start3A_267 = tpu.memref_slice %arg7[%add3A_241, %dma_start3A_266] : memref<160x128xi32, #tpu.memory_space<vmem>> -> memref<1x128xi32, #tpu.memory_space<vmem>>
      %dma_start3A_268 = tpu.memref_squeeze %dma_start3A_267 : memref<1x128xi32, #tpu.memory_space<vmem>> -> memref<128xi32, #tpu.memory_space<vmem>>
      %dma_start3A_269 = arith.constant 0 : i32
      %dma_start3A_270 = arith.constant 0 : i32
      %dma_start3A_271 = tpu.memref_slice %arg13[%dma_start3A_269, %dma_start3A_270] : memref<10240x64xf32, #tpu.memory_space<vmem_shared>> -> memref<10240x64xf32, #tpu.memory_space<vmem_shared>>
      tpu.enqueue_indirect_dma source(%arg11 : memref<128x64xf32, #tpu.memory_space<vmem>>) target(%dma_start3A_271 : memref<10240x64xf32, #tpu.memory_space<vmem_shared>>) offsets(%dma_start3A_268 : memref<128xi32, #tpu.memory_space<vmem>>) semaphore(%arg22 : memref<!tpu.dma_semaphore, #tpu.memory_space<semaphore_mem>>) {add = true}
      %mul3A_272 = arith.constant 5 : i32
      %mul3A_273 = arith.muli %scan3A_140, %mul3A_272 : i32
      %add3A_274 = arith.constant 4 : i32
      %add3A_275 = arith.addi %mul3A_273, %add3A_274 : i32
      %gt3A_276 = arith.constant 0 : i32
      %gt3A_277 = arith.cmpi sgt, %add3A_275, %gt3A_276 : i32
      %convert_element_type3A_278 = arith.extui %gt3A_277 : i1 to i32
      %cond3A_279 = arith.constant 0 : i32
      %cond3A_280 = arith.cmpi ne, %convert_element_type3A_278, %cond3A_279 : i32
      scf.if %cond3A_280 {
        %sub3A_306 = arith.constant 1 : i32
        %sub3A_307 = arith.subi %add3A_275, %sub3A_306 : i32
        %dma_wait3A_308 = arith.constant 0 : i32
        %dma_wait3A_309 = tpu.memref_slice %arg7[%sub3A_307, %dma_wait3A_308] : memref<160x128xi32, #tpu.memory_space<vmem>> -> memref<1x128xi32, #tpu.memory_space<vmem>>
        %dma_wait3A_310 = tpu.memref_squeeze %dma_wait3A_309 : memref<1x128xi32, #tpu.memory_space<vmem>> -> memref<128xi32, #tpu.memory_space<vmem>>
        %dma_wait3A_311 = arith.constant 0 : i32
        %dma_wait3A_312 = arith.constant 0 : i32
        %dma_wait3A_313 = tpu.memref_slice %arg13[%dma_wait3A_311, %dma_wait3A_312] : memref<10240x64xf32, #tpu.memory_space<vmem_shared>> -> memref<10240x64xf32, #tpu.memory_space<vmem_shared>>
        tpu.wait_indirect_dma semaphore(%arg22 : memref<!tpu.dma_semaphore, #tpu.memory_space<semaphore_mem>>) src(%arg11 : memref<128x64xf32, #tpu.memory_space<vmem>>) dst(%dma_wait3A_313 : memref<10240x64xf32, #tpu.memory_space<vmem_shared>>)
      } else {
      }
      %add3A_281 = arith.constant 5 : i32
      %add3A_282 = arith.addi %add3A_275, %add3A_281 : i32
      %sub3A_283 = arith.constant 1 : i32
      %sub3A_284 = arith.subi %add3A_282, %sub3A_283 : i32
      %lt3A_285 = arith.constant 160 : i32
      %lt3A_286 = arith.cmpi slt, %sub3A_284, %lt3A_285 : i32
      %convert_element_type3A_287 = arith.extui %lt3A_286 : i1 to i32
      %cond3A_288 = arith.constant 0 : i32
      %cond3A_289 = arith.cmpi ne, %convert_element_type3A_287, %cond3A_288 : i32
      scf.if %cond3A_289 {
        %add3A_306 = arith.constant 5 : i32
        %add3A_307 = arith.addi %add3A_275, %add3A_306 : i32
        %sub3A_308 = arith.constant 1 : i32
        %sub3A_309 = arith.subi %add3A_307, %sub3A_308 : i32
        %dma_start3A_310 = arith.constant 0 : i32
        %dma_start3A_311 = tpu.memref_slice %arg6[%sub3A_309, %dma_start3A_310] : memref<160x128xi32, #tpu.memory_space<vmem>> -> memref<1x128xi32, #tpu.memory_space<vmem>>
        %dma_start3A_312 = tpu.memref_squeeze %dma_start3A_311 : memref<1x128xi32, #tpu.memory_space<vmem>> -> memref<128xi32, #tpu.memory_space<vmem>>
        %dma_start3A_313 = arith.constant 0 : i32
        %dma_start3A_314 = arith.constant 0 : i32
        %dma_start3A_315 = tpu.memref_slice %arg2[%arg0, %dma_start3A_313, %dma_start3A_314] : memref<2x10000x64xf32, #tpu.memory_space<hbm>> -> memref<1x10000x64xf32, #tpu.memory_space<hbm>>
        %dma_start3A_316 = tpu.memref_squeeze %dma_start3A_315 : memref<1x10000x64xf32, #tpu.memory_space<hbm>> -> memref<10000x64xf32, #tpu.memory_space<hbm>>
        %dma_start3A_317 = arith.constant 0 : i32
        %dma_start3A_318 = arith.constant 0 : i32
        %dma_start3A_319 = tpu.memref_slice %dma_start3A_316[%dma_start3A_317, %dma_start3A_318] : memref<10000x64xf32, #tpu.memory_space<hbm>> -> memref<10000x64xf32, #tpu.memory_space<hbm>>
        tpu.enqueue_indirect_dma source(%dma_start3A_319 : memref<10000x64xf32, #tpu.memory_space<hbm>>) target(%arg11 : memref<128x64xf32, #tpu.memory_space<vmem>>) offsets(%dma_start3A_312 : memref<128xi32, #tpu.memory_space<vmem>>) semaphore(%arg17 : memref<!tpu.dma_semaphore, #tpu.memory_space<semaphore_mem>>)
      } else {
      }
      %dma_wait3A_290 = arith.constant 0 : i32
      %dma_wait3A_291 = tpu.memref_slice %arg6[%add3A_275, %dma_wait3A_290] : memref<160x128xi32, #tpu.memory_space<vmem>> -> memref<1x128xi32, #tpu.memory_space<vmem>>
      %dma_wait3A_292 = tpu.memref_squeeze %dma_wait3A_291 : memref<1x128xi32, #tpu.memory_space<vmem>> -> memref<128xi32, #tpu.memory_space<vmem>>
      %dma_wait3A_293 = arith.constant 0 : i32
      %dma_wait3A_294 = arith.constant 0 : i32
      %dma_wait3A_295 = tpu.memref_slice %arg2[%arg0, %dma_wait3A_293, %dma_wait3A_294] : memref<2x10000x64xf32, #tpu.memory_space<hbm>> -> memref<1x10000x64xf32, #tpu.memory_space<hbm>>
      %dma_wait3A_296 = tpu.memref_squeeze %dma_wait3A_295 : memref<1x10000x64xf32, #tpu.memory_space<hbm>> -> memref<10000x64xf32, #tpu.memory_space<hbm>>
      %dma_wait3A_297 = arith.constant 0 : i32
      %dma_wait3A_298 = arith.constant 0 : i32
      %dma_wait3A_299 = tpu.memref_slice %dma_wait3A_296[%dma_wait3A_297, %dma_wait3A_298] : memref<10000x64xf32, #tpu.memory_space<hbm>> -> memref<10000x64xf32, #tpu.memory_space<hbm>>
      tpu.wait_indirect_dma semaphore(%arg18 : memref<!tpu.dma_semaphore, #tpu.memory_space<semaphore_mem>>) src(%dma_wait3A_299 : memref<10000x64xf32, #tpu.memory_space<hbm>>) dst(%arg12 : memref<128x64xf32, #tpu.memory_space<vmem>>)
      %dma_start3A_300 = arith.constant 0 : i32
      %dma_start3A_301 = tpu.memref_slice %arg7[%add3A_275, %dma_start3A_300] : memref<160x128xi32, #tpu.memory_space<vmem>> -> memref<1x128xi32, #tpu.memory_space<vmem>>
      %dma_start3A_302 = tpu.memref_squeeze %dma_start3A_301 : memref<1x128xi32, #tpu.memory_space<vmem>> -> memref<128xi32, #tpu.memory_space<vmem>>
      %dma_start3A_303 = arith.constant 0 : i32
      %dma_start3A_304 = arith.constant 0 : i32
      %dma_start3A_305 = tpu.memref_slice %arg13[%dma_start3A_303, %dma_start3A_304] : memref<10240x64xf32, #tpu.memory_space<vmem_shared>> -> memref<10240x64xf32, #tpu.memory_space<vmem_shared>>
      tpu.enqueue_indirect_dma source(%arg12 : memref<128x64xf32, #tpu.memory_space<vmem>>) target(%dma_start3A_305 : memref<10240x64xf32, #tpu.memory_space<vmem_shared>>) offsets(%dma_start3A_302 : memref<128xi32, #tpu.memory_space<vmem>>) semaphore(%arg23 : memref<!tpu.dma_semaphore, #tpu.memory_space<semaphore_mem>>) {add = true}
    }
    %scan3A_131 = arith.constant 32 : i32
    %dma_wait3A_132 = arith.constant 159 : i32
    %dma_wait3A_133 = arith.constant 0 : i32
    %dma_wait3A_134 = tpu.memref_slice %arg7[%dma_wait3A_132, %dma_wait3A_133] : memref<160x128xi32, #tpu.memory_space<vmem>> -> memref<1x128xi32, #tpu.memory_space<vmem>>
    %dma_wait3A_135 = tpu.memref_squeeze %dma_wait3A_134 : memref<1x128xi32, #tpu.memory_space<vmem>> -> memref<128xi32, #tpu.memory_space<vmem>>
    %dma_wait3A_136 = arith.constant 0 : i32
    %dma_wait3A_137 = arith.constant 0 : i32
    %dma_wait3A_138 = tpu.memref_slice %arg13[%dma_wait3A_136, %dma_wait3A_137] : memref<10240x64xf32, #tpu.memory_space<vmem_shared>> -> memref<10240x64xf32, #tpu.memory_space<vmem_shared>>
    tpu.wait_indirect_dma semaphore(%arg23 : memref<!tpu.dma_semaphore, #tpu.memory_space<semaphore_mem>>) src(%arg12 : memref<128x64xf32, #tpu.memory_space<vmem>>) dst(%dma_wait3A_138 : memref<10240x64xf32, #tpu.memory_space<vmem_shared>>)
    %barrier3A_139 = arith.constant 0 : index
    tpu.barrier barrier_id(%barrier3A_139)
    "tpu.region"() ({
      %run_scoped3A = tpu.sem_alloc : memref<!tpu.dma_semaphore, #tpu.memory_space<semaphore_mem>>
      %dma_start3A_140 = arith.constant 0 : i32
      %dma_start3A_141 = tpu.memref_slice %arg5[%arg0, %multiple_of3A_8, %dma_start3A_140] : memref<2x10240x64xf32, #tpu.memory_space<hbm>> -> memref<1x640x64xf32, #tpu.memory_space<hbm>>
      %dma_start3A_142 = tpu.memref_squeeze %dma_start3A_141 : memref<1x640x64xf32, #tpu.memory_space<hbm>> -> memref<640x64xf32, #tpu.memory_space<hbm>>
      %dma_start3A_143 = arith.constant 0 : i32
      %dma_start3A_144 = tpu.memref_slice %arg13[%multiple_of3A_8, %dma_start3A_143] : memref<10240x64xf32, #tpu.memory_space<vmem_shared>> -> memref<640x64xf32, #tpu.memory_space<vmem_shared>>
      tpu.enqueue_dma source(%dma_start3A_144 : memref<640x64xf32, #tpu.memory_space<vmem_shared>>) target(%dma_start3A_142 : memref<640x64xf32, #tpu.memory_space<hbm>>) target_semaphore(%run_scoped3A : memref<!tpu.dma_semaphore, #tpu.memory_space<semaphore_mem>>)
      %dma_wait3A_145 = arith.constant 0 : i32
      %dma_wait3A_146 = tpu.memref_slice %arg5[%arg0, %multiple_of3A_8, %dma_wait3A_145] : memref<2x10240x64xf32, #tpu.memory_space<hbm>> -> memref<1x640x64xf32, #tpu.memory_space<hbm>>
      %dma_wait3A_147 = tpu.memref_squeeze %dma_wait3A_146 : memref<1x640x64xf32, #tpu.memory_space<hbm>> -> memref<640x64xf32, #tpu.memory_space<hbm>>
      %dma_wait3A_148 = arith.constant 0 : i32
      %dma_wait3A_149 = tpu.memref_slice %arg13[%multiple_of3A_8, %dma_wait3A_148] : memref<10240x64xf32, #tpu.memory_space<vmem_shared>> -> memref<640x64xf32, #tpu.memory_space<vmem_shared>>
      tpu.wait_dma2 semaphore(%run_scoped3A : memref<!tpu.dma_semaphore, #tpu.memory_space<semaphore_mem>>) src(%dma_wait3A_149 : memref<640x64xf32, #tpu.memory_space<vmem_shared>>) dst(%dma_wait3A_147 : memref<640x64xf32, #tpu.memory_space<hbm>>)
      tpu.yield
    }) : () -> ()
    return
  }
}

module attributes {stable_mosaic.version = 14 : i64} {
  func.func @_k1_body(%arg0: i32, %arg1: memref<2x400x1xf32, #tpu.memory_space<vmem>>, %arg2: memref<400x128xf32, #tpu.memory_space<vmem>>, %arg3: memref<128x128xf32, #tpu.memory_space<vmem>>, %arg4: memref<400x1xf32, #tpu.memory_space<vmem>>, %arg5: memref<2x400x64xf32, #tpu.memory_space<vmem>>) attributes {dimension_semantics = [#tpu.dimension_semantics<arbitrary>], iteration_bounds = array<i64: 25>, scalar_prefetch = 0 : i64, scratch_operands = 0 : i64, tpu.core_type = #tpu.core_type<tc>, window_params = [{transform_indices = @transform_0, window_bounds = array<i64: 2, 400, 1>}, {transform_indices = @transform_1, window_bounds = array<i64: 400, 128>}, {pipeline_mode = #tpu.pipeline_mode<synchronous>, transform_indices = @transform_2, window_bounds = array<i64: 128, 128>}, {transform_indices = @transform_3, window_bounds = array<i64: 400, 1>}, {transform_indices = @transform_4, window_bounds = array<i64: 2, 400, 64>}]} {
    %get3A = arith.constant 0 : index
    %get3A_0 = arith.constant 0 : index
    %get3A_1 = arith.constant 0 : index
    %get3A_2 = vector.load %arg1[%get3A, %get3A_0, %get3A_1] : memref<2x400x1xf32, #tpu.memory_space<vmem>>, vector<1x400x1xf32>
    %get3A_3 = vector.shape_cast %get3A_2 : vector<1x400x1xf32> to vector<400x1xf32>
    %add3A = arith.constant 1.000000e+00 : f32
    %add3A_4 = vector.broadcast %add3A : f32 to vector<400x1xf32>
    %add3A_5 = arith.addf %add3A_4, %get3A_3 : vector<400x1xf32>
    %get3A_6 = arith.constant 1 : index
    %get3A_7 = arith.constant 0 : index
    %get3A_8 = arith.constant 0 : index
    %get3A_9 = vector.load %arg1[%get3A_6, %get3A_7, %get3A_8] : memref<2x400x1xf32, #tpu.memory_space<vmem>>, vector<1x400x1xf32>
    %get3A_10 = vector.shape_cast %get3A_9 : vector<1x400x1xf32> to vector<400x1xf32>
    %add3A_11 = arith.addf %add3A_5, %get3A_10 : vector<400x1xf32>
    %rsqrt3A = math.rsqrt %add3A_11 : vector<400x1xf32>
    %swap3A = arith.constant 0 : index
    %swap3A_12 = arith.constant 0 : index
    %swap3A_13 = vector.load %arg4[%swap3A, %swap3A_12] : memref<400x1xf32, #tpu.memory_space<vmem>>, vector<400x1xf32>
    tpu.vector_store %arg4[%swap3A, %swap3A_12], %rsqrt3A {strides = array<i32>} : memref<400x1xf32, #tpu.memory_space<vmem>>, vector<400x1xf32>,
    %get3A_14 = arith.constant 0 : index
    %get3A_15 = arith.constant 0 : index
    %get3A_16 = vector.load %arg2[%get3A_14, %get3A_15] : memref<400x128xf32, #tpu.memory_space<vmem>>, vector<400x128xf32>
    %get3A_17 = arith.constant 0 : index
    %get3A_18 = arith.constant 0 : index
    %get3A_19 = vector.load %arg3[%get3A_17, %get3A_18] : memref<128x128xf32, #tpu.memory_space<vmem>>, vector<128x128xf32>
    %dot_general3A = arith.constant dense<0.000000e+00> : vector<400x128xf32>
    %dot_general3A_20 = tpu.matmul %get3A_16, %get3A_19, %dot_general3A {dimension_numbers = #tpu.dot_dimension_numbers<[1], [0], [0], [1], [0, 0, 1, 1], [], []>, transpose_lhs_hint = false} : vector<400x128xf32>, vector<128x128xf32>, vector<400x128xf32> -> vector<400x128xf32>
    %mul3A = vector.broadcast %rsqrt3A : vector<400x1xf32> to vector<400x128xf32>
    %mul3A_21 = arith.mulf %dot_general3A_20, %mul3A : vector<400x128xf32>
    %slice3A = vector.extract_strided_slice %mul3A_21 {offsets = [0, 0], sizes = [400, 64], strides = [1, 1]} : vector<400x128xf32> to vector<400x64xf32>
    %swap3A_22 = arith.constant 0 : index
    %swap3A_23 = arith.constant 0 : index
    %swap3A_24 = arith.constant 0 : index
    %swap3A_25 = vector.load %arg5[%swap3A_22, %swap3A_23, %swap3A_24] : memref<2x400x64xf32, #tpu.memory_space<vmem>>, vector<1x400x64xf32>
    %swap3A_26 = vector.shape_cast %swap3A_25 : vector<1x400x64xf32> to vector<400x64xf32>
    %swap3A_27 = vector.shape_cast %slice3A : vector<400x64xf32> to vector<1x400x64xf32>
    tpu.vector_store %arg5[%swap3A_22, %swap3A_23, %swap3A_24], %swap3A_27 {strides = array<i32>} : memref<2x400x64xf32, #tpu.memory_space<vmem>>, vector<1x400x64xf32>,
    %slice3A_28 = vector.extract_strided_slice %mul3A_21 {offsets = [0, 64], sizes = [400, 64], strides = [1, 1]} : vector<400x128xf32> to vector<400x64xf32>
    %swap3A_29 = arith.constant 1 : index
    %swap3A_30 = arith.constant 0 : index
    %swap3A_31 = arith.constant 0 : index
    %swap3A_32 = vector.load %arg5[%swap3A_29, %swap3A_30, %swap3A_31] : memref<2x400x64xf32, #tpu.memory_space<vmem>>, vector<1x400x64xf32>
    %swap3A_33 = vector.shape_cast %swap3A_32 : vector<1x400x64xf32> to vector<400x64xf32>
    %swap3A_34 = vector.shape_cast %slice3A_28 : vector<400x64xf32> to vector<1x400x64xf32>
    tpu.vector_store %arg5[%swap3A_29, %swap3A_30, %swap3A_31], %swap3A_34 {strides = array<i32>} : memref<2x400x64xf32, #tpu.memory_space<vmem>>, vector<1x400x64xf32>,
    return
  }
  func.func @transform_0(%arg0: i32) -> (i32, i32, i32) {
    %c0_i32 = arith.constant 0 : i32
    %c0_i32_0 = arith.constant 0 : i32
    %c0_i32_1 = arith.constant 0 : i32
    return %c0_i32, %arg0, %c0_i32_0 : i32, i32, i32
  }
  func.func @transform_1(%arg0: i32) -> (i32, i32) {
    %c0_i32 = arith.constant 0 : i32
    %c0_i32_0 = arith.constant 0 : i32
    return %arg0, %c0_i32 : i32, i32
  }
  func.func @transform_2(%arg0: i32) -> (i32, i32) {
    %c0_i32 = arith.constant 0 : i32
    %c0_i32_0 = arith.constant 0 : i32
    %c0_i32_1 = arith.constant 0 : i32
    return %c0_i32, %c0_i32_0 : i32, i32
  }
  func.func @transform_3(%arg0: i32) -> (i32, i32) {
    %c0_i32 = arith.constant 0 : i32
    %c0_i32_0 = arith.constant 0 : i32
    return %arg0, %c0_i32 : i32, i32
  }
  func.func @transform_4(%arg0: i32) -> (i32, i32, i32) {
    %c0_i32 = arith.constant 0 : i32
    %c0_i32_0 = arith.constant 0 : i32
    %c0_i32_1 = arith.constant 0 : i32
    return %c0_i32, %arg0, %c0_i32_0 : i32, i32, i32
  }
}

module attributes {stable_mosaic.version = 14 : i64} {
  func.func @_klayer_body(%arg0: i32, %arg1: memref<2x400x64xf32, #tpu.memory_space<vmem>>, %arg2: memref<2x400x64xf32, #tpu.memory_space<vmem>>, %arg3: memref<400x1xf32, #tpu.memory_space<vmem>>, %arg4: memref<128x128xf32, #tpu.memory_space<vmem>>, %arg5: memref<2x400x64xf32, #tpu.memory_space<vmem>>) attributes {dimension_semantics = [#tpu.dimension_semantics<arbitrary>], iteration_bounds = array<i64: 25>, scalar_prefetch = 0 : i64, scratch_operands = 0 : i64, tpu.core_type = #tpu.core_type<tc>, window_params = [{transform_indices = @transform_0, window_bounds = array<i64: 2, 400, 64>}, {transform_indices = @transform_1, window_bounds = array<i64: 2, 400, 64>}, {transform_indices = @transform_2, window_bounds = array<i64: 400, 1>}, {pipeline_mode = #tpu.pipeline_mode<synchronous>, transform_indices = @transform_3, window_bounds = array<i64: 128, 128>}, {transform_indices = @transform_4, window_bounds = array<i64: 2, 400, 64>}]} {
    %get3A = arith.constant 0 : index
    %get3A_0 = arith.constant 0 : index
    %get3A_1 = vector.load %arg3[%get3A, %get3A_0] : memref<400x1xf32, #tpu.memory_space<vmem>>, vector<400x1xf32>
    %get3A_2 = arith.constant 0 : index
    %get3A_3 = arith.constant 0 : index
    %get3A_4 = arith.constant 0 : index
    %get3A_5 = vector.load %arg1[%get3A_2, %get3A_3, %get3A_4] : memref<2x400x64xf32, #tpu.memory_space<vmem>>, vector<1x400x64xf32>
    %get3A_6 = vector.shape_cast %get3A_5 : vector<1x400x64xf32> to vector<400x64xf32>
    %get3A_7 = arith.constant 0 : index
    %get3A_8 = arith.constant 0 : index
    %get3A_9 = arith.constant 0 : index
    %get3A_10 = vector.load %arg2[%get3A_7, %get3A_8, %get3A_9] : memref<2x400x64xf32, #tpu.memory_space<vmem>>, vector<1x400x64xf32>
    %get3A_11 = vector.shape_cast %get3A_10 : vector<1x400x64xf32> to vector<400x64xf32>
    %add3A = arith.addf %get3A_6, %get3A_11 : vector<400x64xf32>
    %get3A_12 = arith.constant 1 : index
    %get3A_13 = arith.constant 0 : index
    %get3A_14 = arith.constant 0 : index
    %get3A_15 = vector.load %arg1[%get3A_12, %get3A_13, %get3A_14] : memref<2x400x64xf32, #tpu.memory_space<vmem>>, vector<1x400x64xf32>
    %get3A_16 = vector.shape_cast %get3A_15 : vector<1x400x64xf32> to vector<400x64xf32>
    %get3A_17 = arith.constant 1 : index
    %get3A_18 = arith.constant 0 : index
    %get3A_19 = arith.constant 0 : index
    %get3A_20 = vector.load %arg2[%get3A_17, %get3A_18, %get3A_19] : memref<2x400x64xf32, #tpu.memory_space<vmem>>, vector<1x400x64xf32>
    %get3A_21 = vector.shape_cast %get3A_20 : vector<1x400x64xf32> to vector<400x64xf32>
    %add3A_22 = arith.addf %get3A_16, %get3A_21 : vector<400x64xf32>
    %concatenate3A = tpu.concatenate %add3A, %add3A_22 in 1 : vector<400x64xf32>, vector<400x64xf32> -> vector<400x128xf32>
    %mul3A = vector.broadcast %get3A_1 : vector<400x1xf32> to vector<400x128xf32>
    %mul3A_23 = arith.mulf %mul3A, %concatenate3A : vector<400x128xf32>
    %max3A = arith.constant 0.000000e+00 : f32
    %max3A_24 = vector.broadcast %max3A : f32 to vector<400x128xf32>
    %max3A_25 = arith.maximumf %mul3A_23, %max3A_24 : vector<400x128xf32>
    %get3A_26 = arith.constant 0 : index
    %get3A_27 = arith.constant 0 : index
    %get3A_28 = vector.load %arg4[%get3A_26, %get3A_27] : memref<128x128xf32, #tpu.memory_space<vmem>>, vector<128x128xf32>
    %dot_general3A = arith.constant dense<0.000000e+00> : vector<400x128xf32>
    %dot_general3A_29 = tpu.matmul %max3A_25, %get3A_28, %dot_general3A {dimension_numbers = #tpu.dot_dimension_numbers<[1], [0], [0], [1], [0, 0, 1, 1], [], []>, transpose_lhs_hint = false} : vector<400x128xf32>, vector<128x128xf32>, vector<400x128xf32> -> vector<400x128xf32>
    %mul3A_30 = vector.broadcast %get3A_1 : vector<400x1xf32> to vector<400x128xf32>
    %mul3A_31 = arith.mulf %dot_general3A_29, %mul3A_30 : vector<400x128xf32>
    %slice3A = vector.extract_strided_slice %mul3A_31 {offsets = [0, 0], sizes = [400, 64], strides = [1, 1]} : vector<400x128xf32> to vector<400x64xf32>
    %swap3A = arith.constant 0 : index
    %swap3A_32 = arith.constant 0 : index
    %swap3A_33 = arith.constant 0 : index
    %swap3A_34 = vector.load %arg5[%swap3A, %swap3A_32, %swap3A_33] : memref<2x400x64xf32, #tpu.memory_space<vmem>>, vector<1x400x64xf32>
    %swap3A_35 = vector.shape_cast %swap3A_34 : vector<1x400x64xf32> to vector<400x64xf32>
    %swap3A_36 = vector.shape_cast %slice3A : vector<400x64xf32> to vector<1x400x64xf32>
    tpu.vector_store %arg5[%swap3A, %swap3A_32, %swap3A_33], %swap3A_36 {strides = array<i32>} : memref<2x400x64xf32, #tpu.memory_space<vmem>>, vector<1x400x64xf32>,
    %slice3A_37 = vector.extract_strided_slice %mul3A_31 {offsets = [0, 64], sizes = [400, 64], strides = [1, 1]} : vector<400x128xf32> to vector<400x64xf32>
    %swap3A_38 = arith.constant 1 : index
    %swap3A_39 = arith.constant 0 : index
    %swap3A_40 = arith.constant 0 : index
    %swap3A_41 = vector.load %arg5[%swap3A_38, %swap3A_39, %swap3A_40] : memref<2x400x64xf32, #tpu.memory_space<vmem>>, vector<1x400x64xf32>
    %swap3A_42 = vector.shape_cast %swap3A_41 : vector<1x400x64xf32> to vector<400x64xf32>
    %swap3A_43 = vector.shape_cast %slice3A_37 : vector<400x64xf32> to vector<1x400x64xf32>
    tpu.vector_store %arg5[%swap3A_38, %swap3A_39, %swap3A_40], %swap3A_43 {strides = array<i32>} : memref<2x400x64xf32, #tpu.memory_space<vmem>>, vector<1x400x64xf32>,
    return
  }
  func.func @transform_0(%arg0: i32) -> (i32, i32, i32) {
    %c0_i32 = arith.constant 0 : i32
    %c0_i32_0 = arith.constant 0 : i32
    %c0_i32_1 = arith.constant 0 : i32
    return %c0_i32, %arg0, %c0_i32_0 : i32, i32, i32
  }
  func.func @transform_1(%arg0: i32) -> (i32, i32, i32) {
    %c0_i32 = arith.constant 0 : i32
    %c0_i32_0 = arith.constant 0 : i32
    %c0_i32_1 = arith.constant 0 : i32
    return %c0_i32, %arg0, %c0_i32_0 : i32, i32, i32
  }
  func.func @transform_2(%arg0: i32) -> (i32, i32) {
    %c0_i32 = arith.constant 0 : i32
    %c0_i32_0 = arith.constant 0 : i32
    return %arg0, %c0_i32 : i32, i32
  }
  func.func @transform_3(%arg0: i32) -> (i32, i32) {
    %c0_i32 = arith.constant 0 : i32
    %c0_i32_0 = arith.constant 0 : i32
    %c0_i32_1 = arith.constant 0 : i32
    return %c0_i32, %c0_i32_0 : i32, i32
  }
  func.func @transform_4(%arg0: i32) -> (i32, i32, i32) {
    %c0_i32 = arith.constant 0 : i32
    %c0_i32_0 = arith.constant 0 : i32
    %c0_i32_1 = arith.constant 0 : i32
    return %c0_i32, %arg0, %c0_i32_0 : i32, i32, i32
  }
}

module attributes {stable_mosaic.version = 14 : i64} {
  func.func @_k5_body(%arg0: i32, %arg1: memref<2x400x64xf32, #tpu.memory_space<vmem>>, %arg2: memref<2x400x64xf32, #tpu.memory_space<vmem>>, %arg3: memref<400x1xf32, #tpu.memory_space<vmem>>, %arg4: memref<128x128xf32, #tpu.memory_space<vmem>>, %arg5: memref<1x128xf32, #tpu.memory_space<vmem>>, %arg6: memref<1x1x400xi32, #tpu.memory_space<vmem>>, %arg7: memref<400x10xf32, #tpu.memory_space<vmem>>, %arg8: memref<64x128xf32, #tpu.memory_space<vmem>>) attributes {dimension_semantics = [#tpu.dimension_semantics<arbitrary>], iteration_bounds = array<i64: 25>, scalar_prefetch = 0 : i64, scratch_operands = 0 : i64, tpu.core_type = #tpu.core_type<tc>, window_params = [{transform_indices = @transform_0, window_bounds = array<i64: 2, 400, 64>}, {transform_indices = @transform_1, window_bounds = array<i64: 2, 400, 64>}, {transform_indices = @transform_2, window_bounds = array<i64: 400, 1>}, {pipeline_mode = #tpu.pipeline_mode<synchronous>, transform_indices = @transform_3, window_bounds = array<i64: 128, 128>}, {pipeline_mode = #tpu.pipeline_mode<synchronous>, transform_indices = @transform_4, window_bounds = array<i64: 1, 128>}, {transform_indices = @transform_5, window_bounds = array<i64: 1, 1, 400>}, {transform_indices = @transform_6, window_bounds = array<i64: 400, 10>}, {pipeline_mode = #tpu.pipeline_mode<synchronous>, transform_indices = @transform_7, window_bounds = array<i64: 64, 128>}]} {
    %get3A = arith.constant 0 : index
    %get3A_0 = arith.constant 0 : index
    %get3A_1 = vector.load %arg3[%get3A, %get3A_0] : memref<400x1xf32, #tpu.memory_space<vmem>>, vector<400x1xf32>
    %get3A_2 = arith.constant 0 : index
    %get3A_3 = arith.constant 0 : index
    %get3A_4 = arith.constant 0 : index
    %get3A_5 = vector.load %arg1[%get3A_2, %get3A_3, %get3A_4] : memref<2x400x64xf32, #tpu.memory_space<vmem>>, vector<1x400x64xf32>
    %get3A_6 = vector.shape_cast %get3A_5 : vector<1x400x64xf32> to vector<400x64xf32>
    %get3A_7 = arith.constant 0 : index
    %get3A_8 = arith.constant 0 : index
    %get3A_9 = arith.constant 0 : index
    %get3A_10 = vector.load %arg2[%get3A_7, %get3A_8, %get3A_9] : memref<2x400x64xf32, #tpu.memory_space<vmem>>, vector<1x400x64xf32>
    %get3A_11 = vector.shape_cast %get3A_10 : vector<1x400x64xf32> to vector<400x64xf32>
    %add3A = arith.addf %get3A_6, %get3A_11 : vector<400x64xf32>
    %get3A_12 = arith.constant 1 : index
    %get3A_13 = arith.constant 0 : index
    %get3A_14 = arith.constant 0 : index
    %get3A_15 = vector.load %arg1[%get3A_12, %get3A_13, %get3A_14] : memref<2x400x64xf32, #tpu.memory_space<vmem>>, vector<1x400x64xf32>
    %get3A_16 = vector.shape_cast %get3A_15 : vector<1x400x64xf32> to vector<400x64xf32>
    %get3A_17 = arith.constant 1 : index
    %get3A_18 = arith.constant 0 : index
    %get3A_19 = arith.constant 0 : index
    %get3A_20 = vector.load %arg2[%get3A_17, %get3A_18, %get3A_19] : memref<2x400x64xf32, #tpu.memory_space<vmem>>, vector<1x400x64xf32>
    %get3A_21 = vector.shape_cast %get3A_20 : vector<1x400x64xf32> to vector<400x64xf32>
    %add3A_22 = arith.addf %get3A_16, %get3A_21 : vector<400x64xf32>
    %concatenate3A = tpu.concatenate %add3A, %add3A_22 in 1 : vector<400x64xf32>, vector<400x64xf32> -> vector<400x128xf32>
    %mul3A = vector.broadcast %get3A_1 : vector<400x1xf32> to vector<400x128xf32>
    %mul3A_23 = arith.mulf %mul3A, %concatenate3A : vector<400x128xf32>
    %max3A = arith.constant 0.000000e+00 : f32
    %max3A_24 = vector.broadcast %max3A : f32 to vector<400x128xf32>
    %max3A_25 = arith.maximumf %mul3A_23, %max3A_24 : vector<400x128xf32>
    %get3A_26 = arith.constant 0 : index
    %get3A_27 = arith.constant 0 : index
    %get3A_28 = vector.load %arg4[%get3A_26, %get3A_27] : memref<128x128xf32, #tpu.memory_space<vmem>>, vector<128x128xf32>
    %dot_general3A = arith.constant dense<0.000000e+00> : vector<400x128xf32>
    %dot_general3A_29 = tpu.matmul %max3A_25, %get3A_28, %dot_general3A {dimension_numbers = #tpu.dot_dimension_numbers<[1], [0], [0], [1], [0, 0, 1, 1], [], []>, transpose_lhs_hint = false} : vector<400x128xf32>, vector<128x128xf32>, vector<400x128xf32> -> vector<400x128xf32>
    %get3A_30 = arith.constant 0 : index
    %get3A_31 = arith.constant 0 : index
    %get3A_32 = vector.load %arg5[%get3A_30, %get3A_31] : memref<1x128xf32, #tpu.memory_space<vmem>>, vector<1x128xf32>
    %add3A_33 = vector.broadcast %get3A_32 : vector<1x128xf32> to vector<400x128xf32>
    %add3A_34 = arith.addf %dot_general3A_29, %add3A_33 : vector<400x128xf32>
    %reduce_max3A = arith.constant dense<0xFF800000> : vector<400xf32>
    %reduce_max3A_35 = vector.multi_reduction <maximumf>, %add3A_34, %reduce_max3A [1] : vector<400x128xf32> to vector<400xf32>
    %broadcast_in_dim3A = vector.shape_cast %reduce_max3A_35 : vector<400xf32> to vector<400x1xf32>
    %sub3A = vector.broadcast %broadcast_in_dim3A : vector<400x1xf32> to vector<400x128xf32>
    %sub3A_36 = arith.subf %add3A_34, %sub3A : vector<400x128xf32>
    %exp3A = math.exp %sub3A_36 : vector<400x128xf32>
    %reduce_sum3A = arith.constant dense<0.000000e+00> : vector<400xf32>
    %reduce_sum3A_37 = vector.multi_reduction <add>, %exp3A, %reduce_sum3A [1] : vector<400x128xf32> to vector<400xf32>
    %broadcast_in_dim3A_38 = vector.shape_cast %reduce_sum3A_37 : vector<400xf32> to vector<400x1xf32>
    %log3A = math.log %broadcast_in_dim3A_38 : vector<400x1xf32>
    %add3A_39 = arith.addf %log3A, %broadcast_in_dim3A : vector<400x1xf32>
    %sub3A_40 = vector.broadcast %add3A_39 : vector<400x1xf32> to vector<400x128xf32>
    %sub3A_41 = arith.subf %add3A_34, %sub3A_40 : vector<400x128xf32>
    %slice3A = vector.extract_strided_slice %sub3A_41 {offsets = [0, 0], sizes = [400, 10], strides = [1, 1]} : vector<400x128xf32> to vector<400x10xf32>
    %swap3A = arith.constant 0 : index
    %swap3A_42 = arith.constant 0 : index
    %swap3A_43 = vector.load %arg7[%swap3A, %swap3A_42] : memref<400x10xf32, #tpu.memory_space<vmem>>, vector<400x10xf32>
    tpu.vector_store %arg7[%swap3A, %swap3A_42], %slice3A {strides = array<i32>} : memref<400x10xf32, #tpu.memory_space<vmem>>, vector<400x10xf32>,
    %get3A_44 = arith.constant 0 : index
    %get3A_45 = arith.constant 0 : index
    %get3A_46 = arith.constant 0 : index
    %get3A_47 = vector.load %arg6[%get3A_44, %get3A_45, %get3A_46] : memref<1x1x400xi32, #tpu.memory_space<vmem>>, vector<1x1x400xi32>
    %get3A_48 = vector.shape_cast %get3A_47 : vector<1x1x400xi32> to vector<1x400xi32>
    %iota3A = tpu.iota {dimensions = array<i32: 0>} : vector<64x1xi32>
    %eq3A = vector.broadcast %get3A_48 : vector<1x400xi32> to vector<64x400xi32>
    %eq3A_49 = vector.broadcast %iota3A : vector<64x1xi32> to vector<64x400xi32>
    %eq3A_50 = arith.cmpi eq, %eq3A, %eq3A_49 : vector<64x400xi32>
    %convert_element_type3A = arith.extui %eq3A_50 : vector<64x400xi1> to vector<64x400xi32>
    %convert_element_type3A_51 = arith.sitofp %convert_element_type3A : vector<64x400xi32> to vector<64x400xf32>
    %dot_general3A_52 = arith.constant dense<0.000000e+00> : vector<64x128xf32>
    %dot_general3A_53 = tpu.matmul %convert_element_type3A_51, %max3A_25, %dot_general3A_52 {dimension_numbers = #tpu.dot_dimension_numbers<[1], [0], [0], [1], [0, 0, 1, 1], [], []>, transpose_lhs_hint = false} : vector<64x400xf32>, vector<400x128xf32>, vector<64x128xf32> -> vector<64x128xf32>
    %eq3A_54 = arith.constant 0 : i32
    %eq3A_55 = arith.cmpi eq, %arg0, %eq3A_54 : i32
    %convert_element_type3A_56 = arith.extui %eq3A_55 : i1 to i32
    %cond3A = arith.constant 0 : i32
    %cond3A_57 = arith.cmpi ne, %convert_element_type3A_56, %cond3A : i32
    scf.if %cond3A_57 {
      %swap3A_62 = arith.constant 0 : index
      %swap3A_63 = arith.constant 0 : index
      %swap3A_64 = vector.load %arg8[%swap3A_62, %swap3A_63] : memref<64x128xf32, #tpu.memory_space<vmem>>, vector<64x128xf32>
      tpu.vector_store %arg8[%swap3A_62, %swap3A_63], %dot_general3A_53 {strides = array<i32>} : memref<64x128xf32, #tpu.memory_space<vmem>>, vector<64x128xf32>,
    } else {
    }
    %gt3A = arith.constant 0 : i32
    %gt3A_58 = arith.cmpi sgt, %arg0, %gt3A : i32
    %convert_element_type3A_59 = arith.extui %gt3A_58 : i1 to i32
    %cond3A_60 = arith.constant 0 : i32
    %cond3A_61 = arith.cmpi ne, %convert_element_type3A_59, %cond3A_60 : i32
    scf.if %cond3A_61 {
      %get3A_62 = arith.constant 0 : index
      %get3A_63 = arith.constant 0 : index
      %get3A_64 = vector.load %arg8[%get3A_62, %get3A_63] : memref<64x128xf32, #tpu.memory_space<vmem>>, vector<64x128xf32>
      %add3A_65 = arith.addf %get3A_64, %dot_general3A_53 : vector<64x128xf32>
      %swap3A_66 = arith.constant 0 : index
      %swap3A_67 = arith.constant 0 : index
      %swap3A_68 = vector.load %arg8[%swap3A_66, %swap3A_67] : memref<64x128xf32, #tpu.memory_space<vmem>>, vector<64x128xf32>
      tpu.vector_store %arg8[%swap3A_66, %swap3A_67], %add3A_65 {strides = array<i32>} : memref<64x128xf32, #tpu.memory_space<vmem>>, vector<64x128xf32>,
    } else {
    }
    return
  }
  func.func @transform_0(%arg0: i32) -> (i32, i32, i32) {
    %c0_i32 = arith.constant 0 : i32
    %c0_i32_0 = arith.constant 0 : i32
    %c0_i32_1 = arith.constant 0 : i32
    return %c0_i32, %arg0, %c0_i32_0 : i32, i32, i32
  }
  func.func @transform_1(%arg0: i32) -> (i32, i32, i32) {
    %c0_i32 = arith.constant 0 : i32
    %c0_i32_0 = arith.constant 0 : i32
    %c0_i32_1 = arith.constant 0 : i32
    return %c0_i32, %arg0, %c0_i32_0 : i32, i32, i32
  }
  func.func @transform_2(%arg0: i32) -> (i32, i32) {
    %c0_i32 = arith.constant 0 : i32
    %c0_i32_0 = arith.constant 0 : i32
    return %arg0, %c0_i32 : i32, i32
  }
  func.func @transform_3(%arg0: i32) -> (i32, i32) {
    %c0_i32 = arith.constant 0 : i32
    %c0_i32_0 = arith.constant 0 : i32
    %c0_i32_1 = arith.constant 0 : i32
    return %c0_i32, %c0_i32_0 : i32, i32
  }
  func.func @transform_4(%arg0: i32) -> (i32, i32) {
    %c0_i32 = arith.constant 0 : i32
    %c0_i32_0 = arith.constant 0 : i32
    %c0_i32_1 = arith.constant 0 : i32
    return %c0_i32, %c0_i32_0 : i32, i32
  }
  func.func @transform_5(%arg0: i32) -> (i32, i32, i32) {
    %c0_i32 = arith.constant 0 : i32
    %c0_i32_0 = arith.constant 0 : i32
    %c0_i32_1 = arith.constant 0 : i32
    return %arg0, %c0_i32, %c0_i32_0 : i32, i32, i32
  }
  func.func @transform_6(%arg0: i32) -> (i32, i32) {
    %c0_i32 = arith.constant 0 : i32
    %c0_i32_0 = arith.constant 0 : i32
    return %arg0, %c0_i32 : i32, i32
  }
  func.func @transform_7(%arg0: i32) -> (i32, i32) {
    %c0_i32 = arith.constant 0 : i32
    %c0_i32_0 = arith.constant 0 : i32
    %c0_i32_1 = arith.constant 0 : i32
    return %c0_i32, %c0_i32_0 : i32, i32
  }
}

</mosaic_0001>

<sc_bundles>
// kernel: kernel.12.cloned.1.call-start
scs
__scs_entry_jumppad:
0x0: {  	(pc) =	sbr.rel $0x88, $3  }
0x1: {  	(tag) =	ssettag $0x0;
	lr =	simm.s32 $0x1  }
0x2: {  	[smem:$0x3F98] =	sst lr;
	_ =	strace $0xD0000000  }
0x3: {  	_ = 	snop  }
0x4: {  	_ = 	snop  }
0x5: {  	_ = 	snop  }
0x6: {  	_ = 	snop  }
0x7: {  	_ = 	snop  }
__scs_overlays_trampoline_lowered:
0x8: {  	[smem:$0x3FA7] =	sst s0  }
0x9: {  	[smem:$0x3FA8] =	sst s1  }
0xa: {  	[smem:$0x3FA9] =	sst s2  }
0xb: {  	[smem:$0x3FAA] =	sst s3  }
0xc: {  	[smem:$0x3FAB] =	sst s4  }
0xd: {  	[smem:$0x3FAC] =	sst s5  }
0xe: {  	[smem:$0x3FAD] =	sst s6  }
0xf: {  	[smem:$0x3FAE] =	sst s7  }
0x10: {  	[smem:$0x3FAF] =	sst s8  }
0x11: {  	[smem:$0x3FB0] =	sst s9;
	s0 =	simm.s32 @!p0 $0x0  }
0x12: {  	s1 =	sld [smem:$0x3F96];
	s0 =	simm.s32 @p0 $0x1  }
0x13: {  	[smem:$0x3FB1] =	sst s0;
	s0 =	simm.s32 @!p1 $0x0  }
0x14: {  	s2 =	sld [smem:$0x3F95];
	s0 =	simm.s32 @p1 $0x1  }
0x15: {  	[smem:$0x3FB2] =	sst s0;
	s0 =	simm.s32 @!p2 $0x0  }
0x16: {  	s3 =	sld [smem:$0x3FDB];
	s0 =	simm.s32 @p2 $0x1  }
0x17: {  	s4 =	simm.s32 $0x1BF5;
	[smem:$0x3FB4] =	sst s0  }
0x18: {  	s0 =	sld [smem:$0x3F97];
	_ =	swait.ge [sflag:s4], $0x0  }
0x19: {  	s7 =	sld [smem:$0x3F98]  }
0x1a: {  	s8 =	sadd.s32 $0xFFFFE003, lr  }
0x1b: {  	s9 =	sadd.s32 $0xFFFFFEF7, lr;
	s5 =	simm.s32 $0xFFFFFFFF;
	p2 =	slt.u32 s8, $0xFFFFF086  }
0x1c: {  	p1 =	slt.u32 s9, $0xF7A;
	s5 =	simm.s32 @!p2 $0x0  }
0x1d: {  	s5 =	simm.s32 @p1 $0x1;
	p0 =	seq.s32 s7, s2  }
0x1e: {  	s7 =	smul.u32 @!p0 $0xF7A, s2;
	p2 =	seq.s32 @!p0 s5, $0x0  }
0x1f: {  	s9 =	smul.u32 $0xF7A, s1;
	s8 =	simm.s32 @!p0 $0x1BF5;
	p2 =	por !p2, p0  }
0x20: {  	[sflag:s8] =	ssyncset.s32 @!p0 $0xFFFFF086;
	s6 =	sadd.s32 @!p0 s3, s7;
	s7 =	simm.s32 @!p0 $0x108  }
0x21: {  	s3 =	sadd.s32 s3, s9;
	s6 =	sadd.s32 @!p0 $0x88, s6;
	s7 =	simm.s32 @p2 $0x1082  }
0x22: {  	[simem:s7], [sflag:s8] =	dma.local @!p0 [hbm:s6], $0xF7A  }
0x23: {  	s9 =	sor.u32 $0xD0000000, s2;
	s6 =	simm.s32 $0x108;
	_ =	swait.ge @!p0 [sflag:s8], $0x0  }
0x24: {  	s3 =	sadd.s32 $0x88, s3;
	s6 =	simm.s32 @!p1 $0x1082;
	[sflag:s4] =	ssyncset.s32 $0xFFFFF086  }
0x25: {  	[simem:s6], [sflag:s4] =	dma.local [hbm:s3], $0xF7A  }
0x26: {  	[smem:$0x3F98] =	sst s1;
	(tag) =	ssettag s2;
	_ =	strace s9  }
0x27: {  	s1 =	sld [smem:$0x3FA8]  }
0x28: {  	s2 =	sld [smem:$0x3FA9]  }
0x29: {  	s4 =	sld [smem:$0x3FAB]  }
0x2a: {  	p0 =	seq.s32 s5, $0x0;
	s5 =	sld [smem:$0x3FAC]  }
0x2b: {  	s6 =	sld [smem:$0x3FAD]  }
0x2c: {  	s7 =	sld [smem:$0x3FAE]  }
0x2d: {  	s3 =	simm.s32 $0x108;
	s8 =	sld [smem:$0x3FAF]  }
0x2e: {  	s3 =	simm.s32 @!p0 $0x1082;
	s9 =	sld [smem:$0x3FB0]  }
0x2f: {  	lr =	sadd.s32 s0, s3;
	s0 =	sld [smem:$0x3FA7]  }
0x30: {  	s3 =	sld [smem:$0x3FAA]  }
0x31: {  	[smem:$0x3FB3] =	sst s10  }
0x32: {  	s10 =	sld [smem:$0x3FB1];
	_ =	sdelay $0x3  }
0x33: {  	p0 =	seq.s32 s10, $0x1;
	s10 =	sld [smem:$0x3FB3];
	_ =	sdelay $0x3  }
0x34: {  	[smem:$0x3FB3] =	sst s10  }
0x35: {  	s10 =	sld [smem:$0x3FB2];
	_ =	sdelay $0x3  }
0x36: {  	p1 =	seq.s32 s10, $0x1;
	s10 =	sld [smem:$0x3FB3];
	_ =	sdelay $0x3  }
0x37: {  	[smem:$0x3FB3] =	sst s10  }
0x38: {  	s10 =	sld [smem:$0x3FB4]  }
0x39: {  	_ = 	snop;
	(pc) =	sbr.ind lr, $3  }
0x3a: {  	_ = 	snop  }
0x3b: {  	_ = 	snop  }
0x3c: {  	p2 =	seq.s32 s10, $0x1;
	s10 =	sld [smem:$0x3FB3]  }
0x3d: {  	_ =	shalt  }
0x3e: {  	_ =	shalt  }
0x3f: {  	_ =	shalt  }
0x40: {  	_ =	shalt  }
0x41: {  	_ =	shalt  }
0x42: {  	_ =	shalt  }
0x43: {  	_ =	shalt  }
0x44: {  	_ =	shalt  }
0x45: {  	_ =	shalt  }
0x46: {  	_ =	shalt  }
0x47: {  	_ =	shalt  }
0x48: {  	_ =	shalt  }
0x49: {  	_ =	shalt  }
0x4a: {  	_ =	shalt  }
0x4b: {  	_ =	shalt  }
0x4c: {  	_ =	shalt  }
0x4d: {  	_ =	shalt  }
0x4e: {  	_ =	shalt  }
0x4f: {  	_ =	shalt  }
0x50: {  	_ =	shalt  }
0x51: {  	_ =	shalt  }
0x52: {  	_ =	shalt  }
0x53: {  	_ =	shalt  }
0x54: {  	_ =	shalt  }
0x55: {  	_ =	shalt  }
0x56: {  	_ =	shalt  }
0x57: {  	_ =	shalt  }
0x58: {  	_ =	shalt  }
0x59: {  	_ =	shalt  }
0x5a: {  	_ =	shalt  }
0x5b: {  	_ =	shalt  }
0x5c: {  	_ =	shalt  }
0x5d: {  	_ =	shalt  }
0x5e: {  	_ =	shalt  }
0x5f: {  	_ =	shalt  }
0x60: {  	_ =	shalt  }
0x61: {  	_ =	shalt  }
0x62: {  	_ =	shalt  }
0x63: {  	_ =	shalt  }
0x64: {  	_ =	shalt  }
0x65: {  	_ =	shalt  }
0x66: {  	_ =	shalt  }
0x67: {  	_ =	shalt  }
0x68: {  	_ =	shalt  }
0x69: {  	_ =	shalt  }
0x6a: {  	_ =	shalt  }
0x6b: {  	_ =	shalt  }
0x6c: {  	_ =	shalt  }
0x6d: {  	_ =	shalt  }
0x6e: {  	_ =	shalt  }
0x6f: {  	_ =	shalt  }
0x70: {  	_ =	shalt  }
0x71: {  	_ =	shalt  }
0x72: {  	_ =	shalt  }
0x73: {  	_ =	shalt  }
0x74: {  	_ =	shalt  }
0x75: {  	_ =	shalt  }
0x76: {  	_ =	shalt  }
0x77: {  	_ =	shalt  }
0x78: {  	_ =	shalt  }
0x79: {  	_ =	shalt  }
0x7a: {  	_ =	shalt  }
0x7b: {  	_ =	shalt  }
0x7c: {  	_ =	shalt  }
0x7d: {  	_ =	shalt  }
0x7e: {  	_ =	shalt  }
0x7f: {  	_ =	shalt  }
0x80: {  	_ =	shalt  }
0x81: {  	_ =	shalt  }
0x82: {  	_ =	shalt  }
0x83: {  	_ =	shalt  }
0x84: {  	_ =	shalt  }
0x85: {  	_ =	shalt  }
0x86: {  	_ =	shalt  }
0x87: {  	_ =	shalt  }
.Lfunc_end0:
.L_simem_size_0:
called_computation_lowered:
.L_overlay_start_0:
0x88: {  	s2 =	sld [smem:$0x3FD9]  }
0x89: {  	s3 =	sld [smem:$0x3FFE];
	_ =	sdelay $0x1  }
0x8a: {  	s1 =	srdreg.scid  }
0x8b: {  	s0 =	sand.u32 $0x1, s1  }
0x8c: {  	s14 =	sshll.u32 s0, $0xA;
	s2 =	sadd.s32 s3, s2  }
0x8d: {  	s2 =	sadd.s32 s2, s14  }
0x8e: {  	[smem:$0x3FBF] =	sst s2  }
0x8f: {  	_ = 	snop  }
0x90: {  	s2 =	sld [smem:$0x3FD0];
	_ =	sdelay $0x2  }
0x91: {  	s15 =	simm.s32 $0xA;
	s4 =	simm.s32 $0x10  }
0x92: {  	[smem:s4], [sflag:s15] =	dma.local [hbm:s2], $0x1  }
0x93: {  	_ =	swait.eq [sflag:s15], $0x1  }
0x94: {  	[sflag:s15] =	ssyncset.done $0x0  }
0x95: {  	[sflag:s15] =	ssyncadd.s32 $0xFFFFFFFF  }
0x96: {  	s16 =	sld [smem:$0x10];
	(tm) =	ssettm $0x1  }
0x97: {  	s17 =	sld [smem:$0x3FFB];
	_ =	sdelay $0x3  }
0x98: {  	_ =	strace s17  }
0x99: {  	s3 =	sld [smem:$0x3FFC];
	_ =	sdelay $0x3  }
0x9a: {  	_ =	strace s3  }
0x9b: {  	s3 =	sld [smem:$0x3FFD];
	_ =	sdelay $0x3  }
0x9c: {  	_ =	strace s3  }
0x9d: {  	_ =	strace $0x8FFFFFFF  }
0x9e: {  	s18 =	sld [smem:$0x3FDB];
	_ =	sdelay $0x1  }
0x9f: {  	s19 =	simm.s32 $_scs_section_size  }
0xa0: {  	s5 =	simm.s32 $_size__tile_overlayer_lowered;
	s6 =	simm.s32 $_tile_overlayer_lowered  }
0xa1: {  	s22 =	simm.s32 $0x1BFF;
	s21 =	sshll.u32 s6, $0x1;
	s3 =	sadd.s32 s19, s18  }
0xa2: {  	s7 =	simm.s32 $0x0;
	s20 =	sshll.u32 s5, $0x1;
	s5 =	sadd.s32 s21, s3  }
0xa3: {  	[timem:s7], [sflag:s22] =	dma.local [hbm:s5], s20  }
0xa4: {  	_ =	swait.ge [sflag:s22], s20  }
0xa5: {  	s4 =	ssub.s32 $0x0, s20;
	[sflag:s22] =	ssyncset.done $0x0  }
0xa6: {  	[sflag:s22] =	ssyncadd.s32 s4;
	_ =	sdelay $0x1  }
0xa7: {  	s23 =	simm.s32 $0x1B8B  }
0xa8: {  	_ =	swait.ge [sflag:s23], $0x1  }
0xa9: {  	[sflag:s23] =	ssyncset.done $0x0  }
0xaa: {  	s25 =	simm.s32 $0x1B8E;
	s24 =	sld [smem:$0x3FFE];
	[sflag:s23] =	ssyncadd.s32 $0xFFFFFFFF  }
0xab: {  	s26 =	simm.s32 $execute0_lowered;
	[smem:$0x3FD2] =	sst s25  }
0xac: {  	s5 =	sshll.u32 s26, $0x1;
	_ =	strace $0x80000046;
	[dreg:$0x1] =	wrdreg $0xFFFFFFFF  }
0xad: {  	s28 =	simm.s32 $_size_execute0_lowered;
	s3 =	sadd.s32 s3, s5;
	[dreg:$0x0] =	wrdreg $0x0  }
0xae: {  	s5 =	sshll.u32 s28, $0x1;
	[dreg:$0x2] =	wrdreg s3  }
0xaf: {  	[dreg:$0x3] =	wrdreg s5  }
0xb0: {  	[dreg:$0x4] =	wrdreg $0xC0  }
0xb1: {  	_ =	task [dreg:s7], $0x5FFFF  }
0xb2: {  	[dreg:$0x1] =	wrdreg $0xFFFFFFFF  }
0xb3: {  	[dreg:$0x0] =	wrdreg $0x60  }
0xb4: {  	[dreg:$0x2] =	wrdreg s24  }
0xb5: {  	[dreg:$0x3] =	wrdreg s16  }
0xb6: {  	[dreg:$0x4] =	wrdreg $0x78000  }
0xb7: {  	[dreg:$0x5] =	wrdreg $0x9  }
0xb8: {  	_ =	task.clear_ibuf [dreg:s7], $0x6FFFF;
	_ =	strace $0x90000046  }
0xb9: {  	s29 =	simm.s32 $0x9;
	_ =	strace $0x80000048  }
0xba: {  	_ =	swait.ge [sflag:s29], $0x1  }
0xbb: {  	[sflag:s29] =	ssyncadd.s32 $0xFFFFFFFF  }
0xbc: {  	_ =	strace $0x90000048  }
0xbd: {  	_ =	sfence  }
0xbe: {  	s30 =	sld [smem:$0x0];
	_ =	sdelay $0x2  }
0xbf: {  	s31 =	sshll.u32 s1, $0xD;
	s1 =	sshrl.u32 s1, $0x2  }
0xc0: {  	s3 =	sand.u32 $0x4000, s31;
	s1 =	sadd.s32 s1, s30  }
0xc1: {  	s0 =	sor.u32 s3, s0;
	s1 =	sshll.u32 s1, $0x11  }
0xc2: {  	s0 =	sor.u32 s1, s0  }
0xc3: {  	s0 =	sadd.s32 $0x8F2B, s0  }
0xc4: {  	[sflag:s0] =	ssyncadd.remote.s32 $0x1  }
0xc5: {  	_ =	sfence.sel $0xFFFF  }
0xc6: {  	[dreg:$0x0] =	wrdreg $0xFFFFFFFF;
	(pc) =	sbr.abs _section_cstart, $3  }
0xc7: {  	[dreg:$0x1] =	wrdreg $0xFFFFFFFF  }
0xc8: {  	_ =	task.clear_ibuf [dreg:s7], $0x2FFFF;
	_ =	strace $0x9FFFFFFF  }
0xc9: {  	(tm) =	ssettm $0x7FFFFFFF  }
tec
execute0_lowered:
.L_overlay_start_1:
0x0: {  	(tag) =	ssettag $0x1  }
0x1: {  	s3 =	rddreg [dreg:$0x0]  }
0x2: {  	s6 =	rddreg [dreg:$0x1]  }
0x3: {  	s0 =	srdreg.scid;
	s5 =	rddreg [dreg:$0x2]  }
0x4: {  	s1 =	stileid.u32;
	s2 =	simm.s32 $0x0;
	s12 =	simm.s32 $0x1400  }
0x5: {  	s13 =	simm.s32 $0x14000;
	s14 =	simm.s32 $0x5000;
	s15 =	simm.s32 $0x100  }
0x6: {  	s16 =	simm.s32 $0x0;
	s4 =	sand.u32 $0x1, s0;
	s0 =	rddreg [dreg:$0x3]  }
0x7: {  	[smem:$0x7FF] =	sst s2;
	s10 =	sshrl.u32 s1, $0x3;
	s29 =	smul.u32 $0x500, s1  }
0x8: {  	s28 =	sshll.u32 s1, $0x7;
	s11 =	smul.u32 $0x5000, s1;
	s7 =	sshll.u32 s4, $0x4  }
0x9: {  	s8 =	ssub.s32 $0x2, s4;
	_ =	strace $0x80000047;
	s26 =	smul.u32 $0x50000, s10  }
0xa: {  	s4 =	sshll.u32 s4, $0x7;
	s7 =	sor.u32 s1, s7;
	s9 =	sshrl.u32 s8, $0x1  }
0xb: {  	s10 =	sor.u32 s4, s29;
	s30 =	sshrl.u32 s11, $0x2;
	s11 =	simm.s32 $0x400  }
0xc: {  	s7 =	smul.u32 $0x500, s7;
	s25 =	ssub.s32 s8, s9;
	s8 =	sshrl.u32 s26, $0x2  }
0xd: {  	s9 =	sand.u32 $0x380, s28;
	s31 =	sshrl.u32 s10, $0x3;
	s10 =	simm.s32 $0x80  }
0xe: {  	s8 =	sadd.s32 s8, s5;
	s5 =	sadd.s32 s30, s5;
	s6 =	sadd.s32 s6, s31  }
0xf: {  	s3 =	sadd.s32 s7, s3;
	s4 =	sadd.s32 s9, s8;
	s7 =	smax.u32 s25, $0x1  }
0x10: {  	v0 =	vimm.f32 $0.0e+00;
	v1 =	vimm.f32 $1.000000000e+00;
	s8 =	simm.s32 $0x1;
	s9 =	simm.s32 $0x2800;
	s3 =	sadd.s32 $0x3200, s3  }
.LBB2_1:
0x11: {  	s17 =	simm.s32 $0x40;
	s18 =	simm.s32 $0x0  }
.LBB2_2:
0x12: {  	p0 =	sne.s32 s17, $0x9FC0;
	[tilespmem:s18+$0x2800] =	vst v0;
	s18 =	smov.u32 s17;
	s17 =	sadd.s32 $0x40, s17  }
.Ltmp0:
0x13: {  	(pc) =	sbr.rel @p0 .LBB2_2-.Ltmp0, $2  }
0x14: {  	_ =	sdelay $0x2  }
0x15: {  	s18 =	sshra.s32 s18, $0x2  }
0x16: {  	[tilespmem:s18+$0x2800] =	vst v0  }
0x17: {  	[tilespmem:s2], [sflag:$0x1] =	stream.linear.gather [hbm4b:s3+s2], $0x2800, $0x38;
	[tilespmem:$0xA000] =	vst v63  }
0x18: {  	_ =	swait.ge [sflag:s8], $0x2800  }
0x19: {  	[sflag:s8] =	ssyncset.done $0x0  }
0x1a: {  	s17 =	simm.s32 $0x1C0;
	[sflag:s8] =	ssyncadd.s32 $0xFFFFD800  }
.LBB2_4:
0x1b: {  	s18 =	sshra.s32 s17, $0x2  }
0x1c: {  	v2 =	vld [tilespmem:s18+$0xFFFFFF90];
	_ =	sdelay $0x7  }
0x1d: {  	[tilespmem:v2+s9+$0x0] =	vst.idx.add.f32.msk $0xffff, v1  }
0x1e: {  	v2 =	vld [tilespmem:s18+$0xFFFFFFA0];
	_ =	sdelay $0x7  }
0x1f: {  	[tilespmem:v2+s9+$0x0] =	vst.idx.add.f32.msk $0xffff, v1  }
0x20: {  	v2 =	vld [tilespmem:s18+$0xFFFFFFB0];
	_ =	sdelay $0x7  }
0x21: {  	[tilespmem:v2+s9+$0x0] =	vst.idx.add.f32.msk $0xffff, v1  }
0x22: {  	v2 =	vld [tilespmem:s18+$0xFFFFFFC0];
	_ =	sdelay $0x7  }
0x23: {  	[tilespmem:v2+s9+$0x0] =	vst.idx.add.f32.msk $0xffff, v1  }
0x24: {  	v2 =	vld [tilespmem:s18+$0xFFFFFFD0];
	_ =	sdelay $0x7  }
0x25: {  	[tilespmem:v2+s9+$0x0] =	vst.idx.add.f32.msk $0xffff, v1  }
0x26: {  	v2 =	vld [tilespmem:s18+$0xFFFFFFE0];
	_ =	sdelay $0x7  }
0x27: {  	[tilespmem:v2+s9+$0x0] =	vst.idx.add.f32.msk $0xffff, v1  }
0x28: {  	v2 =	vld [tilespmem:s18+$0xFFFFFFF0];
	_ =	sdelay $0x7  }
0x29: {  	[tilespmem:v2+s9+$0x0] =	vst.idx.add.f32.msk $0xffff, v1  }
0x2a: {  	v2 =	vld [tilespmem:s18+$0x0];
	_ =	sdelay $0x2  }
0x2b: {  	p0 =	sne.s32 s17, $0x9FC0  }
.Ltmp1:
0x2c: {  	_ = 	snop;
	(pc) =	sbr.rel @p0 .LBB2_4-.Ltmp1, $2  }
0x2d: {  	_ =	sdelay $0x2  }
0x2e: {  	s17 =	sadd.s32 $0x200, s17;
	[tilespmem:v2+s9+$0x0] =	vst.idx.add.f32.msk $0xffff, v1  }
0x2f: {  	s17 =	simm.s32 $0x2800  }
0x30: {  	[spmem:s4] =	stream.strided.scatter [tilespmem:s17], [sflag:$0x1], $0x2800, s11, s10, $0x38;
	[tilespmem:$0xA000] =	vst v63  }
0x31: {  	_ =	swait.ge [sflag:s8], $0x2800  }
0x32: {  	[sflag:s8] =	ssyncset.done $0x0  }
0x33: {  	[sflag:s8] =	ssyncadd.s32 $0xFFFFD800  }
0x34: {  	[bflag:$0x0] =	sbarrier.arrive $0xFFFF  }
0x35: {  	[tilespmem:s14], [sflag:$0x1] =	stream.strided.gather [spmem:s5], $0x2800, s13, s12, $0x38;
	[tilespmem:$0xA000] =	vst v63  }
0x36: {  	s18 =	simm.s32 $0x0;
	_ =	swait.ge [sflag:s8], $0x2800  }
0x37: {  	s19 =	sand.u32 $0x70, s18;
	s18 =	sand.u32 $0x1C00, s18;
	[sflag:s8] =	ssyncset.done $0x0  }
0x38: {  	s18 =	sor.u32 s19, s18;
	[sflag:s8] =	ssyncadd.s32 $0xFFFFD800  }
0x39: {  	v2 =	vld [tilespmem:s18+$0x5080]  }
0x3a: {  	v3 =	vld [tilespmem:s18+$0x5000];
	_ =	sdelay $0x1  }
0x3b: {  	v4 =	vld [tilespmem:s18+$0x5100];
	_ =	sdelay $0x1  }
0x3c: {  	v5 =	vld [tilespmem:s18+$0x5180]  }
0x3d: {  	v2 =	vadd.f32 v2, v3  }
0x3e: {  	v3 =	vld [tilespmem:s18+$0x5200]  }
0x3f: {  	v2 =	vadd.f32 v4, v2  }
0x40: {  	v56 =	vld [tilespmem:s18+$0x5280]  }
0x41: {  	v2 =	vadd.f32 v5, v2  }
0x42: {  	v57 =	vld [tilespmem:s18+$0x5300]  }
0x43: {  	v2 =	vadd.f32 v3, v2  }
0x44: {  	v3 =	vld [tilespmem:s18+$0x5380]  }
0x45: {  	v2 =	vadd.f32 v56, v2  }
0x46: {  	v58 =	vld [tilespmem:s18+$0x6400]  }
0x47: {  	v2 =	vadd.f32 v57, v2  }
0x48: {  	v59 =	vld [tilespmem:s18+$0x6480]  }
0x49: {  	v2 =	vadd.f32 v3, v2  }
0x4a: {  	v3 =	vld [tilespmem:s18+$0x6500]  }
0x4b: {  	v2 =	vadd.f32 v58, v2  }
0x4c: {  	v60 =	vld [tilespmem:s18+$0x6580]  }
0x4d: {  	v2 =	vadd.f32 v59, v2  }
0x4e: {  	v61 =	vld [tilespmem:s18+$0x6600]  }
0x4f: {  	v2 =	vadd.f32 v3, v2  }
0x50: {  	v3 =	vld [tilespmem:s18+$0x6680]  }
0x51: {  	v2 =	vadd.f32 v60, v2  }
0x52: {  	v62 =	vld [tilespmem:s18+$0x6700]  }
0x53: {  	v2 =	vadd.f32 v61, v2  }
0x54: {  	v63 =	vld [tilespmem:s18+$0x6780]  }
0x55: {  	v2 =	vadd.f32 v3, v2;
	_ =	sdelay $0x1  }
0x56: {  	v2 =	vadd.f32 v62, v2;
	_ =	sdelay $0x1  }
0x57: {  	s31 =	simm.s32 $0x10;
	s19 =	simm.s32 $0x80;
	v2 =	vadd.f32 v63, v2  }
0x58: {  	s20 =	sand.u32 $0x1C00, s19;
	s18 =	sand.u32 $0x70, s31  }
0x59: {  	s18 =	sor.u32 s18, s20;
	s20 =	simm.s32 $0x20;
	[tilespmem:s17+$0x0] =	vst v2  }
.LBB2_6:
0x5a: {  	p0 =	sne.s32 s20, $0x270;
	v2 =	vld [tilespmem:s18+$0x5080]  }
0x5b: {  	v3 =	vld [tilespmem:s18+$0x5000];
	_ =	sdelay $0x1  }
0x5c: {  	v4 =	vld [tilespmem:s18+$0x5100];
	_ =	sdelay $0x1  }
0x5d: {  	v5 =	vld [tilespmem:s18+$0x5180]  }
0x5e: {  	v2 =	vadd.f32 v2, v3  }
0x5f: {  	v3 =	vld [tilespmem:s18+$0x5200]  }
0x60: {  	v2 =	vadd.f32 v4, v2  }
0x61: {  	v4 =	vld [tilespmem:s18+$0x5280]  }
0x62: {  	v2 =	vadd.f32 v5, v2  }
0x63: {  	v5 =	vld [tilespmem:s18+$0x5300]  }
0x64: {  	v2 =	vadd.f32 v3, v2  }
0x65: {  	v3 =	vld [tilespmem:s18+$0x5380]  }
0x66: {  	v2 =	vadd.f32 v4, v2  }
0x67: {  	v4 =	vld [tilespmem:s18+$0x6400]  }
0x68: {  	v2 =	vadd.f32 v5, v2  }
0x69: {  	v5 =	vld [tilespmem:s18+$0x6480]  }
0x6a: {  	v2 =	vadd.f32 v3, v2  }
0x6b: {  	v3 =	vld [tilespmem:s18+$0x6500]  }
0x6c: {  	v2 =	vadd.f32 v4, v2  }
0x6d: {  	v4 =	vld [tilespmem:s18+$0x6580]  }
0x6e: {  	v2 =	vadd.f32 v5, v2  }
0x6f: {  	v5 =	vld [tilespmem:s18+$0x6600]  }
0x70: {  	v2 =	vadd.f32 v3, v2  }
0x71: {  	v3 =	vld [tilespmem:s18+$0x6680]  }
0x72: {  	v2 =	vadd.f32 v4, v2  }
0x73: {  	v4 =	vld [tilespmem:s18+$0x6700]  }
0x74: {  	v2 =	vadd.f32 v5, v2  }
0x75: {  	v5 =	vld [tilespmem:s18+$0x6780]  }
0x76: {  	v2 =	vadd.f32 v3, v2;
	_ =	sdelay $0x1  }
.Ltmp2:
0x77: {  	v2 =	vadd.f32 v4, v2;
	(pc) =	sbr.rel @p0 .LBB2_6-.Ltmp2, $4  }
0x78: {  	_ = 	snop  }
0x79: {  	s19 =	sadd.s32 $0x80, s19;
	v2 =	vadd.f32 v5, v2  }
0x7a: {  	s17 =	sadd.s32 $0x10, s17;
	s21 =	sand.u32 $0x1C00, s19;
	s18 =	sand.u32 $0x70, s20  }
0x7b: {  	s20 =	sadd.s32 $0x10, s20;
	s18 =	sor.u32 s18, s21;
	[tilespmem:s17+$0x0] =	vst v2  }
0x7c: {  	v2 =	vld [tilespmem:s18+$0x5080]  }
0x7d: {  	v3 =	vld [tilespmem:s18+$0x5000];
	_ =	sdelay $0x1  }
0x7e: {  	v4 =	vld [tilespmem:s18+$0x5100];
	_ =	sdelay $0x1  }
0x7f: {  	v5 =	vld [tilespmem:s18+$0x5180]  }
0x80: {  	v2 =	vadd.f32 v2, v3  }
0x81: {  	v3 =	vld [tilespmem:s18+$0x5200]  }
0x82: {  	v2 =	vadd.f32 v4, v2  }
0x83: {  	v56 =	vld [tilespmem:s18+$0x5280]  }
0x84: {  	v2 =	vadd.f32 v5, v2  }
0x85: {  	v57 =	vld [tilespmem:s18+$0x5300]  }
0x86: {  	v2 =	vadd.f32 v3, v2  }
0x87: {  	v3 =	vld [tilespmem:s18+$0x5380]  }
0x88: {  	v2 =	vadd.f32 v56, v2  }
0x89: {  	v58 =	vld [tilespmem:s18+$0x6400]  }
0x8a: {  	v2 =	vadd.f32 v57, v2  }
0x8b: {  	v59 =	vld [tilespmem:s18+$0x6480]  }
0x8c: {  	v2 =	vadd.f32 v3, v2  }
0x8d: {  	v3 =	vld [tilespmem:s18+$0x6500]  }
0x8e: {  	v2 =	vadd.f32 v58, v2  }
0x8f: {  	v60 =	vld [tilespmem:s18+$0x6580]  }
0x90: {  	v2 =	vadd.f32 v59, v2  }
0x91: {  	v61 =	vld [tilespmem:s18+$0x6600]  }
0x92: {  	v2 =	vadd.f32 v3, v2  }
0x93: {  	v3 =	vld [tilespmem:s18+$0x6680]  }
0x94: {  	v2 =	vadd.f32 v60, v2  }
0x95: {  	v62 =	vld [tilespmem:s18+$0x6700]  }
0x96: {  	v2 =	vadd.f32 v61, v2  }
0x97: {  	v63 =	vld [tilespmem:s18+$0x6780]  }
0x98: {  	v2 =	vadd.f32 v3, v2;
	_ =	sdelay $0x1  }
0x99: {  	v2 =	vadd.f32 v62, v2;
	_ =	sdelay $0x1  }
0x9a: {  	s16 =	sadd.s32 $0x1, s16;
	v2 =	vadd.f32 v63, v2  }
0x9b: {  	s17 =	sadd.s32 $0x10, s17;
	p0 =	sne.s32 s16, s7  }
.Ltmp3:
0x9c: {  	[tilespmem:s17+$0x0] =	vst v2;
	(pc) =	sbr.rel @p0 .LBB2_1-.Ltmp3, $4  }
0x9d: {  	[hbm4b:s6+s10] =	stream.strided.scatter [tilespmem:s9], [sflag:$0x1], $0x280, s15, s10, $0x38;
	[tilespmem:$0xA000] =	vst v63  }
0x9e: {  	_ =	swait.ge [sflag:s8], $0x280  }
0x9f: {  	[sflag:s8] =	ssyncset.done $0x0  }
0xa0: {  	[sflag:s8] =	ssyncadd.s32 $0xFFFFFD80  }
0xa1: {  	_ =	sfence.sel $0x180000  }
0xa2: {  	[bflag:$0x0] =	sbarrier.arrive $0xFFFF  }
0xa3: {  	p0 =	sne.s32 s1, $0x0;
	_ =	strace $0x90000047  }
0xa4: {  	s0 =	sadd.s32 @!p0 $0x100000, s0;
	[bflag:$0x2] =	sbarrier.arrive $0xFFFF  }
0xa5: {  	[sflag:s0] =	ssyncadd.tile.s32 @!p0 $0x1;
	_ =	shalt  }
.Lfunc_end2:
_tile_overlayer_lowered:
.L_overlay_start_2:
0xa6: {  	(tag) =	ssettag $0x2  }
0xa7: {  	s0 =	rddreg [dreg:$0x0];
	s2 =	stileid.u32  }
0xa8: {  	s1 =	rddreg [dreg:$0x1];
	p0 =	sne.s32 s2, $0x0  }
0xa9: {  	s3 =	rddreg [dreg:$0x2];
	[bflag:$0x3] =	sbarrier.arrive $0xFFFF;
	s2 =	simm.s32 @!p0 $0x1C01  }
0xaa: {  	[timem:s3], [sflag:s2] =	dma.local @!p0 [hbm:s0], s1  }
0xab: {  	s0 =	simm.s32 @!p0 $0x1  }
0xac: {  	_ =	swait.ge @!p0 [sflag:s0], s1  }
0xad: {  	s1 =	ssub.s32 @!p0 $0x0, s1;
	[sflag:s0] =	ssyncset.done @!p0 $0x0  }
0xae: {  	[sflag:s0] =	ssyncadd.s32 @!p0 s1  }
0xaf: {  	[bflag:$0x3] =	sbarrier.arrive $0xFFFF  }
0xb0: {  	_ =	shalt  }

// kernel: kernel.15.cloned.1.call-start
scs
__scs_entry_jumppad:
0x0: {  	(pc) =	sbr.rel $0x88, $3  }
0x1: {  	(tag) =	ssettag $0x0;
	lr =	simm.s32 $0x1  }
0x2: {  	[smem:$0x3F98] =	sst lr;
	_ =	strace $0xD0000000  }
0x3: {  	_ = 	snop  }
0x4: {  	_ = 	snop  }
0x5: {  	_ = 	snop  }
0x6: {  	_ = 	snop  }
0x7: {  	_ = 	snop  }
__scs_overlays_trampoline_lowered:
0x8: {  	[smem:$0x3FA7] =	sst s0  }
0x9: {  	[smem:$0x3FA8] =	sst s1  }
0xa: {  	[smem:$0x3FA9] =	sst s2  }
0xb: {  	[smem:$0x3FAA] =	sst s3  }
0xc: {  	[smem:$0x3FAB] =	sst s4  }
0xd: {  	[smem:$0x3FAC] =	sst s5  }
0xe: {  	[smem:$0x3FAD] =	sst s6  }
0xf: {  	[smem:$0x3FAE] =	sst s7  }
0x10: {  	[smem:$0x3FAF] =	sst s8  }
0x11: {  	[smem:$0x3FB0] =	sst s9;
	s0 =	simm.s32 @!p0 $0x0  }
0x12: {  	s1 =	sld [smem:$0x3F96];
	s0 =	simm.s32 @p0 $0x1  }
0x13: {  	[smem:$0x3FB1] =	sst s0;
	s0 =	simm.s32 @!p1 $0x0  }
0x14: {  	s2 =	sld [smem:$0x3F95];
	s0 =	simm.s32 @p1 $0x1  }
0x15: {  	[smem:$0x3FB2] =	sst s0;
	s0 =	simm.s32 @!p2 $0x0  }
0x16: {  	s3 =	sld [smem:$0x3FDB];
	s0 =	simm.s32 @p2 $0x1  }
0x17: {  	s4 =	simm.s32 $0x1BF5;
	[smem:$0x3FB4] =	sst s0  }
0x18: {  	s0 =	sld [smem:$0x3F97];
	_ =	swait.ge [sflag:s4], $0x0  }
0x19: {  	s7 =	sld [smem:$0x3F98]  }
0x1a: {  	s8 =	sadd.s32 $0xFFFFE003, lr  }
0x1b: {  	s9 =	sadd.s32 $0xFFFFFEF7, lr;
	s5 =	simm.s32 $0xFFFFFFFF;
	p2 =	slt.u32 s8, $0xFFFFF086  }
0x1c: {  	p1 =	slt.u32 s9, $0xF7A;
	s5 =	simm.s32 @!p2 $0x0  }
0x1d: {  	s5 =	simm.s32 @p1 $0x1;
	p0 =	seq.s32 s7, s2  }
0x1e: {  	s7 =	smul.u32 @!p0 $0xF7A, s2;
	p2 =	seq.s32 @!p0 s5, $0x0  }
0x1f: {  	s9 =	smul.u32 $0xF7A, s1;
	s8 =	simm.s32 @!p0 $0x1BF5;
	p2 =	por !p2, p0  }
0x20: {  	[sflag:s8] =	ssyncset.s32 @!p0 $0xFFFFF086;
	s6 =	sadd.s32 @!p0 s3, s7;
	s7 =	simm.s32 @!p0 $0x108  }
0x21: {  	s3 =	sadd.s32 s3, s9;
	s6 =	sadd.s32 @!p0 $0x88, s6;
	s7 =	simm.s32 @p2 $0x1082  }
0x22: {  	[simem:s7], [sflag:s8] =	dma.local @!p0 [hbm:s6], $0xF7A  }
0x23: {  	s9 =	sor.u32 $0xD0000000, s2;
	s6 =	simm.s32 $0x108;
	_ =	swait.ge @!p0 [sflag:s8], $0x0  }
0x24: {  	s3 =	sadd.s32 $0x88, s3;
	s6 =	simm.s32 @!p1 $0x1082;
	[sflag:s4] =	ssyncset.s32 $0xFFFFF086  }
0x25: {  	[simem:s6], [sflag:s4] =	dma.local [hbm:s3], $0xF7A  }
0x26: {  	[smem:$0x3F98] =	sst s1;
	(tag) =	ssettag s2;
	_ =	strace s9  }
0x27: {  	s1 =	sld [smem:$0x3FA8]  }
0x28: {  	s2 =	sld [smem:$0x3FA9]  }
0x29: {  	s4 =	sld [smem:$0x3FAB]  }
0x2a: {  	p0 =	seq.s32 s5, $0x0;
	s5 =	sld [smem:$0x3FAC]  }
0x2b: {  	s6 =	sld [smem:$0x3FAD]  }
0x2c: {  	s7 =	sld [smem:$0x3FAE]  }
0x2d: {  	s3 =	simm.s32 $0x108;
	s8 =	sld [smem:$0x3FAF]  }
0x2e: {  	s3 =	simm.s32 @!p0 $0x1082;
	s9 =	sld [smem:$0x3FB0]  }
0x2f: {  	lr =	sadd.s32 s0, s3;
	s0 =	sld [smem:$0x3FA7]  }
0x30: {  	s3 =	sld [smem:$0x3FAA]  }
0x31: {  	[smem:$0x3FB3] =	sst s10  }
0x32: {  	s10 =	sld [smem:$0x3FB1];
	_ =	sdelay $0x3  }
0x33: {  	p0 =	seq.s32 s10, $0x1;
	s10 =	sld [smem:$0x3FB3];
	_ =	sdelay $0x3  }
0x34: {  	[smem:$0x3FB3] =	sst s10  }
0x35: {  	s10 =	sld [smem:$0x3FB2];
	_ =	sdelay $0x3  }
0x36: {  	p1 =	seq.s32 s10, $0x1;
	s10 =	sld [smem:$0x3FB3];
	_ =	sdelay $0x3  }
0x37: {  	[smem:$0x3FB3] =	sst s10  }
0x38: {  	s10 =	sld [smem:$0x3FB4]  }
0x39: {  	_ = 	snop;
	(pc) =	sbr.ind lr, $3  }
0x3a: {  	_ = 	snop  }
0x3b: {  	_ = 	snop  }
0x3c: {  	p2 =	seq.s32 s10, $0x1;
	s10 =	sld [smem:$0x3FB3]  }
0x3d: {  	_ =	shalt  }
0x3e: {  	_ =	shalt  }
0x3f: {  	_ =	shalt  }
0x40: {  	_ =	shalt  }
0x41: {  	_ =	shalt  }
0x42: {  	_ =	shalt  }
0x43: {  	_ =	shalt  }
0x44: {  	_ =	shalt  }
0x45: {  	_ =	shalt  }
0x46: {  	_ =	shalt  }
0x47: {  	_ =	shalt  }
0x48: {  	_ =	shalt  }
0x49: {  	_ =	shalt  }
0x4a: {  	_ =	shalt  }
0x4b: {  	_ =	shalt  }
0x4c: {  	_ =	shalt  }
0x4d: {  	_ =	shalt  }
0x4e: {  	_ =	shalt  }
0x4f: {  	_ =	shalt  }
0x50: {  	_ =	shalt  }
0x51: {  	_ =	shalt  }
0x52: {  	_ =	shalt  }
0x53: {  	_ =	shalt  }
0x54: {  	_ =	shalt  }
0x55: {  	_ =	shalt  }
0x56: {  	_ =	shalt  }
0x57: {  	_ =	shalt  }
0x58: {  	_ =	shalt  }
0x59: {  	_ =	shalt  }
0x5a: {  	_ =	shalt  }
0x5b: {  	_ =	shalt  }
0x5c: {  	_ =	shalt  }
0x5d: {  	_ =	shalt  }
0x5e: {  	_ =	shalt  }
0x5f: {  	_ =	shalt  }
0x60: {  	_ =	shalt  }
0x61: {  	_ =	shalt  }
0x62: {  	_ =	shalt  }
0x63: {  	_ =	shalt  }
0x64: {  	_ =	shalt  }
0x65: {  	_ =	shalt  }
0x66: {  	_ =	shalt  }
0x67: {  	_ =	shalt  }
0x68: {  	_ =	shalt  }
0x69: {  	_ =	shalt  }
0x6a: {  	_ =	shalt  }
0x6b: {  	_ =	shalt  }
0x6c: {  	_ =	shalt  }
0x6d: {  	_ =	shalt  }
0x6e: {  	_ =	shalt  }
0x6f: {  	_ =	shalt  }
0x70: {  	_ =	shalt  }
0x71: {  	_ =	shalt  }
0x72: {  	_ =	shalt  }
0x73: {  	_ =	shalt  }
0x74: {  	_ =	shalt  }
0x75: {  	_ =	shalt  }
0x76: {  	_ =	shalt  }
0x77: {  	_ =	shalt  }
0x78: {  	_ =	shalt  }
0x79: {  	_ =	shalt  }
0x7a: {  	_ =	shalt  }
0x7b: {  	_ =	shalt  }
0x7c: {  	_ =	shalt  }
0x7d: {  	_ =	shalt  }
0x7e: {  	_ =	shalt  }
0x7f: {  	_ =	shalt  }
0x80: {  	_ =	shalt  }
0x81: {  	_ =	shalt  }
0x82: {  	_ =	shalt  }
0x83: {  	_ =	shalt  }
0x84: {  	_ =	shalt  }
0x85: {  	_ =	shalt  }
0x86: {  	_ =	shalt  }
0x87: {  	_ =	shalt  }
.Lfunc_end0:
.L_simem_size_0:
called_computation.1_lowered:
.L_overlay_start_0:
0x88: {  	s2 =	sld [smem:$0x3FD9]  }
0x89: {  	s3 =	sld [smem:$0x3FFE];
	_ =	sdelay $0x1  }
0x8a: {  	s1 =	srdreg.scid  }
0x8b: {  	s0 =	sand.u32 $0x1, s1  }
0x8c: {  	s16 =	sshll.u32 s0, $0xA;
	s2 =	sadd.s32 s3, s2  }
0x8d: {  	s2 =	sadd.s32 s2, s16  }
0x8e: {  	[smem:$0x3FBF] =	sst s2  }
0x8f: {  	_ = 	snop  }
0x90: {  	(tm) =	ssettm $0x1  }
0x91: {  	s17 =	sld [smem:$0x3FFB];
	_ =	sdelay $0x3  }
0x92: {  	_ =	strace s17  }
0x93: {  	s2 =	sld [smem:$0x3FFC];
	_ =	sdelay $0x3  }
0x94: {  	_ =	strace s2  }
0x95: {  	s2 =	sld [smem:$0x3FFD];
	_ =	sdelay $0x3  }
0x96: {  	_ =	strace s2  }
0x97: {  	_ =	strace $0x8FFFFFFF  }
0x98: {  	s18 =	sld [smem:$0x3FDB];
	_ =	sdelay $0x1  }
0x99: {  	s19 =	simm.s32 $_scs_section_size  }
0x9a: {  	s4 =	simm.s32 $_size__tile_overlayer_lowered;
	s5 =	simm.s32 $_tile_overlayer_lowered  }
0x9b: {  	s22 =	simm.s32 $0x1BFF;
	s21 =	sshll.u32 s5, $0x1;
	s2 =	sadd.s32 s19, s18  }
0x9c: {  	s6 =	simm.s32 $0x0;
	s20 =	sshll.u32 s4, $0x1;
	s4 =	sadd.s32 s21, s2  }
0x9d: {  	[timem:s6], [sflag:s22] =	dma.local [hbm:s4], s20  }
0x9e: {  	_ =	swait.ge [sflag:s22], s20  }
0x9f: {  	s3 =	ssub.s32 $0x0, s20;
	[sflag:s22] =	ssyncset.done $0x0  }
0xa0: {  	[sflag:s22] =	ssyncadd.s32 s3;
	_ =	sdelay $0x1  }
0xa1: {  	s23 =	simm.s32 $0x1B8B  }
0xa2: {  	_ =	swait.ge [sflag:s23], $0x1  }
0xa3: {  	[sflag:s23] =	ssyncset.done $0x0  }
0xa4: {  	s25 =	simm.s32 $0x1B8E;
	s24 =	sld [smem:$0x3FFE];
	[sflag:s23] =	ssyncadd.s32 $0xFFFFFFFF  }
0xa5: {  	s26 =	simm.s32 $execute0_lowered;
	[smem:$0x3FD2] =	sst s25  }
0xa6: {  	s4 =	sshll.u32 s26, $0x1;
	_ =	strace $0x80000049;
	[dreg:$0x1] =	wrdreg $0xFFFFFFFF  }
0xa7: {  	s28 =	simm.s32 $_size_execute0_lowered;
	s2 =	sadd.s32 s2, s4;
	[dreg:$0x0] =	wrdreg $0x0  }
0xa8: {  	s4 =	sshll.u32 s28, $0x1;
	[dreg:$0x2] =	wrdreg s2  }
0xa9: {  	[dreg:$0x3] =	wrdreg s4  }
0xaa: {  	[dreg:$0x4] =	wrdreg $0xC0  }
0xab: {  	_ =	task [dreg:s6], $0x5FFFF  }
0xac: {  	[dreg:$0x1] =	wrdreg $0xFFFFFFFF  }
0xad: {  	[dreg:$0x0] =	wrdreg $0x60  }
0xae: {  	[dreg:$0x2] =	wrdreg s24  }
0xaf: {  	[dreg:$0x3] =	wrdreg $0x140000  }
0xb0: {  	[dreg:$0x4] =	wrdreg $0x9  }
0xb1: {  	_ =	task.clear_ibuf [dreg:s6], $0x5FFFF;
	_ =	strace $0x90000049  }
0xb2: {  	s29 =	simm.s32 $0x9;
	_ =	strace $0x8000004B  }
0xb3: {  	_ =	swait.ge [sflag:s29], $0x1  }
0xb4: {  	[sflag:s29] =	ssyncadd.s32 $0xFFFFFFFF  }
0xb5: {  	_ =	strace $0x9000004B  }
0xb6: {  	_ =	sfence  }
0xb7: {  	s30 =	sld [smem:$0x0];
	_ =	sdelay $0x2  }
0xb8: {  	s31 =	sshll.u32 s1, $0xD;
	s1 =	sshrl.u32 s1, $0x2  }
0xb9: {  	s3 =	sand.u32 $0x4000, s31;
	s1 =	sadd.s32 s1, s30  }
0xba: {  	s0 =	sor.u32 s3, s0;
	s1 =	sshll.u32 s1, $0x11  }
0xbb: {  	s0 =	sor.u32 s1, s0  }
0xbc: {  	s0 =	sadd.s32 $0x8F2B, s0  }
0xbd: {  	[sflag:s0] =	ssyncadd.remote.s32 $0x1  }
0xbe: {  	_ =	sfence.sel $0xFFFF  }
0xbf: {  	[dreg:$0x0] =	wrdreg $0xFFFFFFFF;
	(pc) =	sbr.abs _section_cstart, $3  }
0xc0: {  	[dreg:$0x1] =	wrdreg $0xFFFFFFFF  }
0xc1: {  	_ =	task.clear_ibuf [dreg:s6], $0x2FFFF;
	_ =	strace $0x9FFFFFFF  }
0xc2: {  	(tm) =	ssettm $0x7FFFFFFF  }
0xc3: {  	_ =	shalt  }
tec
execute0_lowered:
.L_overlay_start_1:
0x0: {  	(tag) =	ssettag $0x1  }
0x1: {  	s0 =	srdreg.scid;
	s1 =	rddreg [dreg:$0x0]  }
0x2: {  	s8 =	stileid.u32;
	s2 =	rddreg [dreg:$0x1];
	s3 =	simm.s32 $0x0  }
0x3: {  	s14 =	simm.s32 $0xA000;
	s15 =	simm.s32 $0x5000;
	s16 =	simm.s32 $0x6  }
0x4: {  	s17 =	simm.s32 $0x1;
	s18 =	simm.s32 $0x2;
	s19 =	simm.s32 $0x80  }
0x5: {  	s20 =	simm.s32 $0xC000;
	s30 =	simm.s32 $0x7;
	s5 =	smul.u32 $0xA00, s8  }
0x6: {  	s29 =	simm.s32 $0x9;
	s21 =	simm.s32 $0x5;
	s6 =	smul.u32 $0xA000, s8  }
0x7: {  	s28 =	simm.s32 $0xA;
	s0 =	sand.u32 $0x1, s0;
	s8 =	smul.u32 $0x28000, s8  }
0x8: {  	s31 =	simm.s32 $0xB;
	[smem:$0x7FF] =	sst s3;
	s4 =	smul.u32 $0x13880, s0  }
0x9: {  	s7 =	smul.u32 $0xA0000, s0;
	_ =	strace $0x8000004A;
	s0 =	ssub.s32 $0x2, s0  }
0xa: {  	s5 =	sadd.s32 s5, s1;
	s23 =	sshrl.u32 s8, $0x2;
	s24 =	sshrl.u32 s0, $0x1  }
0xb: {  	s11 =	sadd.s32 s4, s1;
	s22 =	sadd.s32 s6, s7;
	s8 =	sadd.s32 s23, s2  }
0xc: {  	s0 =	ssub.s32 s0, s24;
	s9 =	sadd.s32 $0x17200, s5;
	s10 =	sadd.s32 $0xD200, s5  }
0xd: {  	s24 =	simm.s32 $0x10000;
	s4 =	sshrl.u32 s22, $0x3;
	s25 =	sadd.s32 $0x2000, s8  }
0xe: {  	s26 =	sadd.s32 $0x4000, s8;
	s7 =	sadd.s32 $0x6000, s8;
	s8 =	sadd.s32 $0x8000, s8  }
0xf: {  	s11 =	sadd.s32 $0x96600, s11;
	s13 =	smax.u32 s0, $0x1;
	s22 =	simm.s32 $0xE000  }
0x10: {  	s0 =	simm.s32 $0x8;
	s1 =	sadd.s32 s4, s1;
	[dreg:$0x3] =	wrdreg s25  }
0x11: {  	s4 =	sadd.s32 s6, s2;
	[dreg:$0x4] =	wrdreg s26;
	s26 =	simm.s32 $0x12000  }
0x12: {  	v0 =	vimm.f32 $0.0e+00;
	s25 =	simm.s32 $0x4;
	s12 =	sadd.s32 $0xBD800, s1;
	s1 =	simm.s32 $0x3  }
.LBB2_1:
0x13: {  	s5 =	simm.s32 $0x1;
	[tilespmem:s14+$0x0] =	vst v0;
	s23 =	simm.s32 $0xA000  }
.LBB2_2:
0x14: {  	p0 =	sne.s32 s5, $0x1FF  }
.Ltmp0:
0x15: {  	_ = 	snop;
	(pc) =	sbr.rel @p0 .LBB2_2-.Ltmp0, $3  }
0x16: {  	_ =	sdelay $0x1  }
0x17: {  	s5 =	sadd.s32 $0x1, s5;
	s23 =	sadd.s32 $0x10, s23  }
0x18: {  	[tilespmem:s23+$0x0] =	vst v0  }
0x19: {  	[spmem:s4] =	stream.linear.scatter [tilespmem:s14], [sflag:$0x6], $0x2000, $0x38;
	[tilespmem:$0x1E000] =	vst v63  }
0x1a: {  	s5 =	rddreg [dreg:$0x3]  }
0x1b: {  	[spmem:s5] =	stream.linear.scatter [tilespmem:s14], [sflag:$0x6], $0x2000, $0x38;
	[tilespmem:$0x1E000] =	vst v63  }
0x1c: {  	s6 =	rddreg [dreg:$0x4]  }
0x1d: {  	[spmem:s6] =	stream.linear.scatter [tilespmem:s14], [sflag:$0x6], $0x2000, $0x38;
	[tilespmem:$0x1E000] =	vst v63  }
0x1e: {  	_ = 	snop  }
0x1f: {  	[spmem:s7] =	stream.linear.scatter [tilespmem:s14], [sflag:$0x6], $0x2000, $0x38;
	[tilespmem:$0x1E000] =	vst v63  }
0x20: {  	_ = 	snop  }
0x21: {  	[spmem:s8] =	stream.linear.scatter [tilespmem:s14], [sflag:$0x6], $0x2000, $0x38;
	[tilespmem:$0x1E000] =	vst v63  }
0x22: {  	s23 =	simm.s32 $0x0  }
0x23: {  	[tilespmem:s23], [sflag:$0x1] =	stream.linear.gather [hbm4b:s9+s23], $0x5000, $0x38;
	[tilespmem:$0x1E000] =	vst v63  }
0x24: {  	_ = 	snop  }
0x25: {  	[tilespmem:s15], [sflag:$0x2] =	stream.linear.gather [hbm4b:s10+s23], $0x5000, $0x38;
	[tilespmem:$0x1E000] =	vst v63  }
0x26: {  	_ =	swait.ge [sflag:s16], $0x2000  }
0x27: {  	[sflag:s16] =	ssyncset.done $0x0  }
0x28: {  	[sflag:s16] =	ssyncadd.s32 $0xFFFFE000  }
0x29: {  	_ =	swait.ge [sflag:s16], $0x2000  }
0x2a: {  	[sflag:s16] =	ssyncset.done $0x0  }
0x2b: {  	[sflag:s16] =	ssyncadd.s32 $0xFFFFE000  }
0x2c: {  	_ =	swait.ge [sflag:s16], $0x2000  }
0x2d: {  	[sflag:s16] =	ssyncset.done $0x0  }
0x2e: {  	[sflag:s16] =	ssyncadd.s32 $0xFFFFE000  }
0x2f: {  	_ =	swait.ge [sflag:s16], $0x2000  }
0x30: {  	[sflag:s16] =	ssyncset.done $0x0  }
0x31: {  	[sflag:s16] =	ssyncadd.s32 $0xFFFFE000  }
0x32: {  	_ =	swait.ge [sflag:s16], $0x2000  }
0x33: {  	[sflag:s16] =	ssyncset.done $0x0  }
0x34: {  	[sflag:s16] =	ssyncadd.s32 $0xFFFFE000  }
0x35: {  	_ =	swait.ge [sflag:s17], $0x5000  }
0x36: {  	[sflag:s17] =	ssyncset.done $0x0  }
0x37: {  	[sflag:s17] =	ssyncadd.s32 $0xFFFFB000  }
0x38: {  	_ =	swait.ge [sflag:s18], $0x5000  }
0x39: {  	[sflag:s18] =	ssyncset.done $0x0  }
0x3a: {  	[sflag:s18] =	ssyncadd.s32 $0xFFFFB000  }
0x3b: {  	[bflag:$0x0] =	sbarrier.arrive $0xFFFF  }
0x3c: {  	[tilespmem:s14], [sflag:$0x1] =	stream.indirect.gather [hbm4b:s11+s19], $0x40, s23, s19, $0xb8;
	[tilespmem:$0x1E000] =	vst v63  }
0x3d: {  	_ = 	snop  }
0x3e: {  	[tilespmem:s20], [sflag:$0x2] =	stream.indirect.gather [hbm4b:s11+s19], $0x40, s19, s19, $0xb8;
	[tilespmem:$0x1E000] =	vst v63  }
0x3f: {  	s6 =	simm.s32 $0x100  }
0x40: {  	[tilespmem:s22], [sflag:$0x3] =	stream.indirect.gather [hbm4b:s11+s19], $0x40, s6, s19, $0xb8;
	[tilespmem:$0x1E000] =	vst v63  }
0x41: {  	s23 =	simm.s32 $0x180  }
0x42: {  	[tilespmem:s24], [sflag:$0x4] =	stream.indirect.gather [hbm4b:s11+s19], $0x40, s23, s19, $0xb8;
	[tilespmem:$0x1E000] =	vst v63  }
0x43: {  	s6 =	simm.s32 $0x200  }
0x44: {  	[tilespmem:s26], [sflag:$0x5] =	stream.indirect.gather [hbm4b:s11+s19], $0x40, s6, s19, $0xb8;
	[tilespmem:$0x1E000] =	vst v63  }
0x45: {  	_ =	swait.ge [sflag:s17], $0x2000  }
0x46: {  	[sflag:s17] =	ssyncset.done $0x0  }
0x47: {  	[sflag:s17] =	ssyncadd.s32 $0xFFFFE000  }
0x48: {  	[spmem:s2] =	stream.indirect.scatter.add.f32 [tilespmem:s14], [sflag:$0x6], $0x40, s15, s19, $0xb8;
	[tilespmem:$0x1E000] =	vst v63  }
0x49: {  	_ =	swait.ge [sflag:s16], $0x2000  }
0x4a: {  	[sflag:s16] =	ssyncset.done $0x0  }
0x4b: {  	s23 =	simm.s32 $0x280;
	[sflag:s16] =	ssyncadd.s32 $0xFFFFE000  }
0x4c: {  	[tilespmem:s14], [sflag:$0x1] =	stream.indirect.gather [hbm4b:s11+s19], $0x40, s23, s19, $0xb8;
	[tilespmem:$0x1E000] =	vst v63  }
0x4d: {  	_ =	swait.ge [sflag:s18], $0x2000  }
0x4e: {  	[sflag:s18] =	ssyncset.done $0x0  }
0x4f: {  	s6 =	simm.s32 $0x5080;
	[sflag:s18] =	ssyncadd.s32 $0xFFFFE000  }
0x50: {  	[spmem:s2] =	stream.indirect.scatter.add.f32 [tilespmem:s20], [sflag:$0x7], $0x40, s6, s19, $0xb8;
	[tilespmem:$0x1E000] =	vst v63  }
0x51: {  	_ =	swait.ge [sflag:s30], $0x2000  }
0x52: {  	[sflag:s30] =	ssyncset.done $0x0  }
0x53: {  	s23 =	simm.s32 $0x300;
	[sflag:s30] =	ssyncadd.s32 $0xFFFFE000  }
0x54: {  	[tilespmem:s20], [sflag:$0x2] =	stream.indirect.gather [hbm4b:s11+s19], $0x40, s23, s19, $0xb8;
	[tilespmem:$0x1E000] =	vst v63  }
0x55: {  	_ =	swait.ge [sflag:s1], $0x2000  }
0x56: {  	[sflag:s1] =	ssyncset.done $0x0  }
0x57: {  	s6 =	simm.s32 $0x5100;
	[sflag:s1] =	ssyncadd.s32 $0xFFFFE000  }
0x58: {  	[spmem:s2] =	stream.indirect.scatter.add.f32 [tilespmem:s22], [sflag:$0x8], $0x40, s6, s19, $0xb8;
	[tilespmem:$0x1E000] =	vst v63  }
0x59: {  	_ =	swait.ge [sflag:s0], $0x2000  }
0x5a: {  	[sflag:s0] =	ssyncset.done $0x0  }
0x5b: {  	s23 =	simm.s32 $0x380;
	[sflag:s0] =	ssyncadd.s32 $0xFFFFE000  }
0x5c: {  	[tilespmem:s22], [sflag:$0x3] =	stream.indirect.gather [hbm4b:s11+s19], $0x40, s23, s19, $0xb8;
	[tilespmem:$0x1E000] =	vst v63  }
0x5d: {  	_ =	swait.ge [sflag:s25], $0x2000  }
0x5e: {  	[sflag:s25] =	ssyncset.done $0x0  }
0x5f: {  	s6 =	simm.s32 $0x5180;
	[sflag:s25] =	ssyncadd.s32 $0xFFFFE000  }
0x60: {  	[spmem:s2] =	stream.indirect.scatter.add.f32 [tilespmem:s24], [sflag:$0x9], $0x40, s6, s19, $0xb8;
	[tilespmem:$0x1E000] =	vst v63  }
0x61: {  	_ =	swait.ge [sflag:s29], $0x2000  }
0x62: {  	[sflag:s29] =	ssyncset.done $0x0  }
0x63: {  	s23 =	simm.s32 $0x400;
	[sflag:s29] =	ssyncadd.s32 $0xFFFFE000  }
0x64: {  	[tilespmem:s24], [sflag:$0x4] =	stream.indirect.gather [hbm4b:s11+s19], $0x40, s23, s19, $0xb8;
	[tilespmem:$0x1E000] =	vst v63  }
0x65: {  	_ =	swait.ge [sflag:s21], $0x2000  }
0x66: {  	[sflag:s21] =	ssyncset.done $0x0  }
0x67: {  	s6 =	simm.s32 $0x5200;
	[sflag:s21] =	ssyncadd.s32 $0xFFFFE000  }
0x68: {  	[spmem:s2] =	stream.indirect.scatter.add.f32 [tilespmem:s26], [sflag:$0xA], $0x40, s6, s19, $0xb8;
	[tilespmem:$0x1E000] =	vst v63  }
0x69: {  	_ =	swait.ge [sflag:s28], $0x2000  }
0x6a: {  	[sflag:s28] =	ssyncset.done $0x0  }
0x6b: {  	s23 =	simm.s32 $0x480;
	[sflag:s28] =	ssyncadd.s32 $0xFFFFE000  }
0x6c: {  	[tilespmem:s26], [sflag:$0x5] =	stream.indirect.gather [hbm4b:s11+s19], $0x40, s23, s19, $0xb8;
	[tilespmem:$0x1E000] =	vst v63  }
0x6d: {  	_ =	swait.ge [sflag:s17], $0x2000  }
0x6e: {  	[sflag:s17] =	ssyncset.done $0x0  }
0x6f: {  	s6 =	simm.s32 $0x5280;
	[sflag:s17] =	ssyncadd.s32 $0xFFFFE000  }
0x70: {  	[spmem:s2] =	stream.indirect.scatter.add.f32 [tilespmem:s14], [sflag:$0x6], $0x40, s6, s19, $0xb8;
	[tilespmem:$0x1E000] =	vst v63  }
0x71: {  	_ =	swait.ge [sflag:s16], $0x2000  }
0x72: {  	[sflag:s16] =	ssyncset.done $0x0  }
0x73: {  	s23 =	simm.s32 $0x500;
	[sflag:s16] =	ssyncadd.s32 $0xFFFFE000  }
0x74: {  	[tilespmem:s14], [sflag:$0x1] =	stream.indirect.gather [hbm4b:s11+s19], $0x40, s23, s19, $0xb8;
	[tilespmem:$0x1E000] =	vst v63  }
0x75: {  	_ =	swait.ge [sflag:s18], $0x2000  }
0x76: {  	[sflag:s18] =	ssyncset.done $0x0  }
0x77: {  	s6 =	simm.s32 $0x5300;
	[sflag:s18] =	ssyncadd.s32 $0xFFFFE000  }
0x78: {  	[spmem:s2] =	stream.indirect.scatter.add.f32 [tilespmem:s20], [sflag:$0x7], $0x40, s6, s19, $0xb8;
	[tilespmem:$0x1E000] =	vst v63  }
0x79: {  	_ =	swait.ge [sflag:s30], $0x2000  }
0x7a: {  	[sflag:s30] =	ssyncset.done $0x0  }
0x7b: {  	s23 =	simm.s32 $0x580;
	[sflag:s30] =	ssyncadd.s32 $0xFFFFE000  }
0x7c: {  	[tilespmem:s20], [sflag:$0x2] =	stream.indirect.gather [hbm4b:s11+s19], $0x40, s23, s19, $0xb8;
	[tilespmem:$0x1E000] =	vst v63  }
0x7d: {  	_ =	swait.ge [sflag:s1], $0x2000  }
0x7e: {  	[sflag:s1] =	ssyncset.done $0x0  }
0x7f: {  	s6 =	simm.s32 $0x5380;
	[sflag:s1] =	ssyncadd.s32 $0xFFFFE000  }
0x80: {  	[spmem:s2] =	stream.indirect.scatter.add.f32 [tilespmem:s22], [sflag:$0x8], $0x40, s6, s19, $0xb8;
	[tilespmem:$0x1E000] =	vst v63  }
0x81: {  	_ =	swait.ge [sflag:s0], $0x2000  }
0x82: {  	[sflag:s0] =	ssyncset.done $0x0  }
0x83: {  	s23 =	simm.s32 $0x600;
	[sflag:s0] =	ssyncadd.s32 $0xFFFFE000  }
0x84: {  	[tilespmem:s22], [sflag:$0x3] =	stream.indirect.gather [hbm4b:s11+s19], $0x40, s23, s19, $0xb8;
	[tilespmem:$0x1E000] =	vst v63  }
0x85: {  	_ =	swait.ge [sflag:s25], $0x2000  }
0x86: {  	[sflag:s25] =	ssyncset.done $0x0  }
0x87: {  	s6 =	simm.s32 $0x5400;
	[sflag:s25] =	ssyncadd.s32 $0xFFFFE000  }
0x88: {  	[spmem:s2] =	stream.indirect.scatter.add.f32 [tilespmem:s24], [sflag:$0x9], $0x40, s6, s19, $0xb8;
	[tilespmem:$0x1E000] =	vst v63  }
0x89: {  	_ =	swait.ge [sflag:s29], $0x2000  }
0x8a: {  	[sflag:s29] =	ssyncset.done $0x0  }
0x8b: {  	s23 =	simm.s32 $0x680;
	[sflag:s29] =	ssyncadd.s32 $0xFFFFE000  }
0x8c: {  	[tilespmem:s24], [sflag:$0x4] =	stream.indirect.gather [hbm4b:s11+s19], $0x40, s23, s19, $0xb8;
	[tilespmem:$0x1E000] =	vst v63  }
0x8d: {  	_ =	swait.ge [sflag:s21], $0x2000  }
0x8e: {  	[sflag:s21] =	ssyncset.done $0x0  }
0x8f: {  	s5 =	simm.s32 $0x5480;
	s23 =	simm.s32 $0xA00;
	[sflag:s21] =	ssyncadd.s32 $0xFFFFE000  }
.LBB2_4:
0x90: {  	[spmem:s2] =	stream.indirect.scatter.add.f32 [tilespmem:s26], [sflag:$0xA], $0x40, s5, s19, $0xb8;
	[tilespmem:$0x1E000] =	vst v63  }
0x91: {  	s5 =	smov.u32 s23;
	s23 =	sadd.s32 $0xA00, s23;
	_ =	swait.ge [sflag:s28], $0x2000  }
0x92: {  	s5 =	sshra.s32 s5, $0x2;
	p0 =	sne.s32 s23, $0x12C00;
	[sflag:s28] =	ssyncset.done $0x0  }
0x93: {  	s6 =	sadd.s32 $0x480, s5;
	[sflag:s28] =	ssyncadd.s32 $0xFFFFE000  }
0x94: {  	[tilespmem:s26], [sflag:$0x5] =	stream.indirect.gather [hbm4b:s11+s19], $0x40, s6, s19, $0xb8;
	[tilespmem:$0x1E000] =	vst v63  }
0x95: {  	_ =	swait.ge [sflag:s17], $0x2000  }
0x96: {  	[sflag:s17] =	ssyncset.done $0x0  }
0x97: {  	s6 =	sadd.s32 $0x5280, s5;
	[sflag:s17] =	ssyncadd.s32 $0xFFFFE000  }
0x98: {  	[spmem:s2] =	stream.indirect.scatter.add.f32 [tilespmem:s14], [sflag:$0x6], $0x40, s6, s19, $0xb8;
	[tilespmem:$0x1E000] =	vst v63  }
0x99: {  	_ =	swait.ge [sflag:s16], $0x2000  }
0x9a: {  	[sflag:s16] =	ssyncset.done $0x0  }
0x9b: {  	s6 =	sadd.s32 $0x500, s5;
	[sflag:s16] =	ssyncadd.s32 $0xFFFFE000  }
0x9c: {  	[tilespmem:s14], [sflag:$0x1] =	stream.indirect.gather [hbm4b:s11+s19], $0x40, s6, s19, $0xb8;
	[tilespmem:$0x1E000] =	vst v63  }
0x9d: {  	_ =	swait.ge [sflag:s18], $0x2000  }
0x9e: {  	[sflag:s18] =	ssyncset.done $0x0  }
0x9f: {  	s6 =	sadd.s32 $0x5300, s5;
	[sflag:s18] =	ssyncadd.s32 $0xFFFFE000  }
0xa0: {  	[spmem:s2] =	stream.indirect.scatter.add.f32 [tilespmem:s20], [sflag:$0x7], $0x40, s6, s19, $0xb8;
	[tilespmem:$0x1E000] =	vst v63  }
0xa1: {  	_ =	swait.ge [sflag:s30], $0x2000  }
0xa2: {  	[sflag:s30] =	ssyncset.done $0x0  }
0xa3: {  	s6 =	sadd.s32 $0x580, s5;
	[sflag:s30] =	ssyncadd.s32 $0xFFFFE000  }
0xa4: {  	[tilespmem:s20], [sflag:$0x2] =	stream.indirect.gather [hbm4b:s11+s19], $0x40, s6, s19, $0xb8;
	[tilespmem:$0x1E000] =	vst v63  }
0xa5: {  	_ =	swait.ge [sflag:s1], $0x2000  }
0xa6: {  	[sflag:s1] =	ssyncset.done $0x0  }
0xa7: {  	s6 =	sadd.s32 $0x5380, s5;
	[sflag:s1] =	ssyncadd.s32 $0xFFFFE000  }
0xa8: {  	[spmem:s2] =	stream.indirect.scatter.add.f32 [tilespmem:s22], [sflag:$0x8], $0x40, s6, s19, $0xb8;
	[tilespmem:$0x1E000] =	vst v63  }
0xa9: {  	_ =	swait.ge [sflag:s0], $0x2000  }
0xaa: {  	[sflag:s0] =	ssyncset.done $0x0  }
0xab: {  	s6 =	sadd.s32 $0x600, s5;
	[sflag:s0] =	ssyncadd.s32 $0xFFFFE000  }
0xac: {  	[tilespmem:s22], [sflag:$0x3] =	stream.indirect.gather [hbm4b:s11+s19], $0x40, s6, s19, $0xb8;
	[tilespmem:$0x1E000] =	vst v63  }
0xad: {  	_ =	swait.ge [sflag:s25], $0x2000  }
0xae: {  	[sflag:s25] =	ssyncset.done $0x0  }
0xaf: {  	s6 =	sadd.s32 $0x5400, s5;
	[sflag:s25] =	ssyncadd.s32 $0xFFFFE000  }
0xb0: {  	[spmem:s2] =	stream.indirect.scatter.add.f32 [tilespmem:s24], [sflag:$0x9], $0x40, s6, s19, $0xb8;
	[tilespmem:$0x1E000] =	vst v63  }
0xb1: {  	_ =	swait.ge [sflag:s29], $0x2000  }
0xb2: {  	[sflag:s29] =	ssyncset.done $0x0  }
.Ltmp1:
0xb3: {  	s6 =	sadd.s32 $0x680, s5;
	[sflag:s29] =	ssyncadd.s32 $0xFFFFE000;
	(pc) =	sbr.rel @p0 .LBB2_4-.Ltmp1, $4  }
0xb4: {  	[tilespmem:s24], [sflag:$0x4] =	stream.indirect.gather [hbm4b:s11+s19], $0x40, s6, s19, $0xb8;
	[tilespmem:$0x1E000] =	vst v63  }
0xb5: {  	_ =	swait.ge [sflag:s21], $0x2000  }
0xb6: {  	[sflag:s21] =	ssyncset.done $0x0  }
0xb7: {  	s5 =	sadd.s32 $0x5480, s5;
	[sflag:s21] =	ssyncadd.s32 $0xFFFFE000  }
0xb8: {  	[spmem:s2] =	stream.indirect.scatter.add.f32 [tilespmem:s26], [sflag:$0xA], $0x40, s5, s19, $0xb8;
	[tilespmem:$0x1E000] =	vst v63  }
0xb9: {  	_ =	swait.ge [sflag:s28], $0x2000  }
0xba: {  	[sflag:s28] =	ssyncset.done $0x0  }
0xbb: {  	s6 =	simm.s32 $0x4F80;
	[sflag:s28] =	ssyncadd.s32 $0xFFFFE000  }
0xbc: {  	[tilespmem:s26], [sflag:$0x5] =	stream.indirect.gather [hbm4b:s11+s19], $0x40, s6, s19, $0xb8;
	[tilespmem:$0x1E000] =	vst v63  }
0xbd: {  	_ =	swait.ge [sflag:s17], $0x2000  }
0xbe: {  	s5 =	sshra.s32 s23, $0x2;
	[sflag:s17] =	ssyncset.done $0x0  }
0xbf: {  	s6 =	sadd.s32 $0x5280, s5;
	[sflag:s17] =	ssyncadd.s32 $0xFFFFE000  }
0xc0: {  	[spmem:s2] =	stream.indirect.scatter.add.f32 [tilespmem:s14], [sflag:$0x6], $0x40, s6, s19, $0xb8;
	[tilespmem:$0x1E000] =	vst v63  }
0xc1: {  	_ =	swait.ge [sflag:s16], $0x2000  }
0xc2: {  	[sflag:s16] =	ssyncset.done $0x0  }
0xc3: {  	[sflag:s16] =	ssyncadd.s32 $0xFFFFE000  }
0xc4: {  	_ =	swait.ge [sflag:s18], $0x2000  }
0xc5: {  	[sflag:s18] =	ssyncset.done $0x0  }
0xc6: {  	s23 =	sadd.s32 $0x5300, s5;
	[sflag:s18] =	ssyncadd.s32 $0xFFFFE000  }
0xc7: {  	[spmem:s2] =	stream.indirect.scatter.add.f32 [tilespmem:s20], [sflag:$0x7], $0x40, s23, s19, $0xb8;
	[tilespmem:$0x1E000] =	vst v63  }
0xc8: {  	_ =	swait.ge [sflag:s30], $0x2000  }
0xc9: {  	[sflag:s30] =	ssyncset.done $0x0  }
0xca: {  	[sflag:s30] =	ssyncadd.s32 $0xFFFFE000  }
0xcb: {  	_ =	swait.ge [sflag:s1], $0x2000  }
0xcc: {  	[sflag:s1] =	ssyncset.done $0x0  }
0xcd: {  	s23 =	sadd.s32 $0x5380, s5;
	[sflag:s1] =	ssyncadd.s32 $0xFFFFE000  }
0xce: {  	[spmem:s2] =	stream.indirect.scatter.add.f32 [tilespmem:s22], [sflag:$0x8], $0x40, s23, s19, $0xb8;
	[tilespmem:$0x1E000] =	vst v63  }
0xcf: {  	_ =	swait.ge [sflag:s0], $0x2000  }
0xd0: {  	[sflag:s0] =	ssyncset.done $0x0  }
0xd1: {  	[sflag:s0] =	ssyncadd.s32 $0xFFFFE000  }
0xd2: {  	_ =	swait.ge [sflag:s25], $0x2000  }
0xd3: {  	[sflag:s25] =	ssyncset.done $0x0  }
0xd4: {  	s5 =	sadd.s32 $0x5400, s5;
	[sflag:s25] =	ssyncadd.s32 $0xFFFFE000  }
0xd5: {  	[spmem:s2] =	stream.indirect.scatter.add.f32 [tilespmem:s24], [sflag:$0x9], $0x40, s5, s19, $0xb8;
	[tilespmem:$0x1E000] =	vst v63  }
0xd6: {  	_ =	swait.ge [sflag:s29], $0x2000  }
0xd7: {  	[sflag:s29] =	ssyncset.done $0x0  }
0xd8: {  	[sflag:s29] =	ssyncadd.s32 $0xFFFFE000  }
0xd9: {  	_ =	swait.ge [sflag:s21], $0x2000  }
0xda: {  	[sflag:s21] =	ssyncset.done $0x0  }
0xdb: {  	s23 =	simm.s32 $0x9F80;
	[sflag:s21] =	ssyncadd.s32 $0xFFFFE000  }
0xdc: {  	[spmem:s2] =	stream.indirect.scatter.add.f32 [tilespmem:s26], [sflag:$0xA], $0x40, s23, s19, $0xb8;
	[tilespmem:$0x1E000] =	vst v63  }
0xdd: {  	s6 =	stileid.u32;
	_ =	swait.ge [sflag:s28], $0x2000  }
0xde: {  	s3 =	sadd.s32 $0x1, s3;
	s5 =	sshll.u32 s6, $0x6;
	[sflag:s28] =	ssyncset.done $0x0  }
0xdf: {  	p0 =	sne.s32 s3, s13;
	s5 =	sor.u32 $0x1C0B, s5;
	[sflag:s28] =	ssyncadd.s32 $0xFFFFE000  }
.Ltmp2:
0xe0: {  	s23 =	sshrl.u32 s4, $0x3;
	[bflag:$0x0] =	sbarrier.arrive $0xFFFF;
	(pc) =	sbr.rel @p0 .LBB2_1-.Ltmp2, $4  }
0xe1: {  	[hbm:s12], [sflag:s5] =	dma.local [spmem:s23], $0x1400  }
0xe2: {  	_ =	swait.ge [sflag:s31], $0x1400  }
0xe3: {  	[sflag:s31] =	ssyncset.done $0x0  }
0xe4: {  	[sflag:s31] =	ssyncadd.s32 $0xFFFFEC00  }
0xe5: {  	_ =	sfence.sel $0x180000  }
0xe6: {  	[bflag:$0x0] =	sbarrier.arrive $0xFFFF  }
0xe7: {  	_ =	strace $0x9000004A  }
0xe8: {  	s0 =	stileid.u32;
	[bflag:$0x2] =	sbarrier.arrive $0xFFFF  }
0xe9: {  	p0 =	sne.s32 s0, $0x0;
	s0 =	rddreg [dreg:$0x2]  }
0xea: {  	s0 =	sadd.s32 @!p0 $0x100000, s0  }
0xeb: {  	[sflag:s0] =	ssyncadd.tile.s32 @!p0 $0x1;
	_ =	shalt  }
.Lfunc_end2:
_tile_overlayer_lowered:
.L_overlay_start_2:
0xec: {  	(tag) =	ssettag $0x2  }
0xed: {  	s0 =	rddreg [dreg:$0x0];
	s2 =	stileid.u32  }
0xee: {  	s1 =	rddreg [dreg:$0x1];
	p0 =	sne.s32 s2, $0x0  }
0xef: {  	s3 =	rddreg [dreg:$0x2];
	[bflag:$0x3] =	sbarrier.arrive $0xFFFF;
	s2 =	simm.s32 @!p0 $0x1C0B  }
0xf0: {  	[timem:s3], [sflag:s2] =	dma.local @!p0 [hbm:s0], s1  }
0xf1: {  	s0 =	simm.s32 @!p0 $0xB  }
0xf2: {  	_ =	swait.ge @!p0 [sflag:s0], s1  }
0xf3: {  	s1 =	ssub.s32 @!p0 $0x0, s1;
	[sflag:s0] =	ssyncset.done @!p0 $0x0  }
0xf4: {  	[sflag:s0] =	ssyncadd.s32 @!p0 s1  }
0xf5: {  	[bflag:$0x3] =	sbarrier.arrive $0xFFFF  }
0xf6: {  	_ =	shalt  }

// kernel: kernel.18.cloned.1.call-start
scs
__scs_entry_jumppad:
0x0: {  	(pc) =	sbr.rel $0x88, $3  }
0x1: {  	(tag) =	ssettag $0x0;
	lr =	simm.s32 $0x1  }
0x2: {  	[smem:$0x3F98] =	sst lr;
	_ =	strace $0xD0000000  }
0x3: {  	_ = 	snop  }
0x4: {  	_ = 	snop  }
0x5: {  	_ = 	snop  }
0x6: {  	_ = 	snop  }
0x7: {  	_ = 	snop  }
__scs_overlays_trampoline_lowered:
0x8: {  	[smem:$0x3FA7] =	sst s0  }
0x9: {  	[smem:$0x3FA8] =	sst s1  }
0xa: {  	[smem:$0x3FA9] =	sst s2  }
0xb: {  	[smem:$0x3FAA] =	sst s3  }
0xc: {  	[smem:$0x3FAB] =	sst s4  }
0xd: {  	[smem:$0x3FAC] =	sst s5  }
0xe: {  	[smem:$0x3FAD] =	sst s6  }
0xf: {  	[smem:$0x3FAE] =	sst s7  }
0x10: {  	[smem:$0x3FAF] =	sst s8  }
0x11: {  	[smem:$0x3FB0] =	sst s9;
	s0 =	simm.s32 @!p0 $0x0  }
0x12: {  	s1 =	sld [smem:$0x3F96];
	s0 =	simm.s32 @p0 $0x1  }
0x13: {  	[smem:$0x3FB1] =	sst s0;
	s0 =	simm.s32 @!p1 $0x0  }
0x14: {  	s2 =	sld [smem:$0x3F95];
	s0 =	simm.s32 @p1 $0x1  }
0x15: {  	[smem:$0x3FB2] =	sst s0;
	s0 =	simm.s32 @!p2 $0x0  }
0x16: {  	s3 =	sld [smem:$0x3FDB];
	s0 =	simm.s32 @p2 $0x1  }
0x17: {  	s4 =	simm.s32 $0x1BF5;
	[smem:$0x3FB4] =	sst s0  }
0x18: {  	s0 =	sld [smem:$0x3F97];
	_ =	swait.ge [sflag:s4], $0x0  }
0x19: {  	s7 =	sld [smem:$0x3F98]  }
0x1a: {  	s8 =	sadd.s32 $0xFFFFE003, lr  }
0x1b: {  	s9 =	sadd.s32 $0xFFFFFEF7, lr;
	s5 =	simm.s32 $0xFFFFFFFF;
	p2 =	slt.u32 s8, $0xFFFFF086  }
0x1c: {  	p1 =	slt.u32 s9, $0xF7A;
	s5 =	simm.s32 @!p2 $0x0  }
0x1d: {  	s5 =	simm.s32 @p1 $0x1;
	p0 =	seq.s32 s7, s2  }
0x1e: {  	s7 =	smul.u32 @!p0 $0xF7A, s2;
	p2 =	seq.s32 @!p0 s5, $0x0  }
0x1f: {  	s9 =	smul.u32 $0xF7A, s1;
	s8 =	simm.s32 @!p0 $0x1BF5;
	p2 =	por !p2, p0  }
0x20: {  	[sflag:s8] =	ssyncset.s32 @!p0 $0xFFFFF086;
	s6 =	sadd.s32 @!p0 s3, s7;
	s7 =	simm.s32 @!p0 $0x108  }
0x21: {  	s3 =	sadd.s32 s3, s9;
	s6 =	sadd.s32 @!p0 $0x88, s6;
	s7 =	simm.s32 @p2 $0x1082  }
0x22: {  	[simem:s7], [sflag:s8] =	dma.local @!p0 [hbm:s6], $0xF7A  }
0x23: {  	s9 =	sor.u32 $0xD0000000, s2;
	s6 =	simm.s32 $0x108;
	_ =	swait.ge @!p0 [sflag:s8], $0x0  }
0x24: {  	s3 =	sadd.s32 $0x88, s3;
	s6 =	simm.s32 @!p1 $0x1082;
	[sflag:s4] =	ssyncset.s32 $0xFFFFF086  }
0x25: {  	[simem:s6], [sflag:s4] =	dma.local [hbm:s3], $0xF7A  }
0x26: {  	[smem:$0x3F98] =	sst s1;
	(tag) =	ssettag s2;
	_ =	strace s9  }
0x27: {  	s1 =	sld [smem:$0x3FA8]  }
0x28: {  	s2 =	sld [smem:$0x3FA9]  }
0x29: {  	s4 =	sld [smem:$0x3FAB]  }
0x2a: {  	p0 =	seq.s32 s5, $0x0;
	s5 =	sld [smem:$0x3FAC]  }
0x2b: {  	s6 =	sld [smem:$0x3FAD]  }
0x2c: {  	s7 =	sld [smem:$0x3FAE]  }
0x2d: {  	s3 =	simm.s32 $0x108;
	s8 =	sld [smem:$0x3FAF]  }
0x2e: {  	s3 =	simm.s32 @!p0 $0x1082;
	s9 =	sld [smem:$0x3FB0]  }
0x2f: {  	lr =	sadd.s32 s0, s3;
	s0 =	sld [smem:$0x3FA7]  }
0x30: {  	s3 =	sld [smem:$0x3FAA]  }
0x31: {  	[smem:$0x3FB3] =	sst s10  }
0x32: {  	s10 =	sld [smem:$0x3FB1];
	_ =	sdelay $0x3  }
0x33: {  	p0 =	seq.s32 s10, $0x1;
	s10 =	sld [smem:$0x3FB3];
	_ =	sdelay $0x3  }
0x34: {  	[smem:$0x3FB3] =	sst s10  }
0x35: {  	s10 =	sld [smem:$0x3FB2];
	_ =	sdelay $0x3  }
0x36: {  	p1 =	seq.s32 s10, $0x1;
	s10 =	sld [smem:$0x3FB3];
	_ =	sdelay $0x3  }
0x37: {  	[smem:$0x3FB3] =	sst s10  }
0x38: {  	s10 =	sld [smem:$0x3FB4]  }
0x39: {  	_ = 	snop;
	(pc) =	sbr.ind lr, $3  }
0x3a: {  	_ = 	snop  }
0x3b: {  	_ = 	snop  }
0x3c: {  	p2 =	seq.s32 s10, $0x1;
	s10 =	sld [smem:$0x3FB3]  }
0x3d: {  	_ =	shalt  }
0x3e: {  	_ =	shalt  }
0x3f: {  	_ =	shalt  }
0x40: {  	_ =	shalt  }
0x41: {  	_ =	shalt  }
0x42: {  	_ =	shalt  }
0x43: {  	_ =	shalt  }
0x44: {  	_ =	shalt  }
0x45: {  	_ =	shalt  }
0x46: {  	_ =	shalt  }
0x47: {  	_ =	shalt  }
0x48: {  	_ =	shalt  }
0x49: {  	_ =	shalt  }
0x4a: {  	_ =	shalt  }
0x4b: {  	_ =	shalt  }
0x4c: {  	_ =	shalt  }
0x4d: {  	_ =	shalt  }
0x4e: {  	_ =	shalt  }
0x4f: {  	_ =	shalt  }
0x50: {  	_ =	shalt  }
0x51: {  	_ =	shalt  }
0x52: {  	_ =	shalt  }
0x53: {  	_ =	shalt  }
0x54: {  	_ =	shalt  }
0x55: {  	_ =	shalt  }
0x56: {  	_ =	shalt  }
0x57: {  	_ =	shalt  }
0x58: {  	_ =	shalt  }
0x59: {  	_ =	shalt  }
0x5a: {  	_ =	shalt  }
0x5b: {  	_ =	shalt  }
0x5c: {  	_ =	shalt  }
0x5d: {  	_ =	shalt  }
0x5e: {  	_ =	shalt  }
0x5f: {  	_ =	shalt  }
0x60: {  	_ =	shalt  }
0x61: {  	_ =	shalt  }
0x62: {  	_ =	shalt  }
0x63: {  	_ =	shalt  }
0x64: {  	_ =	shalt  }
0x65: {  	_ =	shalt  }
0x66: {  	_ =	shalt  }
0x67: {  	_ =	shalt  }
0x68: {  	_ =	shalt  }
0x69: {  	_ =	shalt  }
0x6a: {  	_ =	shalt  }
0x6b: {  	_ =	shalt  }
0x6c: {  	_ =	shalt  }
0x6d: {  	_ =	shalt  }
0x6e: {  	_ =	shalt  }
0x6f: {  	_ =	shalt  }
0x70: {  	_ =	shalt  }
0x71: {  	_ =	shalt  }
0x72: {  	_ =	shalt  }
0x73: {  	_ =	shalt  }
0x74: {  	_ =	shalt  }
0x75: {  	_ =	shalt  }
0x76: {  	_ =	shalt  }
0x77: {  	_ =	shalt  }
0x78: {  	_ =	shalt  }
0x79: {  	_ =	shalt  }
0x7a: {  	_ =	shalt  }
0x7b: {  	_ =	shalt  }
0x7c: {  	_ =	shalt  }
0x7d: {  	_ =	shalt  }
0x7e: {  	_ =	shalt  }
0x7f: {  	_ =	shalt  }
0x80: {  	_ =	shalt  }
0x81: {  	_ =	shalt  }
0x82: {  	_ =	shalt  }
0x83: {  	_ =	shalt  }
0x84: {  	_ =	shalt  }
0x85: {  	_ =	shalt  }
0x86: {  	_ =	shalt  }
0x87: {  	_ =	shalt  }
.Lfunc_end0:
.L_simem_size_0:
called_computation.2_lowered:
.L_overlay_start_0:
0x88: {  	s2 =	sld [smem:$0x3FD9]  }
0x89: {  	s3 =	sld [smem:$0x3FFE];
	_ =	sdelay $0x1  }
0x8a: {  	s1 =	srdreg.scid  }
0x8b: {  	s0 =	sand.u32 $0x1, s1  }
0x8c: {  	s16 =	sshll.u32 s0, $0xA;
	s2 =	sadd.s32 s3, s2  }
0x8d: {  	s2 =	sadd.s32 s2, s16  }
0x8e: {  	[smem:$0x3FBF] =	sst s2  }
0x8f: {  	_ = 	snop  }
0x90: {  	(tm) =	ssettm $0x1  }
0x91: {  	s17 =	sld [smem:$0x3FFB];
	_ =	sdelay $0x3  }
0x92: {  	_ =	strace s17  }
0x93: {  	s2 =	sld [smem:$0x3FFC];
	_ =	sdelay $0x3  }
0x94: {  	_ =	strace s2  }
0x95: {  	s2 =	sld [smem:$0x3FFD];
	_ =	sdelay $0x3  }
0x96: {  	_ =	strace s2  }
0x97: {  	_ =	strace $0x8FFFFFFF  }
0x98: {  	s18 =	sld [smem:$0x3FDB];
	_ =	sdelay $0x1  }
0x99: {  	s19 =	simm.s32 $_scs_section_size  }
0x9a: {  	s4 =	simm.s32 $_size__tile_overlayer_lowered;
	s5 =	simm.s32 $_tile_overlayer_lowered  }
0x9b: {  	s22 =	simm.s32 $0x1BFF;
	s21 =	sshll.u32 s5, $0x1;
	s2 =	sadd.s32 s19, s18  }
0x9c: {  	s6 =	simm.s32 $0x0;
	s20 =	sshll.u32 s4, $0x1;
	s4 =	sadd.s32 s21, s2  }
0x9d: {  	[timem:s6], [sflag:s22] =	dma.local [hbm:s4], s20  }
0x9e: {  	_ =	swait.ge [sflag:s22], s20  }
0x9f: {  	s3 =	ssub.s32 $0x0, s20;
	[sflag:s22] =	ssyncset.done $0x0  }
0xa0: {  	[sflag:s22] =	ssyncadd.s32 s3;
	_ =	sdelay $0x1  }
0xa1: {  	s23 =	simm.s32 $0x1B8B  }
0xa2: {  	_ =	swait.ge [sflag:s23], $0x1  }
0xa3: {  	[sflag:s23] =	ssyncset.done $0x0  }
0xa4: {  	s25 =	simm.s32 $0x1B8E;
	s24 =	sld [smem:$0x3FFE];
	[sflag:s23] =	ssyncadd.s32 $0xFFFFFFFF  }
0xa5: {  	s26 =	simm.s32 $execute0_lowered;
	[smem:$0x3FD2] =	sst s25  }
0xa6: {  	s4 =	sshll.u32 s26, $0x1;
	_ =	strace $0x8000004C;
	[dreg:$0x1] =	wrdreg $0xFFFFFFFF  }
0xa7: {  	s28 =	simm.s32 $_size_execute0_lowered;
	s2 =	sadd.s32 s2, s4;
	[dreg:$0x0] =	wrdreg $0x0  }
0xa8: {  	s4 =	sshll.u32 s28, $0x1;
	[dreg:$0x2] =	wrdreg s2  }
0xa9: {  	[dreg:$0x3] =	wrdreg s4  }
0xaa: {  	[dreg:$0x4] =	wrdreg $0xC0  }
0xab: {  	_ =	task [dreg:s6], $0x5FFFF  }
0xac: {  	[dreg:$0x1] =	wrdreg $0xFFFFFFFF  }
0xad: {  	[dreg:$0x0] =	wrdreg $0x60  }
0xae: {  	[dreg:$0x2] =	wrdreg s24  }
0xaf: {  	[dreg:$0x3] =	wrdreg $0x140000  }
0xb0: {  	[dreg:$0x4] =	wrdreg $0x9  }
0xb1: {  	_ =	task.clear_ibuf [dreg:s6], $0x5FFFF;
	_ =	strace $0x9000004C  }
0xb2: {  	s29 =	simm.s32 $0x9;
	_ =	strace $0x8000004E  }
0xb3: {  	_ =	swait.ge [sflag:s29], $0x1  }
0xb4: {  	[sflag:s29] =	ssyncadd.s32 $0xFFFFFFFF  }
0xb5: {  	_ =	strace $0x9000004E  }
0xb6: {  	_ =	sfence  }
0xb7: {  	s30 =	sld [smem:$0x0];
	_ =	sdelay $0x2  }
0xb8: {  	s31 =	sshll.u32 s1, $0xD;
	s1 =	sshrl.u32 s1, $0x2  }
0xb9: {  	s3 =	sand.u32 $0x4000, s31;
	s1 =	sadd.s32 s1, s30  }
0xba: {  	s0 =	sor.u32 s3, s0;
	s1 =	sshll.u32 s1, $0x11  }
0xbb: {  	s0 =	sor.u32 s1, s0  }
0xbc: {  	s0 =	sadd.s32 $0x8F2B, s0  }
0xbd: {  	[sflag:s0] =	ssyncadd.remote.s32 $0x1  }
0xbe: {  	_ =	sfence.sel $0xFFFF  }
0xbf: {  	[dreg:$0x0] =	wrdreg $0xFFFFFFFF;
	(pc) =	sbr.abs _section_cstart, $3  }
0xc0: {  	[dreg:$0x1] =	wrdreg $0xFFFFFFFF  }
0xc1: {  	_ =	task.clear_ibuf [dreg:s6], $0x2FFFF;
	_ =	strace $0x9FFFFFFF  }
0xc2: {  	(tm) =	ssettm $0x7FFFFFFF  }
0xc3: {  	_ =	shalt  }
tec
execute0_lowered:
.L_overlay_start_1:
0x0: {  	(tag) =	ssettag $0x1  }
0x1: {  	s0 =	srdreg.scid;
	s1 =	rddreg [dreg:$0x0]  }
0x2: {  	s8 =	stileid.u32;
	s2 =	rddreg [dreg:$0x1];
	s3 =	simm.s32 $0x0  }
0x3: {  	s14 =	simm.s32 $0xA000;
	s15 =	simm.s32 $0x5000;
	s16 =	simm.s32 $0x6  }
0x4: {  	s17 =	simm.s32 $0x1;
	s18 =	simm.s32 $0x2;
	s19 =	simm.s32 $0x80  }
0x5: {  	s20 =	simm.s32 $0xC000;
	s30 =	simm.s32 $0x7;
	s5 =	smul.u32 $0xA00, s8  }
0x6: {  	s29 =	simm.s32 $0x9;
	s21 =	simm.s32 $0x5;
	s6 =	smul.u32 $0xA000, s8  }
0x7: {  	s28 =	simm.s32 $0xA;
	s0 =	sand.u32 $0x1, s0;
	s8 =	smul.u32 $0x28000, s8  }
0x8: {  	s31 =	simm.s32 $0xB;
	[smem:$0x7FF] =	sst s3;
	s4 =	smul.u32 $0x13880, s0  }
0x9: {  	s7 =	smul.u32 $0xA0000, s0;
	_ =	strace $0x8000004D;
	s0 =	ssub.s32 $0x2, s0  }
0xa: {  	s5 =	sadd.s32 s5, s1;
	s23 =	sshrl.u32 s8, $0x2;
	s24 =	sshrl.u32 s0, $0x1  }
0xb: {  	s11 =	sadd.s32 s4, s1;
	s22 =	sadd.s32 s6, s7;
	s8 =	sadd.s32 s23, s2  }
0xc: {  	s0 =	ssub.s32 s0, s24;
	s9 =	sadd.s32 $0x17200, s5;
	s10 =	sadd.s32 $0xD200, s5  }
0xd: {  	s24 =	simm.s32 $0x10000;
	s4 =	sshrl.u32 s22, $0x3;
	s25 =	sadd.s32 $0x2000, s8  }
0xe: {  	s26 =	sadd.s32 $0x4000, s8;
	s7 =	sadd.s32 $0x6000, s8;
	s8 =	sadd.s32 $0x8000, s8  }
0xf: {  	s11 =	sadd.s32 $0x96600, s11;
	s13 =	smax.u32 s0, $0x1;
	s22 =	simm.s32 $0xE000  }
0x10: {  	s0 =	simm.s32 $0x8;
	s1 =	sadd.s32 s4, s1;
	[dreg:$0x3] =	wrdreg s25  }
0x11: {  	s4 =	sadd.s32 s6, s2;
	[dreg:$0x4] =	wrdreg s26;
	s26 =	simm.s32 $0x12000  }
0x12: {  	v0 =	vimm.f32 $0.0e+00;
	s25 =	simm.s32 $0x4;
	s12 =	sadd.s32 $0xBD800, s1;
	s1 =	simm.s32 $0x3  }
.LBB2_1:
0x13: {  	s5 =	simm.s32 $0x1;
	[tilespmem:s14+$0x0] =	vst v0;
	s23 =	simm.s32 $0xA000  }
.LBB2_2:
0x14: {  	p0 =	sne.s32 s5, $0x1FF  }
.Ltmp0:
0x15: {  	_ = 	snop;
	(pc) =	sbr.rel @p0 .LBB2_2-.Ltmp0, $3  }
0x16: {  	_ =	sdelay $0x1  }
0x17: {  	s5 =	sadd.s32 $0x1, s5;
	s23 =	sadd.s32 $0x10, s23  }
0x18: {  	[tilespmem:s23+$0x0] =	vst v0  }
0x19: {  	[spmem:s4] =	stream.linear.scatter [tilespmem:s14], [sflag:$0x6], $0x2000, $0x38;
	[tilespmem:$0x1E000] =	vst v63  }
0x1a: {  	s5 =	rddreg [dreg:$0x3]  }
0x1b: {  	[spmem:s5] =	stream.linear.scatter [tilespmem:s14], [sflag:$0x6], $0x2000, $0x38;
	[tilespmem:$0x1E000] =	vst v63  }
0x1c: {  	s6 =	rddreg [dreg:$0x4]  }
0x1d: {  	[spmem:s6] =	stream.linear.scatter [tilespmem:s14], [sflag:$0x6], $0x2000, $0x38;
	[tilespmem:$0x1E000] =	vst v63  }
0x1e: {  	_ = 	snop  }
0x1f: {  	[spmem:s7] =	stream.linear.scatter [tilespmem:s14], [sflag:$0x6], $0x2000, $0x38;
	[tilespmem:$0x1E000] =	vst v63  }
0x20: {  	_ = 	snop  }
0x21: {  	[spmem:s8] =	stream.linear.scatter [tilespmem:s14], [sflag:$0x6], $0x2000, $0x38;
	[tilespmem:$0x1E000] =	vst v63  }
0x22: {  	s23 =	simm.s32 $0x0  }
0x23: {  	[tilespmem:s23], [sflag:$0x1] =	stream.linear.gather [hbm4b:s9+s23], $0x5000, $0x38;
	[tilespmem:$0x1E000] =	vst v63  }
0x24: {  	_ = 	snop  }
0x25: {  	[tilespmem:s15], [sflag:$0x2] =	stream.linear.gather [hbm4b:s10+s23], $0x5000, $0x38;
	[tilespmem:$0x1E000] =	vst v63  }
0x26: {  	_ =	swait.ge [sflag:s16], $0x2000  }
0x27: {  	[sflag:s16] =	ssyncset.done $0x0  }
0x28: {  	[sflag:s16] =	ssyncadd.s32 $0xFFFFE000  }
0x29: {  	_ =	swait.ge [sflag:s16], $0x2000  }
0x2a: {  	[sflag:s16] =	ssyncset.done $0x0  }
0x2b: {  	[sflag:s16] =	ssyncadd.s32 $0xFFFFE000  }
0x2c: {  	_ =	swait.ge [sflag:s16], $0x2000  }
0x2d: {  	[sflag:s16] =	ssyncset.done $0x0  }
0x2e: {  	[sflag:s16] =	ssyncadd.s32 $0xFFFFE000  }
0x2f: {  	_ =	swait.ge [sflag:s16], $0x2000  }
0x30: {  	[sflag:s16] =	ssyncset.done $0x0  }
0x31: {  	[sflag:s16] =	ssyncadd.s32 $0xFFFFE000  }
0x32: {  	_ =	swait.ge [sflag:s16], $0x2000  }
0x33: {  	[sflag:s16] =	ssyncset.done $0x0  }
0x34: {  	[sflag:s16] =	ssyncadd.s32 $0xFFFFE000  }
0x35: {  	_ =	swait.ge [sflag:s17], $0x5000  }
0x36: {  	[sflag:s17] =	ssyncset.done $0x0  }
0x37: {  	[sflag:s17] =	ssyncadd.s32 $0xFFFFB000  }
0x38: {  	_ =	swait.ge [sflag:s18], $0x5000  }
0x39: {  	[sflag:s18] =	ssyncset.done $0x0  }
0x3a: {  	[sflag:s18] =	ssyncadd.s32 $0xFFFFB000  }
0x3b: {  	[bflag:$0x0] =	sbarrier.arrive $0xFFFF  }
0x3c: {  	[tilespmem:s14], [sflag:$0x1] =	stream.indirect.gather [hbm4b:s11+s19], $0x40, s23, s19, $0xb8;
	[tilespmem:$0x1E000] =	vst v63  }
0x3d: {  	_ = 	snop  }
0x3e: {  	[tilespmem:s20], [sflag:$0x2] =	stream.indirect.gather [hbm4b:s11+s19], $0x40, s19, s19, $0xb8;
	[tilespmem:$0x1E000] =	vst v63  }
0x3f: {  	s6 =	simm.s32 $0x100  }
0x40: {  	[tilespmem:s22], [sflag:$0x3] =	stream.indirect.gather [hbm4b:s11+s19], $0x40, s6, s19, $0xb8;
	[tilespmem:$0x1E000] =	vst v63  }
0x41: {  	s23 =	simm.s32 $0x180  }
0x42: {  	[tilespmem:s24], [sflag:$0x4] =	stream.indirect.gather [hbm4b:s11+s19], $0x40, s23, s19, $0xb8;
	[tilespmem:$0x1E000] =	vst v63  }
0x43: {  	s6 =	simm.s32 $0x200  }
0x44: {  	[tilespmem:s26], [sflag:$0x5] =	stream.indirect.gather [hbm4b:s11+s19], $0x40, s6, s19, $0xb8;
	[tilespmem:$0x1E000] =	vst v63  }
0x45: {  	_ =	swait.ge [sflag:s17], $0x2000  }
0x46: {  	[sflag:s17] =	ssyncset.done $0x0  }
0x47: {  	[sflag:s17] =	ssyncadd.s32 $0xFFFFE000  }
0x48: {  	[spmem:s2] =	stream.indirect.scatter.add.f32 [tilespmem:s14], [sflag:$0x6], $0x40, s15, s19, $0xb8;
	[tilespmem:$0x1E000] =	vst v63  }
0x49: {  	_ =	swait.ge [sflag:s16], $0x2000  }
0x4a: {  	[sflag:s16] =	ssyncset.done $0x0  }
0x4b: {  	s23 =	simm.s32 $0x280;
	[sflag:s16] =	ssyncadd.s32 $0xFFFFE000  }
0x4c: {  	[tilespmem:s14], [sflag:$0x1] =	stream.indirect.gather [hbm4b:s11+s19], $0x40, s23, s19, $0xb8;
	[tilespmem:$0x1E000] =	vst v63  }
0x4d: {  	_ =	swait.ge [sflag:s18], $0x2000  }
0x4e: {  	[sflag:s18] =	ssyncset.done $0x0  }
0x4f: {  	s6 =	simm.s32 $0x5080;
	[sflag:s18] =	ssyncadd.s32 $0xFFFFE000  }
0x50: {  	[spmem:s2] =	stream.indirect.scatter.add.f32 [tilespmem:s20], [sflag:$0x7], $0x40, s6, s19, $0xb8;
	[tilespmem:$0x1E000] =	vst v63  }
0x51: {  	_ =	swait.ge [sflag:s30], $0x2000  }
0x52: {  	[sflag:s30] =	ssyncset.done $0x0  }
0x53: {  	s23 =	simm.s32 $0x300;
	[sflag:s30] =	ssyncadd.s32 $0xFFFFE000  }
0x54: {  	[tilespmem:s20], [sflag:$0x2] =	stream.indirect.gather [hbm4b:s11+s19], $0x40, s23, s19, $0xb8;
	[tilespmem:$0x1E000] =	vst v63  }
0x55: {  	_ =	swait.ge [sflag:s1], $0x2000  }
0x56: {  	[sflag:s1] =	ssyncset.done $0x0  }
0x57: {  	s6 =	simm.s32 $0x5100;
	[sflag:s1] =	ssyncadd.s32 $0xFFFFE000  }
0x58: {  	[spmem:s2] =	stream.indirect.scatter.add.f32 [tilespmem:s22], [sflag:$0x8], $0x40, s6, s19, $0xb8;
	[tilespmem:$0x1E000] =	vst v63  }
0x59: {  	_ =	swait.ge [sflag:s0], $0x2000  }
0x5a: {  	[sflag:s0] =	ssyncset.done $0x0  }
0x5b: {  	s23 =	simm.s32 $0x380;
	[sflag:s0] =	ssyncadd.s32 $0xFFFFE000  }
0x5c: {  	[tilespmem:s22], [sflag:$0x3] =	stream.indirect.gather [hbm4b:s11+s19], $0x40, s23, s19, $0xb8;
	[tilespmem:$0x1E000] =	vst v63  }
0x5d: {  	_ =	swait.ge [sflag:s25], $0x2000  }
0x5e: {  	[sflag:s25] =	ssyncset.done $0x0  }
0x5f: {  	s6 =	simm.s32 $0x5180;
	[sflag:s25] =	ssyncadd.s32 $0xFFFFE000  }
0x60: {  	[spmem:s2] =	stream.indirect.scatter.add.f32 [tilespmem:s24], [sflag:$0x9], $0x40, s6, s19, $0xb8;
	[tilespmem:$0x1E000] =	vst v63  }
0x61: {  	_ =	swait.ge [sflag:s29], $0x2000  }
0x62: {  	[sflag:s29] =	ssyncset.done $0x0  }
0x63: {  	s23 =	simm.s32 $0x400;
	[sflag:s29] =	ssyncadd.s32 $0xFFFFE000  }
0x64: {  	[tilespmem:s24], [sflag:$0x4] =	stream.indirect.gather [hbm4b:s11+s19], $0x40, s23, s19, $0xb8;
	[tilespmem:$0x1E000] =	vst v63  }
0x65: {  	_ =	swait.ge [sflag:s21], $0x2000  }
0x66: {  	[sflag:s21] =	ssyncset.done $0x0  }
0x67: {  	s6 =	simm.s32 $0x5200;
	[sflag:s21] =	ssyncadd.s32 $0xFFFFE000  }
0x68: {  	[spmem:s2] =	stream.indirect.scatter.add.f32 [tilespmem:s26], [sflag:$0xA], $0x40, s6, s19, $0xb8;
	[tilespmem:$0x1E000] =	vst v63  }
0x69: {  	_ =	swait.ge [sflag:s28], $0x2000  }
0x6a: {  	[sflag:s28] =	ssyncset.done $0x0  }
0x6b: {  	s23 =	simm.s32 $0x480;
	[sflag:s28] =	ssyncadd.s32 $0xFFFFE000  }
0x6c: {  	[tilespmem:s26], [sflag:$0x5] =	stream.indirect.gather [hbm4b:s11+s19], $0x40, s23, s19, $0xb8;
	[tilespmem:$0x1E000] =	vst v63  }
0x6d: {  	_ =	swait.ge [sflag:s17], $0x2000  }
0x6e: {  	[sflag:s17] =	ssyncset.done $0x0  }
0x6f: {  	s6 =	simm.s32 $0x5280;
	[sflag:s17] =	ssyncadd.s32 $0xFFFFE000  }
0x70: {  	[spmem:s2] =	stream.indirect.scatter.add.f32 [tilespmem:s14], [sflag:$0x6], $0x40, s6, s19, $0xb8;
	[tilespmem:$0x1E000] =	vst v63  }
0x71: {  	_ =	swait.ge [sflag:s16], $0x2000  }
0x72: {  	[sflag:s16] =	ssyncset.done $0x0  }
0x73: {  	s23 =	simm.s32 $0x500;
	[sflag:s16] =	ssyncadd.s32 $0xFFFFE000  }
0x74: {  	[tilespmem:s14], [sflag:$0x1] =	stream.indirect.gather [hbm4b:s11+s19], $0x40, s23, s19, $0xb8;
	[tilespmem:$0x1E000] =	vst v63  }
0x75: {  	_ =	swait.ge [sflag:s18], $0x2000  }
0x76: {  	[sflag:s18] =	ssyncset.done $0x0  }
0x77: {  	s6 =	simm.s32 $0x5300;
	[sflag:s18] =	ssyncadd.s32 $0xFFFFE000  }
0x78: {  	[spmem:s2] =	stream.indirect.scatter.add.f32 [tilespmem:s20], [sflag:$0x7], $0x40, s6, s19, $0xb8;
	[tilespmem:$0x1E000] =	vst v63  }
0x79: {  	_ =	swait.ge [sflag:s30], $0x2000  }
0x7a: {  	[sflag:s30] =	ssyncset.done $0x0  }
0x7b: {  	s23 =	simm.s32 $0x580;
	[sflag:s30] =	ssyncadd.s32 $0xFFFFE000  }
0x7c: {  	[tilespmem:s20], [sflag:$0x2] =	stream.indirect.gather [hbm4b:s11+s19], $0x40, s23, s19, $0xb8;
	[tilespmem:$0x1E000] =	vst v63  }
0x7d: {  	_ =	swait.ge [sflag:s1], $0x2000  }
0x7e: {  	[sflag:s1] =	ssyncset.done $0x0  }
0x7f: {  	s6 =	simm.s32 $0x5380;
	[sflag:s1] =	ssyncadd.s32 $0xFFFFE000  }
0x80: {  	[spmem:s2] =	stream.indirect.scatter.add.f32 [tilespmem:s22], [sflag:$0x8], $0x40, s6, s19, $0xb8;
	[tilespmem:$0x1E000] =	vst v63  }
0x81: {  	_ =	swait.ge [sflag:s0], $0x2000  }
0x82: {  	[sflag:s0] =	ssyncset.done $0x0  }
0x83: {  	s23 =	simm.s32 $0x600;
	[sflag:s0] =	ssyncadd.s32 $0xFFFFE000  }
0x84: {  	[tilespmem:s22], [sflag:$0x3] =	stream.indirect.gather [hbm4b:s11+s19], $0x40, s23, s19, $0xb8;
	[tilespmem:$0x1E000] =	vst v63  }
0x85: {  	_ =	swait.ge [sflag:s25], $0x2000  }
0x86: {  	[sflag:s25] =	ssyncset.done $0x0  }
0x87: {  	s6 =	simm.s32 $0x5400;
	[sflag:s25] =	ssyncadd.s32 $0xFFFFE000  }
0x88: {  	[spmem:s2] =	stream.indirect.scatter.add.f32 [tilespmem:s24], [sflag:$0x9], $0x40, s6, s19, $0xb8;
	[tilespmem:$0x1E000] =	vst v63  }
0x89: {  	_ =	swait.ge [sflag:s29], $0x2000  }
0x8a: {  	[sflag:s29] =	ssyncset.done $0x0  }
0x8b: {  	s23 =	simm.s32 $0x680;
	[sflag:s29] =	ssyncadd.s32 $0xFFFFE000  }
0x8c: {  	[tilespmem:s24], [sflag:$0x4] =	stream.indirect.gather [hbm4b:s11+s19], $0x40, s23, s19, $0xb8;
	[tilespmem:$0x1E000] =	vst v63  }
0x8d: {  	_ =	swait.ge [sflag:s21], $0x2000  }
0x8e: {  	[sflag:s21] =	ssyncset.done $0x0  }
0x8f: {  	s5 =	simm.s32 $0x5480;
	s23 =	simm.s32 $0xA00;
	[sflag:s21] =	ssyncadd.s32 $0xFFFFE000  }
.LBB2_4:
0x90: {  	[spmem:s2] =	stream.indirect.scatter.add.f32 [tilespmem:s26], [sflag:$0xA], $0x40, s5, s19, $0xb8;
	[tilespmem:$0x1E000] =	vst v63  }
0x91: {  	s5 =	smov.u32 s23;
	s23 =	sadd.s32 $0xA00, s23;
	_ =	swait.ge [sflag:s28], $0x2000  }
0x92: {  	s5 =	sshra.s32 s5, $0x2;
	p0 =	sne.s32 s23, $0x12C00;
	[sflag:s28] =	ssyncset.done $0x0  }
0x93: {  	s6 =	sadd.s32 $0x480, s5;
	[sflag:s28] =	ssyncadd.s32 $0xFFFFE000  }
0x94: {  	[tilespmem:s26], [sflag:$0x5] =	stream.indirect.gather [hbm4b:s11+s19], $0x40, s6, s19, $0xb8;
	[tilespmem:$0x1E000] =	vst v63  }
0x95: {  	_ =	swait.ge [sflag:s17], $0x2000  }
0x96: {  	[sflag:s17] =	ssyncset.done $0x0  }
0x97: {  	s6 =	sadd.s32 $0x5280, s5;
	[sflag:s17] =	ssyncadd.s32 $0xFFFFE000  }
0x98: {  	[spmem:s2] =	stream.indirect.scatter.add.f32 [tilespmem:s14], [sflag:$0x6], $0x40, s6, s19, $0xb8;
	[tilespmem:$0x1E000] =	vst v63  }
0x99: {  	_ =	swait.ge [sflag:s16], $0x2000  }
0x9a: {  	[sflag:s16] =	ssyncset.done $0x0  }
0x9b: {  	s6 =	sadd.s32 $0x500, s5;
	[sflag:s16] =	ssyncadd.s32 $0xFFFFE000  }
0x9c: {  	[tilespmem:s14], [sflag:$0x1] =	stream.indirect.gather [hbm4b:s11+s19], $0x40, s6, s19, $0xb8;
	[tilespmem:$0x1E000] =	vst v63  }
0x9d: {  	_ =	swait.ge [sflag:s18], $0x2000  }
0x9e: {  	[sflag:s18] =	ssyncset.done $0x0  }
0x9f: {  	s6 =	sadd.s32 $0x5300, s5;
	[sflag:s18] =	ssyncadd.s32 $0xFFFFE000  }
0xa0: {  	[spmem:s2] =	stream.indirect.scatter.add.f32 [tilespmem:s20], [sflag:$0x7], $0x40, s6, s19, $0xb8;
	[tilespmem:$0x1E000] =	vst v63  }
0xa1: {  	_ =	swait.ge [sflag:s30], $0x2000  }
0xa2: {  	[sflag:s30] =	ssyncset.done $0x0  }
0xa3: {  	s6 =	sadd.s32 $0x580, s5;
	[sflag:s30] =	ssyncadd.s32 $0xFFFFE000  }
0xa4: {  	[tilespmem:s20], [sflag:$0x2] =	stream.indirect.gather [hbm4b:s11+s19], $0x40, s6, s19, $0xb8;
	[tilespmem:$0x1E000] =	vst v63  }
0xa5: {  	_ =	swait.ge [sflag:s1], $0x2000  }
0xa6: {  	[sflag:s1] =	ssyncset.done $0x0  }
0xa7: {  	s6 =	sadd.s32 $0x5380, s5;
	[sflag:s1] =	ssyncadd.s32 $0xFFFFE000  }
0xa8: {  	[spmem:s2] =	stream.indirect.scatter.add.f32 [tilespmem:s22], [sflag:$0x8], $0x40, s6, s19, $0xb8;
	[tilespmem:$0x1E000] =	vst v63  }
0xa9: {  	_ =	swait.ge [sflag:s0], $0x2000  }
0xaa: {  	[sflag:s0] =	ssyncset.done $0x0  }
0xab: {  	s6 =	sadd.s32 $0x600, s5;
	[sflag:s0] =	ssyncadd.s32 $0xFFFFE000  }
0xac: {  	[tilespmem:s22], [sflag:$0x3] =	stream.indirect.gather [hbm4b:s11+s19], $0x40, s6, s19, $0xb8;
	[tilespmem:$0x1E000] =	vst v63  }
0xad: {  	_ =	swait.ge [sflag:s25], $0x2000  }
0xae: {  	[sflag:s25] =	ssyncset.done $0x0  }
0xaf: {  	s6 =	sadd.s32 $0x5400, s5;
	[sflag:s25] =	ssyncadd.s32 $0xFFFFE000  }
0xb0: {  	[spmem:s2] =	stream.indirect.scatter.add.f32 [tilespmem:s24], [sflag:$0x9], $0x40, s6, s19, $0xb8;
	[tilespmem:$0x1E000] =	vst v63  }
0xb1: {  	_ =	swait.ge [sflag:s29], $0x2000  }
0xb2: {  	[sflag:s29] =	ssyncset.done $0x0  }
.Ltmp1:
0xb3: {  	s6 =	sadd.s32 $0x680, s5;
	[sflag:s29] =	ssyncadd.s32 $0xFFFFE000;
	(pc) =	sbr.rel @p0 .LBB2_4-.Ltmp1, $4  }
0xb4: {  	[tilespmem:s24], [sflag:$0x4] =	stream.indirect.gather [hbm4b:s11+s19], $0x40, s6, s19, $0xb8;
	[tilespmem:$0x1E000] =	vst v63  }
0xb5: {  	_ =	swait.ge [sflag:s21], $0x2000  }
0xb6: {  	[sflag:s21] =	ssyncset.done $0x0  }
0xb7: {  	s5 =	sadd.s32 $0x5480, s5;
	[sflag:s21] =	ssyncadd.s32 $0xFFFFE000  }
0xb8: {  	[spmem:s2] =	stream.indirect.scatter.add.f32 [tilespmem:s26], [sflag:$0xA], $0x40, s5, s19, $0xb8;
	[tilespmem:$0x1E000] =	vst v63  }
0xb9: {  	_ =	swait.ge [sflag:s28], $0x2000  }
0xba: {  	[sflag:s28] =	ssyncset.done $0x0  }
0xbb: {  	s6 =	simm.s32 $0x4F80;
	[sflag:s28] =	ssyncadd.s32 $0xFFFFE000  }
0xbc: {  	[tilespmem:s26], [sflag:$0x5] =	stream.indirect.gather [hbm4b:s11+s19], $0x40, s6, s19, $0xb8;
	[tilespmem:$0x1E000] =	vst v63  }
0xbd: {  	_ =	swait.ge [sflag:s17], $0x2000  }
0xbe: {  	s5 =	sshra.s32 s23, $0x2;
	[sflag:s17] =	ssyncset.done $0x0  }
0xbf: {  	s6 =	sadd.s32 $0x5280, s5;
	[sflag:s17] =	ssyncadd.s32 $0xFFFFE000  }
0xc0: {  	[spmem:s2] =	stream.indirect.scatter.add.f32 [tilespmem:s14], [sflag:$0x6], $0x40, s6, s19, $0xb8;
	[tilespmem:$0x1E000] =	vst v63  }
0xc1: {  	_ =	swait.ge [sflag:s16], $0x2000  }
0xc2: {  	[sflag:s16] =	ssyncset.done $0x0  }
0xc3: {  	[sflag:s16] =	ssyncadd.s32 $0xFFFFE000  }
0xc4: {  	_ =	swait.ge [sflag:s18], $0x2000  }
0xc5: {  	[sflag:s18] =	ssyncset.done $0x0  }
0xc6: {  	s23 =	sadd.s32 $0x5300, s5;
	[sflag:s18] =	ssyncadd.s32 $0xFFFFE000  }
0xc7: {  	[spmem:s2] =	stream.indirect.scatter.add.f32 [tilespmem:s20], [sflag:$0x7], $0x40, s23, s19, $0xb8;
	[tilespmem:$0x1E000] =	vst v63  }
0xc8: {  	_ =	swait.ge [sflag:s30], $0x2000  }
0xc9: {  	[sflag:s30] =	ssyncset.done $0x0  }
0xca: {  	[sflag:s30] =	ssyncadd.s32 $0xFFFFE000  }
0xcb: {  	_ =	swait.ge [sflag:s1], $0x2000  }
0xcc: {  	[sflag:s1] =	ssyncset.done $0x0  }
0xcd: {  	s23 =	sadd.s32 $0x5380, s5;
	[sflag:s1] =	ssyncadd.s32 $0xFFFFE000  }
0xce: {  	[spmem:s2] =	stream.indirect.scatter.add.f32 [tilespmem:s22], [sflag:$0x8], $0x40, s23, s19, $0xb8;
	[tilespmem:$0x1E000] =	vst v63  }
0xcf: {  	_ =	swait.ge [sflag:s0], $0x2000  }
0xd0: {  	[sflag:s0] =	ssyncset.done $0x0  }
0xd1: {  	[sflag:s0] =	ssyncadd.s32 $0xFFFFE000  }
0xd2: {  	_ =	swait.ge [sflag:s25], $0x2000  }
0xd3: {  	[sflag:s25] =	ssyncset.done $0x0  }
0xd4: {  	s5 =	sadd.s32 $0x5400, s5;
	[sflag:s25] =	ssyncadd.s32 $0xFFFFE000  }
0xd5: {  	[spmem:s2] =	stream.indirect.scatter.add.f32 [tilespmem:s24], [sflag:$0x9], $0x40, s5, s19, $0xb8;
	[tilespmem:$0x1E000] =	vst v63  }
0xd6: {  	_ =	swait.ge [sflag:s29], $0x2000  }
0xd7: {  	[sflag:s29] =	ssyncset.done $0x0  }
0xd8: {  	[sflag:s29] =	ssyncadd.s32 $0xFFFFE000  }
0xd9: {  	_ =	swait.ge [sflag:s21], $0x2000  }
0xda: {  	[sflag:s21] =	ssyncset.done $0x0  }
0xdb: {  	s23 =	simm.s32 $0x9F80;
	[sflag:s21] =	ssyncadd.s32 $0xFFFFE000  }
0xdc: {  	[spmem:s2] =	stream.indirect.scatter.add.f32 [tilespmem:s26], [sflag:$0xA], $0x40, s23, s19, $0xb8;
	[tilespmem:$0x1E000] =	vst v63  }
0xdd: {  	s6 =	stileid.u32;
	_ =	swait.ge [sflag:s28], $0x2000  }
0xde: {  	s3 =	sadd.s32 $0x1, s3;
	s5 =	sshll.u32 s6, $0x6;
	[sflag:s28] =	ssyncset.done $0x0  }
0xdf: {  	p0 =	sne.s32 s3, s13;
	s5 =	sor.u32 $0x1C0B, s5;
	[sflag:s28] =	ssyncadd.s32 $0xFFFFE000  }
.Ltmp2:
0xe0: {  	s23 =	sshrl.u32 s4, $0x3;
	[bflag:$0x0] =	sbarrier.arrive $0xFFFF;
	(pc) =	sbr.rel @p0 .LBB2_1-.Ltmp2, $4  }
0xe1: {  	[hbm:s12], [sflag:s5] =	dma.local [spmem:s23], $0x1400  }
0xe2: {  	_ =	swait.ge [sflag:s31], $0x1400  }
0xe3: {  	[sflag:s31] =	ssyncset.done $0x0  }
0xe4: {  	[sflag:s31] =	ssyncadd.s32 $0xFFFFEC00  }
0xe5: {  	_ =	sfence.sel $0x180000  }
0xe6: {  	[bflag:$0x0] =	sbarrier.arrive $0xFFFF  }
0xe7: {  	_ =	strace $0x9000004D  }
0xe8: {  	s0 =	stileid.u32;
	[bflag:$0x2] =	sbarrier.arrive $0xFFFF  }
0xe9: {  	p0 =	sne.s32 s0, $0x0;
	s0 =	rddreg [dreg:$0x2]  }
0xea: {  	s0 =	sadd.s32 @!p0 $0x100000, s0  }
0xeb: {  	[sflag:s0] =	ssyncadd.tile.s32 @!p0 $0x1;
	_ =	shalt  }
.Lfunc_end2:
_tile_overlayer_lowered:
.L_overlay_start_2:
0xec: {  	(tag) =	ssettag $0x2  }
0xed: {  	s0 =	rddreg [dreg:$0x0];
	s2 =	stileid.u32  }
0xee: {  	s1 =	rddreg [dreg:$0x1];
	p0 =	sne.s32 s2, $0x0  }
0xef: {  	s3 =	rddreg [dreg:$0x2];
	[bflag:$0x3] =	sbarrier.arrive $0xFFFF;
	s2 =	simm.s32 @!p0 $0x1C0B  }
0xf0: {  	[timem:s3], [sflag:s2] =	dma.local @!p0 [hbm:s0], s1  }
0xf1: {  	s0 =	simm.s32 @!p0 $0xB  }
0xf2: {  	_ =	swait.ge @!p0 [sflag:s0], s1  }
0xf3: {  	s1 =	ssub.s32 @!p0 $0x0, s1;
	[sflag:s0] =	ssyncset.done @!p0 $0x0  }
0xf4: {  	[sflag:s0] =	ssyncadd.s32 @!p0 s1  }
0xf5: {  	[bflag:$0x3] =	sbarrier.arrive $0xFFFF  }
0xf6: {  	_ =	shalt  }

// kernel: kernel.21.cloned.1.call-start
scs
__scs_entry_jumppad:
0x0: {  	(pc) =	sbr.rel $0x88, $3  }
0x1: {  	(tag) =	ssettag $0x0;
	lr =	simm.s32 $0x1  }
0x2: {  	[smem:$0x3F98] =	sst lr;
	_ =	strace $0xD0000000  }
0x3: {  	_ = 	snop  }
0x4: {  	_ = 	snop  }
0x5: {  	_ = 	snop  }
0x6: {  	_ = 	snop  }
0x7: {  	_ = 	snop  }
__scs_overlays_trampoline_lowered:
0x8: {  	[smem:$0x3FA7] =	sst s0  }
0x9: {  	[smem:$0x3FA8] =	sst s1  }
0xa: {  	[smem:$0x3FA9] =	sst s2  }
0xb: {  	[smem:$0x3FAA] =	sst s3  }
0xc: {  	[smem:$0x3FAB] =	sst s4  }
0xd: {  	[smem:$0x3FAC] =	sst s5  }
0xe: {  	[smem:$0x3FAD] =	sst s6  }
0xf: {  	[smem:$0x3FAE] =	sst s7  }
0x10: {  	[smem:$0x3FAF] =	sst s8  }
0x11: {  	[smem:$0x3FB0] =	sst s9;
	s0 =	simm.s32 @!p0 $0x0  }
0x12: {  	s1 =	sld [smem:$0x3F96];
	s0 =	simm.s32 @p0 $0x1  }
0x13: {  	[smem:$0x3FB1] =	sst s0;
	s0 =	simm.s32 @!p1 $0x0  }
0x14: {  	s2 =	sld [smem:$0x3F95];
	s0 =	simm.s32 @p1 $0x1  }
0x15: {  	[smem:$0x3FB2] =	sst s0;
	s0 =	simm.s32 @!p2 $0x0  }
0x16: {  	s3 =	sld [smem:$0x3FDB];
	s0 =	simm.s32 @p2 $0x1  }
0x17: {  	s4 =	simm.s32 $0x1BF5;
	[smem:$0x3FB4] =	sst s0  }
0x18: {  	s0 =	sld [smem:$0x3F97];
	_ =	swait.ge [sflag:s4], $0x0  }
0x19: {  	s7 =	sld [smem:$0x3F98]  }
0x1a: {  	s8 =	sadd.s32 $0xFFFFE003, lr  }
0x1b: {  	s9 =	sadd.s32 $0xFFFFFEF7, lr;
	s5 =	simm.s32 $0xFFFFFFFF;
	p2 =	slt.u32 s8, $0xFFFFF086  }
0x1c: {  	p1 =	slt.u32 s9, $0xF7A;
	s5 =	simm.s32 @!p2 $0x0  }
0x1d: {  	s5 =	simm.s32 @p1 $0x1;
	p0 =	seq.s32 s7, s2  }
0x1e: {  	s7 =	smul.u32 @!p0 $0xF7A, s2;
	p2 =	seq.s32 @!p0 s5, $0x0  }
0x1f: {  	s9 =	smul.u32 $0xF7A, s1;
	s8 =	simm.s32 @!p0 $0x1BF5;
	p2 =	por !p2, p0  }
0x20: {  	[sflag:s8] =	ssyncset.s32 @!p0 $0xFFFFF086;
	s6 =	sadd.s32 @!p0 s3, s7;
	s7 =	simm.s32 @!p0 $0x108  }
0x21: {  	s3 =	sadd.s32 s3, s9;
	s6 =	sadd.s32 @!p0 $0x88, s6;
	s7 =	simm.s32 @p2 $0x1082  }
0x22: {  	[simem:s7], [sflag:s8] =	dma.local @!p0 [hbm:s6], $0xF7A  }
0x23: {  	s9 =	sor.u32 $0xD0000000, s2;
	s6 =	simm.s32 $0x108;
	_ =	swait.ge @!p0 [sflag:s8], $0x0  }
0x24: {  	s3 =	sadd.s32 $0x88, s3;
	s6 =	simm.s32 @!p1 $0x1082;
	[sflag:s4] =	ssyncset.s32 $0xFFFFF086  }
0x25: {  	[simem:s6], [sflag:s4] =	dma.local [hbm:s3], $0xF7A  }
0x26: {  	[smem:$0x3F98] =	sst s1;
	(tag) =	ssettag s2;
	_ =	strace s9  }
0x27: {  	s1 =	sld [smem:$0x3FA8]  }
0x28: {  	s2 =	sld [smem:$0x3FA9]  }
0x29: {  	s4 =	sld [smem:$0x3FAB]  }
0x2a: {  	p0 =	seq.s32 s5, $0x0;
	s5 =	sld [smem:$0x3FAC]  }
0x2b: {  	s6 =	sld [smem:$0x3FAD]  }
0x2c: {  	s7 =	sld [smem:$0x3FAE]  }
0x2d: {  	s3 =	simm.s32 $0x108;
	s8 =	sld [smem:$0x3FAF]  }
0x2e: {  	s3 =	simm.s32 @!p0 $0x1082;
	s9 =	sld [smem:$0x3FB0]  }
0x2f: {  	lr =	sadd.s32 s0, s3;
	s0 =	sld [smem:$0x3FA7]  }
0x30: {  	s3 =	sld [smem:$0x3FAA]  }
0x31: {  	[smem:$0x3FB3] =	sst s10  }
0x32: {  	s10 =	sld [smem:$0x3FB1];
	_ =	sdelay $0x3  }
0x33: {  	p0 =	seq.s32 s10, $0x1;
	s10 =	sld [smem:$0x3FB3];
	_ =	sdelay $0x3  }
0x34: {  	[smem:$0x3FB3] =	sst s10  }
0x35: {  	s10 =	sld [smem:$0x3FB2];
	_ =	sdelay $0x3  }
0x36: {  	p1 =	seq.s32 s10, $0x1;
	s10 =	sld [smem:$0x3FB3];
	_ =	sdelay $0x3  }
0x37: {  	[smem:$0x3FB3] =	sst s10  }
0x38: {  	s10 =	sld [smem:$0x3FB4]  }
0x39: {  	_ = 	snop;
	(pc) =	sbr.ind lr, $3  }
0x3a: {  	_ = 	snop  }
0x3b: {  	_ = 	snop  }
0x3c: {  	p2 =	seq.s32 s10, $0x1;
	s10 =	sld [smem:$0x3FB3]  }
0x3d: {  	_ =	shalt  }
0x3e: {  	_ =	shalt  }
0x3f: {  	_ =	shalt  }
0x40: {  	_ =	shalt  }
0x41: {  	_ =	shalt  }
0x42: {  	_ =	shalt  }
0x43: {  	_ =	shalt  }
0x44: {  	_ =	shalt  }
0x45: {  	_ =	shalt  }
0x46: {  	_ =	shalt  }
0x47: {  	_ =	shalt  }
0x48: {  	_ =	shalt  }
0x49: {  	_ =	shalt  }
0x4a: {  	_ =	shalt  }
0x4b: {  	_ =	shalt  }
0x4c: {  	_ =	shalt  }
0x4d: {  	_ =	shalt  }
0x4e: {  	_ =	shalt  }
0x4f: {  	_ =	shalt  }
0x50: {  	_ =	shalt  }
0x51: {  	_ =	shalt  }
0x52: {  	_ =	shalt  }
0x53: {  	_ =	shalt  }
0x54: {  	_ =	shalt  }
0x55: {  	_ =	shalt  }
0x56: {  	_ =	shalt  }
0x57: {  	_ =	shalt  }
0x58: {  	_ =	shalt  }
0x59: {  	_ =	shalt  }
0x5a: {  	_ =	shalt  }
0x5b: {  	_ =	shalt  }
0x5c: {  	_ =	shalt  }
0x5d: {  	_ =	shalt  }
0x5e: {  	_ =	shalt  }
0x5f: {  	_ =	shalt  }
0x60: {  	_ =	shalt  }
0x61: {  	_ =	shalt  }
0x62: {  	_ =	shalt  }
0x63: {  	_ =	shalt  }
0x64: {  	_ =	shalt  }
0x65: {  	_ =	shalt  }
0x66: {  	_ =	shalt  }
0x67: {  	_ =	shalt  }
0x68: {  	_ =	shalt  }
0x69: {  	_ =	shalt  }
0x6a: {  	_ =	shalt  }
0x6b: {  	_ =	shalt  }
0x6c: {  	_ =	shalt  }
0x6d: {  	_ =	shalt  }
0x6e: {  	_ =	shalt  }
0x6f: {  	_ =	shalt  }
0x70: {  	_ =	shalt  }
0x71: {  	_ =	shalt  }
0x72: {  	_ =	shalt  }
0x73: {  	_ =	shalt  }
0x74: {  	_ =	shalt  }
0x75: {  	_ =	shalt  }
0x76: {  	_ =	shalt  }
0x77: {  	_ =	shalt  }
0x78: {  	_ =	shalt  }
0x79: {  	_ =	shalt  }
0x7a: {  	_ =	shalt  }
0x7b: {  	_ =	shalt  }
0x7c: {  	_ =	shalt  }
0x7d: {  	_ =	shalt  }
0x7e: {  	_ =	shalt  }
0x7f: {  	_ =	shalt  }
0x80: {  	_ =	shalt  }
0x81: {  	_ =	shalt  }
0x82: {  	_ =	shalt  }
0x83: {  	_ =	shalt  }
0x84: {  	_ =	shalt  }
0x85: {  	_ =	shalt  }
0x86: {  	_ =	shalt  }
0x87: {  	_ =	shalt  }
.Lfunc_end0:
.L_simem_size_0:
called_computation.3_lowered:
.L_overlay_start_0:
0x88: {  	s2 =	sld [smem:$0x3FD9]  }
0x89: {  	s3 =	sld [smem:$0x3FFE];
	_ =	sdelay $0x1  }
0x8a: {  	s1 =	srdreg.scid  }
0x8b: {  	s0 =	sand.u32 $0x1, s1  }
0x8c: {  	s16 =	sshll.u32 s0, $0xA;
	s2 =	sadd.s32 s3, s2  }
0x8d: {  	s2 =	sadd.s32 s2, s16  }
0x8e: {  	[smem:$0x3FBF] =	sst s2  }
0x8f: {  	_ = 	snop  }
0x90: {  	(tm) =	ssettm $0x1  }
0x91: {  	s17 =	sld [smem:$0x3FFB];
	_ =	sdelay $0x3  }
0x92: {  	_ =	strace s17  }
0x93: {  	s2 =	sld [smem:$0x3FFC];
	_ =	sdelay $0x3  }
0x94: {  	_ =	strace s2  }
0x95: {  	s2 =	sld [smem:$0x3FFD];
	_ =	sdelay $0x3  }
0x96: {  	_ =	strace s2  }
0x97: {  	_ =	strace $0x8FFFFFFF  }
0x98: {  	s18 =	sld [smem:$0x3FDB];
	_ =	sdelay $0x1  }
0x99: {  	s19 =	simm.s32 $_scs_section_size  }
0x9a: {  	s4 =	simm.s32 $_size__tile_overlayer_lowered;
	s5 =	simm.s32 $_tile_overlayer_lowered  }
0x9b: {  	s22 =	simm.s32 $0x1BFF;
	s21 =	sshll.u32 s5, $0x1;
	s2 =	sadd.s32 s19, s18  }
0x9c: {  	s6 =	simm.s32 $0x0;
	s20 =	sshll.u32 s4, $0x1;
	s4 =	sadd.s32 s21, s2  }
0x9d: {  	[timem:s6], [sflag:s22] =	dma.local [hbm:s4], s20  }
0x9e: {  	_ =	swait.ge [sflag:s22], s20  }
0x9f: {  	s3 =	ssub.s32 $0x0, s20;
	[sflag:s22] =	ssyncset.done $0x0  }
0xa0: {  	[sflag:s22] =	ssyncadd.s32 s3;
	_ =	sdelay $0x1  }
0xa1: {  	s23 =	simm.s32 $0x1B8B  }
0xa2: {  	_ =	swait.ge [sflag:s23], $0x1  }
0xa3: {  	[sflag:s23] =	ssyncset.done $0x0  }
0xa4: {  	s25 =	simm.s32 $0x1B8E;
	s24 =	sld [smem:$0x3FFE];
	[sflag:s23] =	ssyncadd.s32 $0xFFFFFFFF  }
0xa5: {  	s26 =	simm.s32 $execute0_lowered;
	[smem:$0x3FD2] =	sst s25  }
0xa6: {  	s4 =	sshll.u32 s26, $0x1;
	_ =	strace $0x8000004F;
	[dreg:$0x1] =	wrdreg $0xFFFFFFFF  }
0xa7: {  	s28 =	simm.s32 $_size_execute0_lowered;
	s2 =	sadd.s32 s2, s4;
	[dreg:$0x0] =	wrdreg $0x0  }
0xa8: {  	s4 =	sshll.u32 s28, $0x1;
	[dreg:$0x2] =	wrdreg s2  }
0xa9: {  	[dreg:$0x3] =	wrdreg s4  }
0xaa: {  	[dreg:$0x4] =	wrdreg $0xC0  }
0xab: {  	_ =	task [dreg:s6], $0x5FFFF  }
0xac: {  	[dreg:$0x1] =	wrdreg $0xFFFFFFFF  }
0xad: {  	[dreg:$0x0] =	wrdreg $0x60  }
0xae: {  	[dreg:$0x2] =	wrdreg s24  }
0xaf: {  	[dreg:$0x3] =	wrdreg $0x140000  }
0xb0: {  	[dreg:$0x4] =	wrdreg $0x9  }
0xb1: {  	_ =	task.clear_ibuf [dreg:s6], $0x5FFFF;
	_ =	strace $0x9000004F  }
0xb2: {  	s29 =	simm.s32 $0x9;
	_ =	strace $0x80000051  }
0xb3: {  	_ =	swait.ge [sflag:s29], $0x1  }
0xb4: {  	[sflag:s29] =	ssyncadd.s32 $0xFFFFFFFF  }
0xb5: {  	_ =	strace $0x90000051  }
0xb6: {  	_ =	sfence  }
0xb7: {  	s30 =	sld [smem:$0x0];
	_ =	sdelay $0x2  }
0xb8: {  	s31 =	sshll.u32 s1, $0xD;
	s1 =	sshrl.u32 s1, $0x2  }
0xb9: {  	s3 =	sand.u32 $0x4000, s31;
	s1 =	sadd.s32 s1, s30  }
0xba: {  	s0 =	sor.u32 s3, s0;
	s1 =	sshll.u32 s1, $0x11  }
0xbb: {  	s0 =	sor.u32 s1, s0  }
0xbc: {  	s0 =	sadd.s32 $0x8F2B, s0  }
0xbd: {  	[sflag:s0] =	ssyncadd.remote.s32 $0x1  }
0xbe: {  	_ =	sfence.sel $0xFFFF  }
0xbf: {  	[dreg:$0x0] =	wrdreg $0xFFFFFFFF;
	(pc) =	sbr.abs _section_cstart, $3  }
0xc0: {  	[dreg:$0x1] =	wrdreg $0xFFFFFFFF  }
0xc1: {  	_ =	task.clear_ibuf [dreg:s6], $0x2FFFF;
	_ =	strace $0x9FFFFFFF  }
0xc2: {  	(tm) =	ssettm $0x7FFFFFFF  }
0xc3: {  	_ =	shalt  }
tec
execute0_lowered:
.L_overlay_start_1:
0x0: {  	(tag) =	ssettag $0x1  }
0x1: {  	s0 =	srdreg.scid;
	s1 =	rddreg [dreg:$0x0]  }
0x2: {  	s8 =	stileid.u32;
	s2 =	rddreg [dreg:$0x1];
	s3 =	simm.s32 $0x0  }
0x3: {  	s14 =	simm.s32 $0xA000;
	s15 =	simm.s32 $0x5000;
	s16 =	simm.s32 $0x6  }
0x4: {  	s17 =	simm.s32 $0x1;
	s18 =	simm.s32 $0x2;
	s19 =	simm.s32 $0x80  }
0x5: {  	s20 =	simm.s32 $0xC000;
	s30 =	simm.s32 $0x7;
	s5 =	smul.u32 $0xA00, s8  }
0x6: {  	s29 =	simm.s32 $0x9;
	s21 =	simm.s32 $0x5;
	s6 =	smul.u32 $0xA000, s8  }
0x7: {  	s28 =	simm.s32 $0xA;
	s0 =	sand.u32 $0x1, s0;
	s8 =	smul.u32 $0x28000, s8  }
0x8: {  	s31 =	simm.s32 $0xB;
	[smem:$0x7FF] =	sst s3;
	s4 =	smul.u32 $0x13880, s0  }
0x9: {  	s7 =	smul.u32 $0xA0000, s0;
	_ =	strace $0x80000050;
	s0 =	ssub.s32 $0x2, s0  }
0xa: {  	s5 =	sadd.s32 s5, s1;
	s23 =	sshrl.u32 s8, $0x2;
	s24 =	sshrl.u32 s0, $0x1  }
0xb: {  	s11 =	sadd.s32 s4, s1;
	s22 =	sadd.s32 s6, s7;
	s8 =	sadd.s32 s23, s2  }
0xc: {  	s0 =	ssub.s32 s0, s24;
	s9 =	sadd.s32 $0x17200, s5;
	s10 =	sadd.s32 $0xD200, s5  }
0xd: {  	s24 =	simm.s32 $0x10000;
	s4 =	sshrl.u32 s22, $0x3;
	s25 =	sadd.s32 $0x2000, s8  }
0xe: {  	s26 =	sadd.s32 $0x4000, s8;
	s7 =	sadd.s32 $0x6000, s8;
	s8 =	sadd.s32 $0x8000, s8  }
0xf: {  	s11 =	sadd.s32 $0x96600, s11;
	s13 =	smax.u32 s0, $0x1;
	s22 =	simm.s32 $0xE000  }
0x10: {  	s0 =	simm.s32 $0x8;
	s1 =	sadd.s32 s4, s1;
	[dreg:$0x3] =	wrdreg s25  }
0x11: {  	s4 =	sadd.s32 s6, s2;
	[dreg:$0x4] =	wrdreg s26;
	s26 =	simm.s32 $0x12000  }
0x12: {  	v0 =	vimm.f32 $0.0e+00;
	s25 =	simm.s32 $0x4;
	s12 =	sadd.s32 $0xBD800, s1;
	s1 =	simm.s32 $0x3  }
.LBB2_1:
0x13: {  	s5 =	simm.s32 $0x1;
	[tilespmem:s14+$0x0] =	vst v0;
	s23 =	simm.s32 $0xA000  }
.LBB2_2:
0x14: {  	p0 =	sne.s32 s5, $0x1FF  }
.Ltmp0:
0x15: {  	_ = 	snop;
	(pc) =	sbr.rel @p0 .LBB2_2-.Ltmp0, $3  }
0x16: {  	_ =	sdelay $0x1  }
0x17: {  	s5 =	sadd.s32 $0x1, s5;
	s23 =	sadd.s32 $0x10, s23  }
0x18: {  	[tilespmem:s23+$0x0] =	vst v0  }
0x19: {  	[spmem:s4] =	stream.linear.scatter [tilespmem:s14], [sflag:$0x6], $0x2000, $0x38;
	[tilespmem:$0x1E000] =	vst v63  }
0x1a: {  	s5 =	rddreg [dreg:$0x3]  }
0x1b: {  	[spmem:s5] =	stream.linear.scatter [tilespmem:s14], [sflag:$0x6], $0x2000, $0x38;
	[tilespmem:$0x1E000] =	vst v63  }
0x1c: {  	s6 =	rddreg [dreg:$0x4]  }
0x1d: {  	[spmem:s6] =	stream.linear.scatter [tilespmem:s14], [sflag:$0x6], $0x2000, $0x38;
	[tilespmem:$0x1E000] =	vst v63  }
0x1e: {  	_ = 	snop  }
0x1f: {  	[spmem:s7] =	stream.linear.scatter [tilespmem:s14], [sflag:$0x6], $0x2000, $0x38;
	[tilespmem:$0x1E000] =	vst v63  }
0x20: {  	_ = 	snop  }
0x21: {  	[spmem:s8] =	stream.linear.scatter [tilespmem:s14], [sflag:$0x6], $0x2000, $0x38;
	[tilespmem:$0x1E000] =	vst v63  }
0x22: {  	s23 =	simm.s32 $0x0  }
0x23: {  	[tilespmem:s23], [sflag:$0x1] =	stream.linear.gather [hbm4b:s9+s23], $0x5000, $0x38;
	[tilespmem:$0x1E000] =	vst v63  }
0x24: {  	_ = 	snop  }
0x25: {  	[tilespmem:s15], [sflag:$0x2] =	stream.linear.gather [hbm4b:s10+s23], $0x5000, $0x38;
	[tilespmem:$0x1E000] =	vst v63  }
0x26: {  	_ =	swait.ge [sflag:s16], $0x2000  }
0x27: {  	[sflag:s16] =	ssyncset.done $0x0  }
0x28: {  	[sflag:s16] =	ssyncadd.s32 $0xFFFFE000  }
0x29: {  	_ =	swait.ge [sflag:s16], $0x2000  }
0x2a: {  	[sflag:s16] =	ssyncset.done $0x0  }
0x2b: {  	[sflag:s16] =	ssyncadd.s32 $0xFFFFE000  }
0x2c: {  	_ =	swait.ge [sflag:s16], $0x2000  }
0x2d: {  	[sflag:s16] =	ssyncset.done $0x0  }
0x2e: {  	[sflag:s16] =	ssyncadd.s32 $0xFFFFE000  }
0x2f: {  	_ =	swait.ge [sflag:s16], $0x2000  }
0x30: {  	[sflag:s16] =	ssyncset.done $0x0  }
0x31: {  	[sflag:s16] =	ssyncadd.s32 $0xFFFFE000  }
0x32: {  	_ =	swait.ge [sflag:s16], $0x2000  }
0x33: {  	[sflag:s16] =	ssyncset.done $0x0  }
0x34: {  	[sflag:s16] =	ssyncadd.s32 $0xFFFFE000  }
0x35: {  	_ =	swait.ge [sflag:s17], $0x5000  }
0x36: {  	[sflag:s17] =	ssyncset.done $0x0  }
0x37: {  	[sflag:s17] =	ssyncadd.s32 $0xFFFFB000  }
0x38: {  	_ =	swait.ge [sflag:s18], $0x5000  }
0x39: {  	[sflag:s18] =	ssyncset.done $0x0  }
0x3a: {  	[sflag:s18] =	ssyncadd.s32 $0xFFFFB000  }
0x3b: {  	[bflag:$0x0] =	sbarrier.arrive $0xFFFF  }
0x3c: {  	[tilespmem:s14], [sflag:$0x1] =	stream.indirect.gather [hbm4b:s11+s19], $0x40, s23, s19, $0xb8;
	[tilespmem:$0x1E000] =	vst v63  }
0x3d: {  	_ = 	snop  }
0x3e: {  	[tilespmem:s20], [sflag:$0x2] =	stream.indirect.gather [hbm4b:s11+s19], $0x40, s19, s19, $0xb8;
	[tilespmem:$0x1E000] =	vst v63  }
0x3f: {  	s6 =	simm.s32 $0x100  }
0x40: {  	[tilespmem:s22], [sflag:$0x3] =	stream.indirect.gather [hbm4b:s11+s19], $0x40, s6, s19, $0xb8;
	[tilespmem:$0x1E000] =	vst v63  }
0x41: {  	s23 =	simm.s32 $0x180  }
0x42: {  	[tilespmem:s24], [sflag:$0x4] =	stream.indirect.gather [hbm4b:s11+s19], $0x40, s23, s19, $0xb8;
	[tilespmem:$0x1E000] =	vst v63  }
0x43: {  	s6 =	simm.s32 $0x200  }
0x44: {  	[tilespmem:s26], [sflag:$0x5] =	stream.indirect.gather [hbm4b:s11+s19], $0x40, s6, s19, $0xb8;
	[tilespmem:$0x1E000] =	vst v63  }
0x45: {  	_ =	swait.ge [sflag:s17], $0x2000  }
0x46: {  	[sflag:s17] =	ssyncset.done $0x0  }
0x47: {  	[sflag:s17] =	ssyncadd.s32 $0xFFFFE000  }
0x48: {  	[spmem:s2] =	stream.indirect.scatter.add.f32 [tilespmem:s14], [sflag:$0x6], $0x40, s15, s19, $0xb8;
	[tilespmem:$0x1E000] =	vst v63  }
0x49: {  	_ =	swait.ge [sflag:s16], $0x2000  }
0x4a: {  	[sflag:s16] =	ssyncset.done $0x0  }
0x4b: {  	s23 =	simm.s32 $0x280;
	[sflag:s16] =	ssyncadd.s32 $0xFFFFE000  }
0x4c: {  	[tilespmem:s14], [sflag:$0x1] =	stream.indirect.gather [hbm4b:s11+s19], $0x40, s23, s19, $0xb8;
	[tilespmem:$0x1E000] =	vst v63  }
0x4d: {  	_ =	swait.ge [sflag:s18], $0x2000  }
0x4e: {  	[sflag:s18] =	ssyncset.done $0x0  }
0x4f: {  	s6 =	simm.s32 $0x5080;
	[sflag:s18] =	ssyncadd.s32 $0xFFFFE000  }
0x50: {  	[spmem:s2] =	stream.indirect.scatter.add.f32 [tilespmem:s20], [sflag:$0x7], $0x40, s6, s19, $0xb8;
	[tilespmem:$0x1E000] =	vst v63  }
0x51: {  	_ =	swait.ge [sflag:s30], $0x2000  }
0x52: {  	[sflag:s30] =	ssyncset.done $0x0  }
0x53: {  	s23 =	simm.s32 $0x300;
	[sflag:s30] =	ssyncadd.s32 $0xFFFFE000  }
0x54: {  	[tilespmem:s20], [sflag:$0x2] =	stream.indirect.gather [hbm4b:s11+s19], $0x40, s23, s19, $0xb8;
	[tilespmem:$0x1E000] =	vst v63  }
0x55: {  	_ =	swait.ge [sflag:s1], $0x2000  }
0x56: {  	[sflag:s1] =	ssyncset.done $0x0  }
0x57: {  	s6 =	simm.s32 $0x5100;
	[sflag:s1] =	ssyncadd.s32 $0xFFFFE000  }
0x58: {  	[spmem:s2] =	stream.indirect.scatter.add.f32 [tilespmem:s22], [sflag:$0x8], $0x40, s6, s19, $0xb8;
	[tilespmem:$0x1E000] =	vst v63  }
0x59: {  	_ =	swait.ge [sflag:s0], $0x2000  }
0x5a: {  	[sflag:s0] =	ssyncset.done $0x0  }
0x5b: {  	s23 =	simm.s32 $0x380;
	[sflag:s0] =	ssyncadd.s32 $0xFFFFE000  }
0x5c: {  	[tilespmem:s22], [sflag:$0x3] =	stream.indirect.gather [hbm4b:s11+s19], $0x40, s23, s19, $0xb8;
	[tilespmem:$0x1E000] =	vst v63  }
0x5d: {  	_ =	swait.ge [sflag:s25], $0x2000  }
0x5e: {  	[sflag:s25] =	ssyncset.done $0x0  }
0x5f: {  	s6 =	simm.s32 $0x5180;
	[sflag:s25] =	ssyncadd.s32 $0xFFFFE000  }
0x60: {  	[spmem:s2] =	stream.indirect.scatter.add.f32 [tilespmem:s24], [sflag:$0x9], $0x40, s6, s19, $0xb8;
	[tilespmem:$0x1E000] =	vst v63  }
0x61: {  	_ =	swait.ge [sflag:s29], $0x2000  }
0x62: {  	[sflag:s29] =	ssyncset.done $0x0  }
0x63: {  	s23 =	simm.s32 $0x400;
	[sflag:s29] =	ssyncadd.s32 $0xFFFFE000  }
0x64: {  	[tilespmem:s24], [sflag:$0x4] =	stream.indirect.gather [hbm4b:s11+s19], $0x40, s23, s19, $0xb8;
	[tilespmem:$0x1E000] =	vst v63  }
0x65: {  	_ =	swait.ge [sflag:s21], $0x2000  }
0x66: {  	[sflag:s21] =	ssyncset.done $0x0  }
0x67: {  	s6 =	simm.s32 $0x5200;
	[sflag:s21] =	ssyncadd.s32 $0xFFFFE000  }
0x68: {  	[spmem:s2] =	stream.indirect.scatter.add.f32 [tilespmem:s26], [sflag:$0xA], $0x40, s6, s19, $0xb8;
	[tilespmem:$0x1E000] =	vst v63  }
0x69: {  	_ =	swait.ge [sflag:s28], $0x2000  }
0x6a: {  	[sflag:s28] =	ssyncset.done $0x0  }
0x6b: {  	s23 =	simm.s32 $0x480;
	[sflag:s28] =	ssyncadd.s32 $0xFFFFE000  }
0x6c: {  	[tilespmem:s26], [sflag:$0x5] =	stream.indirect.gather [hbm4b:s11+s19], $0x40, s23, s19, $0xb8;
	[tilespmem:$0x1E000] =	vst v63  }
0x6d: {  	_ =	swait.ge [sflag:s17], $0x2000  }
0x6e: {  	[sflag:s17] =	ssyncset.done $0x0  }
0x6f: {  	s6 =	simm.s32 $0x5280;
	[sflag:s17] =	ssyncadd.s32 $0xFFFFE000  }
0x70: {  	[spmem:s2] =	stream.indirect.scatter.add.f32 [tilespmem:s14], [sflag:$0x6], $0x40, s6, s19, $0xb8;
	[tilespmem:$0x1E000] =	vst v63  }
0x71: {  	_ =	swait.ge [sflag:s16], $0x2000  }
0x72: {  	[sflag:s16] =	ssyncset.done $0x0  }
0x73: {  	s23 =	simm.s32 $0x500;
	[sflag:s16] =	ssyncadd.s32 $0xFFFFE000  }
0x74: {  	[tilespmem:s14], [sflag:$0x1] =	stream.indirect.gather [hbm4b:s11+s19], $0x40, s23, s19, $0xb8;
	[tilespmem:$0x1E000] =	vst v63  }
0x75: {  	_ =	swait.ge [sflag:s18], $0x2000  }
0x76: {  	[sflag:s18] =	ssyncset.done $0x0  }
0x77: {  	s6 =	simm.s32 $0x5300;
	[sflag:s18] =	ssyncadd.s32 $0xFFFFE000  }
0x78: {  	[spmem:s2] =	stream.indirect.scatter.add.f32 [tilespmem:s20], [sflag:$0x7], $0x40, s6, s19, $0xb8;
	[tilespmem:$0x1E000] =	vst v63  }
0x79: {  	_ =	swait.ge [sflag:s30], $0x2000  }
0x7a: {  	[sflag:s30] =	ssyncset.done $0x0  }
0x7b: {  	s23 =	simm.s32 $0x580;
	[sflag:s30] =	ssyncadd.s32 $0xFFFFE000  }
0x7c: {  	[tilespmem:s20], [sflag:$0x2] =	stream.indirect.gather [hbm4b:s11+s19], $0x40, s23, s19, $0xb8;
	[tilespmem:$0x1E000] =	vst v63  }
0x7d: {  	_ =	swait.ge [sflag:s1], $0x2000  }
0x7e: {  	[sflag:s1] =	ssyncset.done $0x0  }
0x7f: {  	s6 =	simm.s32 $0x5380;
	[sflag:s1] =	ssyncadd.s32 $0xFFFFE000  }
0x80: {  	[spmem:s2] =	stream.indirect.scatter.add.f32 [tilespmem:s22], [sflag:$0x8], $0x40, s6, s19, $0xb8;
	[tilespmem:$0x1E000] =	vst v63  }
0x81: {  	_ =	swait.ge [sflag:s0], $0x2000  }
0x82: {  	[sflag:s0] =	ssyncset.done $0x0  }
0x83: {  	s23 =	simm.s32 $0x600;
	[sflag:s0] =	ssyncadd.s32 $0xFFFFE000  }
0x84: {  	[tilespmem:s22], [sflag:$0x3] =	stream.indirect.gather [hbm4b:s11+s19], $0x40, s23, s19, $0xb8;
	[tilespmem:$0x1E000] =	vst v63  }
0x85: {  	_ =	swait.ge [sflag:s25], $0x2000  }
0x86: {  	[sflag:s25] =	ssyncset.done $0x0  }
0x87: {  	s6 =	simm.s32 $0x5400;
	[sflag:s25] =	ssyncadd.s32 $0xFFFFE000  }
0x88: {  	[spmem:s2] =	stream.indirect.scatter.add.f32 [tilespmem:s24], [sflag:$0x9], $0x40, s6, s19, $0xb8;
	[tilespmem:$0x1E000] =	vst v63  }
0x89: {  	_ =	swait.ge [sflag:s29], $0x2000  }
0x8a: {  	[sflag:s29] =	ssyncset.done $0x0  }
0x8b: {  	s23 =	simm.s32 $0x680;
	[sflag:s29] =	ssyncadd.s32 $0xFFFFE000  }
0x8c: {  	[tilespmem:s24], [sflag:$0x4] =	stream.indirect.gather [hbm4b:s11+s19], $0x40, s23, s19, $0xb8;
	[tilespmem:$0x1E000] =	vst v63  }
0x8d: {  	_ =	swait.ge [sflag:s21], $0x2000  }
0x8e: {  	[sflag:s21] =	ssyncset.done $0x0  }
0x8f: {  	s5 =	simm.s32 $0x5480;
	s23 =	simm.s32 $0xA00;
	[sflag:s21] =	ssyncadd.s32 $0xFFFFE000  }
.LBB2_4:
0x90: {  	[spmem:s2] =	stream.indirect.scatter.add.f32 [tilespmem:s26], [sflag:$0xA], $0x40, s5, s19, $0xb8;
	[tilespmem:$0x1E000] =	vst v63  }
0x91: {  	s5 =	smov.u32 s23;
	s23 =	sadd.s32 $0xA00, s23;
	_ =	swait.ge [sflag:s28], $0x2000  }
0x92: {  	s5 =	sshra.s32 s5, $0x2;
	p0 =	sne.s32 s23, $0x12C00;
	[sflag:s28] =	ssyncset.done $0x0  }
0x93: {  	s6 =	sadd.s32 $0x480, s5;
	[sflag:s28] =	ssyncadd.s32 $0xFFFFE000  }
0x94: {  	[tilespmem:s26], [sflag:$0x5] =	stream.indirect.gather [hbm4b:s11+s19], $0x40, s6, s19, $0xb8;
	[tilespmem:$0x1E000] =	vst v63  }
0x95: {  	_ =	swait.ge [sflag:s17], $0x2000  }
0x96: {  	[sflag:s17] =	ssyncset.done $0x0  }
0x97: {  	s6 =	sadd.s32 $0x5280, s5;
	[sflag:s17] =	ssyncadd.s32 $0xFFFFE000  }
0x98: {  	[spmem:s2] =	stream.indirect.scatter.add.f32 [tilespmem:s14], [sflag:$0x6], $0x40, s6, s19, $0xb8;
	[tilespmem:$0x1E000] =	vst v63  }
0x99: {  	_ =	swait.ge [sflag:s16], $0x2000  }
0x9a: {  	[sflag:s16] =	ssyncset.done $0x0  }
0x9b: {  	s6 =	sadd.s32 $0x500, s5;
	[sflag:s16] =	ssyncadd.s32 $0xFFFFE000  }
0x9c: {  	[tilespmem:s14], [sflag:$0x1] =	stream.indirect.gather [hbm4b:s11+s19], $0x40, s6, s19, $0xb8;
	[tilespmem:$0x1E000] =	vst v63  }
0x9d: {  	_ =	swait.ge [sflag:s18], $0x2000  }
0x9e: {  	[sflag:s18] =	ssyncset.done $0x0  }
0x9f: {  	s6 =	sadd.s32 $0x5300, s5;
	[sflag:s18] =	ssyncadd.s32 $0xFFFFE000  }
0xa0: {  	[spmem:s2] =	stream.indirect.scatter.add.f32 [tilespmem:s20], [sflag:$0x7], $0x40, s6, s19, $0xb8;
	[tilespmem:$0x1E000] =	vst v63  }
0xa1: {  	_ =	swait.ge [sflag:s30], $0x2000  }
0xa2: {  	[sflag:s30] =	ssyncset.done $0x0  }
0xa3: {  	s6 =	sadd.s32 $0x580, s5;
	[sflag:s30] =	ssyncadd.s32 $0xFFFFE000  }
0xa4: {  	[tilespmem:s20], [sflag:$0x2] =	stream.indirect.gather [hbm4b:s11+s19], $0x40, s6, s19, $0xb8;
	[tilespmem:$0x1E000] =	vst v63  }
0xa5: {  	_ =	swait.ge [sflag:s1], $0x2000  }
0xa6: {  	[sflag:s1] =	ssyncset.done $0x0  }
0xa7: {  	s6 =	sadd.s32 $0x5380, s5;
	[sflag:s1] =	ssyncadd.s32 $0xFFFFE000  }
0xa8: {  	[spmem:s2] =	stream.indirect.scatter.add.f32 [tilespmem:s22], [sflag:$0x8], $0x40, s6, s19, $0xb8;
	[tilespmem:$0x1E000] =	vst v63  }
0xa9: {  	_ =	swait.ge [sflag:s0], $0x2000  }
0xaa: {  	[sflag:s0] =	ssyncset.done $0x0  }
0xab: {  	s6 =	sadd.s32 $0x600, s5;
	[sflag:s0] =	ssyncadd.s32 $0xFFFFE000  }
0xac: {  	[tilespmem:s22], [sflag:$0x3] =	stream.indirect.gather [hbm4b:s11+s19], $0x40, s6, s19, $0xb8;
	[tilespmem:$0x1E000] =	vst v63  }
0xad: {  	_ =	swait.ge [sflag:s25], $0x2000  }
0xae: {  	[sflag:s25] =	ssyncset.done $0x0  }
0xaf: {  	s6 =	sadd.s32 $0x5400, s5;
	[sflag:s25] =	ssyncadd.s32 $0xFFFFE000  }
0xb0: {  	[spmem:s2] =	stream.indirect.scatter.add.f32 [tilespmem:s24], [sflag:$0x9], $0x40, s6, s19, $0xb8;
	[tilespmem:$0x1E000] =	vst v63  }
0xb1: {  	_ =	swait.ge [sflag:s29], $0x2000  }
0xb2: {  	[sflag:s29] =	ssyncset.done $0x0  }
.Ltmp1:
0xb3: {  	s6 =	sadd.s32 $0x680, s5;
	[sflag:s29] =	ssyncadd.s32 $0xFFFFE000;
	(pc) =	sbr.rel @p0 .LBB2_4-.Ltmp1, $4  }
0xb4: {  	[tilespmem:s24], [sflag:$0x4] =	stream.indirect.gather [hbm4b:s11+s19], $0x40, s6, s19, $0xb8;
	[tilespmem:$0x1E000] =	vst v63  }
0xb5: {  	_ =	swait.ge [sflag:s21], $0x2000  }
0xb6: {  	[sflag:s21] =	ssyncset.done $0x0  }
0xb7: {  	s5 =	sadd.s32 $0x5480, s5;
	[sflag:s21] =	ssyncadd.s32 $0xFFFFE000  }
0xb8: {  	[spmem:s2] =	stream.indirect.scatter.add.f32 [tilespmem:s26], [sflag:$0xA], $0x40, s5, s19, $0xb8;
	[tilespmem:$0x1E000] =	vst v63  }
0xb9: {  	_ =	swait.ge [sflag:s28], $0x2000  }
0xba: {  	[sflag:s28] =	ssyncset.done $0x0  }
0xbb: {  	s6 =	simm.s32 $0x4F80;
	[sflag:s28] =	ssyncadd.s32 $0xFFFFE000  }
0xbc: {  	[tilespmem:s26], [sflag:$0x5] =	stream.indirect.gather [hbm4b:s11+s19], $0x40, s6, s19, $0xb8;
	[tilespmem:$0x1E000] =	vst v63  }
0xbd: {  	_ =	swait.ge [sflag:s17], $0x2000  }
0xbe: {  	s5 =	sshra.s32 s23, $0x2;
	[sflag:s17] =	ssyncset.done $0x0  }
0xbf: {  	s6 =	sadd.s32 $0x5280, s5;
	[sflag:s17] =	ssyncadd.s32 $0xFFFFE000  }
0xc0: {  	[spmem:s2] =	stream.indirect.scatter.add.f32 [tilespmem:s14], [sflag:$0x6], $0x40, s6, s19, $0xb8;
	[tilespmem:$0x1E000] =	vst v63  }
0xc1: {  	_ =	swait.ge [sflag:s16], $0x2000  }
0xc2: {  	[sflag:s16] =	ssyncset.done $0x0  }
0xc3: {  	[sflag:s16] =	ssyncadd.s32 $0xFFFFE000  }
0xc4: {  	_ =	swait.ge [sflag:s18], $0x2000  }
0xc5: {  	[sflag:s18] =	ssyncset.done $0x0  }
0xc6: {  	s23 =	sadd.s32 $0x5300, s5;
	[sflag:s18] =	ssyncadd.s32 $0xFFFFE000  }
0xc7: {  	[spmem:s2] =	stream.indirect.scatter.add.f32 [tilespmem:s20], [sflag:$0x7], $0x40, s23, s19, $0xb8;
	[tilespmem:$0x1E000] =	vst v63  }
0xc8: {  	_ =	swait.ge [sflag:s30], $0x2000  }
0xc9: {  	[sflag:s30] =	ssyncset.done $0x0  }
0xca: {  	[sflag:s30] =	ssyncadd.s32 $0xFFFFE000  }
0xcb: {  	_ =	swait.ge [sflag:s1], $0x2000  }
0xcc: {  	[sflag:s1] =	ssyncset.done $0x0  }
0xcd: {  	s23 =	sadd.s32 $0x5380, s5;
	[sflag:s1] =	ssyncadd.s32 $0xFFFFE000  }
0xce: {  	[spmem:s2] =	stream.indirect.scatter.add.f32 [tilespmem:s22], [sflag:$0x8], $0x40, s23, s19, $0xb8;
	[tilespmem:$0x1E000] =	vst v63  }
0xcf: {  	_ =	swait.ge [sflag:s0], $0x2000  }
0xd0: {  	[sflag:s0] =	ssyncset.done $0x0  }
0xd1: {  	[sflag:s0] =	ssyncadd.s32 $0xFFFFE000  }
0xd2: {  	_ =	swait.ge [sflag:s25], $0x2000  }
0xd3: {  	[sflag:s25] =	ssyncset.done $0x0  }
0xd4: {  	s5 =	sadd.s32 $0x5400, s5;
	[sflag:s25] =	ssyncadd.s32 $0xFFFFE000  }
0xd5: {  	[spmem:s2] =	stream.indirect.scatter.add.f32 [tilespmem:s24], [sflag:$0x9], $0x40, s5, s19, $0xb8;
	[tilespmem:$0x1E000] =	vst v63  }
0xd6: {  	_ =	swait.ge [sflag:s29], $0x2000  }
0xd7: {  	[sflag:s29] =	ssyncset.done $0x0  }
0xd8: {  	[sflag:s29] =	ssyncadd.s32 $0xFFFFE000  }
0xd9: {  	_ =	swait.ge [sflag:s21], $0x2000  }
0xda: {  	[sflag:s21] =	ssyncset.done $0x0  }
0xdb: {  	s23 =	simm.s32 $0x9F80;
	[sflag:s21] =	ssyncadd.s32 $0xFFFFE000  }
0xdc: {  	[spmem:s2] =	stream.indirect.scatter.add.f32 [tilespmem:s26], [sflag:$0xA], $0x40, s23, s19, $0xb8;
	[tilespmem:$0x1E000] =	vst v63  }
0xdd: {  	s6 =	stileid.u32;
	_ =	swait.ge [sflag:s28], $0x2000  }
0xde: {  	s3 =	sadd.s32 $0x1, s3;
	s5 =	sshll.u32 s6, $0x6;
	[sflag:s28] =	ssyncset.done $0x0  }
0xdf: {  	p0 =	sne.s32 s3, s13;
	s5 =	sor.u32 $0x1C0B, s5;
	[sflag:s28] =	ssyncadd.s32 $0xFFFFE000  }
.Ltmp2:
0xe0: {  	s23 =	sshrl.u32 s4, $0x3;
	[bflag:$0x0] =	sbarrier.arrive $0xFFFF;
	(pc) =	sbr.rel @p0 .LBB2_1-.Ltmp2, $4  }
0xe1: {  	[hbm:s12], [sflag:s5] =	dma.local [spmem:s23], $0x1400  }
0xe2: {  	_ =	swait.ge [sflag:s31], $0x1400  }
0xe3: {  	[sflag:s31] =	ssyncset.done $0x0  }
0xe4: {  	[sflag:s31] =	ssyncadd.s32 $0xFFFFEC00  }
0xe5: {  	_ =	sfence.sel $0x180000  }
0xe6: {  	[bflag:$0x0] =	sbarrier.arrive $0xFFFF  }
0xe7: {  	_ =	strace $0x90000050  }
0xe8: {  	s0 =	stileid.u32;
	[bflag:$0x2] =	sbarrier.arrive $0xFFFF  }
0xe9: {  	p0 =	sne.s32 s0, $0x0;
	s0 =	rddreg [dreg:$0x2]  }
0xea: {  	s0 =	sadd.s32 @!p0 $0x100000, s0  }
0xeb: {  	[sflag:s0] =	ssyncadd.tile.s32 @!p0 $0x1;
	_ =	shalt  }
.Lfunc_end2:
_tile_overlayer_lowered:
.L_overlay_start_2:
0xec: {  	(tag) =	ssettag $0x2  }
0xed: {  	s0 =	rddreg [dreg:$0x0];
	s2 =	stileid.u32  }
0xee: {  	s1 =	rddreg [dreg:$0x1];
	p0 =	sne.s32 s2, $0x0  }
0xef: {  	s3 =	rddreg [dreg:$0x2];
	[bflag:$0x3] =	sbarrier.arrive $0xFFFF;
	s2 =	simm.s32 @!p0 $0x1C0B  }
0xf0: {  	[timem:s3], [sflag:s2] =	dma.local @!p0 [hbm:s0], s1  }
0xf1: {  	s0 =	simm.s32 @!p0 $0xB  }
0xf2: {  	_ =	swait.ge @!p0 [sflag:s0], s1  }
0xf3: {  	s1 =	ssub.s32 @!p0 $0x0, s1;
	[sflag:s0] =	ssyncset.done @!p0 $0x0  }
0xf4: {  	[sflag:s0] =	ssyncadd.s32 @!p0 s1  }
0xf5: {  	[bflag:$0x3] =	sbarrier.arrive $0xFFFF  }
0xf6: {  	_ =	shalt  }

// kernel: kernel.24.cloned.1.call-start
scs
__scs_entry_jumppad:
0x0: {  	(pc) =	sbr.rel $0x88, $3  }
0x1: {  	(tag) =	ssettag $0x0;
	lr =	simm.s32 $0x1  }
0x2: {  	[smem:$0x3F98] =	sst lr;
	_ =	strace $0xD0000000  }
0x3: {  	_ = 	snop  }
0x4: {  	_ = 	snop  }
0x5: {  	_ = 	snop  }
0x6: {  	_ = 	snop  }
0x7: {  	_ = 	snop  }
__scs_overlays_trampoline_lowered:
0x8: {  	[smem:$0x3FA7] =	sst s0  }
0x9: {  	[smem:$0x3FA8] =	sst s1  }
0xa: {  	[smem:$0x3FA9] =	sst s2  }
0xb: {  	[smem:$0x3FAA] =	sst s3  }
0xc: {  	[smem:$0x3FAB] =	sst s4  }
0xd: {  	[smem:$0x3FAC] =	sst s5  }
0xe: {  	[smem:$0x3FAD] =	sst s6  }
0xf: {  	[smem:$0x3FAE] =	sst s7  }
0x10: {  	[smem:$0x3FAF] =	sst s8  }
0x11: {  	[smem:$0x3FB0] =	sst s9;
	s0 =	simm.s32 @!p0 $0x0  }
0x12: {  	s1 =	sld [smem:$0x3F96];
	s0 =	simm.s32 @p0 $0x1  }
0x13: {  	[smem:$0x3FB1] =	sst s0;
	s0 =	simm.s32 @!p1 $0x0  }
0x14: {  	s2 =	sld [smem:$0x3F95];
	s0 =	simm.s32 @p1 $0x1  }
0x15: {  	[smem:$0x3FB2] =	sst s0;
	s0 =	simm.s32 @!p2 $0x0  }
0x16: {  	s3 =	sld [smem:$0x3FDB];
	s0 =	simm.s32 @p2 $0x1  }
0x17: {  	s4 =	simm.s32 $0x1BF5;
	[smem:$0x3FB4] =	sst s0  }
0x18: {  	s0 =	sld [smem:$0x3F97];
	_ =	swait.ge [sflag:s4], $0x0  }
0x19: {  	s7 =	sld [smem:$0x3F98]  }
0x1a: {  	s8 =	sadd.s32 $0xFFFFE003, lr  }
0x1b: {  	s9 =	sadd.s32 $0xFFFFFEF7, lr;
	s5 =	simm.s32 $0xFFFFFFFF;
	p2 =	slt.u32 s8, $0xFFFFF086  }
0x1c: {  	p1 =	slt.u32 s9, $0xF7A;
	s5 =	simm.s32 @!p2 $0x0  }
0x1d: {  	s5 =	simm.s32 @p1 $0x1;
	p0 =	seq.s32 s7, s2  }
0x1e: {  	s7 =	smul.u32 @!p0 $0xF7A, s2;
	p2 =	seq.s32 @!p0 s5, $0x0  }
0x1f: {  	s9 =	smul.u32 $0xF7A, s1;
	s8 =	simm.s32 @!p0 $0x1BF5;
	p2 =	por !p2, p0  }
0x20: {  	[sflag:s8] =	ssyncset.s32 @!p0 $0xFFFFF086;
	s6 =	sadd.s32 @!p0 s3, s7;
	s7 =	simm.s32 @!p0 $0x108  }
0x21: {  	s3 =	sadd.s32 s3, s9;
	s6 =	sadd.s32 @!p0 $0x88, s6;
	s7 =	simm.s32 @p2 $0x1082  }
0x22: {  	[simem:s7], [sflag:s8] =	dma.local @!p0 [hbm:s6], $0xF7A  }
0x23: {  	s9 =	sor.u32 $0xD0000000, s2;
	s6 =	simm.s32 $0x108;
	_ =	swait.ge @!p0 [sflag:s8], $0x0  }
0x24: {  	s3 =	sadd.s32 $0x88, s3;
	s6 =	simm.s32 @!p1 $0x1082;
	[sflag:s4] =	ssyncset.s32 $0xFFFFF086  }
0x25: {  	[simem:s6], [sflag:s4] =	dma.local [hbm:s3], $0xF7A  }
0x26: {  	[smem:$0x3F98] =	sst s1;
	(tag) =	ssettag s2;
	_ =	strace s9  }
0x27: {  	s1 =	sld [smem:$0x3FA8]  }
0x28: {  	s2 =	sld [smem:$0x3FA9]  }
0x29: {  	s4 =	sld [smem:$0x3FAB]  }
0x2a: {  	p0 =	seq.s32 s5, $0x0;
	s5 =	sld [smem:$0x3FAC]  }
0x2b: {  	s6 =	sld [smem:$0x3FAD]  }
0x2c: {  	s7 =	sld [smem:$0x3FAE]  }
0x2d: {  	s3 =	simm.s32 $0x108;
	s8 =	sld [smem:$0x3FAF]  }
0x2e: {  	s3 =	simm.s32 @!p0 $0x1082;
	s9 =	sld [smem:$0x3FB0]  }
0x2f: {  	lr =	sadd.s32 s0, s3;
	s0 =	sld [smem:$0x3FA7]  }
0x30: {  	s3 =	sld [smem:$0x3FAA]  }
0x31: {  	[smem:$0x3FB3] =	sst s10  }
0x32: {  	s10 =	sld [smem:$0x3FB1];
	_ =	sdelay $0x3  }
0x33: {  	p0 =	seq.s32 s10, $0x1;
	s10 =	sld [smem:$0x3FB3];
	_ =	sdelay $0x3  }
0x34: {  	[smem:$0x3FB3] =	sst s10  }
0x35: {  	s10 =	sld [smem:$0x3FB2];
	_ =	sdelay $0x3  }
0x36: {  	p1 =	seq.s32 s10, $0x1;
	s10 =	sld [smem:$0x3FB3];
	_ =	sdelay $0x3  }
0x37: {  	[smem:$0x3FB3] =	sst s10  }
0x38: {  	s10 =	sld [smem:$0x3FB4]  }
0x39: {  	_ = 	snop;
	(pc) =	sbr.ind lr, $3  }
0x3a: {  	_ = 	snop  }
0x3b: {  	_ = 	snop  }
0x3c: {  	p2 =	seq.s32 s10, $0x1;
	s10 =	sld [smem:$0x3FB3]  }
0x3d: {  	_ =	shalt  }
0x3e: {  	_ =	shalt  }
0x3f: {  	_ =	shalt  }
0x40: {  	_ =	shalt  }
0x41: {  	_ =	shalt  }
0x42: {  	_ =	shalt  }
0x43: {  	_ =	shalt  }
0x44: {  	_ =	shalt  }
0x45: {  	_ =	shalt  }
0x46: {  	_ =	shalt  }
0x47: {  	_ =	shalt  }
0x48: {  	_ =	shalt  }
0x49: {  	_ =	shalt  }
0x4a: {  	_ =	shalt  }
0x4b: {  	_ =	shalt  }
0x4c: {  	_ =	shalt  }
0x4d: {  	_ =	shalt  }
0x4e: {  	_ =	shalt  }
0x4f: {  	_ =	shalt  }
0x50: {  	_ =	shalt  }
0x51: {  	_ =	shalt  }
0x52: {  	_ =	shalt  }
0x53: {  	_ =	shalt  }
0x54: {  	_ =	shalt  }
0x55: {  	_ =	shalt  }
0x56: {  	_ =	shalt  }
0x57: {  	_ =	shalt  }
0x58: {  	_ =	shalt  }
0x59: {  	_ =	shalt  }
0x5a: {  	_ =	shalt  }
0x5b: {  	_ =	shalt  }
0x5c: {  	_ =	shalt  }
0x5d: {  	_ =	shalt  }
0x5e: {  	_ =	shalt  }
0x5f: {  	_ =	shalt  }
0x60: {  	_ =	shalt  }
0x61: {  	_ =	shalt  }
0x62: {  	_ =	shalt  }
0x63: {  	_ =	shalt  }
0x64: {  	_ =	shalt  }
0x65: {  	_ =	shalt  }
0x66: {  	_ =	shalt  }
0x67: {  	_ =	shalt  }
0x68: {  	_ =	shalt  }
0x69: {  	_ =	shalt  }
0x6a: {  	_ =	shalt  }
0x6b: {  	_ =	shalt  }
0x6c: {  	_ =	shalt  }
0x6d: {  	_ =	shalt  }
0x6e: {  	_ =	shalt  }
0x6f: {  	_ =	shalt  }
0x70: {  	_ =	shalt  }
0x71: {  	_ =	shalt  }
0x72: {  	_ =	shalt  }
0x73: {  	_ =	shalt  }
0x74: {  	_ =	shalt  }
0x75: {  	_ =	shalt  }
0x76: {  	_ =	shalt  }
0x77: {  	_ =	shalt  }
0x78: {  	_ =	shalt  }
0x79: {  	_ =	shalt  }
0x7a: {  	_ =	shalt  }
0x7b: {  	_ =	shalt  }
0x7c: {  	_ =	shalt  }
0x7d: {  	_ =	shalt  }
0x7e: {  	_ =	shalt  }
0x7f: {  	_ =	shalt  }
0x80: {  	_ =	shalt  }
0x81: {  	_ =	shalt  }
0x82: {  	_ =	shalt  }
0x83: {  	_ =	shalt  }
0x84: {  	_ =	shalt  }
0x85: {  	_ =	shalt  }
0x86: {  	_ =	shalt  }
0x87: {  	_ =	shalt  }
.Lfunc_end0:
.L_simem_size_0:
called_computation.4_lowered:
.L_overlay_start_0:
0x88: {  	s2 =	sld [smem:$0x3FD9]  }
0x89: {  	s3 =	sld [smem:$0x3FFE];
	_ =	sdelay $0x1  }
0x8a: {  	s1 =	srdreg.scid  }
0x8b: {  	s0 =	sand.u32 $0x1, s1  }
0x8c: {  	s16 =	sshll.u32 s0, $0xA;
	s2 =	sadd.s32 s3, s2  }
0x8d: {  	s2 =	sadd.s32 s2, s16  }
0x8e: {  	[smem:$0x3FBF] =	sst s2  }
0x8f: {  	_ = 	snop  }
0x90: {  	(tm) =	ssettm $0x1  }
0x91: {  	s17 =	sld [smem:$0x3FFB];
	_ =	sdelay $0x3  }
0x92: {  	_ =	strace s17  }
0x93: {  	s2 =	sld [smem:$0x3FFC];
	_ =	sdelay $0x3  }
0x94: {  	_ =	strace s2  }
0x95: {  	s2 =	sld [smem:$0x3FFD];
	_ =	sdelay $0x3  }
0x96: {  	_ =	strace s2  }
0x97: {  	_ =	strace $0x8FFFFFFF  }
0x98: {  	s18 =	sld [smem:$0x3FDB];
	_ =	sdelay $0x1  }
0x99: {  	s19 =	simm.s32 $_scs_section_size  }
0x9a: {  	s4 =	simm.s32 $_size__tile_overlayer_lowered;
	s5 =	simm.s32 $_tile_overlayer_lowered  }
0x9b: {  	s22 =	simm.s32 $0x1BFF;
	s21 =	sshll.u32 s5, $0x1;
	s2 =	sadd.s32 s19, s18  }
0x9c: {  	s6 =	simm.s32 $0x0;
	s20 =	sshll.u32 s4, $0x1;
	s4 =	sadd.s32 s21, s2  }
0x9d: {  	[timem:s6], [sflag:s22] =	dma.local [hbm:s4], s20  }
0x9e: {  	_ =	swait.ge [sflag:s22], s20  }
0x9f: {  	s3 =	ssub.s32 $0x0, s20;
	[sflag:s22] =	ssyncset.done $0x0  }
0xa0: {  	[sflag:s22] =	ssyncadd.s32 s3;
	_ =	sdelay $0x1  }
0xa1: {  	s23 =	simm.s32 $0x1B8B  }
0xa2: {  	_ =	swait.ge [sflag:s23], $0x1  }
0xa3: {  	[sflag:s23] =	ssyncset.done $0x0  }
0xa4: {  	s25 =	simm.s32 $0x1B8E;
	s24 =	sld [smem:$0x3FFE];
	[sflag:s23] =	ssyncadd.s32 $0xFFFFFFFF  }
0xa5: {  	s26 =	simm.s32 $execute0_lowered;
	[smem:$0x3FD2] =	sst s25  }
0xa6: {  	s4 =	sshll.u32 s26, $0x1;
	_ =	strace $0x80000052;
	[dreg:$0x1] =	wrdreg $0xFFFFFFFF  }
0xa7: {  	s28 =	simm.s32 $_size_execute0_lowered;
	s2 =	sadd.s32 s2, s4;
	[dreg:$0x0] =	wrdreg $0x0  }
0xa8: {  	s4 =	sshll.u32 s28, $0x1;
	[dreg:$0x2] =	wrdreg s2  }
0xa9: {  	[dreg:$0x3] =	wrdreg s4  }
0xaa: {  	[dreg:$0x4] =	wrdreg $0xC0  }
0xab: {  	_ =	task [dreg:s6], $0x5FFFF  }
0xac: {  	[dreg:$0x1] =	wrdreg $0xFFFFFFFF  }
0xad: {  	[dreg:$0x0] =	wrdreg $0x60  }
0xae: {  	[dreg:$0x2] =	wrdreg s24  }
0xaf: {  	[dreg:$0x3] =	wrdreg $0x140000  }
0xb0: {  	[dreg:$0x4] =	wrdreg $0x9  }
0xb1: {  	_ =	task.clear_ibuf [dreg:s6], $0x5FFFF;
	_ =	strace $0x90000052  }
0xb2: {  	s29 =	simm.s32 $0x9;
	_ =	strace $0x80000054  }
0xb3: {  	_ =	swait.ge [sflag:s29], $0x1  }
0xb4: {  	[sflag:s29] =	ssyncadd.s32 $0xFFFFFFFF  }
0xb5: {  	_ =	strace $0x90000054  }
0xb6: {  	_ =	sfence  }
0xb7: {  	s30 =	sld [smem:$0x0];
	_ =	sdelay $0x2  }
0xb8: {  	s31 =	sshll.u32 s1, $0xD;
	s1 =	sshrl.u32 s1, $0x2  }
0xb9: {  	s3 =	sand.u32 $0x4000, s31;
	s1 =	sadd.s32 s1, s30  }
0xba: {  	s0 =	sor.u32 s3, s0;
	s1 =	sshll.u32 s1, $0x11  }
0xbb: {  	s0 =	sor.u32 s1, s0  }
0xbc: {  	s0 =	sadd.s32 $0x8F2B, s0  }
0xbd: {  	[sflag:s0] =	ssyncadd.remote.s32 $0x1  }
0xbe: {  	_ =	sfence.sel $0xFFFF  }
0xbf: {  	[dreg:$0x0] =	wrdreg $0xFFFFFFFF;
	(pc) =	sbr.abs _section_cstart, $3  }
0xc0: {  	[dreg:$0x1] =	wrdreg $0xFFFFFFFF  }
0xc1: {  	_ =	task.clear_ibuf [dreg:s6], $0x2FFFF;
	_ =	strace $0x9FFFFFFF  }
0xc2: {  	(tm) =	ssettm $0x7FFFFFFF  }
0xc3: {  	_ =	shalt  }
tec
execute0_lowered:
.L_overlay_start_1:
0x0: {  	(tag) =	ssettag $0x1  }
0x1: {  	s0 =	srdreg.scid;
	s1 =	rddreg [dreg:$0x0]  }
0x2: {  	s8 =	stileid.u32;
	s2 =	rddreg [dreg:$0x1];
	s3 =	simm.s32 $0x0  }
0x3: {  	s14 =	simm.s32 $0xA000;
	s15 =	simm.s32 $0x5000;
	s16 =	simm.s32 $0x6  }
0x4: {  	s17 =	simm.s32 $0x1;
	s18 =	simm.s32 $0x2;
	s19 =	simm.s32 $0x80  }
0x5: {  	s20 =	simm.s32 $0xC000;
	s30 =	simm.s32 $0x7;
	s5 =	smul.u32 $0xA00, s8  }
0x6: {  	s29 =	simm.s32 $0x9;
	s21 =	simm.s32 $0x5;
	s6 =	smul.u32 $0xA000, s8  }
0x7: {  	s28 =	simm.s32 $0xA;
	s0 =	sand.u32 $0x1, s0;
	s8 =	smul.u32 $0x28000, s8  }
0x8: {  	s31 =	simm.s32 $0xB;
	[smem:$0x7FF] =	sst s3;
	s4 =	smul.u32 $0x13880, s0  }
0x9: {  	s7 =	smul.u32 $0xA0000, s0;
	_ =	strace $0x80000053;
	s0 =	ssub.s32 $0x2, s0  }
0xa: {  	s5 =	sadd.s32 s5, s1;
	s23 =	sshrl.u32 s8, $0x2;
	s24 =	sshrl.u32 s0, $0x1  }
0xb: {  	s11 =	sadd.s32 s4, s1;
	s22 =	sadd.s32 s6, s7;
	s8 =	sadd.s32 s23, s2  }
0xc: {  	s0 =	ssub.s32 s0, s24;
	s9 =	sadd.s32 $0x17200, s5;
	s10 =	sadd.s32 $0xD200, s5  }
0xd: {  	s24 =	simm.s32 $0x10000;
	s4 =	sshrl.u32 s22, $0x3;
	s25 =	sadd.s32 $0x2000, s8  }
0xe: {  	s26 =	sadd.s32 $0x4000, s8;
	s7 =	sadd.s32 $0x6000, s8;
	s8 =	sadd.s32 $0x8000, s8  }
0xf: {  	s11 =	sadd.s32 $0x21200, s11;
	s13 =	smax.u32 s0, $0x1;
	s22 =	simm.s32 $0xE000  }
0x10: {  	s0 =	simm.s32 $0x8;
	s1 =	sadd.s32 s4, s1;
	[dreg:$0x3] =	wrdreg s25  }
0x11: {  	s4 =	sadd.s32 s6, s2;
	[dreg:$0x4] =	wrdreg s26;
	s26 =	simm.s32 $0x12000  }
0x12: {  	v0 =	vimm.f32 $0.0e+00;
	s25 =	simm.s32 $0x4;
	s12 =	sadd.s32 $0x48400, s1;
	s1 =	simm.s32 $0x3  }
.LBB2_1:
0x13: {  	s5 =	simm.s32 $0x1;
	[tilespmem:s14+$0x0] =	vst v0;
	s23 =	simm.s32 $0xA000  }
.LBB2_2:
0x14: {  	p0 =	sne.s32 s5, $0x1FF  }
.Ltmp0:
0x15: {  	_ = 	snop;
	(pc) =	sbr.rel @p0 .LBB2_2-.Ltmp0, $3  }
0x16: {  	_ =	sdelay $0x1  }
0x17: {  	s5 =	sadd.s32 $0x1, s5;
	s23 =	sadd.s32 $0x10, s23  }
0x18: {  	[tilespmem:s23+$0x0] =	vst v0  }
0x19: {  	[spmem:s4] =	stream.linear.scatter [tilespmem:s14], [sflag:$0x6], $0x2000, $0x38;
	[tilespmem:$0x1E000] =	vst v63  }
0x1a: {  	s5 =	rddreg [dreg:$0x3]  }
0x1b: {  	[spmem:s5] =	stream.linear.scatter [tilespmem:s14], [sflag:$0x6], $0x2000, $0x38;
	[tilespmem:$0x1E000] =	vst v63  }
0x1c: {  	s6 =	rddreg [dreg:$0x4]  }
0x1d: {  	[spmem:s6] =	stream.linear.scatter [tilespmem:s14], [sflag:$0x6], $0x2000, $0x38;
	[tilespmem:$0x1E000] =	vst v63  }
0x1e: {  	_ = 	snop  }
0x1f: {  	[spmem:s7] =	stream.linear.scatter [tilespmem:s14], [sflag:$0x6], $0x2000, $0x38;
	[tilespmem:$0x1E000] =	vst v63  }
0x20: {  	_ = 	snop  }
0x21: {  	[spmem:s8] =	stream.linear.scatter [tilespmem:s14], [sflag:$0x6], $0x2000, $0x38;
	[tilespmem:$0x1E000] =	vst v63  }
0x22: {  	s23 =	simm.s32 $0x0  }
0x23: {  	[tilespmem:s23], [sflag:$0x1] =	stream.linear.gather [hbm4b:s9+s23], $0x5000, $0x38;
	[tilespmem:$0x1E000] =	vst v63  }
0x24: {  	_ = 	snop  }
0x25: {  	[tilespmem:s15], [sflag:$0x2] =	stream.linear.gather [hbm4b:s10+s23], $0x5000, $0x38;
	[tilespmem:$0x1E000] =	vst v63  }
0x26: {  	_ =	swait.ge [sflag:s16], $0x2000  }
0x27: {  	[sflag:s16] =	ssyncset.done $0x0  }
0x28: {  	[sflag:s16] =	ssyncadd.s32 $0xFFFFE000  }
0x29: {  	_ =	swait.ge [sflag:s16], $0x2000  }
0x2a: {  	[sflag:s16] =	ssyncset.done $0x0  }
0x2b: {  	[sflag:s16] =	ssyncadd.s32 $0xFFFFE000  }
0x2c: {  	_ =	swait.ge [sflag:s16], $0x2000  }
0x2d: {  	[sflag:s16] =	ssyncset.done $0x0  }
0x2e: {  	[sflag:s16] =	ssyncadd.s32 $0xFFFFE000  }
0x2f: {  	_ =	swait.ge [sflag:s16], $0x2000  }
0x30: {  	[sflag:s16] =	ssyncset.done $0x0  }
0x31: {  	[sflag:s16] =	ssyncadd.s32 $0xFFFFE000  }
0x32: {  	_ =	swait.ge [sflag:s16], $0x2000  }
0x33: {  	[sflag:s16] =	ssyncset.done $0x0  }
0x34: {  	[sflag:s16] =	ssyncadd.s32 $0xFFFFE000  }
0x35: {  	_ =	swait.ge [sflag:s17], $0x5000  }
0x36: {  	[sflag:s17] =	ssyncset.done $0x0  }
0x37: {  	[sflag:s17] =	ssyncadd.s32 $0xFFFFB000  }
0x38: {  	_ =	swait.ge [sflag:s18], $0x5000  }
0x39: {  	[sflag:s18] =	ssyncset.done $0x0  }
0x3a: {  	[sflag:s18] =	ssyncadd.s32 $0xFFFFB000  }
0x3b: {  	[bflag:$0x0] =	sbarrier.arrive $0xFFFF  }
0x3c: {  	[tilespmem:s14], [sflag:$0x1] =	stream.indirect.gather [hbm4b:s11+s19], $0x40, s23, s19, $0xb8;
	[tilespmem:$0x1E000] =	vst v63  }
0x3d: {  	_ = 	snop  }
0x3e: {  	[tilespmem:s20], [sflag:$0x2] =	stream.indirect.gather [hbm4b:s11+s19], $0x40, s19, s19, $0xb8;
	[tilespmem:$0x1E000] =	vst v63  }
0x3f: {  	s6 =	simm.s32 $0x100  }
0x40: {  	[tilespmem:s22], [sflag:$0x3] =	stream.indirect.gather [hbm4b:s11+s19], $0x40, s6, s19, $0xb8;
	[tilespmem:$0x1E000] =	vst v63  }
0x41: {  	s23 =	simm.s32 $0x180  }
0x42: {  	[tilespmem:s24], [sflag:$0x4] =	stream.indirect.gather [hbm4b:s11+s19], $0x40, s23, s19, $0xb8;
	[tilespmem:$0x1E000] =	vst v63  }
0x43: {  	s6 =	simm.s32 $0x200  }
0x44: {  	[tilespmem:s26], [sflag:$0x5] =	stream.indirect.gather [hbm4b:s11+s19], $0x40, s6, s19, $0xb8;
	[tilespmem:$0x1E000] =	vst v63  }
0x45: {  	_ =	swait.ge [sflag:s17], $0x2000  }
0x46: {  	[sflag:s17] =	ssyncset.done $0x0  }
0x47: {  	[sflag:s17] =	ssyncadd.s32 $0xFFFFE000  }
0x48: {  	[spmem:s2] =	stream.indirect.scatter.add.f32 [tilespmem:s14], [sflag:$0x6], $0x40, s15, s19, $0xb8;
	[tilespmem:$0x1E000] =	vst v63  }
0x49: {  	_ =	swait.ge [sflag:s16], $0x2000  }
0x4a: {  	[sflag:s16] =	ssyncset.done $0x0  }
0x4b: {  	s23 =	simm.s32 $0x280;
	[sflag:s16] =	ssyncadd.s32 $0xFFFFE000  }
0x4c: {  	[tilespmem:s14], [sflag:$0x1] =	stream.indirect.gather [hbm4b:s11+s19], $0x40, s23, s19, $0xb8;
	[tilespmem:$0x1E000] =	vst v63  }
0x4d: {  	_ =	swait.ge [sflag:s18], $0x2000  }
0x4e: {  	[sflag:s18] =	ssyncset.done $0x0  }
0x4f: {  	s6 =	simm.s32 $0x5080;
	[sflag:s18] =	ssyncadd.s32 $0xFFFFE000  }
0x50: {  	[spmem:s2] =	stream.indirect.scatter.add.f32 [tilespmem:s20], [sflag:$0x7], $0x40, s6, s19, $0xb8;
	[tilespmem:$0x1E000] =	vst v63  }
0x51: {  	_ =	swait.ge [sflag:s30], $0x2000  }
0x52: {  	[sflag:s30] =	ssyncset.done $0x0  }
0x53: {  	s23 =	simm.s32 $0x300;
	[sflag:s30] =	ssyncadd.s32 $0xFFFFE000  }
0x54: {  	[tilespmem:s20], [sflag:$0x2] =	stream.indirect.gather [hbm4b:s11+s19], $0x40, s23, s19, $0xb8;
	[tilespmem:$0x1E000] =	vst v63  }
0x55: {  	_ =	swait.ge [sflag:s1], $0x2000  }
0x56: {  	[sflag:s1] =	ssyncset.done $0x0  }
0x57: {  	s6 =	simm.s32 $0x5100;
	[sflag:s1] =	ssyncadd.s32 $0xFFFFE000  }
0x58: {  	[spmem:s2] =	stream.indirect.scatter.add.f32 [tilespmem:s22], [sflag:$0x8], $0x40, s6, s19, $0xb8;
	[tilespmem:$0x1E000] =	vst v63  }
0x59: {  	_ =	swait.ge [sflag:s0], $0x2000  }
0x5a: {  	[sflag:s0] =	ssyncset.done $0x0  }
0x5b: {  	s23 =	simm.s32 $0x380;
	[sflag:s0] =	ssyncadd.s32 $0xFFFFE000  }
0x5c: {  	[tilespmem:s22], [sflag:$0x3] =	stream.indirect.gather [hbm4b:s11+s19], $0x40, s23, s19, $0xb8;
	[tilespmem:$0x1E000] =	vst v63  }
0x5d: {  	_ =	swait.ge [sflag:s25], $0x2000  }
0x5e: {  	[sflag:s25] =	ssyncset.done $0x0  }
0x5f: {  	s6 =	simm.s32 $0x5180;
	[sflag:s25] =	ssyncadd.s32 $0xFFFFE000  }
0x60: {  	[spmem:s2] =	stream.indirect.scatter.add.f32 [tilespmem:s24], [sflag:$0x9], $0x40, s6, s19, $0xb8;
	[tilespmem:$0x1E000] =	vst v63  }
0x61: {  	_ =	swait.ge [sflag:s29], $0x2000  }
0x62: {  	[sflag:s29] =	ssyncset.done $0x0  }
0x63: {  	s23 =	simm.s32 $0x400;
	[sflag:s29] =	ssyncadd.s32 $0xFFFFE000  }
0x64: {  	[tilespmem:s24], [sflag:$0x4] =	stream.indirect.gather [hbm4b:s11+s19], $0x40, s23, s19, $0xb8;
	[tilespmem:$0x1E000] =	vst v63  }
0x65: {  	_ =	swait.ge [sflag:s21], $0x2000  }
0x66: {  	[sflag:s21] =	ssyncset.done $0x0  }
0x67: {  	s6 =	simm.s32 $0x5200;
	[sflag:s21] =	ssyncadd.s32 $0xFFFFE000  }
0x68: {  	[spmem:s2] =	stream.indirect.scatter.add.f32 [tilespmem:s26], [sflag:$0xA], $0x40, s6, s19, $0xb8;
	[tilespmem:$0x1E000] =	vst v63  }
0x69: {  	_ =	swait.ge [sflag:s28], $0x2000  }
0x6a: {  	[sflag:s28] =	ssyncset.done $0x0  }
0x6b: {  	s23 =	simm.s32 $0x480;
	[sflag:s28] =	ssyncadd.s32 $0xFFFFE000  }
0x6c: {  	[tilespmem:s26], [sflag:$0x5] =	stream.indirect.gather [hbm4b:s11+s19], $0x40, s23, s19, $0xb8;
	[tilespmem:$0x1E000] =	vst v63  }
0x6d: {  	_ =	swait.ge [sflag:s17], $0x2000  }
0x6e: {  	[sflag:s17] =	ssyncset.done $0x0  }
0x6f: {  	s6 =	simm.s32 $0x5280;
	[sflag:s17] =	ssyncadd.s32 $0xFFFFE000  }
0x70: {  	[spmem:s2] =	stream.indirect.scatter.add.f32 [tilespmem:s14], [sflag:$0x6], $0x40, s6, s19, $0xb8;
	[tilespmem:$0x1E000] =	vst v63  }
0x71: {  	_ =	swait.ge [sflag:s16], $0x2000  }
0x72: {  	[sflag:s16] =	ssyncset.done $0x0  }
0x73: {  	s23 =	simm.s32 $0x500;
	[sflag:s16] =	ssyncadd.s32 $0xFFFFE000  }
0x74: {  	[tilespmem:s14], [sflag:$0x1] =	stream.indirect.gather [hbm4b:s11+s19], $0x40, s23, s19, $0xb8;
	[tilespmem:$0x1E000] =	vst v63  }
0x75: {  	_ =	swait.ge [sflag:s18], $0x2000  }
0x76: {  	[sflag:s18] =	ssyncset.done $0x0  }
0x77: {  	s6 =	simm.s32 $0x5300;
	[sflag:s18] =	ssyncadd.s32 $0xFFFFE000  }
0x78: {  	[spmem:s2] =	stream.indirect.scatter.add.f32 [tilespmem:s20], [sflag:$0x7], $0x40, s6, s19, $0xb8;
	[tilespmem:$0x1E000] =	vst v63  }
0x79: {  	_ =	swait.ge [sflag:s30], $0x2000  }
0x7a: {  	[sflag:s30] =	ssyncset.done $0x0  }
0x7b: {  	s23 =	simm.s32 $0x580;
	[sflag:s30] =	ssyncadd.s32 $0xFFFFE000  }
0x7c: {  	[tilespmem:s20], [sflag:$0x2] =	stream.indirect.gather [hbm4b:s11+s19], $0x40, s23, s19, $0xb8;
	[tilespmem:$0x1E000] =	vst v63  }
0x7d: {  	_ =	swait.ge [sflag:s1], $0x2000  }
0x7e: {  	[sflag:s1] =	ssyncset.done $0x0  }
0x7f: {  	s6 =	simm.s32 $0x5380;
	[sflag:s1] =	ssyncadd.s32 $0xFFFFE000  }
0x80: {  	[spmem:s2] =	stream.indirect.scatter.add.f32 [tilespmem:s22], [sflag:$0x8], $0x40, s6, s19, $0xb8;
	[tilespmem:$0x1E000] =	vst v63  }
0x81: {  	_ =	swait.ge [sflag:s0], $0x2000  }
0x82: {  	[sflag:s0] =	ssyncset.done $0x0  }
0x83: {  	s23 =	simm.s32 $0x600;
	[sflag:s0] =	ssyncadd.s32 $0xFFFFE000  }
0x84: {  	[tilespmem:s22], [sflag:$0x3] =	stream.indirect.gather [hbm4b:s11+s19], $0x40, s23, s19, $0xb8;
	[tilespmem:$0x1E000] =	vst v63  }
0x85: {  	_ =	swait.ge [sflag:s25], $0x2000  }
0x86: {  	[sflag:s25] =	ssyncset.done $0x0  }
0x87: {  	s6 =	simm.s32 $0x5400;
	[sflag:s25] =	ssyncadd.s32 $0xFFFFE000  }
0x88: {  	[spmem:s2] =	stream.indirect.scatter.add.f32 [tilespmem:s24], [sflag:$0x9], $0x40, s6, s19, $0xb8;
	[tilespmem:$0x1E000] =	vst v63  }
0x89: {  	_ =	swait.ge [sflag:s29], $0x2000  }
0x8a: {  	[sflag:s29] =	ssyncset.done $0x0  }
0x8b: {  	s23 =	simm.s32 $0x680;
	[sflag:s29] =	ssyncadd.s32 $0xFFFFE000  }
0x8c: {  	[tilespmem:s24], [sflag:$0x4] =	stream.indirect.gather [hbm4b:s11+s19], $0x40, s23, s19, $0xb8;
	[tilespmem:$0x1E000] =	vst v63  }
0x8d: {  	_ =	swait.ge [sflag:s21], $0x2000  }
0x8e: {  	[sflag:s21] =	ssyncset.done $0x0  }
0x8f: {  	s5 =	simm.s32 $0x5480;
	s23 =	simm.s32 $0xA00;
	[sflag:s21] =	ssyncadd.s32 $0xFFFFE000  }
.LBB2_4:
0x90: {  	[spmem:s2] =	stream.indirect.scatter.add.f32 [tilespmem:s26], [sflag:$0xA], $0x40, s5, s19, $0xb8;
	[tilespmem:$0x1E000] =	vst v63  }
0x91: {  	s5 =	smov.u32 s23;
	s23 =	sadd.s32 $0xA00, s23;
	_ =	swait.ge [sflag:s28], $0x2000  }
0x92: {  	s5 =	sshra.s32 s5, $0x2;
	p0 =	sne.s32 s23, $0x12C00;
	[sflag:s28] =	ssyncset.done $0x0  }
0x93: {  	s6 =	sadd.s32 $0x480, s5;
	[sflag:s28] =	ssyncadd.s32 $0xFFFFE000  }
0x94: {  	[tilespmem:s26], [sflag:$0x5] =	stream.indirect.gather [hbm4b:s11+s19], $0x40, s6, s19, $0xb8;
	[tilespmem:$0x1E000] =	vst v63  }
0x95: {  	_ =	swait.ge [sflag:s17], $0x2000  }
0x96: {  	[sflag:s17] =	ssyncset.done $0x0  }
0x97: {  	s6 =	sadd.s32 $0x5280, s5;
	[sflag:s17] =	ssyncadd.s32 $0xFFFFE000  }
0x98: {  	[spmem:s2] =	stream.indirect.scatter.add.f32 [tilespmem:s14], [sflag:$0x6], $0x40, s6, s19, $0xb8;
	[tilespmem:$0x1E000] =	vst v63  }
0x99: {  	_ =	swait.ge [sflag:s16], $0x2000  }
0x9a: {  	[sflag:s16] =	ssyncset.done $0x0  }
0x9b: {  	s6 =	sadd.s32 $0x500, s5;
	[sflag:s16] =	ssyncadd.s32 $0xFFFFE000  }
0x9c: {  	[tilespmem:s14], [sflag:$0x1] =	stream.indirect.gather [hbm4b:s11+s19], $0x40, s6, s19, $0xb8;
	[tilespmem:$0x1E000] =	vst v63  }
0x9d: {  	_ =	swait.ge [sflag:s18], $0x2000  }
0x9e: {  	[sflag:s18] =	ssyncset.done $0x0  }
0x9f: {  	s6 =	sadd.s32 $0x5300, s5;
	[sflag:s18] =	ssyncadd.s32 $0xFFFFE000  }
0xa0: {  	[spmem:s2] =	stream.indirect.scatter.add.f32 [tilespmem:s20], [sflag:$0x7], $0x40, s6, s19, $0xb8;
	[tilespmem:$0x1E000] =	vst v63  }
0xa1: {  	_ =	swait.ge [sflag:s30], $0x2000  }
0xa2: {  	[sflag:s30] =	ssyncset.done $0x0  }
0xa3: {  	s6 =	sadd.s32 $0x580, s5;
	[sflag:s30] =	ssyncadd.s32 $0xFFFFE000  }
0xa4: {  	[tilespmem:s20], [sflag:$0x2] =	stream.indirect.gather [hbm4b:s11+s19], $0x40, s6, s19, $0xb8;
	[tilespmem:$0x1E000] =	vst v63  }
0xa5: {  	_ =	swait.ge [sflag:s1], $0x2000  }
0xa6: {  	[sflag:s1] =	ssyncset.done $0x0  }
0xa7: {  	s6 =	sadd.s32 $0x5380, s5;
	[sflag:s1] =	ssyncadd.s32 $0xFFFFE000  }
0xa8: {  	[spmem:s2] =	stream.indirect.scatter.add.f32 [tilespmem:s22], [sflag:$0x8], $0x40, s6, s19, $0xb8;
	[tilespmem:$0x1E000] =	vst v63  }
0xa9: {  	_ =	swait.ge [sflag:s0], $0x2000  }
0xaa: {  	[sflag:s0] =	ssyncset.done $0x0  }
0xab: {  	s6 =	sadd.s32 $0x600, s5;
	[sflag:s0] =	ssyncadd.s32 $0xFFFFE000  }
0xac: {  	[tilespmem:s22], [sflag:$0x3] =	stream.indirect.gather [hbm4b:s11+s19], $0x40, s6, s19, $0xb8;
	[tilespmem:$0x1E000] =	vst v63  }
0xad: {  	_ =	swait.ge [sflag:s25], $0x2000  }
0xae: {  	[sflag:s25] =	ssyncset.done $0x0  }
0xaf: {  	s6 =	sadd.s32 $0x5400, s5;
	[sflag:s25] =	ssyncadd.s32 $0xFFFFE000  }
0xb0: {  	[spmem:s2] =	stream.indirect.scatter.add.f32 [tilespmem:s24], [sflag:$0x9], $0x40, s6, s19, $0xb8;
	[tilespmem:$0x1E000] =	vst v63  }
0xb1: {  	_ =	swait.ge [sflag:s29], $0x2000  }
0xb2: {  	[sflag:s29] =	ssyncset.done $0x0  }
.Ltmp1:
0xb3: {  	s6 =	sadd.s32 $0x680, s5;
	[sflag:s29] =	ssyncadd.s32 $0xFFFFE000;
	(pc) =	sbr.rel @p0 .LBB2_4-.Ltmp1, $4  }
0xb4: {  	[tilespmem:s24], [sflag:$0x4] =	stream.indirect.gather [hbm4b:s11+s19], $0x40, s6, s19, $0xb8;
	[tilespmem:$0x1E000] =	vst v63  }
0xb5: {  	_ =	swait.ge [sflag:s21], $0x2000  }
0xb6: {  	[sflag:s21] =	ssyncset.done $0x0  }
0xb7: {  	s5 =	sadd.s32 $0x5480, s5;
	[sflag:s21] =	ssyncadd.s32 $0xFFFFE000  }
0xb8: {  	[spmem:s2] =	stream.indirect.scatter.add.f32 [tilespmem:s26], [sflag:$0xA], $0x40, s5, s19, $0xb8;
	[tilespmem:$0x1E000] =	vst v63  }
0xb9: {  	_ =	swait.ge [sflag:s28], $0x2000  }
0xba: {  	[sflag:s28] =	ssyncset.done $0x0  }
0xbb: {  	s6 =	simm.s32 $0x4F80;
	[sflag:s28] =	ssyncadd.s32 $0xFFFFE000  }
0xbc: {  	[tilespmem:s26], [sflag:$0x5] =	stream.indirect.gather [hbm4b:s11+s19], $0x40, s6, s19, $0xb8;
	[tilespmem:$0x1E000] =	vst v63  }
0xbd: {  	_ =	swait.ge [sflag:s17], $0x2000  }
0xbe: {  	s5 =	sshra.s32 s23, $0x2;
	[sflag:s17] =	ssyncset.done $0x0  }
0xbf: {  	s6 =	sadd.s32 $0x5280, s5;
	[sflag:s17] =	ssyncadd.s32 $0xFFFFE000  }
0xc0: {  	[spmem:s2] =	stream.indirect.scatter.add.f32 [tilespmem:s14], [sflag:$0x6], $0x40, s6, s19, $0xb8;
	[tilespmem:$0x1E000] =	vst v63  }
0xc1: {  	_ =	swait.ge [sflag:s16], $0x2000  }
0xc2: {  	[sflag:s16] =	ssyncset.done $0x0  }
0xc3: {  	[sflag:s16] =	ssyncadd.s32 $0xFFFFE000  }
0xc4: {  	_ =	swait.ge [sflag:s18], $0x2000  }
0xc5: {  	[sflag:s18] =	ssyncset.done $0x0  }
0xc6: {  	s23 =	sadd.s32 $0x5300, s5;
	[sflag:s18] =	ssyncadd.s32 $0xFFFFE000  }
0xc7: {  	[spmem:s2] =	stream.indirect.scatter.add.f32 [tilespmem:s20], [sflag:$0x7], $0x40, s23, s19, $0xb8;
	[tilespmem:$0x1E000] =	vst v63  }
0xc8: {  	_ =	swait.ge [sflag:s30], $0x2000  }
0xc9: {  	[sflag:s30] =	ssyncset.done $0x0  }
0xca: {  	[sflag:s30] =	ssyncadd.s32 $0xFFFFE000  }
0xcb: {  	_ =	swait.ge [sflag:s1], $0x2000  }
0xcc: {  	[sflag:s1] =	ssyncset.done $0x0  }
0xcd: {  	s23 =	sadd.s32 $0x5380, s5;
	[sflag:s1] =	ssyncadd.s32 $0xFFFFE000  }
0xce: {  	[spmem:s2] =	stream.indirect.scatter.add.f32 [tilespmem:s22], [sflag:$0x8], $0x40, s23, s19, $0xb8;
	[tilespmem:$0x1E000] =	vst v63  }
0xcf: {  	_ =	swait.ge [sflag:s0], $0x2000  }
0xd0: {  	[sflag:s0] =	ssyncset.done $0x0  }
0xd1: {  	[sflag:s0] =	ssyncadd.s32 $0xFFFFE000  }
0xd2: {  	_ =	swait.ge [sflag:s25], $0x2000  }
0xd3: {  	[sflag:s25] =	ssyncset.done $0x0  }
0xd4: {  	s5 =	sadd.s32 $0x5400, s5;
	[sflag:s25] =	ssyncadd.s32 $0xFFFFE000  }
0xd5: {  	[spmem:s2] =	stream.indirect.scatter.add.f32 [tilespmem:s24], [sflag:$0x9], $0x40, s5, s19, $0xb8;
	[tilespmem:$0x1E000] =	vst v63  }
0xd6: {  	_ =	swait.ge [sflag:s29], $0x2000  }
0xd7: {  	[sflag:s29] =	ssyncset.done $0x0  }
0xd8: {  	[sflag:s29] =	ssyncadd.s32 $0xFFFFE000  }
0xd9: {  	_ =	swait.ge [sflag:s21], $0x2000  }
0xda: {  	[sflag:s21] =	ssyncset.done $0x0  }
0xdb: {  	s23 =	simm.s32 $0x9F80;
	[sflag:s21] =	ssyncadd.s32 $0xFFFFE000  }
0xdc: {  	[spmem:s2] =	stream.indirect.scatter.add.f32 [tilespmem:s26], [sflag:$0xA], $0x40, s23, s19, $0xb8;
	[tilespmem:$0x1E000] =	vst v63  }
0xdd: {  	s6 =	stileid.u32;
	_ =	swait.ge [sflag:s28], $0x2000  }
0xde: {  	s3 =	sadd.s32 $0x1, s3;
	s5 =	sshll.u32 s6, $0x6;
	[sflag:s28] =	ssyncset.done $0x0  }
0xdf: {  	p0 =	sne.s32 s3, s13;
	s5 =	sor.u32 $0x1C0B, s5;
	[sflag:s28] =	ssyncadd.s32 $0xFFFFE000  }
.Ltmp2:
0xe0: {  	s23 =	sshrl.u32 s4, $0x3;
	[bflag:$0x0] =	sbarrier.arrive $0xFFFF;
	(pc) =	sbr.rel @p0 .LBB2_1-.Ltmp2, $4  }
0xe1: {  	[hbm:s12], [sflag:s5] =	dma.local [spmem:s23], $0x1400  }
0xe2: {  	_ =	swait.ge [sflag:s31], $0x1400  }
0xe3: {  	[sflag:s31] =	ssyncset.done $0x0  }
0xe4: {  	[sflag:s31] =	ssyncadd.s32 $0xFFFFEC00  }
0xe5: {  	_ =	sfence.sel $0x180000  }
0xe6: {  	[bflag:$0x0] =	sbarrier.arrive $0xFFFF  }
0xe7: {  	_ =	strace $0x90000053  }
0xe8: {  	s0 =	stileid.u32;
	[bflag:$0x2] =	sbarrier.arrive $0xFFFF  }
0xe9: {  	p0 =	sne.s32 s0, $0x0;
	s0 =	rddreg [dreg:$0x2]  }
0xea: {  	s0 =	sadd.s32 @!p0 $0x100000, s0  }
0xeb: {  	[sflag:s0] =	ssyncadd.tile.s32 @!p0 $0x1;
	_ =	shalt  }
.Lfunc_end2:
_tile_overlayer_lowered:
.L_overlay_start_2:
0xec: {  	(tag) =	ssettag $0x2  }
0xed: {  	s0 =	rddreg [dreg:$0x0];
	s2 =	stileid.u32  }
0xee: {  	s1 =	rddreg [dreg:$0x1];
	p0 =	sne.s32 s2, $0x0  }
0xef: {  	s3 =	rddreg [dreg:$0x2];
	[bflag:$0x3] =	sbarrier.arrive $0xFFFF;
	s2 =	simm.s32 @!p0 $0x1C0B  }
0xf0: {  	[timem:s3], [sflag:s2] =	dma.local @!p0 [hbm:s0], s1  }
0xf1: {  	s0 =	simm.s32 @!p0 $0xB  }
0xf2: {  	_ =	swait.ge @!p0 [sflag:s0], s1  }
0xf3: {  	s1 =	ssub.s32 @!p0 $0x0, s1;
	[sflag:s0] =	ssyncset.done @!p0 $0x0  }
0xf4: {  	[sflag:s0] =	ssyncadd.s32 @!p0 s1  }
0xf5: {  	[bflag:$0x3] =	sbarrier.arrive $0xFFFF  }
0xf6: {  	_ =	shalt  }

</sc_bundles>
